<compile_context>
chip_gen: v7x
topology: tpu7x:2x2x1
jax: 0.10.2.dev20260603
libtpu: 0.0.44.dev20260713+nightly
codegen_flags: <defaults>
</compile_context>

<pallas_src>
import functools

import jax
import jax.numpy as jnp
from jax import lax
from jax.experimental import pallas as pl
from jax.experimental.pallas import tpu as pltpu
from jax.experimental.pallas import tpu_sc as plsc

N, C, O = 10000, 128, 128
D = 2000
M = 20000
P = 160000

NPAD = 10112
HALF_M = M // 2
HALF_D = D // 2
F32 = jnp.float32
I32 = jnp.int32

_N_CHUNKS = NPAD // 128
P2 = 163840
_P2_CHUNKS = P2 // 128


def _mesh():
  return plsc.VectorSubcoreMesh(core_axis_name="c", subcore_axis_name="s")


def _mask_local(vals_ref, idx_ref, base, size, n):
  for j in range(n // 16):
    sl = pl.ds(j * 16, 16)
    v = vals_ref[sl]
    loc = v - base
    ok = (loc >= 0) & (loc < size)
    idx_ref[sl] = jnp.where(ok, loc, -1)


_MROWS = 20096
_CQ = C // 4


def _phase_a_body(xq0, xq1, xq2, xq3, xpad, srcp, iip, domp, z128, zq, z16,
                  one16,
                  msgq0, msgq1, msgq2, msgq3,
                  xdom0_out, xdom1_out, cnt0_out, cnt1_out,
                  rows_v, rowq0, rowq1, zrow_v, zq_v, z16_v, one16_v,
                  srcv0, srcv1, iiv0, iiv1, gsem0, gsem1, ssem0, ssem1,
                  acc_msg, acc_dom, acc_cnt):
  c = lax.axis_index("c")
  s = lax.axis_index("s")

  pltpu.sync_copy(z128, zrow_v)
  pltpu.sync_copy(zq, zq_v)
  pltpu.sync_copy(z16, z16_v)
  pltpu.sync_copy(one16, one16_v)

  for rnd, (xq, msgq) in enumerate(
      ((xq0, msgq0), (xq1, msgq1), (xq2, msgq2), (xq3, msgq3))):
    def _zmsg(k, carry):
      ch = s + 16 * k
      @pl.when(ch < _MROWS // 128)
      def _():
        pltpu.sync_copy(zq_v, acc_msg.at[pl.ds(128 * ch, 128)])
      return carry
    lax.fori_loop(0, 10, _zmsg, 0)
    plsc.subcore_barrier()

    half = 625

    def _pair(k, carry):
      ch = half * c + s + 16 * k
      @pl.when(ch < half * (c + 1))
      def _():
        p0 = 128 * ch
        pltpu.sync_copy(srcp.at[pl.ds(p0, 128)], srcv0)
        pltpu.sync_copy(iip.at[pl.ds(p0, 128)], iiv0)
        pltpu.async_copy(xq.at[srcv0], rowq0, gsem0).wait()
        pltpu.sync_copy(rowq0, acc_msg.at[iiv0], add=True)
      return carry
    lax.fori_loop(0, 40, _pair, 0)
    plsc.subcore_barrier()

    def _wmsg(k, carry):
      ch = s + 16 * k
      @pl.when(ch < M // 128)
      def _():
        pltpu.sync_copy(acc_msg.at[pl.ds(128 * ch, 128)],
                        msgq.at[c, pl.ds(128 * ch, 128)])
      return carry
    lax.fori_loop(0, 10, _wmsg, 0)

    @pl.when(s == 15)
    def _():
      t0 = (M // 128) * 128
      pltpu.sync_copy(acc_msg.at[pl.ds(t0, M - t0)],
                      msgq.at[c, pl.ds(t0, M - t0)])
    plsc.subcore_barrier()

  pltpu.sync_copy(zrow_v, acc_dom.at[pl.ds(128 * s, 128)])

  @pl.when(s == 8)
  def _():
    def _zc(k, carry):
      pltpu.sync_copy(z16_v, acc_cnt.at[pl.ds(128 * k, 128)])
      return carry
    lax.fori_loop(0, 16, _zc, 0)

  plsc.subcore_barrier()

  def _row(k, carry):
    ch = 40 * c + s + 16 * k
    @pl.when((ch < 40 * c + 40) & (ch < _N_CHUNKS))
    def _():
      r0 = 128 * ch
      pltpu.sync_copy(xpad.at[pl.ds(r0, 128)], rows_v)
      pltpu.sync_copy(domp.at[pl.ds(r0, 128)], srcv0)
      pltpu.sync_copy(rows_v, acc_dom.at[srcv0], add=True)
      pltpu.sync_copy(one16_v, acc_cnt.at[srcv0], add=True)
    return carry
  lax.fori_loop(0, 3, _row, 0)

  plsc.subcore_barrier()

  def _wdom(xdom_out, cnt_out):
    @pl.when(s < 15)
    def _():
      pltpu.sync_copy(acc_dom.at[pl.ds(128 * s, 128)],
                      xdom_out.at[pl.ds(128 * s, 128)])
    @pl.when(s == 15)
    def _():
      pltpu.sync_copy(acc_dom.at[pl.ds(1920, D - 1920)],
                      xdom_out.at[pl.ds(1920, D - 1920)])
      pltpu.sync_copy(acc_cnt.at[pl.ds(0, D)], cnt_out.at[pl.ds(0, D)])

  @pl.when(c == 0)
  def _():
    _wdom(xdom0_out, cnt0_out)

  @pl.when(c == 1)
  def _():
    _wdom(xdom1_out, cnt1_out)


def _phase_a(xq, xpad, srcp, iip, domp, z128, zq, z16, one16):
  return pl.kernel(
      _phase_a_body,
      out_type=(
          jax.ShapeDtypeStruct((2, M, _CQ), F32),
          jax.ShapeDtypeStruct((2, M, _CQ), F32),
          jax.ShapeDtypeStruct((2, M, _CQ), F32),
          jax.ShapeDtypeStruct((2, M, _CQ), F32),
          jax.ShapeDtypeStruct((D, C), F32),
          jax.ShapeDtypeStruct((D, C), F32),
          jax.ShapeDtypeStruct((D, 16), F32),
          jax.ShapeDtypeStruct((D, 16), F32),
      ),
      mesh=_mesh(),
      scratch_types=[
          pltpu.VMEM((128, C), F32),
          pltpu.VMEM((128, _CQ), F32),
          pltpu.VMEM((128, _CQ), F32),
          pltpu.VMEM((128, C), F32),
          pltpu.VMEM((128, _CQ), F32),
          pltpu.VMEM((128, 16), F32),
          pltpu.VMEM((128, 16), F32),
          pltpu.VMEM((128,), I32),
          pltpu.VMEM((128,), I32),
          pltpu.VMEM((128,), I32),
          pltpu.VMEM((128,), I32),
          pltpu.SemaphoreType.DMA,
          pltpu.SemaphoreType.DMA,
          pltpu.SemaphoreType.DMA,
          pltpu.SemaphoreType.DMA,
          pltpu.VMEM_SHARED((_MROWS, _CQ), F32),
          pltpu.VMEM_SHARED((2048, C), F32),
          pltpu.VMEM_SHARED((2048, 16), F32),
      ],
      compiler_params=pltpu.CompilerParams(use_tc_tiling_on_sc=False),
      name="at11_phase_a",
  )(xq[0], xq[1], xq[2], xq[3], xpad, srcp, iip, domp, z128, zq, z16, one16)


def _mm2_body(x_ref, wa_ref, wb_ref, oa_ref, ob_ref):
  xb = x_ref[...]
  oa_ref[...] = jnp.dot(xb, wa_ref[...], preferred_element_type=F32)
  ob_ref[...] = jnp.dot(xb, wb_ref[...], preferred_element_type=F32)


def _phase_b1(x, w_id, w1):
  return pl.pallas_call(
      _mm2_body,
      grid=(N // 400,),
      in_specs=[
          pl.BlockSpec((400, C), lambda i: (i, 0)),
          pl.BlockSpec((C, O), lambda i: (0, 0)),
          pl.BlockSpec((C, O), lambda i: (0, 0)),
      ],
      out_specs=[
          pl.BlockSpec((400, O), lambda i: (i, 0)),
          pl.BlockSpec((400, O), lambda i: (i, 0)),
      ],
      out_shape=[
          jax.ShapeDtypeStruct((N, O), F32),
          jax.ShapeDtypeStruct((N, O), F32),
      ],
      name="at11_phase_b1",
  )(x, w_id, w1)


def _b2_body(q0_ref, q1_ref, q2_ref, q3_ref, w_ref, o_ref):
  parts = []
  for q_ref in (q0_ref, q1_ref, q2_ref, q3_ref):
    q = q_ref[...]
    parts.append(q[0] + q[1])
  msg = jnp.concatenate(parts, axis=1)
  o_ref[...] = jnp.dot(msg, w_ref[...], preferred_element_type=F32)


def _phase_b2(msgq, w_cat):
  qspec = pl.BlockSpec((2, 400, _CQ), lambda i: (0, i, 0))
  return pl.pallas_call(
      _b2_body,
      grid=(M // 400,),
      in_specs=[qspec, qspec, qspec, qspec,
                pl.BlockSpec((C, 2 * O), lambda i: (0, 0))],
      out_specs=pl.BlockSpec((400, 2 * O), lambda i: (i, 0)),
      out_shape=jax.ShapeDtypeStruct((M, 2 * O), F32),
      name="at11_phase_b2",
  )(msgq[0], msgq[1], msgq[2], msgq[3], w_cat)


def _b3_body(sum0_ref, sum1_ref, cnt0_ref, cnt1_ref, w3_ref, wv2_ref, wlin_ref,
             q_ref, r_ref, inv_ref):
  cnt = cnt0_ref[...][:, 0:1] + cnt1_ref[...][:, 0:1]
  xd = (sum0_ref[...] + sum1_ref[...]) / jnp.maximum(cnt, 1.0)
  q_ref[...] = jnp.dot(xd, w3_ref[...], preferred_element_type=F32)
  r_ref[...] = jnp.dot(xd, wv2_ref[...], preferred_element_type=F32)
  inv_ref[...] = jnp.dot(xd, wlin_ref[...], preferred_element_type=F32)


def _phase_b3(xdom0, xdom1, cnt0, cnt1, w3, wv2, wlin):
  return pl.pallas_call(
      _b3_body,
      out_shape=[jax.ShapeDtypeStruct((D, O), F32)] * 3,
      name="at11_phase_b3",
  )(xdom0, xdom1, cnt0, cnt1, w3, wv2, wlin)


_C1_ROWS = 80
_C1_CHUNKS = M // _C1_ROWS


def _phase_c1_body(tm, qt, rt, msd, mtd, z128,
                   a_out, y0_out, y1_out,
                   tm_v, q_v, r_v, a_v, cv_v, msd_v, mtd_v, zrow_v, sem, sem2,
                   acc_y):
  c = lax.axis_index("c")
  s = lax.axis_index("s")
  wid = c * 16 + s

  pltpu.sync_copy(z128, zrow_v)
  pltpu.sync_copy(zrow_v, acc_y.at[pl.ds(128 * s, 128)])
  plsc.subcore_barrier()

  def _chunk(k, carry):
    ch = wid + 32 * k
    @pl.when(ch < _C1_CHUNKS)
    def _():
      r0 = _C1_ROWS * ch
      pltpu.sync_copy(tm.at[pl.ds(r0, _C1_ROWS)], tm_v)
      pltpu.sync_copy(msd.at[pl.ds(r0, _C1_ROWS)], msd_v)
      pltpu.sync_copy(mtd.at[pl.ds(r0, _C1_ROWS)], mtd_v)
      pltpu.async_copy(qt.at[msd_v], q_v, sem)
      pltpu.async_copy(rt.at[msd_v], r_v, sem2)
      pltpu.make_async_copy(qt.at[msd_v], q_v, sem).wait()
      pltpu.make_async_copy(rt.at[msd_v], r_v, sem2).wait()
      def _rows(r, cc):
        for q in range(O // 16):
          sl = pl.ds(16 * q, 16)
          sl2 = pl.ds(O + 16 * q, 16)
          a_v[r, sl] = tm_v[r, sl] + q_v[r, sl]
          cv_v[r, sl] = tm_v[r, sl2] + r_v[r, sl]
        return cc
      lax.fori_loop(0, _C1_ROWS, _rows, 0)
      pltpu.sync_copy(a_v, a_out.at[pl.ds(r0, _C1_ROWS)])
      pltpu.sync_copy(cv_v, acc_y.at[mtd_v], add=True)
    return carry
  lax.fori_loop(0, (_C1_CHUNKS + 31) // 32, _chunk, 0)

  plsc.subcore_barrier()

  def _wb(y_out):
    @pl.when(s < 15)
    def _():
      pltpu.sync_copy(acc_y.at[pl.ds(128 * s, 128)],
                      y_out.at[pl.ds(128 * s, 128)])
    @pl.when(s == 15)
    def _():
      pltpu.sync_copy(acc_y.at[pl.ds(1920, D - 1920)],
                      y_out.at[pl.ds(1920, D - 1920)])

  @pl.when(c == 0)
  def _():
    _wb(y0_out)

  @pl.when(c == 1)
  def _():
    _wb(y1_out)


def _phase_c1(tm, qt, rt, msd, mtd, z128):
  return pl.kernel(
      _phase_c1_body,
      out_type=(
          jax.ShapeDtypeStruct((M + 96, O), F32),
          jax.ShapeDtypeStruct((D, O), F32),
          jax.ShapeDtypeStruct((D, O), F32),
      ),
      mesh=_mesh(),
      scratch_types=[
          pltpu.VMEM((_C1_ROWS, 2 * O), F32),
          pltpu.VMEM((_C1_ROWS, O), F32),
          pltpu.VMEM((_C1_ROWS, O), F32),
          pltpu.VMEM((_C1_ROWS, O), F32),
          pltpu.VMEM((_C1_ROWS, O), F32),
          pltpu.VMEM((_C1_ROWS,), I32),
          pltpu.VMEM((_C1_ROWS,), I32),
          pltpu.VMEM((128, C), F32),
          pltpu.SemaphoreType.DMA,
          pltpu.SemaphoreType.DMA,
          pltpu.VMEM_SHARED((2048, O), F32),
      ],
      name="at11_phase_c1",
  )(tm, qt, rt, msd, mtd, z128)


def _phase_c2_body(xw1, a_tab, srcp, iip, tgtp, z128,
                   out0, out1,
                   r1a, r1b, r2a, r2b, srcv0, srcv1, iiv0, iiv1, tgtv0, tgtv1,
                   zrow_v, g1s0, g1s1, g2s0, g2s1, s1s0, s1s1, s2s0, s2s1,
                   acc):
  c = lax.axis_index("c")
  s = lax.axis_index("s")

  pltpu.sync_copy(z128, zrow_v)

  def _z(k, carry):
    ch = s + 16 * k
    @pl.when(ch < _N_CHUNKS)
    def _():
      pltpu.sync_copy(zrow_v, acc.at[pl.ds(128 * ch, 128)])
    return carry
  lax.fori_loop(0, 5, _z, 0)

  plsc.subcore_barrier()

  bufs = ((r1a, r2a, srcv0, iiv0, tgtv0, g1s0, g2s0, s1s0, s2s0),
          (r1b, r2b, srcv1, iiv1, tgtv1, g1s1, g2s1, s1s1, s2s1))

  def _stage(b, ch):
    r1, r2, srcv, iiv, tgtv, g1, g2, _, _ = b
    p0 = 128 * ch
    pltpu.sync_copy(srcp.at[pl.ds(p0, 128)], srcv)
    pltpu.sync_copy(iip.at[pl.ds(p0, 128)], iiv)
    pltpu.sync_copy(tgtp.at[pl.ds(p0, 128)], tgtv)
    pltpu.async_copy(xw1.at[srcv], r1, g1)
    pltpu.async_copy(a_tab.at[iiv], r2, g2)

  def _wait_g(b):
    r1, r2, srcv, iiv, _, g1, g2, _, _ = b
    pltpu.make_async_copy(xw1.at[srcv], r1, g1).wait()
    pltpu.make_async_copy(a_tab.at[iiv], r2, g2).wait()

  def _scat(b):
    r1, r2, _, _, tgtv, _, _, s1, s2 = b
    idx = plsc.Indices(tgtv, ignored_value=-1)
    pltpu.sync_copy(r1, acc.at[idx], add=True)
    pltpu.sync_copy(r2, acc.at[idx], add=True)

  def _wait_s(b):
    pass

  def _chunk(k, carry):
    ch = 640 * c + s + 16 * k
    b = bufs[0]
    _stage(b, ch)
    _wait_g(b)
    r1, r2, _, _, tgtv, _, _, s1, s2 = b
    pltpu.async_copy(r1, acc.at[tgtv], s1, add=True)
    pltpu.async_copy(r2, acc.at[tgtv], s2, add=True)
    pltpu.make_async_copy(r1, acc.at[tgtv], s1).wait()
    pltpu.make_async_copy(r2, acc.at[tgtv], s2).wait()
    return carry
  lax.fori_loop(0, 40, _chunk, 0)

  plsc.subcore_barrier()

  def _wb(out):
    def _w(k, carry):
      ch = s + 16 * k
      @pl.when(ch < _N_CHUNKS)
      def _():
        pltpu.sync_copy(acc.at[pl.ds(128 * ch, 128)],
                        out.at[pl.ds(128 * ch, 128)])
      return carry
    lax.fori_loop(0, 5, _w, 0)

  @pl.when(c == 0)
  def _():
    _wb(out0)

  @pl.when(c == 1)
  def _():
    _wb(out1)


def _phase_c2(xw1, a_tab, srcp, iip, tgtp, z128):
  return pl.kernel(
      _phase_c2_body,
      out_type=(
          jax.ShapeDtypeStruct((NPAD, O), F32),
          jax.ShapeDtypeStruct((NPAD, O), F32),
      ),
      mesh=_mesh(),
      scratch_types=[
          pltpu.VMEM((128, O), F32),
          pltpu.VMEM((128, O), F32),
          pltpu.VMEM((128, O), F32),
          pltpu.VMEM((128, O), F32),
          pltpu.VMEM((128,), I32),
          pltpu.VMEM((128,), I32),
          pltpu.VMEM((128,), I32),
          pltpu.VMEM((128,), I32),
          pltpu.VMEM((128,), I32),
          pltpu.VMEM((128,), I32),
          pltpu.VMEM((128, C), F32),
          pltpu.SemaphoreType.DMA,
          pltpu.SemaphoreType.DMA,
          pltpu.SemaphoreType.DMA,
          pltpu.SemaphoreType.DMA,
          pltpu.SemaphoreType.DMA,
          pltpu.SemaphoreType.DMA,
          pltpu.SemaphoreType.DMA,
          pltpu.SemaphoreType.DMA,
          pltpu.VMEM_SHARED((NPAD, O), F32),
      ],
      compiler_params=pltpu.CompilerParams(use_tc_tiling_on_sc=False),
      name="at11_phase_c2",
  )(xw1, a_tab, srcp, iip, tgtp, z128)


_D_ROWS = 80
_D_CHUNKS = N // _D_ROWS


def _phase_d_body(base, out0, out1, invm, y0, y1, domp,
                  outf,
                  domv, g1, g2, g3, b1, b2, b3, o_v, sem, sem2, sem3):
  c = lax.axis_index("c")
  s = lax.axis_index("s")
  wid = c * 16 + s

  def _chunk(k, carry):
    ch = wid + 32 * k
    @pl.when(ch < _D_CHUNKS)
    def _():
      r0 = _D_ROWS * ch
      pltpu.sync_copy(domp.at[pl.ds(r0, _D_ROWS)], domv)
      pltpu.async_copy(invm.at[domv], g1, sem)
      pltpu.async_copy(y0.at[domv], g2, sem2)
      pltpu.async_copy(y1.at[domv], g3, sem3)
      pltpu.sync_copy(base.at[pl.ds(r0, _D_ROWS)], b1)
      pltpu.sync_copy(out0.at[pl.ds(r0, _D_ROWS)], b2)
      pltpu.sync_copy(out1.at[pl.ds(r0, _D_ROWS)], b3)
      pltpu.make_async_copy(invm.at[domv], g1, sem).wait()
      pltpu.make_async_copy(y0.at[domv], g2, sem2).wait()
      pltpu.make_async_copy(y1.at[domv], g3, sem3).wait()
      def _rows(r, cc):
        for q in range(O // 16):
          sl = pl.ds(16 * q, 16)
          o_v[r, sl] = ((b1[r, sl] + b2[r, sl]) + (b3[r, sl] + g1[r, sl])
                        + (g2[r, sl] + g3[r, sl]))
        return cc
      lax.fori_loop(0, _D_ROWS, _rows, 0)
      pltpu.sync_copy(o_v, outf.at[pl.ds(r0, _D_ROWS)])
    return carry
  lax.fori_loop(0, (_D_CHUNKS + 31) // 32, _chunk, 0)


def _phase_d(base, out0, out1, invm, y0, y1, domp):
  return pl.kernel(
      _phase_d_body,
      out_type=jax.ShapeDtypeStruct((N, O), F32),
      mesh=_mesh(),
      scratch_types=[
          pltpu.VMEM((_D_ROWS,), I32),
          pltpu.VMEM((_D_ROWS, O), F32),
          pltpu.VMEM((_D_ROWS, O), F32),
          pltpu.VMEM((_D_ROWS, O), F32),
          pltpu.VMEM((_D_ROWS, O), F32),
          pltpu.VMEM((_D_ROWS, O), F32),
          pltpu.VMEM((_D_ROWS, O), F32),
          pltpu.VMEM((_D_ROWS, O), F32),
          pltpu.SemaphoreType.DMA,
          pltpu.SemaphoreType.DMA,
          pltpu.SemaphoreType.DMA,
      ],
      name="at11_phase_d",
  )(base, out0, out1, invm, y0, y1, domp)


def kernel(x, domain_indicator, source_row_idx, target_row_idx,
           intersect_indicator, msg_src_domain, msg_tgt_domain,
           W_tf_intersect, W_tf_invariant, W_linmaps_invariant, W_linmaps_id):
  x = x.astype(F32)
  xpad = jnp.concatenate([x, jnp.zeros((NPAD - N, C), F32)], axis=0)
  domp = jnp.concatenate(
      [domain_indicator.astype(I32), jnp.full((NPAD - N,), D, I32)])
  srcp = jnp.concatenate([source_row_idx.astype(I32), jnp.zeros((P2 - P,), I32)])
  tgtp = jnp.concatenate([target_row_idx.astype(I32), jnp.full((P2 - P,), N, I32)])
  iip = jnp.concatenate([intersect_indicator.astype(I32), jnp.full((P2 - P,), M, I32)])
  msd = msg_src_domain.astype(I32)
  mtd = msg_tgt_domain.astype(I32)

  w1 = W_tf_intersect[0:C]
  w2 = W_tf_intersect[C:2 * C]
  w3 = W_tf_intersect[2 * C:3 * C]
  wv1 = W_tf_invariant[0:C]
  wv2 = W_tf_invariant[C:2 * C]
  w_cat = jnp.concatenate([w2, wv1], axis=1)

  z128 = jnp.zeros((128, C), F32)
  zq = jnp.zeros((128, _CQ), F32)
  z16 = jnp.zeros((128, 16), F32)
  one16 = jnp.ones((128, 16), F32)
  xq = [xpad[:, _CQ * k:_CQ * (k + 1)] for k in range(4)]

  (mq0, mq1, mq2, mq3, xdom0, xdom1, cnt0, cnt1) = _phase_a(
      xq, xpad, srcp, iip, domp, z128, zq, z16, one16)
  base, xw1 = _phase_b1(x, W_linmaps_id, w1)
  tm = _phase_b2((mq0, mq1, mq2, mq3), w_cat)
  qt, rt, invm = _phase_b3(xdom0, xdom1, cnt0, cnt1, w3, wv2,
                           W_linmaps_invariant)
  a_tab, y0, y1 = _phase_c1(tm, qt, rt, msd, mtd, z128)
  out0, out1 = _phase_c2(xw1, a_tab, srcp, iip, tgtp, z128)
  return _phase_d(base, out0, out1, invm, y0, y1,
                  domain_indicator.astype(I32))

# --- scband reference (transcript-rebuilt; emitter-appended) ---
"""Pipeline reference for scband-affine-transfer1-1-10986526343793 (READ-ONLY COPY).

The authoritative reference and input builder live on the scoring server;
editing this copy changes nothing except your own understanding.
"""

import jax, jax.numpy as jnp
import numpy as np

N, C, O = 10000, 128, 128
D = 2000
M = 20000
P = 160000


def _segment_mean(data, ids, num):
    s = jax.ops.segment_sum(data, ids, num_segments=num)
    cnt = jax.ops.segment_sum(jnp.ones((data.shape[0],), data.dtype), ids, num_segments=num)
    return s / jnp.clip(cnt, 1.0)[:, None]


def setup_inputs(seed: int = 0):
    key = jax.random.key(seed)
    ks = jax.random.split(key, 11)
    x = jax.random.normal(ks[0], (N, C), dtype=jnp.float32)
    domain_indicator = jnp.sort(jax.random.randint(ks[1], (N,), 0, D))
    source_row_idx = jax.random.randint(ks[2], (P,), 0, N)
    target_row_idx = jax.random.randint(ks[3], (P,), 0, N)
    intersect_indicator = jnp.sort(jax.random.randint(ks[4], (P,), 0, M))
    msg_src_domain = jax.random.randint(ks[5], (M,), 0, D)
    msg_tgt_domain = jax.random.randint(ks[6], (M,), 0, D)
    s = 0.02
    W_tf_intersect = jax.random.normal(ks[7], (3 * C, O), dtype=jnp.float32) * s
    W_tf_invariant = jax.random.normal(ks[8], (2 * C, O), dtype=jnp.float32) * s
    W_linmaps_invariant = jax.random.normal(ks[9], (C, O), dtype=jnp.float32) * s
    W_linmaps_id = jax.random.normal(ks[10], (C, O), dtype=jnp.float32) * s
    return {
        'x': x,
        'domain_indicator': domain_indicator,
        'source_row_idx': source_row_idx,
        'target_row_idx': target_row_idx,
        'intersect_indicator': intersect_indicator,
        'msg_src_domain': msg_src_domain,
        'msg_tgt_domain': msg_tgt_domain,
        'W_tf_intersect': W_tf_intersect,
        'W_tf_invariant': W_tf_invariant,
        'W_linmaps_invariant': W_linmaps_invariant,
        'W_linmaps_id': W_linmaps_id,
    }


def reference(x, domain_indicator, source_row_idx, target_row_idx, intersect_indicator,
              msg_src_domain, msg_tgt_domain, W_tf_intersect, W_tf_invariant,
              W_linmaps_invariant, W_linmaps_id):
    # transfer1_1: ptensors order-1 -> order-1 transfer over overlapping domains
    # domain_reduce='mean': invariant (0th-order) reduction of x over its domains
    x_dom = _segment_mean(x, domain_indicator, D)
    # gather source rows participating in each domain-intersection message
    gathered = x[source_row_idx]
    # intersect_reduce='sum': 0th-order content of each intersection
    msg_int = jax.ops.segment_sum(gathered, intersect_indicator, num_segments=M)
    # 0th-order content of the sending domain, per message
    msg_dom = x_dom[msg_src_domain]
    # order-1 message features per intersection row: [id, intersect-sum, domain-reduce]
    feat_int = jnp.concatenate([gathered, msg_int[intersect_indicator], msg_dom[intersect_indicator]], axis=1)
    # intersect_transfer_reduce='sum': scatter-add onto target rows
    y_int = jnp.zeros((N, 3 * C), dtype=x.dtype).at[target_row_idx].add(feat_int)
    # invariant (0th-order) message features per message: [intersect-sum, domain-reduce]
    feat_inv = jnp.concatenate([msg_int, msg_dom], axis=1)
    # domain_transfer_reduce='sum': scatter-add onto target domains
    y_inv = jax.ops.segment_sum(feat_inv, msg_tgt_domain, num_segments=D)
    # self maps also considered: x_inv is the invariant reduction of x itself
    x_inv = x_dom
    inv_maps = x_inv @ W_linmaps_invariant + y_inv @ W_tf_invariant
    irred_maps = x @ W_linmaps_id + y_int @ W_tf_intersect
    return irred_maps + inv_maps[domain_indicator]

if __name__ == "__main__":
    import jax
    _d = setup_inputs()
    print(jax.jit(kernel)(*tuple(_d.values())))

</pallas_src>

<mosaic_0001>
#map = affine_map<(d0, d1) -> (0, 0)>
#map1 = affine_map<(d0, d1) -> (0)>
module attributes {stable_mosaic.version = 14 : i64} {
  func.func @at11_phase_d(%arg0: i32, %arg1: i32, %arg2: memref<10000x128xf32, #tpu.memory_space<hbm>>, %arg3: memref<10112x128xf32, #tpu.memory_space<hbm>>, %arg4: memref<10112x128xf32, #tpu.memory_space<hbm>>, %arg5: memref<2000x128xf32, #tpu.memory_space<hbm>>, %arg6: memref<2000x128xf32, #tpu.memory_space<hbm>>, %arg7: memref<2000x128xf32, #tpu.memory_space<hbm>>, %arg8: memref<10000xi32, #tpu.memory_space<hbm>>, %arg9: memref<10000x128xf32, #tpu.memory_space<hbm>>, %arg10: memref<80xi32, #tpu.memory_space<vmem>>, %arg11: memref<80x128xf32, #tpu.memory_space<vmem>>, %arg12: memref<80x128xf32, #tpu.memory_space<vmem>>, %arg13: memref<80x128xf32, #tpu.memory_space<vmem>>, %arg14: memref<80x128xf32, #tpu.memory_space<vmem>>, %arg15: memref<80x128xf32, #tpu.memory_space<vmem>>, %arg16: memref<80x128xf32, #tpu.memory_space<vmem>>, %arg17: memref<80x128xf32, #tpu.memory_space<vmem>>, %arg18: memref<!tpu.dma_semaphore, #tpu.memory_space<semaphore_mem>>, %arg19: memref<!tpu.dma_semaphore, #tpu.memory_space<semaphore_mem>>, %arg20: memref<!tpu.dma_semaphore, #tpu.memory_space<semaphore_mem>>) attributes {dimension_semantics = [#tpu.dimension_semantics<core_parallel>, #tpu.dimension_semantics<subcore_parallel>], iteration_bounds = array<i64: 2, 16>, scalar_prefetch = 0 : i64, scratch_operands = 11 : i64, tpu.core_type = #tpu.core_type<sc_vector_subcore>, window_params = [{transform_indices = #map}, {transform_indices = #map}, {transform_indices = #map}, {transform_indices = #map}, {transform_indices = #map}, {transform_indices = #map}, {transform_indices = #map1}, {transform_indices = #map}]} {
    %mul3A = arith.constant 16 : i32
    %mul3A_0 = arith.muli %arg0, %mul3A : i32
    %add3A = arith.addi %mul3A_0, %arg1 : i32
    %scan3A = arith.constant 0 : i32
    %scan3A_1 = arith.constant 0 : i32
    %scan3A_2 = arith.constant 4 : i32
    %scan3A_3 = arith.addi %scan3A_1, %scan3A_2 : i32
    %scan3A_4 = arith.constant 1 : i32
    scf.for %scan3A_6 = %scan3A_1 to %scan3A_3 step %scan3A_4  : i32 {
      %mul3A_7 = arith.constant 32 : i32
      %mul3A_8 = arith.muli %mul3A_7, %scan3A_6 : i32
      %add3A_9 = arith.addi %add3A, %mul3A_8 : i32
      %lt3A = arith.constant 125 : i32
      %lt3A_10 = arith.cmpi slt, %add3A_9, %lt3A : i32
      %convert_element_type3A = arith.extui %lt3A_10 : i1 to i32
      %cond3A = arith.constant 0 : i32
      %cond3A_11 = arith.cmpi ne, %convert_element_type3A, %cond3A : i32
      scf.if %cond3A_11 {
        %mul3A_12 = arith.constant 80 : i32
        %mul3A_13 = arith.muli %mul3A_12, %add3A_9 : i32
        "tpu.region"() ({
          %run_scoped3A = tpu.sem_alloc : memref<!tpu.dma_semaphore, #tpu.memory_space<semaphore_mem>>
          %dma_start3A_36 = tpu.memref_slice %arg8[%mul3A_13] : memref<10000xi32, #tpu.memory_space<hbm>> -> memref<80xi32, #tpu.memory_space<hbm>>
          %dma_start3A_37 = tpu.memref_slice %arg8[%mul3A_13] : memref<10000xi32, #tpu.memory_space<hbm>> -> memref<80xi32, #tpu.memory_space<hbm>>
          tpu.enqueue_dma source(%dma_start3A_37 : memref<80xi32, #tpu.memory_space<hbm>>) target(%arg10 : memref<80xi32, #tpu.memory_space<vmem>>) target_semaphore(%run_scoped3A : memref<!tpu.dma_semaphore, #tpu.memory_space<semaphore_mem>>)
          %dma_wait3A_38 = tpu.memref_slice %arg8[%mul3A_13] : memref<10000xi32, #tpu.memory_space<hbm>> -> memref<80xi32, #tpu.memory_space<hbm>>
          %dma_wait3A_39 = tpu.memref_slice %arg8[%mul3A_13] : memref<10000xi32, #tpu.memory_space<hbm>> -> memref<80xi32, #tpu.memory_space<hbm>>
          tpu.wait_dma2 semaphore(%run_scoped3A : memref<!tpu.dma_semaphore, #tpu.memory_space<semaphore_mem>>) src(%dma_wait3A_39 : memref<80xi32, #tpu.memory_space<hbm>>) dst(%arg10 : memref<80xi32, #tpu.memory_space<vmem>>)
          tpu.yield
        }) : () -> ()
        %dma_start3A = arith.constant 0 : i32
        %dma_start3A_14 = arith.constant 0 : i32
        %dma_start3A_15 = tpu.memref_slice %arg5[%dma_start3A, %dma_start3A_14] : memref<2000x128xf32, #tpu.memory_space<hbm>> -> memref<2000x128xf32, #tpu.memory_space<hbm>>
        tpu.enqueue_indirect_dma source(%dma_start3A_15 : memref<2000x128xf32, #tpu.memory_space<hbm>>) target(%arg11 : memref<80x128xf32, #tpu.memory_space<vmem>>) offsets(%arg10 : memref<80xi32, #tpu.memory_space<vmem>>) semaphore(%arg18 : memref<!tpu.dma_semaphore, #tpu.memory_space<semaphore_mem>>)
        %dma_start3A_16 = arith.constant 0 : i32
        %dma_start3A_17 = arith.constant 0 : i32
        %dma_start3A_18 = tpu.memref_slice %arg6[%dma_start3A_16, %dma_start3A_17] : memref<2000x128xf32, #tpu.memory_space<hbm>> -> memref<2000x128xf32, #tpu.memory_space<hbm>>
        tpu.enqueue_indirect_dma source(%dma_start3A_18 : memref<2000x128xf32, #tpu.memory_space<hbm>>) target(%arg12 : memref<80x128xf32, #tpu.memory_space<vmem>>) offsets(%arg10 : memref<80xi32, #tpu.memory_space<vmem>>) semaphore(%arg19 : memref<!tpu.dma_semaphore, #tpu.memory_space<semaphore_mem>>)
        %dma_start3A_19 = arith.constant 0 : i32
        %dma_start3A_20 = arith.constant 0 : i32
        %dma_start3A_21 = tpu.memref_slice %arg7[%dma_start3A_19, %dma_start3A_20] : memref<2000x128xf32, #tpu.memory_space<hbm>> -> memref<2000x128xf32, #tpu.memory_space<hbm>>
        tpu.enqueue_indirect_dma source(%dma_start3A_21 : memref<2000x128xf32, #tpu.memory_space<hbm>>) target(%arg13 : memref<80x128xf32, #tpu.memory_space<vmem>>) offsets(%arg10 : memref<80xi32, #tpu.memory_space<vmem>>) semaphore(%arg20 : memref<!tpu.dma_semaphore, #tpu.memory_space<semaphore_mem>>)
        "tpu.region"() ({
          %run_scoped3A = tpu.sem_alloc : memref<!tpu.dma_semaphore, #tpu.memory_space<semaphore_mem>>
          %dma_start3A_36 = arith.constant 0 : i32
          %dma_start3A_37 = tpu.memref_slice %arg2[%mul3A_13, %dma_start3A_36] : memref<10000x128xf32, #tpu.memory_space<hbm>> -> memref<80x128xf32, #tpu.memory_space<hbm>>
          %dma_start3A_38 = arith.constant 0 : i32
          %dma_start3A_39 = tpu.memref_slice %arg2[%mul3A_13, %dma_start3A_38] : memref<10000x128xf32, #tpu.memory_space<hbm>> -> memref<80x128xf32, #tpu.memory_space<hbm>>
          tpu.enqueue_dma source(%dma_start3A_39 : memref<80x128xf32, #tpu.memory_space<hbm>>) target(%arg14 : memref<80x128xf32, #tpu.memory_space<vmem>>) target_semaphore(%run_scoped3A : memref<!tpu.dma_semaphore, #tpu.memory_space<semaphore_mem>>)
          %dma_wait3A_40 = arith.constant 0 : i32
          %dma_wait3A_41 = tpu.memref_slice %arg2[%mul3A_13, %dma_wait3A_40] : memref<10000x128xf32, #tpu.memory_space<hbm>> -> memref<80x128xf32, #tpu.memory_space<hbm>>
          %dma_wait3A_42 = arith.constant 0 : i32
          %dma_wait3A_43 = tpu.memref_slice %arg2[%mul3A_13, %dma_wait3A_42] : memref<10000x128xf32, #tpu.memory_space<hbm>> -> memref<80x128xf32, #tpu.memory_space<hbm>>
          tpu.wait_dma2 semaphore(%run_scoped3A : memref<!tpu.dma_semaphore, #tpu.memory_space<semaphore_mem>>) src(%dma_wait3A_43 : memref<80x128xf32, #tpu.memory_space<hbm>>) dst(%arg14 : memref<80x128xf32, #tpu.memory_space<vmem>>)
          tpu.yield
        }) : () -> ()
        "tpu.region"() ({
          %run_scoped3A = tpu.sem_alloc : memref<!tpu.dma_semaphore, #tpu.memory_space<semaphore_mem>>
          %dma_start3A_36 = arith.constant 0 : i32
          %dma_start3A_37 = tpu.memref_slice %arg3[%mul3A_13, %dma_start3A_36] : memref<10112x128xf32, #tpu.memory_space<hbm>> -> memref<80x128xf32, #tpu.memory_space<hbm>>
          %dma_start3A_38 = arith.constant 0 : i32
          %dma_start3A_39 = tpu.memref_slice %arg3[%mul3A_13, %dma_start3A_38] : memref<10112x128xf32, #tpu.memory_space<hbm>> -> memref<80x128xf32, #tpu.memory_space<hbm>>
          tpu.enqueue_dma source(%dma_start3A_39 : memref<80x128xf32, #tpu.memory_space<hbm>>) target(%arg15 : memref<80x128xf32, #tpu.memory_space<vmem>>) target_semaphore(%run_scoped3A : memref<!tpu.dma_semaphore, #tpu.memory_space<semaphore_mem>>)
          %dma_wait3A_40 = arith.constant 0 : i32
          %dma_wait3A_41 = tpu.memref_slice %arg3[%mul3A_13, %dma_wait3A_40] : memref<10112x128xf32, #tpu.memory_space<hbm>> -> memref<80x128xf32, #tpu.memory_space<hbm>>
          %dma_wait3A_42 = arith.constant 0 : i32
          %dma_wait3A_43 = tpu.memref_slice %arg3[%mul3A_13, %dma_wait3A_42] : memref<10112x128xf32, #tpu.memory_space<hbm>> -> memref<80x128xf32, #tpu.memory_space<hbm>>
          tpu.wait_dma2 semaphore(%run_scoped3A : memref<!tpu.dma_semaphore, #tpu.memory_space<semaphore_mem>>) src(%dma_wait3A_43 : memref<80x128xf32, #tpu.memory_space<hbm>>) dst(%arg15 : memref<80x128xf32, #tpu.memory_space<vmem>>)
          tpu.yield
        }) : () -> ()
        "tpu.region"() ({
          %run_scoped3A = tpu.sem_alloc : memref<!tpu.dma_semaphore, #tpu.memory_space<semaphore_mem>>
          %dma_start3A_36 = arith.constant 0 : i32
          %dma_start3A_37 = tpu.memref_slice %arg4[%mul3A_13, %dma_start3A_36] : memref<10112x128xf32, #tpu.memory_space<hbm>> -> memref<80x128xf32, #tpu.memory_space<hbm>>
          %dma_start3A_38 = arith.constant 0 : i32
          %dma_start3A_39 = tpu.memref_slice %arg4[%mul3A_13, %dma_start3A_38] : memref<10112x128xf32, #tpu.memory_space<hbm>> -> memref<80x128xf32, #tpu.memory_space<hbm>>
          tpu.enqueue_dma source(%dma_start3A_39 : memref<80x128xf32, #tpu.memory_space<hbm>>) target(%arg16 : memref<80x128xf32, #tpu.memory_space<vmem>>) target_semaphore(%run_scoped3A : memref<!tpu.dma_semaphore, #tpu.memory_space<semaphore_mem>>)
          %dma_wait3A_40 = arith.constant 0 : i32
          %dma_wait3A_41 = tpu.memref_slice %arg4[%mul3A_13, %dma_wait3A_40] : memref<10112x128xf32, #tpu.memory_space<hbm>> -> memref<80x128xf32, #tpu.memory_space<hbm>>
          %dma_wait3A_42 = arith.constant 0 : i32
          %dma_wait3A_43 = tpu.memref_slice %arg4[%mul3A_13, %dma_wait3A_42] : memref<10112x128xf32, #tpu.memory_space<hbm>> -> memref<80x128xf32, #tpu.memory_space<hbm>>
          tpu.wait_dma2 semaphore(%run_scoped3A : memref<!tpu.dma_semaphore, #tpu.memory_space<semaphore_mem>>) src(%dma_wait3A_43 : memref<80x128xf32, #tpu.memory_space<hbm>>) dst(%arg16 : memref<80x128xf32, #tpu.memory_space<vmem>>)
          tpu.yield
        }) : () -> ()
        %dma_wait3A = arith.constant 0 : i32
        %dma_wait3A_22 = arith.constant 0 : i32
        %dma_wait3A_23 = tpu.memref_slice %arg5[%dma_wait3A, %dma_wait3A_22] : memref<2000x128xf32, #tpu.memory_space<hbm>> -> memref<2000x128xf32, #tpu.memory_space<hbm>>
        tpu.wait_indirect_dma semaphore(%arg18 : memref<!tpu.dma_semaphore, #tpu.memory_space<semaphore_mem>>) src(%dma_wait3A_23 : memref<2000x128xf32, #tpu.memory_space<hbm>>) dst(%arg11 : memref<80x128xf32, #tpu.memory_space<vmem>>)
        %dma_wait3A_24 = arith.constant 0 : i32
        %dma_wait3A_25 = arith.constant 0 : i32
        %dma_wait3A_26 = tpu.memref_slice %arg6[%dma_wait3A_24, %dma_wait3A_25] : memref<2000x128xf32, #tpu.memory_space<hbm>> -> memref<2000x128xf32, #tpu.memory_space<hbm>>
        tpu.wait_indirect_dma semaphore(%arg19 : memref<!tpu.dma_semaphore, #tpu.memory_space<semaphore_mem>>) src(%dma_wait3A_26 : memref<2000x128xf32, #tpu.memory_space<hbm>>) dst(%arg12 : memref<80x128xf32, #tpu.memory_space<vmem>>)
        %dma_wait3A_27 = arith.constant 0 : i32
        %dma_wait3A_28 = arith.constant 0 : i32
        %dma_wait3A_29 = tpu.memref_slice %arg7[%dma_wait3A_27, %dma_wait3A_28] : memref<2000x128xf32, #tpu.memory_space<hbm>> -> memref<2000x128xf32, #tpu.memory_space<hbm>>
        tpu.wait_indirect_dma semaphore(%arg20 : memref<!tpu.dma_semaphore, #tpu.memory_space<semaphore_mem>>) src(%dma_wait3A_29 : memref<2000x128xf32, #tpu.memory_space<hbm>>) dst(%arg13 : memref<80x128xf32, #tpu.memory_space<vmem>>)
        %scan3A_30 = arith.constant 0 : i32
        %scan3A_31 = arith.constant 0 : i32
        %scan3A_32 = arith.constant 80 : i32
        %scan3A_33 = arith.addi %scan3A_31, %scan3A_32 : i32
        %scan3A_34 = arith.constant 1 : i32
        scf.for %scan3A_36 = %scan3A_31 to %scan3A_33 step %scan3A_34  : i32 {
          %get3A = arith.index_cast %scan3A_36 : i32 to index
          %get3A_37 = arith.constant 0 : index
          %get3A_38 = tpu.vector_load %arg14[%get3A, %get3A_37] {strides = array<i32>} : memref<80x128xf32, #tpu.memory_space<vmem>>, vector<1x16xf32>,
          %get3A_39 = vector.shape_cast %get3A_38 : vector<1x16xf32> to vector<16xf32>
          %get3A_40 = arith.index_cast %scan3A_36 : i32 to index
          %get3A_41 = arith.constant 0 : index
          %get3A_42 = tpu.vector_load %arg15[%get3A_40, %get3A_41] {strides = array<i32>} : memref<80x128xf32, #tpu.memory_space<vmem>>, vector<1x16xf32>,
          %get3A_43 = vector.shape_cast %get3A_42 : vector<1x16xf32> to vector<16xf32>
          %add3A_44 = arith.addf %get3A_39, %get3A_43 : vector<16xf32>
          %get3A_45 = arith.index_cast %scan3A_36 : i32 to index
          %get3A_46 = arith.constant 0 : index
          %get3A_47 = tpu.vector_load %arg16[%get3A_45, %get3A_46] {strides = array<i32>} : memref<80x128xf32, #tpu.memory_space<vmem>>, vector<1x16xf32>,
          %get3A_48 = vector.shape_cast %get3A_47 : vector<1x16xf32> to vector<16xf32>
          %get3A_49 = arith.index_cast %scan3A_36 : i32 to index
          %get3A_50 = arith.constant 0 : index
          %get3A_51 = tpu.vector_load %arg11[%get3A_49, %get3A_50] {strides = array<i32>} : memref<80x128xf32, #tpu.memory_space<vmem>>, vector<1x16xf32>,
          %get3A_52 = vector.shape_cast %get3A_51 : vector<1x16xf32> to vector<16xf32>
          %add3A_53 = arith.addf %get3A_48, %get3A_52 : vector<16xf32>
          %add3A_54 = arith.addf %add3A_44, %add3A_53 : vector<16xf32>
          %get3A_55 = arith.index_cast %scan3A_36 : i32 to index
          %get3A_56 = arith.constant 0 : index
          %get3A_57 = tpu.vector_load %arg12[%get3A_55, %get3A_56] {strides = array<i32>} : memref<80x128xf32, #tpu.memory_space<vmem>>, vector<1x16xf32>,
          %get3A_58 = vector.shape_cast %get3A_57 : vector<1x16xf32> to vector<16xf32>
          %get3A_59 = arith.index_cast %scan3A_36 : i32 to index
          %get3A_60 = arith.constant 0 : index
          %get3A_61 = tpu.vector_load %arg13[%get3A_59, %get3A_60] {strides = array<i32>} : memref<80x128xf32, #tpu.memory_space<vmem>>, vector<1x16xf32>,
          %get3A_62 = vector.shape_cast %get3A_61 : vector<1x16xf32> to vector<16xf32>
          %add3A_63 = arith.addf %get3A_58, %get3A_62 : vector<16xf32>
          %add3A_64 = arith.addf %add3A_54, %add3A_63 : vector<16xf32>
          %swap3A = arith.index_cast %scan3A_36 : i32 to index
          %swap3A_65 = arith.constant 0 : index
          %swap3A_66 = tpu.vector_load %arg17[%swap3A, %swap3A_65] {strides = array<i32>} : memref<80x128xf32, #tpu.memory_space<vmem>>, vector<1x16xf32>,
          %swap3A_67 = vector.shape_cast %swap3A_66 : vector<1x16xf32> to vector<16xf32>
          %swap3A_68 = vector.shape_cast %add3A_64 : vector<16xf32> to vector<1x16xf32>
          tpu.vector_store %arg17[%swap3A, %swap3A_65], %swap3A_68 {strides = array<i32>} : memref<80x128xf32, #tpu.memory_space<vmem>>, vector<1x16xf32>,
          %get3A_69 = arith.index_cast %scan3A_36 : i32 to index
          %get3A_70 = arith.constant 16 : index
          %get3A_71 = tpu.vector_load %arg14[%get3A_69, %get3A_70] {strides = array<i32>} : memref<80x128xf32, #tpu.memory_space<vmem>>, vector<1x16xf32>,
          %get3A_72 = vector.shape_cast %get3A_71 : vector<1x16xf32> to vector<16xf32>
          %get3A_73 = arith.index_cast %scan3A_36 : i32 to index
          %get3A_74 = arith.constant 16 : index
          %get3A_75 = tpu.vector_load %arg15[%get3A_73, %get3A_74] {strides = array<i32>} : memref<80x128xf32, #tpu.memory_space<vmem>>, vector<1x16xf32>,
          %get3A_76 = vector.shape_cast %get3A_75 : vector<1x16xf32> to vector<16xf32>
          %add3A_77 = arith.addf %get3A_72, %get3A_76 : vector<16xf32>
          %get3A_78 = arith.index_cast %scan3A_36 : i32 to index
          %get3A_79 = arith.constant 16 : index
          %get3A_80 = tpu.vector_load %arg16[%get3A_78, %get3A_79] {strides = array<i32>} : memref<80x128xf32, #tpu.memory_space<vmem>>, vector<1x16xf32>,
          %get3A_81 = vector.shape_cast %get3A_80 : vector<1x16xf32> to vector<16xf32>
          %get3A_82 = arith.index_cast %scan3A_36 : i32 to index
          %get3A_83 = arith.constant 16 : index
          %get3A_84 = tpu.vector_load %arg11[%get3A_82, %get3A_83] {strides = array<i32>} : memref<80x128xf32, #tpu.memory_space<vmem>>, vector<1x16xf32>,
          %get3A_85 = vector.shape_cast %get3A_84 : vector<1x16xf32> to vector<16xf32>
          %add3A_86 = arith.addf %get3A_81, %get3A_85 : vector<16xf32>
          %add3A_87 = arith.addf %add3A_77, %add3A_86 : vector<16xf32>
          %get3A_88 = arith.index_cast %scan3A_36 : i32 to index
          %get3A_89 = arith.constant 16 : index
          %get3A_90 = tpu.vector_load %arg12[%get3A_88, %get3A_89] {strides = array<i32>} : memref<80x128xf32, #tpu.memory_space<vmem>>, vector<1x16xf32>,
          %get3A_91 = vector.shape_cast %get3A_90 : vector<1x16xf32> to vector<16xf32>
          %get3A_92 = arith.index_cast %scan3A_36 : i32 to index
          %get3A_93 = arith.constant 16 : index
          %get3A_94 = tpu.vector_load %arg13[%get3A_92, %get3A_93] {strides = array<i32>} : memref<80x128xf32, #tpu.memory_space<vmem>>, vector<1x16xf32>,
          %get3A_95 = vector.shape_cast %get3A_94 : vector<1x16xf32> to vector<16xf32>
          %add3A_96 = arith.addf %get3A_91, %get3A_95 : vector<16xf32>
          %add3A_97 = arith.addf %add3A_87, %add3A_96 : vector<16xf32>
          %swap3A_98 = arith.index_cast %scan3A_36 : i32 to index
          %swap3A_99 = arith.constant 16 : index
          %swap3A_100 = tpu.vector_load %arg17[%swap3A_98, %swap3A_99] {strides = array<i32>} : memref<80x128xf32, #tpu.memory_space<vmem>>, vector<1x16xf32>,
          %swap3A_101 = vector.shape_cast %swap3A_100 : vector<1x16xf32> to vector<16xf32>
          %swap3A_102 = vector.shape_cast %add3A_97 : vector<16xf32> to vector<1x16xf32>
          tpu.vector_store %arg17[%swap3A_98, %swap3A_99], %swap3A_102 {strides = array<i32>} : memref<80x128xf32, #tpu.memory_space<vmem>>, vector<1x16xf32>,
          %get3A_103 = arith.index_cast %scan3A_36 : i32 to index
          %get3A_104 = arith.constant 32 : index
          %get3A_105 = tpu.vector_load %arg14[%get3A_103, %get3A_104] {strides = array<i32>} : memref<80x128xf32, #tpu.memory_space<vmem>>, vector<1x16xf32>,
          %get3A_106 = vector.shape_cast %get3A_105 : vector<1x16xf32> to vector<16xf32>
          %get3A_107 = arith.index_cast %scan3A_36 : i32 to index
          %get3A_108 = arith.constant 32 : index
          %get3A_109 = tpu.vector_load %arg15[%get3A_107, %get3A_108] {strides = array<i32>} : memref<80x128xf32, #tpu.memory_space<vmem>>, vector<1x16xf32>,
          %get3A_110 = vector.shape_cast %get3A_109 : vector<1x16xf32> to vector<16xf32>
          %add3A_111 = arith.addf %get3A_106, %get3A_110 : vector<16xf32>
          %get3A_112 = arith.index_cast %scan3A_36 : i32 to index
          %get3A_113 = arith.constant 32 : index
          %get3A_114 = tpu.vector_load %arg16[%get3A_112, %get3A_113] {strides = array<i32>} : memref<80x128xf32, #tpu.memory_space<vmem>>, vector<1x16xf32>,
          %get3A_115 = vector.shape_cast %get3A_114 : vector<1x16xf32> to vector<16xf32>
          %get3A_116 = arith.index_cast %scan3A_36 : i32 to index
          %get3A_117 = arith.constant 32 : index
          %get3A_118 = tpu.vector_load %arg11[%get3A_116, %get3A_117] {strides = array<i32>} : memref<80x128xf32, #tpu.memory_space<vmem>>, vector<1x16xf32>,
          %get3A_119 = vector.shape_cast %get3A_118 : vector<1x16xf32> to vector<16xf32>
          %add3A_120 = arith.addf %get3A_115, %get3A_119 : vector<16xf32>
          %add3A_121 = arith.addf %add3A_111, %add3A_120 : vector<16xf32>
          %get3A_122 = arith.index_cast %scan3A_36 : i32 to index
          %get3A_123 = arith.constant 32 : index
          %get3A_124 = tpu.vector_load %arg12[%get3A_122, %get3A_123] {strides = array<i32>} : memref<80x128xf32, #tpu.memory_space<vmem>>, vector<1x16xf32>,
          %get3A_125 = vector.shape_cast %get3A_124 : vector<1x16xf32> to vector<16xf32>
          %get3A_126 = arith.index_cast %scan3A_36 : i32 to index
          %get3A_127 = arith.constant 32 : index
          %get3A_128 = tpu.vector_load %arg13[%get3A_126, %get3A_127] {strides = array<i32>} : memref<80x128xf32, #tpu.memory_space<vmem>>, vector<1x16xf32>,
          %get3A_129 = vector.shape_cast %get3A_128 : vector<1x16xf32> to vector<16xf32>
          %add3A_130 = arith.addf %get3A_125, %get3A_129 : vector<16xf32>
          %add3A_131 = arith.addf %add3A_121, %add3A_130 : vector<16xf32>
          %swap3A_132 = arith.index_cast %scan3A_36 : i32 to index
          %swap3A_133 = arith.constant 32 : index
          %swap3A_134 = tpu.vector_load %arg17[%swap3A_132, %swap3A_133] {strides = array<i32>} : memref<80x128xf32, #tpu.memory_space<vmem>>, vector<1x16xf32>,
          %swap3A_135 = vector.shape_cast %swap3A_134 : vector<1x16xf32> to vector<16xf32>
          %swap3A_136 = vector.shape_cast %add3A_131 : vector<16xf32> to vector<1x16xf32>
          tpu.vector_store %arg17[%swap3A_132, %swap3A_133], %swap3A_136 {strides = array<i32>} : memref<80x128xf32, #tpu.memory_space<vmem>>, vector<1x16xf32>,
          %get3A_137 = arith.index_cast %scan3A_36 : i32 to index
          %get3A_138 = arith.constant 48 : index
          %get3A_139 = tpu.vector_load %arg14[%get3A_137, %get3A_138] {strides = array<i32>} : memref<80x128xf32, #tpu.memory_space<vmem>>, vector<1x16xf32>,
          %get3A_140 = vector.shape_cast %get3A_139 : vector<1x16xf32> to vector<16xf32>
          %get3A_141 = arith.index_cast %scan3A_36 : i32 to index
          %get3A_142 = arith.constant 48 : index
          %get3A_143 = tpu.vector_load %arg15[%get3A_141, %get3A_142] {strides = array<i32>} : memref<80x128xf32, #tpu.memory_space<vmem>>, vector<1x16xf32>,
          %get3A_144 = vector.shape_cast %get3A_143 : vector<1x16xf32> to vector<16xf32>
          %add3A_145 = arith.addf %get3A_140, %get3A_144 : vector<16xf32>
          %get3A_146 = arith.index_cast %scan3A_36 : i32 to index
          %get3A_147 = arith.constant 48 : index
          %get3A_148 = tpu.vector_load %arg16[%get3A_146, %get3A_147] {strides = array<i32>} : memref<80x128xf32, #tpu.memory_space<vmem>>, vector<1x16xf32>,
          %get3A_149 = vector.shape_cast %get3A_148 : vector<1x16xf32> to vector<16xf32>
          %get3A_150 = arith.index_cast %scan3A_36 : i32 to index
          %get3A_151 = arith.constant 48 : index
          %get3A_152 = tpu.vector_load %arg11[%get3A_150, %get3A_151] {strides = array<i32>} : memref<80x128xf32, #tpu.memory_space<vmem>>, vector<1x16xf32>,
          %get3A_153 = vector.shape_cast %get3A_152 : vector<1x16xf32> to vector<16xf32>
          %add3A_154 = arith.addf %get3A_149, %get3A_153 : vector<16xf32>
          %add3A_155 = arith.addf %add3A_145, %add3A_154 : vector<16xf32>
          %get3A_156 = arith.index_cast %scan3A_36 : i32 to index
          %get3A_157 = arith.constant 48 : index
          %get3A_158 = tpu.vector_load %arg12[%get3A_156, %get3A_157] {strides = array<i32>} : memref<80x128xf32, #tpu.memory_space<vmem>>, vector<1x16xf32>,
          %get3A_159 = vector.shape_cast %get3A_158 : vector<1x16xf32> to vector<16xf32>
          %get3A_160 = arith.index_cast %scan3A_36 : i32 to index
          %get3A_161 = arith.constant 48 : index
          %get3A_162 = tpu.vector_load %arg13[%get3A_160, %get3A_161] {strides = array<i32>} : memref<80x128xf32, #tpu.memory_space<vmem>>, vector<1x16xf32>,
          %get3A_163 = vector.shape_cast %get3A_162 : vector<1x16xf32> to vector<16xf32>
          %add3A_164 = arith.addf %get3A_159, %get3A_163 : vector<16xf32>
          %add3A_165 = arith.addf %add3A_155, %add3A_164 : vector<16xf32>
          %swap3A_166 = arith.index_cast %scan3A_36 : i32 to index
          %swap3A_167 = arith.constant 48 : index
          %swap3A_168 = tpu.vector_load %arg17[%swap3A_166, %swap3A_167] {strides = array<i32>} : memref<80x128xf32, #tpu.memory_space<vmem>>, vector<1x16xf32>,
          %swap3A_169 = vector.shape_cast %swap3A_168 : vector<1x16xf32> to vector<16xf32>
          %swap3A_170 = vector.shape_cast %add3A_165 : vector<16xf32> to vector<1x16xf32>
          tpu.vector_store %arg17[%swap3A_166, %swap3A_167], %swap3A_170 {strides = array<i32>} : memref<80x128xf32, #tpu.memory_space<vmem>>, vector<1x16xf32>,
          %get3A_171 = arith.index_cast %scan3A_36 : i32 to index
          %get3A_172 = arith.constant 64 : index
          %get3A_173 = tpu.vector_load %arg14[%get3A_171, %get3A_172] {strides = array<i32>} : memref<80x128xf32, #tpu.memory_space<vmem>>, vector<1x16xf32>,
          %get3A_174 = vector.shape_cast %get3A_173 : vector<1x16xf32> to vector<16xf32>
          %get3A_175 = arith.index_cast %scan3A_36 : i32 to index
          %get3A_176 = arith.constant 64 : index
          %get3A_177 = tpu.vector_load %arg15[%get3A_175, %get3A_176] {strides = array<i32>} : memref<80x128xf32, #tpu.memory_space<vmem>>, vector<1x16xf32>,
          %get3A_178 = vector.shape_cast %get3A_177 : vector<1x16xf32> to vector<16xf32>
          %add3A_179 = arith.addf %get3A_174, %get3A_178 : vector<16xf32>
          %get3A_180 = arith.index_cast %scan3A_36 : i32 to index
          %get3A_181 = arith.constant 64 : index
          %get3A_182 = tpu.vector_load %arg16[%get3A_180, %get3A_181] {strides = array<i32>} : memref<80x128xf32, #tpu.memory_space<vmem>>, vector<1x16xf32>,
          %get3A_183 = vector.shape_cast %get3A_182 : vector<1x16xf32> to vector<16xf32>
          %get3A_184 = arith.index_cast %scan3A_36 : i32 to index
          %get3A_185 = arith.constant 64 : index
          %get3A_186 = tpu.vector_load %arg11[%get3A_184, %get3A_185] {strides = array<i32>} : memref<80x128xf32, #tpu.memory_space<vmem>>, vector<1x16xf32>,
          %get3A_187 = vector.shape_cast %get3A_186 : vector<1x16xf32> to vector<16xf32>
          %add3A_188 = arith.addf %get3A_183, %get3A_187 : vector<16xf32>
          %add3A_189 = arith.addf %add3A_179, %add3A_188 : vector<16xf32>
          %get3A_190 = arith.index_cast %scan3A_36 : i32 to index
          %get3A_191 = arith.constant 64 : index
          %get3A_192 = tpu.vector_load %arg12[%get3A_190, %get3A_191] {strides = array<i32>} : memref<80x128xf32, #tpu.memory_space<vmem>>, vector<1x16xf32>,
          %get3A_193 = vector.shape_cast %get3A_192 : vector<1x16xf32> to vector<16xf32>
          %get3A_194 = arith.index_cast %scan3A_36 : i32 to index
          %get3A_195 = arith.constant 64 : index
          %get3A_196 = tpu.vector_load %arg13[%get3A_194, %get3A_195] {strides = array<i32>} : memref<80x128xf32, #tpu.memory_space<vmem>>, vector<1x16xf32>,
          %get3A_197 = vector.shape_cast %get3A_196 : vector<1x16xf32> to vector<16xf32>
          %add3A_198 = arith.addf %get3A_193, %get3A_197 : vector<16xf32>
          %add3A_199 = arith.addf %add3A_189, %add3A_198 : vector<16xf32>
          %swap3A_200 = arith.index_cast %scan3A_36 : i32 to index
          %swap3A_201 = arith.constant 64 : index
          %swap3A_202 = tpu.vector_load %arg17[%swap3A_200, %swap3A_201] {strides = array<i32>} : memref<80x128xf32, #tpu.memory_space<vmem>>, vector<1x16xf32>,
          %swap3A_203 = vector.shape_cast %swap3A_202 : vector<1x16xf32> to vector<16xf32>
          %swap3A_204 = vector.shape_cast %add3A_199 : vector<16xf32> to vector<1x16xf32>
          tpu.vector_store %arg17[%swap3A_200, %swap3A_201], %swap3A_204 {strides = array<i32>} : memref<80x128xf32, #tpu.memory_space<vmem>>, vector<1x16xf32>,
          %get3A_205 = arith.index_cast %scan3A_36 : i32 to index
          %get3A_206 = arith.constant 80 : index
          %get3A_207 = tpu.vector_load %arg14[%get3A_205, %get3A_206] {strides = array<i32>} : memref<80x128xf32, #tpu.memory_space<vmem>>, vector<1x16xf32>,
          %get3A_208 = vector.shape_cast %get3A_207 : vector<1x16xf32> to vector<16xf32>
          %get3A_209 = arith.index_cast %scan3A_36 : i32 to index
          %get3A_210 = arith.constant 80 : index
          %get3A_211 = tpu.vector_load %arg15[%get3A_209, %get3A_210] {strides = array<i32>} : memref<80x128xf32, #tpu.memory_space<vmem>>, vector<1x16xf32>,
          %get3A_212 = vector.shape_cast %get3A_211 : vector<1x16xf32> to vector<16xf32>
          %add3A_213 = arith.addf %get3A_208, %get3A_212 : vector<16xf32>
          %get3A_214 = arith.index_cast %scan3A_36 : i32 to index
          %get3A_215 = arith.constant 80 : index
          %get3A_216 = tpu.vector_load %arg16[%get3A_214, %get3A_215] {strides = array<i32>} : memref<80x128xf32, #tpu.memory_space<vmem>>, vector<1x16xf32>,
          %get3A_217 = vector.shape_cast %get3A_216 : vector<1x16xf32> to vector<16xf32>
          %get3A_218 = arith.index_cast %scan3A_36 : i32 to index
          %get3A_219 = arith.constant 80 : index
          %get3A_220 = tpu.vector_load %arg11[%get3A_218, %get3A_219] {strides = array<i32>} : memref<80x128xf32, #tpu.memory_space<vmem>>, vector<1x16xf32>,
          %get3A_221 = vector.shape_cast %get3A_220 : vector<1x16xf32> to vector<16xf32>
          %add3A_222 = arith.addf %get3A_217, %get3A_221 : vector<16xf32>
          %add3A_223 = arith.addf %add3A_213, %add3A_222 : vector<16xf32>
          %get3A_224 = arith.index_cast %scan3A_36 : i32 to index
          %get3A_225 = arith.constant 80 : index
          %get3A_226 = tpu.vector_load %arg12[%get3A_224, %get3A_225] {strides = array<i32>} : memref<80x128xf32, #tpu.memory_space<vmem>>, vector<1x16xf32>,
          %get3A_227 = vector.shape_cast %get3A_226 : vector<1x16xf32> to vector<16xf32>
          %get3A_228 = arith.index_cast %scan3A_36 : i32 to index
          %get3A_229 = arith.constant 80 : index
          %get3A_230 = tpu.vector_load %arg13[%get3A_228, %get3A_229] {strides = array<i32>} : memref<80x128xf32, #tpu.memory_space<vmem>>, vector<1x16xf32>,
          %get3A_231 = vector.shape_cast %get3A_230 : vector<1x16xf32> to vector<16xf32>
          %add3A_232 = arith.addf %get3A_227, %get3A_231 : vector<16xf32>
          %add3A_233 = arith.addf %add3A_223, %add3A_232 : vector<16xf32>
          %swap3A_234 = arith.index_cast %scan3A_36 : i32 to index
          %swap3A_235 = arith.constant 80 : index
          %swap3A_236 = tpu.vector_load %arg17[%swap3A_234, %swap3A_235] {strides = array<i32>} : memref<80x128xf32, #tpu.memory_space<vmem>>, vector<1x16xf32>,
          %swap3A_237 = vector.shape_cast %swap3A_236 : vector<1x16xf32> to vector<16xf32>
          %swap3A_238 = vector.shape_cast %add3A_233 : vector<16xf32> to vector<1x16xf32>
          tpu.vector_store %arg17[%swap3A_234, %swap3A_235], %swap3A_238 {strides = array<i32>} : memref<80x128xf32, #tpu.memory_space<vmem>>, vector<1x16xf32>,
          %get3A_239 = arith.index_cast %scan3A_36 : i32 to index
          %get3A_240 = arith.constant 96 : index
          %get3A_241 = tpu.vector_load %arg14[%get3A_239, %get3A_240] {strides = array<i32>} : memref<80x128xf32, #tpu.memory_space<vmem>>, vector<1x16xf32>,
          %get3A_242 = vector.shape_cast %get3A_241 : vector<1x16xf32> to vector<16xf32>
          %get3A_243 = arith.index_cast %scan3A_36 : i32 to index
          %get3A_244 = arith.constant 96 : index
          %get3A_245 = tpu.vector_load %arg15[%get3A_243, %get3A_244] {strides = array<i32>} : memref<80x128xf32, #tpu.memory_space<vmem>>, vector<1x16xf32>,
          %get3A_246 = vector.shape_cast %get3A_245 : vector<1x16xf32> to vector<16xf32>
          %add3A_247 = arith.addf %get3A_242, %get3A_246 : vector<16xf32>
          %get3A_248 = arith.index_cast %scan3A_36 : i32 to index
          %get3A_249 = arith.constant 96 : index
          %get3A_250 = tpu.vector_load %arg16[%get3A_248, %get3A_249] {strides = array<i32>} : memref<80x128xf32, #tpu.memory_space<vmem>>, vector<1x16xf32>,
          %get3A_251 = vector.shape_cast %get3A_250 : vector<1x16xf32> to vector<16xf32>
          %get3A_252 = arith.index_cast %scan3A_36 : i32 to index
          %get3A_253 = arith.constant 96 : index
          %get3A_254 = tpu.vector_load %arg11[%get3A_252, %get3A_253] {strides = array<i32>} : memref<80x128xf32, #tpu.memory_space<vmem>>, vector<1x16xf32>,
          %get3A_255 = vector.shape_cast %get3A_254 : vector<1x16xf32> to vector<16xf32>
          %add3A_256 = arith.addf %get3A_251, %get3A_255 : vector<16xf32>
          %add3A_257 = arith.addf %add3A_247, %add3A_256 : vector<16xf32>
          %get3A_258 = arith.index_cast %scan3A_36 : i32 to index
          %get3A_259 = arith.constant 96 : index
          %get3A_260 = tpu.vector_load %arg12[%get3A_258, %get3A_259] {strides = array<i32>} : memref<80x128xf32, #tpu.memory_space<vmem>>, vector<1x16xf32>,
          %get3A_261 = vector.shape_cast %get3A_260 : vector<1x16xf32> to vector<16xf32>
          %get3A_262 = arith.index_cast %scan3A_36 : i32 to index
          %get3A_263 = arith.constant 96 : index
          %get3A_264 = tpu.vector_load %arg13[%get3A_262, %get3A_263] {strides = array<i32>} : memref<80x128xf32, #tpu.memory_space<vmem>>, vector<1x16xf32>,
          %get3A_265 = vector.shape_cast %get3A_264 : vector<1x16xf32> to vector<16xf32>
          %add3A_266 = arith.addf %get3A_261, %get3A_265 : vector<16xf32>
          %add3A_267 = arith.addf %add3A_257, %add3A_266 : vector<16xf32>
          %swap3A_268 = arith.index_cast %scan3A_36 : i32 to index
          %swap3A_269 = arith.constant 96 : index
          %swap3A_270 = tpu.vector_load %arg17[%swap3A_268, %swap3A_269] {strides = array<i32>} : memref<80x128xf32, #tpu.memory_space<vmem>>, vector<1x16xf32>,
          %swap3A_271 = vector.shape_cast %swap3A_270 : vector<1x16xf32> to vector<16xf32>
          %swap3A_272 = vector.shape_cast %add3A_267 : vector<16xf32> to vector<1x16xf32>
          tpu.vector_store %arg17[%swap3A_268, %swap3A_269], %swap3A_272 {strides = array<i32>} : memref<80x128xf32, #tpu.memory_space<vmem>>, vector<1x16xf32>,
          %get3A_273 = arith.index_cast %scan3A_36 : i32 to index
          %get3A_274 = arith.constant 112 : index
          %get3A_275 = tpu.vector_load %arg14[%get3A_273, %get3A_274] {strides = array<i32>} : memref<80x128xf32, #tpu.memory_space<vmem>>, vector<1x16xf32>,
          %get3A_276 = vector.shape_cast %get3A_275 : vector<1x16xf32> to vector<16xf32>
          %get3A_277 = arith.index_cast %scan3A_36 : i32 to index
          %get3A_278 = arith.constant 112 : index
          %get3A_279 = tpu.vector_load %arg15[%get3A_277, %get3A_278] {strides = array<i32>} : memref<80x128xf32, #tpu.memory_space<vmem>>, vector<1x16xf32>,
          %get3A_280 = vector.shape_cast %get3A_279 : vector<1x16xf32> to vector<16xf32>
          %add3A_281 = arith.addf %get3A_276, %get3A_280 : vector<16xf32>
          %get3A_282 = arith.index_cast %scan3A_36 : i32 to index
          %get3A_283 = arith.constant 112 : index
          %get3A_284 = tpu.vector_load %arg16[%get3A_282, %get3A_283] {strides = array<i32>} : memref<80x128xf32, #tpu.memory_space<vmem>>, vector<1x16xf32>,
          %get3A_285 = vector.shape_cast %get3A_284 : vector<1x16xf32> to vector<16xf32>
          %get3A_286 = arith.index_cast %scan3A_36 : i32 to index
          %get3A_287 = arith.constant 112 : index
          %get3A_288 = tpu.vector_load %arg11[%get3A_286, %get3A_287] {strides = array<i32>} : memref<80x128xf32, #tpu.memory_space<vmem>>, vector<1x16xf32>,
          %get3A_289 = vector.shape_cast %get3A_288 : vector<1x16xf32> to vector<16xf32>
          %add3A_290 = arith.addf %get3A_285, %get3A_289 : vector<16xf32>
          %add3A_291 = arith.addf %add3A_281, %add3A_290 : vector<16xf32>
          %get3A_292 = arith.index_cast %scan3A_36 : i32 to index
          %get3A_293 = arith.constant 112 : index
          %get3A_294 = tpu.vector_load %arg12[%get3A_292, %get3A_293] {strides = array<i32>} : memref<80x128xf32, #tpu.memory_space<vmem>>, vector<1x16xf32>,
          %get3A_295 = vector.shape_cast %get3A_294 : vector<1x16xf32> to vector<16xf32>
          %get3A_296 = arith.index_cast %scan3A_36 : i32 to index
          %get3A_297 = arith.constant 112 : index
          %get3A_298 = tpu.vector_load %arg13[%get3A_296, %get3A_297] {strides = array<i32>} : memref<80x128xf32, #tpu.memory_space<vmem>>, vector<1x16xf32>,
          %get3A_299 = vector.shape_cast %get3A_298 : vector<1x16xf32> to vector<16xf32>
          %add3A_300 = arith.addf %get3A_295, %get3A_299 : vector<16xf32>
          %add3A_301 = arith.addf %add3A_291, %add3A_300 : vector<16xf32>
          %swap3A_302 = arith.index_cast %scan3A_36 : i32 to index
          %swap3A_303 = arith.constant 112 : index
          %swap3A_304 = tpu.vector_load %arg17[%swap3A_302, %swap3A_303] {strides = array<i32>} : memref<80x128xf32, #tpu.memory_space<vmem>>, vector<1x16xf32>,
          %swap3A_305 = vector.shape_cast %swap3A_304 : vector<1x16xf32> to vector<16xf32>
          %swap3A_306 = vector.shape_cast %add3A_301 : vector<16xf32> to vector<1x16xf32>
          tpu.vector_store %arg17[%swap3A_302, %swap3A_303], %swap3A_306 {strides = array<i32>} : memref<80x128xf32, #tpu.memory_space<vmem>>, vector<1x16xf32>,
        }
        %scan3A_35 = arith.constant 80 : i32
        "tpu.region"() ({
          %run_scoped3A = tpu.sem_alloc : memref<!tpu.dma_semaphore, #tpu.memory_space<semaphore_mem>>
          %dma_start3A_36 = arith.constant 0 : i32
          %dma_start3A_37 = tpu.memref_slice %arg9[%mul3A_13, %dma_start3A_36] : memref<10000x128xf32, #tpu.memory_space<hbm>> -> memref<80x128xf32, #tpu.memory_space<hbm>>
          %dma_start3A_38 = arith.constant 0 : i32
          %dma_start3A_39 = tpu.memref_slice %arg9[%mul3A_13, %dma_start3A_38] : memref<10000x128xf32, #tpu.memory_space<hbm>> -> memref<80x128xf32, #tpu.memory_space<hbm>>
          tpu.enqueue_dma source(%arg17 : memref<80x128xf32, #tpu.memory_space<vmem>>) target(%dma_start3A_39 : memref<80x128xf32, #tpu.memory_space<hbm>>) target_semaphore(%run_scoped3A : memref<!tpu.dma_semaphore, #tpu.memory_space<semaphore_mem>>)
          %dma_wait3A_40 = arith.constant 0 : i32
          %dma_wait3A_41 = tpu.memref_slice %arg9[%mul3A_13, %dma_wait3A_40] : memref<10000x128xf32, #tpu.memory_space<hbm>> -> memref<80x128xf32, #tpu.memory_space<hbm>>
          %dma_wait3A_42 = arith.constant 0 : i32
          %dma_wait3A_43 = tpu.memref_slice %arg9[%mul3A_13, %dma_wait3A_42] : memref<10000x128xf32, #tpu.memory_space<hbm>> -> memref<80x128xf32, #tpu.memory_space<hbm>>
          tpu.wait_dma2 semaphore(%run_scoped3A : memref<!tpu.dma_semaphore, #tpu.memory_space<semaphore_mem>>) src(%arg17 : memref<80x128xf32, #tpu.memory_space<vmem>>) dst(%dma_wait3A_43 : memref<80x128xf32, #tpu.memory_space<hbm>>)
          tpu.yield
        }) : () -> ()
      } else {
      }
    }
    %scan3A_5 = arith.constant 4 : i32
    return
  }
}

#map = affine_map<(d0, d1) -> (0, 0)>
#map1 = affine_map<(d0, d1) -> (0)>
module attributes {stable_mosaic.version = 14 : i64} {
  func.func @at11_phase_c2(%arg0: i32, %arg1: i32, %arg2: memref<10000x128xf32, #tpu.memory_space<hbm>>, %arg3: memref<20096x128xf32, #tpu.memory_space<hbm>>, %arg4: memref<163840xi32, #tpu.memory_space<hbm>>, %arg5: memref<163840xi32, #tpu.memory_space<hbm>>, %arg6: memref<163840xi32, #tpu.memory_space<hbm>>, %arg7: memref<128x128xf32, #tpu.memory_space<hbm>>, %arg8: memref<10112x128xf32, #tpu.memory_space<hbm>>, %arg9: memref<10112x128xf32, #tpu.memory_space<hbm>>, %arg10: memref<128x128xf32, #tpu.memory_space<vmem>>, %arg11: memref<128x128xf32, #tpu.memory_space<vmem>>, %arg12: memref<128x128xf32, #tpu.memory_space<vmem>>, %arg13: memref<128x128xf32, #tpu.memory_space<vmem>>, %arg14: memref<128xi32, #tpu.memory_space<vmem>>, %arg15: memref<128xi32, #tpu.memory_space<vmem>>, %arg16: memref<128xi32, #tpu.memory_space<vmem>>, %arg17: memref<128xi32, #tpu.memory_space<vmem>>, %arg18: memref<128xi32, #tpu.memory_space<vmem>>, %arg19: memref<128xi32, #tpu.memory_space<vmem>>, %arg20: memref<128x128xf32, #tpu.memory_space<vmem>>, %arg21: memref<!tpu.dma_semaphore, #tpu.memory_space<semaphore_mem>>, %arg22: memref<!tpu.dma_semaphore, #tpu.memory_space<semaphore_mem>>, %arg23: memref<!tpu.dma_semaphore, #tpu.memory_space<semaphore_mem>>, %arg24: memref<!tpu.dma_semaphore, #tpu.memory_space<semaphore_mem>>, %arg25: memref<!tpu.dma_semaphore, #tpu.memory_space<semaphore_mem>>, %arg26: memref<!tpu.dma_semaphore, #tpu.memory_space<semaphore_mem>>, %arg27: memref<!tpu.dma_semaphore, #tpu.memory_space<semaphore_mem>>, %arg28: memref<!tpu.dma_semaphore, #tpu.memory_space<semaphore_mem>>, %arg29: memref<10112x128xf32, #tpu.memory_space<vmem_shared>>) attributes {dimension_semantics = [#tpu.dimension_semantics<core_parallel>, #tpu.dimension_semantics<subcore_parallel>], iteration_bounds = array<i64: 2, 16>, scalar_prefetch = 0 : i64, scratch_operands = 20 : i64, tpu.core_type = #tpu.core_type<sc_vector_subcore>, window_params = [{transform_indices = #map}, {transform_indices = #map}, {transform_indices = #map1}, {transform_indices = #map1}, {transform_indices = #map1}, {transform_indices = #map}, {transform_indices = #map}, {transform_indices = #map}]} {
    "tpu.region"() ({
      %run_scoped3A = tpu.sem_alloc : memref<!tpu.dma_semaphore, #tpu.memory_space<semaphore_mem>>
      tpu.enqueue_dma source(%arg7 : memref<128x128xf32, #tpu.memory_space<hbm>>) target(%arg20 : memref<128x128xf32, #tpu.memory_space<vmem>>) target_semaphore(%run_scoped3A : memref<!tpu.dma_semaphore, #tpu.memory_space<semaphore_mem>>)
      tpu.wait_dma2 semaphore(%run_scoped3A : memref<!tpu.dma_semaphore, #tpu.memory_space<semaphore_mem>>) src(%arg7 : memref<128x128xf32, #tpu.memory_space<hbm>>) dst(%arg20 : memref<128x128xf32, #tpu.memory_space<vmem>>)
      tpu.yield
    }) : () -> ()
    %scan3A = arith.constant 0 : i32
    %scan3A_0 = arith.constant 0 : i32
    %scan3A_1 = arith.constant 5 : i32
    %scan3A_2 = arith.addi %scan3A_0, %scan3A_1 : i32
    %scan3A_3 = arith.constant 1 : i32
    scf.for %scan3A_19 = %scan3A_0 to %scan3A_2 step %scan3A_3  : i32 {
      %mul3A = arith.constant 16 : i32
      %mul3A_20 = arith.muli %mul3A, %scan3A_19 : i32
      %add3A = arith.addi %arg1, %mul3A_20 : i32
      %lt3A = arith.constant 79 : i32
      %lt3A_21 = arith.cmpi slt, %add3A, %lt3A : i32
      %convert_element_type3A_22 = arith.extui %lt3A_21 : i1 to i32
      %cond3A_23 = arith.constant 0 : i32
      %cond3A_24 = arith.cmpi ne, %convert_element_type3A_22, %cond3A_23 : i32
      scf.if %cond3A_24 {
        %mul3A_25 = arith.constant 128 : i32
        %mul3A_26 = arith.muli %mul3A_25, %add3A : i32
        "tpu.region"() ({
          %run_scoped3A = tpu.sem_alloc : memref<!tpu.dma_semaphore, #tpu.memory_space<semaphore_mem>>
          %dma_start3A = arith.constant 0 : i32
          %dma_start3A_27 = tpu.memref_slice %arg29[%mul3A_26, %dma_start3A] : memref<10112x128xf32, #tpu.memory_space<vmem_shared>> -> memref<128x128xf32, #tpu.memory_space<vmem_shared>>
          %dma_start3A_28 = arith.constant 0 : i32
          %dma_start3A_29 = tpu.memref_slice %arg29[%mul3A_26, %dma_start3A_28] : memref<10112x128xf32, #tpu.memory_space<vmem_shared>> -> memref<128x128xf32, #tpu.memory_space<vmem_shared>>
          tpu.enqueue_dma source(%arg20 : memref<128x128xf32, #tpu.memory_space<vmem>>) target(%dma_start3A_29 : memref<128x128xf32, #tpu.memory_space<vmem_shared>>) target_semaphore(%run_scoped3A : memref<!tpu.dma_semaphore, #tpu.memory_space<semaphore_mem>>)
          %dma_wait3A = arith.constant 0 : i32
          %dma_wait3A_30 = tpu.memref_slice %arg29[%mul3A_26, %dma_wait3A] : memref<10112x128xf32, #tpu.memory_space<vmem_shared>> -> memref<128x128xf32, #tpu.memory_space<vmem_shared>>
          %dma_wait3A_31 = arith.constant 0 : i32
          %dma_wait3A_32 = tpu.memref_slice %arg29[%mul3A_26, %dma_wait3A_31] : memref<10112x128xf32, #tpu.memory_space<vmem_shared>> -> memref<128x128xf32, #tpu.memory_space<vmem_shared>>
          tpu.wait_dma2 semaphore(%run_scoped3A : memref<!tpu.dma_semaphore, #tpu.memory_space<semaphore_mem>>) src(%arg20 : memref<128x128xf32, #tpu.memory_space<vmem>>) dst(%dma_wait3A_32 : memref<128x128xf32, #tpu.memory_space<vmem_shared>>)
          tpu.yield
        }) : () -> ()
      } else {
      }
    }
    %scan3A_4 = arith.constant 5 : i32
    %barrier3A = arith.constant 0 : index
    tpu.barrier barrier_id(%barrier3A)
    %scan3A_5 = arith.constant 0 : i32
    %scan3A_6 = arith.constant 0 : i32
    %scan3A_7 = arith.constant 40 : i32
    %scan3A_8 = arith.addi %scan3A_6, %scan3A_7 : i32
    %scan3A_9 = arith.constant 1 : i32
    scf.for %scan3A_19 = %scan3A_6 to %scan3A_8 step %scan3A_9  : i32 {
      %mul3A = arith.constant 640 : i32
      %mul3A_20 = arith.muli %mul3A, %arg0 : i32
      %add3A = arith.addi %mul3A_20, %arg1 : i32
      %mul3A_21 = arith.constant 16 : i32
      %mul3A_22 = arith.muli %mul3A_21, %scan3A_19 : i32
      %add3A_23 = arith.addi %add3A, %mul3A_22 : i32
      %mul3A_24 = arith.constant 128 : i32
      %mul3A_25 = arith.muli %mul3A_24, %add3A_23 : i32
      "tpu.region"() ({
        %run_scoped3A = tpu.sem_alloc : memref<!tpu.dma_semaphore, #tpu.memory_space<semaphore_mem>>
        %dma_start3A_48 = tpu.memref_slice %arg4[%mul3A_25] : memref<163840xi32, #tpu.memory_space<hbm>> -> memref<128xi32, #tpu.memory_space<hbm>>
        %dma_start3A_49 = tpu.memref_slice %arg4[%mul3A_25] : memref<163840xi32, #tpu.memory_space<hbm>> -> memref<128xi32, #tpu.memory_space<hbm>>
        tpu.enqueue_dma source(%dma_start3A_49 : memref<128xi32, #tpu.memory_space<hbm>>) target(%arg14 : memref<128xi32, #tpu.memory_space<vmem>>) target_semaphore(%run_scoped3A : memref<!tpu.dma_semaphore, #tpu.memory_space<semaphore_mem>>)
        %dma_wait3A_50 = tpu.memref_slice %arg4[%mul3A_25] : memref<163840xi32, #tpu.memory_space<hbm>> -> memref<128xi32, #tpu.memory_space<hbm>>
        %dma_wait3A_51 = tpu.memref_slice %arg4[%mul3A_25] : memref<163840xi32, #tpu.memory_space<hbm>> -> memref<128xi32, #tpu.memory_space<hbm>>
        tpu.wait_dma2 semaphore(%run_scoped3A : memref<!tpu.dma_semaphore, #tpu.memory_space<semaphore_mem>>) src(%dma_wait3A_51 : memref<128xi32, #tpu.memory_space<hbm>>) dst(%arg14 : memref<128xi32, #tpu.memory_space<vmem>>)
        tpu.yield
      }) : () -> ()
      "tpu.region"() ({
        %run_scoped3A = tpu.sem_alloc : memref<!tpu.dma_semaphore, #tpu.memory_space<semaphore_mem>>
        %dma_start3A_48 = tpu.memref_slice %arg5[%mul3A_25] : memref<163840xi32, #tpu.memory_space<hbm>> -> memref<128xi32, #tpu.memory_space<hbm>>
        %dma_start3A_49 = tpu.memref_slice %arg5[%mul3A_25] : memref<163840xi32, #tpu.memory_space<hbm>> -> memref<128xi32, #tpu.memory_space<hbm>>
        tpu.enqueue_dma source(%dma_start3A_49 : memref<128xi32, #tpu.memory_space<hbm>>) target(%arg16 : memref<128xi32, #tpu.memory_space<vmem>>) target_semaphore(%run_scoped3A : memref<!tpu.dma_semaphore, #tpu.memory_space<semaphore_mem>>)
        %dma_wait3A_50 = tpu.memref_slice %arg5[%mul3A_25] : memref<163840xi32, #tpu.memory_space<hbm>> -> memref<128xi32, #tpu.memory_space<hbm>>
        %dma_wait3A_51 = tpu.memref_slice %arg5[%mul3A_25] : memref<163840xi32, #tpu.memory_space<hbm>> -> memref<128xi32, #tpu.memory_space<hbm>>
        tpu.wait_dma2 semaphore(%run_scoped3A : memref<!tpu.dma_semaphore, #tpu.memory_space<semaphore_mem>>) src(%dma_wait3A_51 : memref<128xi32, #tpu.memory_space<hbm>>) dst(%arg16 : memref<128xi32, #tpu.memory_space<vmem>>)
        tpu.yield
      }) : () -> ()
      "tpu.region"() ({
        %run_scoped3A = tpu.sem_alloc : memref<!tpu.dma_semaphore, #tpu.memory_space<semaphore_mem>>
        %dma_start3A_48 = tpu.memref_slice %arg6[%mul3A_25] : memref<163840xi32, #tpu.memory_space<hbm>> -> memref<128xi32, #tpu.memory_space<hbm>>
        %dma_start3A_49 = tpu.memref_slice %arg6[%mul3A_25] : memref<163840xi32, #tpu.memory_space<hbm>> -> memref<128xi32, #tpu.memory_space<hbm>>
        tpu.enqueue_dma source(%dma_start3A_49 : memref<128xi32, #tpu.memory_space<hbm>>) target(%arg18 : memref<128xi32, #tpu.memory_space<vmem>>) target_semaphore(%run_scoped3A : memref<!tpu.dma_semaphore, #tpu.memory_space<semaphore_mem>>)
        %dma_wait3A_50 = tpu.memref_slice %arg6[%mul3A_25] : memref<163840xi32, #tpu.memory_space<hbm>> -> memref<128xi32, #tpu.memory_space<hbm>>
        %dma_wait3A_51 = tpu.memref_slice %arg6[%mul3A_25] : memref<163840xi32, #tpu.memory_space<hbm>> -> memref<128xi32, #tpu.memory_space<hbm>>
        tpu.wait_dma2 semaphore(%run_scoped3A : memref<!tpu.dma_semaphore, #tpu.memory_space<semaphore_mem>>) src(%dma_wait3A_51 : memref<128xi32, #tpu.memory_space<hbm>>) dst(%arg18 : memref<128xi32, #tpu.memory_space<vmem>>)
        tpu.yield
      }) : () -> ()
      %dma_start3A = arith.constant 0 : i32
      %dma_start3A_26 = arith.constant 0 : i32
      %dma_start3A_27 = tpu.memref_slice %arg2[%dma_start3A, %dma_start3A_26] : memref<10000x128xf32, #tpu.memory_space<hbm>> -> memref<10000x128xf32, #tpu.memory_space<hbm>>
      tpu.enqueue_indirect_dma source(%dma_start3A_27 : memref<10000x128xf32, #tpu.memory_space<hbm>>) target(%arg10 : memref<128x128xf32, #tpu.memory_space<vmem>>) offsets(%arg14 : memref<128xi32, #tpu.memory_space<vmem>>) semaphore(%arg21 : memref<!tpu.dma_semaphore, #tpu.memory_space<semaphore_mem>>)
      %dma_start3A_28 = arith.constant 0 : i32
      %dma_start3A_29 = arith.constant 0 : i32
      %dma_start3A_30 = tpu.memref_slice %arg3[%dma_start3A_28, %dma_start3A_29] : memref<20096x128xf32, #tpu.memory_space<hbm>> -> memref<20096x128xf32, #tpu.memory_space<hbm>>
      tpu.enqueue_indirect_dma source(%dma_start3A_30 : memref<20096x128xf32, #tpu.memory_space<hbm>>) target(%arg12 : memref<128x128xf32, #tpu.memory_space<vmem>>) offsets(%arg16 : memref<128xi32, #tpu.memory_space<vmem>>) semaphore(%arg23 : memref<!tpu.dma_semaphore, #tpu.memory_space<semaphore_mem>>)
      %dma_wait3A = arith.constant 0 : i32
      %dma_wait3A_31 = arith.constant 0 : i32
      %dma_wait3A_32 = tpu.memref_slice %arg2[%dma_wait3A, %dma_wait3A_31] : memref<10000x128xf32, #tpu.memory_space<hbm>> -> memref<10000x128xf32, #tpu.memory_space<hbm>>
      tpu.wait_indirect_dma semaphore(%arg21 : memref<!tpu.dma_semaphore, #tpu.memory_space<semaphore_mem>>) src(%dma_wait3A_32 : memref<10000x128xf32, #tpu.memory_space<hbm>>) dst(%arg10 : memref<128x128xf32, #tpu.memory_space<vmem>>)
      %dma_wait3A_33 = arith.constant 0 : i32
      %dma_wait3A_34 = arith.constant 0 : i32
      %dma_wait3A_35 = tpu.memref_slice %arg3[%dma_wait3A_33, %dma_wait3A_34] : memref<20096x128xf32, #tpu.memory_space<hbm>> -> memref<20096x128xf32, #tpu.memory_space<hbm>>
      tpu.wait_indirect_dma semaphore(%arg23 : memref<!tpu.dma_semaphore, #tpu.memory_space<semaphore_mem>>) src(%dma_wait3A_35 : memref<20096x128xf32, #tpu.memory_space<hbm>>) dst(%arg12 : memref<128x128xf32, #tpu.memory_space<vmem>>)
      %dma_start3A_36 = arith.constant 0 : i32
      %dma_start3A_37 = arith.constant 0 : i32
      %dma_start3A_38 = tpu.memref_slice %arg29[%dma_start3A_36, %dma_start3A_37] : memref<10112x128xf32, #tpu.memory_space<vmem_shared>> -> memref<10112x128xf32, #tpu.memory_space<vmem_shared>>
      tpu.enqueue_indirect_dma source(%arg10 : memref<128x128xf32, #tpu.memory_space<vmem>>) target(%dma_start3A_38 : memref<10112x128xf32, #tpu.memory_space<vmem_shared>>) offsets(%arg18 : memref<128xi32, #tpu.memory_space<vmem>>) semaphore(%arg25 : memref<!tpu.dma_semaphore, #tpu.memory_space<semaphore_mem>>) {add = true}
      %dma_start3A_39 = arith.constant 0 : i32
      %dma_start3A_40 = arith.constant 0 : i32
      %dma_start3A_41 = tpu.memref_slice %arg29[%dma_start3A_39, %dma_start3A_40] : memref<10112x128xf32, #tpu.memory_space<vmem_shared>> -> memref<10112x128xf32, #tpu.memory_space<vmem_shared>>
      tpu.enqueue_indirect_dma source(%arg12 : memref<128x128xf32, #tpu.memory_space<vmem>>) target(%dma_start3A_41 : memref<10112x128xf32, #tpu.memory_space<vmem_shared>>) offsets(%arg18 : memref<128xi32, #tpu.memory_space<vmem>>) semaphore(%arg27 : memref<!tpu.dma_semaphore, #tpu.memory_space<semaphore_mem>>) {add = true}
      %dma_wait3A_42 = arith.constant 0 : i32
      %dma_wait3A_43 = arith.constant 0 : i32
      %dma_wait3A_44 = tpu.memref_slice %arg29[%dma_wait3A_42, %dma_wait3A_43] : memref<10112x128xf32, #tpu.memory_space<vmem_shared>> -> memref<10112x128xf32, #tpu.memory_space<vmem_shared>>
      tpu.wait_indirect_dma semaphore(%arg25 : memref<!tpu.dma_semaphore, #tpu.memory_space<semaphore_mem>>) src(%arg10 : memref<128x128xf32, #tpu.memory_space<vmem>>) dst(%dma_wait3A_44 : memref<10112x128xf32, #tpu.memory_space<vmem_shared>>)
      %dma_wait3A_45 = arith.constant 0 : i32
      %dma_wait3A_46 = arith.constant 0 : i32
      %dma_wait3A_47 = tpu.memref_slice %arg29[%dma_wait3A_45, %dma_wait3A_46] : memref<10112x128xf32, #tpu.memory_space<vmem_shared>> -> memref<10112x128xf32, #tpu.memory_space<vmem_shared>>
      tpu.wait_indirect_dma semaphore(%arg27 : memref<!tpu.dma_semaphore, #tpu.memory_space<semaphore_mem>>) src(%arg12 : memref<128x128xf32, #tpu.memory_space<vmem>>) dst(%dma_wait3A_47 : memref<10112x128xf32, #tpu.memory_space<vmem_shared>>)
    }
    %scan3A_10 = arith.constant 40 : i32
    %barrier3A_11 = arith.constant 0 : index
    tpu.barrier barrier_id(%barrier3A_11)
    %eq3A = arith.constant 0 : i32
    %eq3A_12 = arith.cmpi eq, %arg0, %eq3A : i32
    %convert_element_type3A = arith.extui %eq3A_12 : i1 to i32
    %cond3A = arith.constant 0 : i32
    %cond3A_13 = arith.cmpi ne, %convert_element_type3A, %cond3A : i32
    scf.if %cond3A_13 {
      %scan3A_19 = arith.constant 0 : i32
      %scan3A_20 = arith.constant 0 : i32
      %scan3A_21 = arith.constant 5 : i32
      %scan3A_22 = arith.addi %scan3A_20, %scan3A_21 : i32
      %scan3A_23 = arith.constant 1 : i32
      scf.for %scan3A_25 = %scan3A_20 to %scan3A_22 step %scan3A_23  : i32 {
        %mul3A = arith.constant 16 : i32
        %mul3A_26 = arith.muli %mul3A, %scan3A_25 : i32
        %add3A = arith.addi %arg1, %mul3A_26 : i32
        %lt3A = arith.constant 79 : i32
        %lt3A_27 = arith.cmpi slt, %add3A, %lt3A : i32
        %convert_element_type3A_28 = arith.extui %lt3A_27 : i1 to i32
        %cond3A_29 = arith.constant 0 : i32
        %cond3A_30 = arith.cmpi ne, %convert_element_type3A_28, %cond3A_29 : i32
        scf.if %cond3A_30 {
          %mul3A_31 = arith.constant 128 : i32
          %mul3A_32 = arith.muli %mul3A_31, %add3A : i32
          %mul3A_33 = arith.constant 128 : i32
          %mul3A_34 = arith.muli %mul3A_33, %add3A : i32
          "tpu.region"() ({
            %run_scoped3A = tpu.sem_alloc : memref<!tpu.dma_semaphore, #tpu.memory_space<semaphore_mem>>
            %dma_start3A = arith.constant 0 : i32
            %dma_start3A_35 = tpu.memref_slice %arg8[%mul3A_34, %dma_start3A] : memref<10112x128xf32, #tpu.memory_space<hbm>> -> memref<128x128xf32, #tpu.memory_space<hbm>>
            %dma_start3A_36 = arith.constant 0 : i32
            %dma_start3A_37 = tpu.memref_slice %arg29[%mul3A_32, %dma_start3A_36] : memref<10112x128xf32, #tpu.memory_space<vmem_shared>> -> memref<128x128xf32, #tpu.memory_space<vmem_shared>>
            tpu.enqueue_dma source(%dma_start3A_37 : memref<128x128xf32, #tpu.memory_space<vmem_shared>>) target(%dma_start3A_35 : memref<128x128xf32, #tpu.memory_space<hbm>>) target_semaphore(%run_scoped3A : memref<!tpu.dma_semaphore, #tpu.memory_space<semaphore_mem>>)
            %dma_wait3A = arith.constant 0 : i32
            %dma_wait3A_38 = tpu.memref_slice %arg8[%mul3A_34, %dma_wait3A] : memref<10112x128xf32, #tpu.memory_space<hbm>> -> memref<128x128xf32, #tpu.memory_space<hbm>>
            %dma_wait3A_39 = arith.constant 0 : i32
            %dma_wait3A_40 = tpu.memref_slice %arg29[%mul3A_32, %dma_wait3A_39] : memref<10112x128xf32, #tpu.memory_space<vmem_shared>> -> memref<128x128xf32, #tpu.memory_space<vmem_shared>>
            tpu.wait_dma2 semaphore(%run_scoped3A : memref<!tpu.dma_semaphore, #tpu.memory_space<semaphore_mem>>) src(%dma_wait3A_40 : memref<128x128xf32, #tpu.memory_space<vmem_shared>>) dst(%dma_wait3A_38 : memref<128x128xf32, #tpu.memory_space<hbm>>)
            tpu.yield
          }) : () -> ()
        } else {
        }
      }
      %scan3A_24 = arith.constant 5 : i32
    } else {
    }
    %eq3A_14 = arith.constant 1 : i32
    %eq3A_15 = arith.cmpi eq, %arg0, %eq3A_14 : i32
    %convert_element_type3A_16 = arith.extui %eq3A_15 : i1 to i32
    %cond3A_17 = arith.constant 0 : i32
    %cond3A_18 = arith.cmpi ne, %convert_element_type3A_16, %cond3A_17 : i32
    scf.if %cond3A_18 {
      %scan3A_19 = arith.constant 0 : i32
      %scan3A_20 = arith.constant 0 : i32
      %scan3A_21 = arith.constant 5 : i32
      %scan3A_22 = arith.addi %scan3A_20, %scan3A_21 : i32
      %scan3A_23 = arith.constant 1 : i32
      scf.for %scan3A_25 = %scan3A_20 to %scan3A_22 step %scan3A_23  : i32 {
        %mul3A = arith.constant 16 : i32
        %mul3A_26 = arith.muli %mul3A, %scan3A_25 : i32
        %add3A = arith.addi %arg1, %mul3A_26 : i32
        %lt3A = arith.constant 79 : i32
        %lt3A_27 = arith.cmpi slt, %add3A, %lt3A : i32
        %convert_element_type3A_28 = arith.extui %lt3A_27 : i1 to i32
        %cond3A_29 = arith.constant 0 : i32
        %cond3A_30 = arith.cmpi ne, %convert_element_type3A_28, %cond3A_29 : i32
        scf.if %cond3A_30 {
          %mul3A_31 = arith.constant 128 : i32
          %mul3A_32 = arith.muli %mul3A_31, %add3A : i32
          %mul3A_33 = arith.constant 128 : i32
          %mul3A_34 = arith.muli %mul3A_33, %add3A : i32
          "tpu.region"() ({
            %run_scoped3A = tpu.sem_alloc : memref<!tpu.dma_semaphore, #tpu.memory_space<semaphore_mem>>
            %dma_start3A = arith.constant 0 : i32
            %dma_start3A_35 = tpu.memref_slice %arg9[%mul3A_34, %dma_start3A] : memref<10112x128xf32, #tpu.memory_space<hbm>> -> memref<128x128xf32, #tpu.memory_space<hbm>>
            %dma_start3A_36 = arith.constant 0 : i32
            %dma_start3A_37 = tpu.memref_slice %arg29[%mul3A_32, %dma_start3A_36] : memref<10112x128xf32, #tpu.memory_space<vmem_shared>> -> memref<128x128xf32, #tpu.memory_space<vmem_shared>>
            tpu.enqueue_dma source(%dma_start3A_37 : memref<128x128xf32, #tpu.memory_space<vmem_shared>>) target(%dma_start3A_35 : memref<128x128xf32, #tpu.memory_space<hbm>>) target_semaphore(%run_scoped3A : memref<!tpu.dma_semaphore, #tpu.memory_space<semaphore_mem>>)
            %dma_wait3A = arith.constant 0 : i32
            %dma_wait3A_38 = tpu.memref_slice %arg9[%mul3A_34, %dma_wait3A] : memref<10112x128xf32, #tpu.memory_space<hbm>> -> memref<128x128xf32, #tpu.memory_space<hbm>>
            %dma_wait3A_39 = arith.constant 0 : i32
            %dma_wait3A_40 = tpu.memref_slice %arg29[%mul3A_32, %dma_wait3A_39] : memref<10112x128xf32, #tpu.memory_space<vmem_shared>> -> memref<128x128xf32, #tpu.memory_space<vmem_shared>>
            tpu.wait_dma2 semaphore(%run_scoped3A : memref<!tpu.dma_semaphore, #tpu.memory_space<semaphore_mem>>) src(%dma_wait3A_40 : memref<128x128xf32, #tpu.memory_space<vmem_shared>>) dst(%dma_wait3A_38 : memref<128x128xf32, #tpu.memory_space<hbm>>)
            tpu.yield
          }) : () -> ()
        } else {
        }
      }
      %scan3A_24 = arith.constant 5 : i32
    } else {
    }
    return
  }
}

#map = affine_map<(d0, d1) -> (0, 0)>
#map1 = affine_map<(d0, d1) -> (0)>
module attributes {stable_mosaic.version = 14 : i64} {
  func.func @at11_phase_c1(%arg0: i32, %arg1: i32, %arg2: memref<20000x256xf32, #tpu.memory_space<hbm>>, %arg3: memref<2000x128xf32, #tpu.memory_space<hbm>>, %arg4: memref<2000x128xf32, #tpu.memory_space<hbm>>, %arg5: memref<20000xi32, #tpu.memory_space<hbm>>, %arg6: memref<20000xi32, #tpu.memory_space<hbm>>, %arg7: memref<128x128xf32, #tpu.memory_space<hbm>>, %arg8: memref<20096x128xf32, #tpu.memory_space<hbm>>, %arg9: memref<2000x128xf32, #tpu.memory_space<hbm>>, %arg10: memref<2000x128xf32, #tpu.memory_space<hbm>>, %arg11: memref<80x256xf32, #tpu.memory_space<vmem>>, %arg12: memref<80x128xf32, #tpu.memory_space<vmem>>, %arg13: memref<80x128xf32, #tpu.memory_space<vmem>>, %arg14: memref<80x128xf32, #tpu.memory_space<vmem>>, %arg15: memref<80x128xf32, #tpu.memory_space<vmem>>, %arg16: memref<80xi32, #tpu.memory_space<vmem>>, %arg17: memref<80xi32, #tpu.memory_space<vmem>>, %arg18: memref<128x128xf32, #tpu.memory_space<vmem>>, %arg19: memref<!tpu.dma_semaphore, #tpu.memory_space<semaphore_mem>>, %arg20: memref<!tpu.dma_semaphore, #tpu.memory_space<semaphore_mem>>, %arg21: memref<2048x128xf32, #tpu.memory_space<vmem_shared>>) attributes {dimension_semantics = [#tpu.dimension_semantics<core_parallel>, #tpu.dimension_semantics<subcore_parallel>], iteration_bounds = array<i64: 2, 16>, scalar_prefetch = 0 : i64, scratch_operands = 11 : i64, tpu.core_type = #tpu.core_type<sc_vector_subcore>, window_params = [{transform_indices = #map}, {transform_indices = #map}, {transform_indices = #map}, {transform_indices = #map1}, {transform_indices = #map1}, {transform_indices = #map}, {transform_indices = #map}, {transform_indices = #map}, {transform_indices = #map}]} {
    %mul3A = arith.constant 16 : i32
    %mul3A_0 = arith.muli %arg0, %mul3A : i32
    %add3A = arith.addi %mul3A_0, %arg1 : i32
    "tpu.region"() ({
      %run_scoped3A = tpu.sem_alloc : memref<!tpu.dma_semaphore, #tpu.memory_space<semaphore_mem>>
      tpu.enqueue_dma source(%arg7 : memref<128x128xf32, #tpu.memory_space<hbm>>) target(%arg18 : memref<128x128xf32, #tpu.memory_space<vmem>>) target_semaphore(%run_scoped3A : memref<!tpu.dma_semaphore, #tpu.memory_space<semaphore_mem>>)
      tpu.wait_dma2 semaphore(%run_scoped3A : memref<!tpu.dma_semaphore, #tpu.memory_space<semaphore_mem>>) src(%arg7 : memref<128x128xf32, #tpu.memory_space<hbm>>) dst(%arg18 : memref<128x128xf32, #tpu.memory_space<vmem>>)
      tpu.yield
    }) : () -> ()
    %mul3A_1 = arith.constant 128 : i32
    %mul3A_2 = arith.muli %mul3A_1, %arg1 : i32
    "tpu.region"() ({
      %run_scoped3A = tpu.sem_alloc : memref<!tpu.dma_semaphore, #tpu.memory_space<semaphore_mem>>
      %dma_start3A = arith.constant 0 : i32
      %dma_start3A_16 = tpu.memref_slice %arg21[%mul3A_2, %dma_start3A] : memref<2048x128xf32, #tpu.memory_space<vmem_shared>> -> memref<128x128xf32, #tpu.memory_space<vmem_shared>>
      %dma_start3A_17 = arith.constant 0 : i32
      %dma_start3A_18 = tpu.memref_slice %arg21[%mul3A_2, %dma_start3A_17] : memref<2048x128xf32, #tpu.memory_space<vmem_shared>> -> memref<128x128xf32, #tpu.memory_space<vmem_shared>>
      tpu.enqueue_dma source(%arg18 : memref<128x128xf32, #tpu.memory_space<vmem>>) target(%dma_start3A_18 : memref<128x128xf32, #tpu.memory_space<vmem_shared>>) target_semaphore(%run_scoped3A : memref<!tpu.dma_semaphore, #tpu.memory_space<semaphore_mem>>)
      %dma_wait3A = arith.constant 0 : i32
      %dma_wait3A_19 = tpu.memref_slice %arg21[%mul3A_2, %dma_wait3A] : memref<2048x128xf32, #tpu.memory_space<vmem_shared>> -> memref<128x128xf32, #tpu.memory_space<vmem_shared>>
      %dma_wait3A_20 = arith.constant 0 : i32
      %dma_wait3A_21 = tpu.memref_slice %arg21[%mul3A_2, %dma_wait3A_20] : memref<2048x128xf32, #tpu.memory_space<vmem_shared>> -> memref<128x128xf32, #tpu.memory_space<vmem_shared>>
      tpu.wait_dma2 semaphore(%run_scoped3A : memref<!tpu.dma_semaphore, #tpu.memory_space<semaphore_mem>>) src(%arg18 : memref<128x128xf32, #tpu.memory_space<vmem>>) dst(%dma_wait3A_21 : memref<128x128xf32, #tpu.memory_space<vmem_shared>>)
      tpu.yield
    }) : () -> ()
    %barrier3A = arith.constant 0 : index
    tpu.barrier barrier_id(%barrier3A)
    %scan3A = arith.constant 0 : i32
    %scan3A_3 = arith.constant 0 : i32
    %scan3A_4 = arith.constant 8 : i32
    %scan3A_5 = arith.addi %scan3A_3, %scan3A_4 : i32
    %scan3A_6 = arith.constant 1 : i32
    scf.for %scan3A_16 = %scan3A_3 to %scan3A_5 step %scan3A_6  : i32 {
      %mul3A_17 = arith.constant 32 : i32
      %mul3A_18 = arith.muli %mul3A_17, %scan3A_16 : i32
      %add3A_19 = arith.addi %add3A, %mul3A_18 : i32
      %lt3A = arith.constant 250 : i32
      %lt3A_20 = arith.cmpi slt, %add3A_19, %lt3A : i32
      %convert_element_type3A_21 = arith.extui %lt3A_20 : i1 to i32
      %cond3A_22 = arith.constant 0 : i32
      %cond3A_23 = arith.cmpi ne, %convert_element_type3A_21, %cond3A_22 : i32
      scf.if %cond3A_23 {
        %mul3A_24 = arith.constant 80 : i32
        %mul3A_25 = arith.muli %mul3A_24, %add3A_19 : i32
        "tpu.region"() ({
          %run_scoped3A = tpu.sem_alloc : memref<!tpu.dma_semaphore, #tpu.memory_space<semaphore_mem>>
          %dma_start3A_42 = arith.constant 0 : i32
          %dma_start3A_43 = tpu.memref_slice %arg2[%mul3A_25, %dma_start3A_42] : memref<20000x256xf32, #tpu.memory_space<hbm>> -> memref<80x256xf32, #tpu.memory_space<hbm>>
          %dma_start3A_44 = arith.constant 0 : i32
          %dma_start3A_45 = tpu.memref_slice %arg2[%mul3A_25, %dma_start3A_44] : memref<20000x256xf32, #tpu.memory_space<hbm>> -> memref<80x256xf32, #tpu.memory_space<hbm>>
          tpu.enqueue_dma source(%dma_start3A_45 : memref<80x256xf32, #tpu.memory_space<hbm>>) target(%arg11 : memref<80x256xf32, #tpu.memory_space<vmem>>) target_semaphore(%run_scoped3A : memref<!tpu.dma_semaphore, #tpu.memory_space<semaphore_mem>>)
          %dma_wait3A_46 = arith.constant 0 : i32
          %dma_wait3A_47 = tpu.memref_slice %arg2[%mul3A_25, %dma_wait3A_46] : memref<20000x256xf32, #tpu.memory_space<hbm>> -> memref<80x256xf32, #tpu.memory_space<hbm>>
          %dma_wait3A_48 = arith.constant 0 : i32
          %dma_wait3A_49 = tpu.memref_slice %arg2[%mul3A_25, %dma_wait3A_48] : memref<20000x256xf32, #tpu.memory_space<hbm>> -> memref<80x256xf32, #tpu.memory_space<hbm>>
          tpu.wait_dma2 semaphore(%run_scoped3A : memref<!tpu.dma_semaphore, #tpu.memory_space<semaphore_mem>>) src(%dma_wait3A_49 : memref<80x256xf32, #tpu.memory_space<hbm>>) dst(%arg11 : memref<80x256xf32, #tpu.memory_space<vmem>>)
          tpu.yield
        }) : () -> ()
        "tpu.region"() ({
          %run_scoped3A = tpu.sem_alloc : memref<!tpu.dma_semaphore, #tpu.memory_space<semaphore_mem>>
          %dma_start3A_42 = tpu.memref_slice %arg5[%mul3A_25] : memref<20000xi32, #tpu.memory_space<hbm>> -> memref<80xi32, #tpu.memory_space<hbm>>
          %dma_start3A_43 = tpu.memref_slice %arg5[%mul3A_25] : memref<20000xi32, #tpu.memory_space<hbm>> -> memref<80xi32, #tpu.memory_space<hbm>>
          tpu.enqueue_dma source(%dma_start3A_43 : memref<80xi32, #tpu.memory_space<hbm>>) target(%arg16 : memref<80xi32, #tpu.memory_space<vmem>>) target_semaphore(%run_scoped3A : memref<!tpu.dma_semaphore, #tpu.memory_space<semaphore_mem>>)
          %dma_wait3A_44 = tpu.memref_slice %arg5[%mul3A_25] : memref<20000xi32, #tpu.memory_space<hbm>> -> memref<80xi32, #tpu.memory_space<hbm>>
          %dma_wait3A_45 = tpu.memref_slice %arg5[%mul3A_25] : memref<20000xi32, #tpu.memory_space<hbm>> -> memref<80xi32, #tpu.memory_space<hbm>>
          tpu.wait_dma2 semaphore(%run_scoped3A : memref<!tpu.dma_semaphore, #tpu.memory_space<semaphore_mem>>) src(%dma_wait3A_45 : memref<80xi32, #tpu.memory_space<hbm>>) dst(%arg16 : memref<80xi32, #tpu.memory_space<vmem>>)
          tpu.yield
        }) : () -> ()
        "tpu.region"() ({
          %run_scoped3A = tpu.sem_alloc : memref<!tpu.dma_semaphore, #tpu.memory_space<semaphore_mem>>
          %dma_start3A_42 = tpu.memref_slice %arg6[%mul3A_25] : memref<20000xi32, #tpu.memory_space<hbm>> -> memref<80xi32, #tpu.memory_space<hbm>>
          %dma_start3A_43 = tpu.memref_slice %arg6[%mul3A_25] : memref<20000xi32, #tpu.memory_space<hbm>> -> memref<80xi32, #tpu.memory_space<hbm>>
          tpu.enqueue_dma source(%dma_start3A_43 : memref<80xi32, #tpu.memory_space<hbm>>) target(%arg17 : memref<80xi32, #tpu.memory_space<vmem>>) target_semaphore(%run_scoped3A : memref<!tpu.dma_semaphore, #tpu.memory_space<semaphore_mem>>)
          %dma_wait3A_44 = tpu.memref_slice %arg6[%mul3A_25] : memref<20000xi32, #tpu.memory_space<hbm>> -> memref<80xi32, #tpu.memory_space<hbm>>
          %dma_wait3A_45 = tpu.memref_slice %arg6[%mul3A_25] : memref<20000xi32, #tpu.memory_space<hbm>> -> memref<80xi32, #tpu.memory_space<hbm>>
          tpu.wait_dma2 semaphore(%run_scoped3A : memref<!tpu.dma_semaphore, #tpu.memory_space<semaphore_mem>>) src(%dma_wait3A_45 : memref<80xi32, #tpu.memory_space<hbm>>) dst(%arg17 : memref<80xi32, #tpu.memory_space<vmem>>)
          tpu.yield
        }) : () -> ()
        %dma_start3A = arith.constant 0 : i32
        %dma_start3A_26 = arith.constant 0 : i32
        %dma_start3A_27 = tpu.memref_slice %arg3[%dma_start3A, %dma_start3A_26] : memref<2000x128xf32, #tpu.memory_space<hbm>> -> memref<2000x128xf32, #tpu.memory_space<hbm>>
        tpu.enqueue_indirect_dma source(%dma_start3A_27 : memref<2000x128xf32, #tpu.memory_space<hbm>>) target(%arg12 : memref<80x128xf32, #tpu.memory_space<vmem>>) offsets(%arg16 : memref<80xi32, #tpu.memory_space<vmem>>) semaphore(%arg19 : memref<!tpu.dma_semaphore, #tpu.memory_space<semaphore_mem>>)
        %dma_start3A_28 = arith.constant 0 : i32
        %dma_start3A_29 = arith.constant 0 : i32
        %dma_start3A_30 = tpu.memref_slice %arg4[%dma_start3A_28, %dma_start3A_29] : memref<2000x128xf32, #tpu.memory_space<hbm>> -> memref<2000x128xf32, #tpu.memory_space<hbm>>
        tpu.enqueue_indirect_dma source(%dma_start3A_30 : memref<2000x128xf32, #tpu.memory_space<hbm>>) target(%arg13 : memref<80x128xf32, #tpu.memory_space<vmem>>) offsets(%arg16 : memref<80xi32, #tpu.memory_space<vmem>>) semaphore(%arg20 : memref<!tpu.dma_semaphore, #tpu.memory_space<semaphore_mem>>)
        %dma_wait3A = arith.constant 0 : i32
        %dma_wait3A_31 = arith.constant 0 : i32
        %dma_wait3A_32 = tpu.memref_slice %arg3[%dma_wait3A, %dma_wait3A_31] : memref<2000x128xf32, #tpu.memory_space<hbm>> -> memref<2000x128xf32, #tpu.memory_space<hbm>>
        tpu.wait_indirect_dma semaphore(%arg19 : memref<!tpu.dma_semaphore, #tpu.memory_space<semaphore_mem>>) src(%dma_wait3A_32 : memref<2000x128xf32, #tpu.memory_space<hbm>>) dst(%arg12 : memref<80x128xf32, #tpu.memory_space<vmem>>)
        %dma_wait3A_33 = arith.constant 0 : i32
        %dma_wait3A_34 = arith.constant 0 : i32
        %dma_wait3A_35 = tpu.memref_slice %arg4[%dma_wait3A_33, %dma_wait3A_34] : memref<2000x128xf32, #tpu.memory_space<hbm>> -> memref<2000x128xf32, #tpu.memory_space<hbm>>
        tpu.wait_indirect_dma semaphore(%arg20 : memref<!tpu.dma_semaphore, #tpu.memory_space<semaphore_mem>>) src(%dma_wait3A_35 : memref<2000x128xf32, #tpu.memory_space<hbm>>) dst(%arg13 : memref<80x128xf32, #tpu.memory_space<vmem>>)
        %scan3A_36 = arith.constant 0 : i32
        %scan3A_37 = arith.constant 0 : i32
        %scan3A_38 = arith.constant 80 : i32
        %scan3A_39 = arith.addi %scan3A_37, %scan3A_38 : i32
        %scan3A_40 = arith.constant 1 : i32
        scf.for %scan3A_42 = %scan3A_37 to %scan3A_39 step %scan3A_40  : i32 {
          %get3A = arith.index_cast %scan3A_42 : i32 to index
          %get3A_43 = arith.constant 0 : index
          %get3A_44 = tpu.vector_load %arg11[%get3A, %get3A_43] {strides = array<i32>} : memref<80x256xf32, #tpu.memory_space<vmem>>, vector<1x16xf32>,
          %get3A_45 = vector.shape_cast %get3A_44 : vector<1x16xf32> to vector<16xf32>
          %get3A_46 = arith.index_cast %scan3A_42 : i32 to index
          %get3A_47 = arith.constant 0 : index
          %get3A_48 = tpu.vector_load %arg12[%get3A_46, %get3A_47] {strides = array<i32>} : memref<80x128xf32, #tpu.memory_space<vmem>>, vector<1x16xf32>,
          %get3A_49 = vector.shape_cast %get3A_48 : vector<1x16xf32> to vector<16xf32>
          %add3A_50 = arith.addf %get3A_45, %get3A_49 : vector<16xf32>
          %swap3A = arith.index_cast %scan3A_42 : i32 to index
          %swap3A_51 = arith.constant 0 : index
          %swap3A_52 = tpu.vector_load %arg14[%swap3A, %swap3A_51] {strides = array<i32>} : memref<80x128xf32, #tpu.memory_space<vmem>>, vector<1x16xf32>,
          %swap3A_53 = vector.shape_cast %swap3A_52 : vector<1x16xf32> to vector<16xf32>
          %swap3A_54 = vector.shape_cast %add3A_50 : vector<16xf32> to vector<1x16xf32>
          tpu.vector_store %arg14[%swap3A, %swap3A_51], %swap3A_54 {strides = array<i32>} : memref<80x128xf32, #tpu.memory_space<vmem>>, vector<1x16xf32>,
          %get3A_55 = arith.index_cast %scan3A_42 : i32 to index
          %get3A_56 = arith.constant 128 : index
          %get3A_57 = tpu.vector_load %arg11[%get3A_55, %get3A_56] {strides = array<i32>} : memref<80x256xf32, #tpu.memory_space<vmem>>, vector<1x16xf32>,
          %get3A_58 = vector.shape_cast %get3A_57 : vector<1x16xf32> to vector<16xf32>
          %get3A_59 = arith.index_cast %scan3A_42 : i32 to index
          %get3A_60 = arith.constant 0 : index
          %get3A_61 = tpu.vector_load %arg13[%get3A_59, %get3A_60] {strides = array<i32>} : memref<80x128xf32, #tpu.memory_space<vmem>>, vector<1x16xf32>,
          %get3A_62 = vector.shape_cast %get3A_61 : vector<1x16xf32> to vector<16xf32>
          %add3A_63 = arith.addf %get3A_58, %get3A_62 : vector<16xf32>
          %swap3A_64 = arith.index_cast %scan3A_42 : i32 to index
          %swap3A_65 = arith.constant 0 : index
          %swap3A_66 = tpu.vector_load %arg15[%swap3A_64, %swap3A_65] {strides = array<i32>} : memref<80x128xf32, #tpu.memory_space<vmem>>, vector<1x16xf32>,
          %swap3A_67 = vector.shape_cast %swap3A_66 : vector<1x16xf32> to vector<16xf32>
          %swap3A_68 = vector.shape_cast %add3A_63 : vector<16xf32> to vector<1x16xf32>
          tpu.vector_store %arg15[%swap3A_64, %swap3A_65], %swap3A_68 {strides = array<i32>} : memref<80x128xf32, #tpu.memory_space<vmem>>, vector<1x16xf32>,
          %get3A_69 = arith.index_cast %scan3A_42 : i32 to index
          %get3A_70 = arith.constant 16 : index
          %get3A_71 = tpu.vector_load %arg11[%get3A_69, %get3A_70] {strides = array<i32>} : memref<80x256xf32, #tpu.memory_space<vmem>>, vector<1x16xf32>,
          %get3A_72 = vector.shape_cast %get3A_71 : vector<1x16xf32> to vector<16xf32>
          %get3A_73 = arith.index_cast %scan3A_42 : i32 to index
          %get3A_74 = arith.constant 16 : index
          %get3A_75 = tpu.vector_load %arg12[%get3A_73, %get3A_74] {strides = array<i32>} : memref<80x128xf32, #tpu.memory_space<vmem>>, vector<1x16xf32>,
          %get3A_76 = vector.shape_cast %get3A_75 : vector<1x16xf32> to vector<16xf32>
          %add3A_77 = arith.addf %get3A_72, %get3A_76 : vector<16xf32>
          %swap3A_78 = arith.index_cast %scan3A_42 : i32 to index
          %swap3A_79 = arith.constant 16 : index
          %swap3A_80 = tpu.vector_load %arg14[%swap3A_78, %swap3A_79] {strides = array<i32>} : memref<80x128xf32, #tpu.memory_space<vmem>>, vector<1x16xf32>,
          %swap3A_81 = vector.shape_cast %swap3A_80 : vector<1x16xf32> to vector<16xf32>
          %swap3A_82 = vector.shape_cast %add3A_77 : vector<16xf32> to vector<1x16xf32>
          tpu.vector_store %arg14[%swap3A_78, %swap3A_79], %swap3A_82 {strides = array<i32>} : memref<80x128xf32, #tpu.memory_space<vmem>>, vector<1x16xf32>,
          %get3A_83 = arith.index_cast %scan3A_42 : i32 to index
          %get3A_84 = arith.constant 144 : index
          %get3A_85 = tpu.vector_load %arg11[%get3A_83, %get3A_84] {strides = array<i32>} : memref<80x256xf32, #tpu.memory_space<vmem>>, vector<1x16xf32>,
          %get3A_86 = vector.shape_cast %get3A_85 : vector<1x16xf32> to vector<16xf32>
          %get3A_87 = arith.index_cast %scan3A_42 : i32 to index
          %get3A_88 = arith.constant 16 : index
          %get3A_89 = tpu.vector_load %arg13[%get3A_87, %get3A_88] {strides = array<i32>} : memref<80x128xf32, #tpu.memory_space<vmem>>, vector<1x16xf32>,
          %get3A_90 = vector.shape_cast %get3A_89 : vector<1x16xf32> to vector<16xf32>
          %add3A_91 = arith.addf %get3A_86, %get3A_90 : vector<16xf32>
          %swap3A_92 = arith.index_cast %scan3A_42 : i32 to index
          %swap3A_93 = arith.constant 16 : index
          %swap3A_94 = tpu.vector_load %arg15[%swap3A_92, %swap3A_93] {strides = array<i32>} : memref<80x128xf32, #tpu.memory_space<vmem>>, vector<1x16xf32>,
          %swap3A_95 = vector.shape_cast %swap3A_94 : vector<1x16xf32> to vector<16xf32>
          %swap3A_96 = vector.shape_cast %add3A_91 : vector<16xf32> to vector<1x16xf32>
          tpu.vector_store %arg15[%swap3A_92, %swap3A_93], %swap3A_96 {strides = array<i32>} : memref<80x128xf32, #tpu.memory_space<vmem>>, vector<1x16xf32>,
          %get3A_97 = arith.index_cast %scan3A_42 : i32 to index
          %get3A_98 = arith.constant 32 : index
          %get3A_99 = tpu.vector_load %arg11[%get3A_97, %get3A_98] {strides = array<i32>} : memref<80x256xf32, #tpu.memory_space<vmem>>, vector<1x16xf32>,
          %get3A_100 = vector.shape_cast %get3A_99 : vector<1x16xf32> to vector<16xf32>
          %get3A_101 = arith.index_cast %scan3A_42 : i32 to index
          %get3A_102 = arith.constant 32 : index
          %get3A_103 = tpu.vector_load %arg12[%get3A_101, %get3A_102] {strides = array<i32>} : memref<80x128xf32, #tpu.memory_space<vmem>>, vector<1x16xf32>,
          %get3A_104 = vector.shape_cast %get3A_103 : vector<1x16xf32> to vector<16xf32>
          %add3A_105 = arith.addf %get3A_100, %get3A_104 : vector<16xf32>
          %swap3A_106 = arith.index_cast %scan3A_42 : i32 to index
          %swap3A_107 = arith.constant 32 : index
          %swap3A_108 = tpu.vector_load %arg14[%swap3A_106, %swap3A_107] {strides = array<i32>} : memref<80x128xf32, #tpu.memory_space<vmem>>, vector<1x16xf32>,
          %swap3A_109 = vector.shape_cast %swap3A_108 : vector<1x16xf32> to vector<16xf32>
          %swap3A_110 = vector.shape_cast %add3A_105 : vector<16xf32> to vector<1x16xf32>
          tpu.vector_store %arg14[%swap3A_106, %swap3A_107], %swap3A_110 {strides = array<i32>} : memref<80x128xf32, #tpu.memory_space<vmem>>, vector<1x16xf32>,
          %get3A_111 = arith.index_cast %scan3A_42 : i32 to index
          %get3A_112 = arith.constant 160 : index
          %get3A_113 = tpu.vector_load %arg11[%get3A_111, %get3A_112] {strides = array<i32>} : memref<80x256xf32, #tpu.memory_space<vmem>>, vector<1x16xf32>,
          %get3A_114 = vector.shape_cast %get3A_113 : vector<1x16xf32> to vector<16xf32>
          %get3A_115 = arith.index_cast %scan3A_42 : i32 to index
          %get3A_116 = arith.constant 32 : index
          %get3A_117 = tpu.vector_load %arg13[%get3A_115, %get3A_116] {strides = array<i32>} : memref<80x128xf32, #tpu.memory_space<vmem>>, vector<1x16xf32>,
          %get3A_118 = vector.shape_cast %get3A_117 : vector<1x16xf32> to vector<16xf32>
          %add3A_119 = arith.addf %get3A_114, %get3A_118 : vector<16xf32>
          %swap3A_120 = arith.index_cast %scan3A_42 : i32 to index
          %swap3A_121 = arith.constant 32 : index
          %swap3A_122 = tpu.vector_load %arg15[%swap3A_120, %swap3A_121] {strides = array<i32>} : memref<80x128xf32, #tpu.memory_space<vmem>>, vector<1x16xf32>,
          %swap3A_123 = vector.shape_cast %swap3A_122 : vector<1x16xf32> to vector<16xf32>
          %swap3A_124 = vector.shape_cast %add3A_119 : vector<16xf32> to vector<1x16xf32>
          tpu.vector_store %arg15[%swap3A_120, %swap3A_121], %swap3A_124 {strides = array<i32>} : memref<80x128xf32, #tpu.memory_space<vmem>>, vector<1x16xf32>,
          %get3A_125 = arith.index_cast %scan3A_42 : i32 to index
          %get3A_126 = arith.constant 48 : index
          %get3A_127 = tpu.vector_load %arg11[%get3A_125, %get3A_126] {strides = array<i32>} : memref<80x256xf32, #tpu.memory_space<vmem>>, vector<1x16xf32>,
          %get3A_128 = vector.shape_cast %get3A_127 : vector<1x16xf32> to vector<16xf32>
          %get3A_129 = arith.index_cast %scan3A_42 : i32 to index
          %get3A_130 = arith.constant 48 : index
          %get3A_131 = tpu.vector_load %arg12[%get3A_129, %get3A_130] {strides = array<i32>} : memref<80x128xf32, #tpu.memory_space<vmem>>, vector<1x16xf32>,
          %get3A_132 = vector.shape_cast %get3A_131 : vector<1x16xf32> to vector<16xf32>
          %add3A_133 = arith.addf %get3A_128, %get3A_132 : vector<16xf32>
          %swap3A_134 = arith.index_cast %scan3A_42 : i32 to index
          %swap3A_135 = arith.constant 48 : index
          %swap3A_136 = tpu.vector_load %arg14[%swap3A_134, %swap3A_135] {strides = array<i32>} : memref<80x128xf32, #tpu.memory_space<vmem>>, vector<1x16xf32>,
          %swap3A_137 = vector.shape_cast %swap3A_136 : vector<1x16xf32> to vector<16xf32>
          %swap3A_138 = vector.shape_cast %add3A_133 : vector<16xf32> to vector<1x16xf32>
          tpu.vector_store %arg14[%swap3A_134, %swap3A_135], %swap3A_138 {strides = array<i32>} : memref<80x128xf32, #tpu.memory_space<vmem>>, vector<1x16xf32>,
          %get3A_139 = arith.index_cast %scan3A_42 : i32 to index
          %get3A_140 = arith.constant 176 : index
          %get3A_141 = tpu.vector_load %arg11[%get3A_139, %get3A_140] {strides = array<i32>} : memref<80x256xf32, #tpu.memory_space<vmem>>, vector<1x16xf32>,
          %get3A_142 = vector.shape_cast %get3A_141 : vector<1x16xf32> to vector<16xf32>
          %get3A_143 = arith.index_cast %scan3A_42 : i32 to index
          %get3A_144 = arith.constant 48 : index
          %get3A_145 = tpu.vector_load %arg13[%get3A_143, %get3A_144] {strides = array<i32>} : memref<80x128xf32, #tpu.memory_space<vmem>>, vector<1x16xf32>,
          %get3A_146 = vector.shape_cast %get3A_145 : vector<1x16xf32> to vector<16xf32>
          %add3A_147 = arith.addf %get3A_142, %get3A_146 : vector<16xf32>
          %swap3A_148 = arith.index_cast %scan3A_42 : i32 to index
          %swap3A_149 = arith.constant 48 : index
          %swap3A_150 = tpu.vector_load %arg15[%swap3A_148, %swap3A_149] {strides = array<i32>} : memref<80x128xf32, #tpu.memory_space<vmem>>, vector<1x16xf32>,
          %swap3A_151 = vector.shape_cast %swap3A_150 : vector<1x16xf32> to vector<16xf32>
          %swap3A_152 = vector.shape_cast %add3A_147 : vector<16xf32> to vector<1x16xf32>
          tpu.vector_store %arg15[%swap3A_148, %swap3A_149], %swap3A_152 {strides = array<i32>} : memref<80x128xf32, #tpu.memory_space<vmem>>, vector<1x16xf32>,
          %get3A_153 = arith.index_cast %scan3A_42 : i32 to index
          %get3A_154 = arith.constant 64 : index
          %get3A_155 = tpu.vector_load %arg11[%get3A_153, %get3A_154] {strides = array<i32>} : memref<80x256xf32, #tpu.memory_space<vmem>>, vector<1x16xf32>,
          %get3A_156 = vector.shape_cast %get3A_155 : vector<1x16xf32> to vector<16xf32>
          %get3A_157 = arith.index_cast %scan3A_42 : i32 to index
          %get3A_158 = arith.constant 64 : index
          %get3A_159 = tpu.vector_load %arg12[%get3A_157, %get3A_158] {strides = array<i32>} : memref<80x128xf32, #tpu.memory_space<vmem>>, vector<1x16xf32>,
          %get3A_160 = vector.shape_cast %get3A_159 : vector<1x16xf32> to vector<16xf32>
          %add3A_161 = arith.addf %get3A_156, %get3A_160 : vector<16xf32>
          %swap3A_162 = arith.index_cast %scan3A_42 : i32 to index
          %swap3A_163 = arith.constant 64 : index
          %swap3A_164 = tpu.vector_load %arg14[%swap3A_162, %swap3A_163] {strides = array<i32>} : memref<80x128xf32, #tpu.memory_space<vmem>>, vector<1x16xf32>,
          %swap3A_165 = vector.shape_cast %swap3A_164 : vector<1x16xf32> to vector<16xf32>
          %swap3A_166 = vector.shape_cast %add3A_161 : vector<16xf32> to vector<1x16xf32>
          tpu.vector_store %arg14[%swap3A_162, %swap3A_163], %swap3A_166 {strides = array<i32>} : memref<80x128xf32, #tpu.memory_space<vmem>>, vector<1x16xf32>,
          %get3A_167 = arith.index_cast %scan3A_42 : i32 to index
          %get3A_168 = arith.constant 192 : index
          %get3A_169 = tpu.vector_load %arg11[%get3A_167, %get3A_168] {strides = array<i32>} : memref<80x256xf32, #tpu.memory_space<vmem>>, vector<1x16xf32>,
          %get3A_170 = vector.shape_cast %get3A_169 : vector<1x16xf32> to vector<16xf32>
          %get3A_171 = arith.index_cast %scan3A_42 : i32 to index
          %get3A_172 = arith.constant 64 : index
          %get3A_173 = tpu.vector_load %arg13[%get3A_171, %get3A_172] {strides = array<i32>} : memref<80x128xf32, #tpu.memory_space<vmem>>, vector<1x16xf32>,
          %get3A_174 = vector.shape_cast %get3A_173 : vector<1x16xf32> to vector<16xf32>
          %add3A_175 = arith.addf %get3A_170, %get3A_174 : vector<16xf32>
          %swap3A_176 = arith.index_cast %scan3A_42 : i32 to index
          %swap3A_177 = arith.constant 64 : index
          %swap3A_178 = tpu.vector_load %arg15[%swap3A_176, %swap3A_177] {strides = array<i32>} : memref<80x128xf32, #tpu.memory_space<vmem>>, vector<1x16xf32>,
          %swap3A_179 = vector.shape_cast %swap3A_178 : vector<1x16xf32> to vector<16xf32>
          %swap3A_180 = vector.shape_cast %add3A_175 : vector<16xf32> to vector<1x16xf32>
          tpu.vector_store %arg15[%swap3A_176, %swap3A_177], %swap3A_180 {strides = array<i32>} : memref<80x128xf32, #tpu.memory_space<vmem>>, vector<1x16xf32>,
          %get3A_181 = arith.index_cast %scan3A_42 : i32 to index
          %get3A_182 = arith.constant 80 : index
          %get3A_183 = tpu.vector_load %arg11[%get3A_181, %get3A_182] {strides = array<i32>} : memref<80x256xf32, #tpu.memory_space<vmem>>, vector<1x16xf32>,
          %get3A_184 = vector.shape_cast %get3A_183 : vector<1x16xf32> to vector<16xf32>
          %get3A_185 = arith.index_cast %scan3A_42 : i32 to index
          %get3A_186 = arith.constant 80 : index
          %get3A_187 = tpu.vector_load %arg12[%get3A_185, %get3A_186] {strides = array<i32>} : memref<80x128xf32, #tpu.memory_space<vmem>>, vector<1x16xf32>,
          %get3A_188 = vector.shape_cast %get3A_187 : vector<1x16xf32> to vector<16xf32>
          %add3A_189 = arith.addf %get3A_184, %get3A_188 : vector<16xf32>
          %swap3A_190 = arith.index_cast %scan3A_42 : i32 to index
          %swap3A_191 = arith.constant 80 : index
          %swap3A_192 = tpu.vector_load %arg14[%swap3A_190, %swap3A_191] {strides = array<i32>} : memref<80x128xf32, #tpu.memory_space<vmem>>, vector<1x16xf32>,
          %swap3A_193 = vector.shape_cast %swap3A_192 : vector<1x16xf32> to vector<16xf32>
          %swap3A_194 = vector.shape_cast %add3A_189 : vector<16xf32> to vector<1x16xf32>
          tpu.vector_store %arg14[%swap3A_190, %swap3A_191], %swap3A_194 {strides = array<i32>} : memref<80x128xf32, #tpu.memory_space<vmem>>, vector<1x16xf32>,
          %get3A_195 = arith.index_cast %scan3A_42 : i32 to index
          %get3A_196 = arith.constant 208 : index
          %get3A_197 = tpu.vector_load %arg11[%get3A_195, %get3A_196] {strides = array<i32>} : memref<80x256xf32, #tpu.memory_space<vmem>>, vector<1x16xf32>,
          %get3A_198 = vector.shape_cast %get3A_197 : vector<1x16xf32> to vector<16xf32>
          %get3A_199 = arith.index_cast %scan3A_42 : i32 to index
          %get3A_200 = arith.constant 80 : index
          %get3A_201 = tpu.vector_load %arg13[%get3A_199, %get3A_200] {strides = array<i32>} : memref<80x128xf32, #tpu.memory_space<vmem>>, vector<1x16xf32>,
          %get3A_202 = vector.shape_cast %get3A_201 : vector<1x16xf32> to vector<16xf32>
          %add3A_203 = arith.addf %get3A_198, %get3A_202 : vector<16xf32>
          %swap3A_204 = arith.index_cast %scan3A_42 : i32 to index
          %swap3A_205 = arith.constant 80 : index
          %swap3A_206 = tpu.vector_load %arg15[%swap3A_204, %swap3A_205] {strides = array<i32>} : memref<80x128xf32, #tpu.memory_space<vmem>>, vector<1x16xf32>,
          %swap3A_207 = vector.shape_cast %swap3A_206 : vector<1x16xf32> to vector<16xf32>
          %swap3A_208 = vector.shape_cast %add3A_203 : vector<16xf32> to vector<1x16xf32>
          tpu.vector_store %arg15[%swap3A_204, %swap3A_205], %swap3A_208 {strides = array<i32>} : memref<80x128xf32, #tpu.memory_space<vmem>>, vector<1x16xf32>,
          %get3A_209 = arith.index_cast %scan3A_42 : i32 to index
          %get3A_210 = arith.constant 96 : index
          %get3A_211 = tpu.vector_load %arg11[%get3A_209, %get3A_210] {strides = array<i32>} : memref<80x256xf32, #tpu.memory_space<vmem>>, vector<1x16xf32>,
          %get3A_212 = vector.shape_cast %get3A_211 : vector<1x16xf32> to vector<16xf32>
          %get3A_213 = arith.index_cast %scan3A_42 : i32 to index
          %get3A_214 = arith.constant 96 : index
          %get3A_215 = tpu.vector_load %arg12[%get3A_213, %get3A_214] {strides = array<i32>} : memref<80x128xf32, #tpu.memory_space<vmem>>, vector<1x16xf32>,
          %get3A_216 = vector.shape_cast %get3A_215 : vector<1x16xf32> to vector<16xf32>
          %add3A_217 = arith.addf %get3A_212, %get3A_216 : vector<16xf32>
          %swap3A_218 = arith.index_cast %scan3A_42 : i32 to index
          %swap3A_219 = arith.constant 96 : index
          %swap3A_220 = tpu.vector_load %arg14[%swap3A_218, %swap3A_219] {strides = array<i32>} : memref<80x128xf32, #tpu.memory_space<vmem>>, vector<1x16xf32>,
          %swap3A_221 = vector.shape_cast %swap3A_220 : vector<1x16xf32> to vector<16xf32>
          %swap3A_222 = vector.shape_cast %add3A_217 : vector<16xf32> to vector<1x16xf32>
          tpu.vector_store %arg14[%swap3A_218, %swap3A_219], %swap3A_222 {strides = array<i32>} : memref<80x128xf32, #tpu.memory_space<vmem>>, vector<1x16xf32>,
          %get3A_223 = arith.index_cast %scan3A_42 : i32 to index
          %get3A_224 = arith.constant 224 : index
          %get3A_225 = tpu.vector_load %arg11[%get3A_223, %get3A_224] {strides = array<i32>} : memref<80x256xf32, #tpu.memory_space<vmem>>, vector<1x16xf32>,
          %get3A_226 = vector.shape_cast %get3A_225 : vector<1x16xf32> to vector<16xf32>
          %get3A_227 = arith.index_cast %scan3A_42 : i32 to index
          %get3A_228 = arith.constant 96 : index
          %get3A_229 = tpu.vector_load %arg13[%get3A_227, %get3A_228] {strides = array<i32>} : memref<80x128xf32, #tpu.memory_space<vmem>>, vector<1x16xf32>,
          %get3A_230 = vector.shape_cast %get3A_229 : vector<1x16xf32> to vector<16xf32>
          %add3A_231 = arith.addf %get3A_226, %get3A_230 : vector<16xf32>
          %swap3A_232 = arith.index_cast %scan3A_42 : i32 to index
          %swap3A_233 = arith.constant 96 : index
          %swap3A_234 = tpu.vector_load %arg15[%swap3A_232, %swap3A_233] {strides = array<i32>} : memref<80x128xf32, #tpu.memory_space<vmem>>, vector<1x16xf32>,
          %swap3A_235 = vector.shape_cast %swap3A_234 : vector<1x16xf32> to vector<16xf32>
          %swap3A_236 = vector.shape_cast %add3A_231 : vector<16xf32> to vector<1x16xf32>
          tpu.vector_store %arg15[%swap3A_232, %swap3A_233], %swap3A_236 {strides = array<i32>} : memref<80x128xf32, #tpu.memory_space<vmem>>, vector<1x16xf32>,
          %get3A_237 = arith.index_cast %scan3A_42 : i32 to index
          %get3A_238 = arith.constant 112 : index
          %get3A_239 = tpu.vector_load %arg11[%get3A_237, %get3A_238] {strides = array<i32>} : memref<80x256xf32, #tpu.memory_space<vmem>>, vector<1x16xf32>,
          %get3A_240 = vector.shape_cast %get3A_239 : vector<1x16xf32> to vector<16xf32>
          %get3A_241 = arith.index_cast %scan3A_42 : i32 to index
          %get3A_242 = arith.constant 112 : index
          %get3A_243 = tpu.vector_load %arg12[%get3A_241, %get3A_242] {strides = array<i32>} : memref<80x128xf32, #tpu.memory_space<vmem>>, vector<1x16xf32>,
          %get3A_244 = vector.shape_cast %get3A_243 : vector<1x16xf32> to vector<16xf32>
          %add3A_245 = arith.addf %get3A_240, %get3A_244 : vector<16xf32>
          %swap3A_246 = arith.index_cast %scan3A_42 : i32 to index
          %swap3A_247 = arith.constant 112 : index
          %swap3A_248 = tpu.vector_load %arg14[%swap3A_246, %swap3A_247] {strides = array<i32>} : memref<80x128xf32, #tpu.memory_space<vmem>>, vector<1x16xf32>,
          %swap3A_249 = vector.shape_cast %swap3A_248 : vector<1x16xf32> to vector<16xf32>
          %swap3A_250 = vector.shape_cast %add3A_245 : vector<16xf32> to vector<1x16xf32>
          tpu.vector_store %arg14[%swap3A_246, %swap3A_247], %swap3A_250 {strides = array<i32>} : memref<80x128xf32, #tpu.memory_space<vmem>>, vector<1x16xf32>,
          %get3A_251 = arith.index_cast %scan3A_42 : i32 to index
          %get3A_252 = arith.constant 240 : index
          %get3A_253 = tpu.vector_load %arg11[%get3A_251, %get3A_252] {strides = array<i32>} : memref<80x256xf32, #tpu.memory_space<vmem>>, vector<1x16xf32>,
          %get3A_254 = vector.shape_cast %get3A_253 : vector<1x16xf32> to vector<16xf32>
          %get3A_255 = arith.index_cast %scan3A_42 : i32 to index
          %get3A_256 = arith.constant 112 : index
          %get3A_257 = tpu.vector_load %arg13[%get3A_255, %get3A_256] {strides = array<i32>} : memref<80x128xf32, #tpu.memory_space<vmem>>, vector<1x16xf32>,
          %get3A_258 = vector.shape_cast %get3A_257 : vector<1x16xf32> to vector<16xf32>
          %add3A_259 = arith.addf %get3A_254, %get3A_258 : vector<16xf32>
          %swap3A_260 = arith.index_cast %scan3A_42 : i32 to index
          %swap3A_261 = arith.constant 112 : index
          %swap3A_262 = tpu.vector_load %arg15[%swap3A_260, %swap3A_261] {strides = array<i32>} : memref<80x128xf32, #tpu.memory_space<vmem>>, vector<1x16xf32>,
          %swap3A_263 = vector.shape_cast %swap3A_262 : vector<1x16xf32> to vector<16xf32>
          %swap3A_264 = vector.shape_cast %add3A_259 : vector<16xf32> to vector<1x16xf32>
          tpu.vector_store %arg15[%swap3A_260, %swap3A_261], %swap3A_264 {strides = array<i32>} : memref<80x128xf32, #tpu.memory_space<vmem>>, vector<1x16xf32>,
        }
        %scan3A_41 = arith.constant 80 : i32
        "tpu.region"() ({
          %run_scoped3A = tpu.sem_alloc : memref<!tpu.dma_semaphore, #tpu.memory_space<semaphore_mem>>
          %dma_start3A_42 = arith.constant 0 : i32
          %dma_start3A_43 = tpu.memref_slice %arg8[%mul3A_25, %dma_start3A_42] : memref<20096x128xf32, #tpu.memory_space<hbm>> -> memref<80x128xf32, #tpu.memory_space<hbm>>
          %dma_start3A_44 = arith.constant 0 : i32
          %dma_start3A_45 = tpu.memref_slice %arg8[%mul3A_25, %dma_start3A_44] : memref<20096x128xf32, #tpu.memory_space<hbm>> -> memref<80x128xf32, #tpu.memory_space<hbm>>
          tpu.enqueue_dma source(%arg14 : memref<80x128xf32, #tpu.memory_space<vmem>>) target(%dma_start3A_45 : memref<80x128xf32, #tpu.memory_space<hbm>>) target_semaphore(%run_scoped3A : memref<!tpu.dma_semaphore, #tpu.memory_space<semaphore_mem>>)
          %dma_wait3A_46 = arith.constant 0 : i32
          %dma_wait3A_47 = tpu.memref_slice %arg8[%mul3A_25, %dma_wait3A_46] : memref<20096x128xf32, #tpu.memory_space<hbm>> -> memref<80x128xf32, #tpu.memory_space<hbm>>
          %dma_wait3A_48 = arith.constant 0 : i32
          %dma_wait3A_49 = tpu.memref_slice %arg8[%mul3A_25, %dma_wait3A_48] : memref<20096x128xf32, #tpu.memory_space<hbm>> -> memref<80x128xf32, #tpu.memory_space<hbm>>
          tpu.wait_dma2 semaphore(%run_scoped3A : memref<!tpu.dma_semaphore, #tpu.memory_space<semaphore_mem>>) src(%arg14 : memref<80x128xf32, #tpu.memory_space<vmem>>) dst(%dma_wait3A_49 : memref<80x128xf32, #tpu.memory_space<hbm>>)
          tpu.yield
        }) : () -> ()
        "tpu.region"() ({
          %run_scoped3A = tpu.sem_alloc : memref<!tpu.dma_semaphore, #tpu.memory_space<semaphore_mem>>
          %dma_start3A_42 = arith.constant 0 : i32
          %dma_start3A_43 = arith.constant 0 : i32
          %dma_start3A_44 = tpu.memref_slice %arg21[%dma_start3A_42, %dma_start3A_43] : memref<2048x128xf32, #tpu.memory_space<vmem_shared>> -> memref<2048x128xf32, #tpu.memory_space<vmem_shared>>
          tpu.enqueue_indirect_dma source(%arg15 : memref<80x128xf32, #tpu.memory_space<vmem>>) target(%dma_start3A_44 : memref<2048x128xf32, #tpu.memory_space<vmem_shared>>) offsets(%arg17 : memref<80xi32, #tpu.memory_space<vmem>>) semaphore(%run_scoped3A : memref<!tpu.dma_semaphore, #tpu.memory_space<semaphore_mem>>) {add = true}
          %dma_wait3A_45 = arith.constant 0 : i32
          %dma_wait3A_46 = arith.constant 0 : i32
          %dma_wait3A_47 = tpu.memref_slice %arg21[%dma_wait3A_45, %dma_wait3A_46] : memref<2048x128xf32, #tpu.memory_space<vmem_shared>> -> memref<2048x128xf32, #tpu.memory_space<vmem_shared>>
          tpu.wait_indirect_dma semaphore(%run_scoped3A : memref<!tpu.dma_semaphore, #tpu.memory_space<semaphore_mem>>) src(%arg15 : memref<80x128xf32, #tpu.memory_space<vmem>>) dst(%dma_wait3A_47 : memref<2048x128xf32, #tpu.memory_space<vmem_shared>>)
          tpu.yield
        }) : () -> ()
      } else {
      }
    }
    %scan3A_7 = arith.constant 8 : i32
    %barrier3A_8 = arith.constant 0 : index
    tpu.barrier barrier_id(%barrier3A_8)
    %eq3A = arith.constant 0 : i32
    %eq3A_9 = arith.cmpi eq, %arg0, %eq3A : i32
    %convert_element_type3A = arith.extui %eq3A_9 : i1 to i32
    %cond3A = arith.constant 0 : i32
    %cond3A_10 = arith.cmpi ne, %convert_element_type3A, %cond3A : i32
    scf.if %cond3A_10 {
      %lt3A = arith.constant 15 : i32
      %lt3A_16 = arith.cmpi slt, %arg1, %lt3A : i32
      %convert_element_type3A_17 = arith.extui %lt3A_16 : i1 to i32
      %cond3A_18 = arith.constant 0 : i32
      %cond3A_19 = arith.cmpi ne, %convert_element_type3A_17, %cond3A_18 : i32
      scf.if %cond3A_19 {
        %mul3A_25 = arith.constant 128 : i32
        %mul3A_26 = arith.muli %mul3A_25, %arg1 : i32
        %mul3A_27 = arith.constant 128 : i32
        %mul3A_28 = arith.muli %mul3A_27, %arg1 : i32
        "tpu.region"() ({
          %run_scoped3A = tpu.sem_alloc : memref<!tpu.dma_semaphore, #tpu.memory_space<semaphore_mem>>
          %dma_start3A = arith.constant 0 : i32
          %dma_start3A_29 = tpu.memref_slice %arg9[%mul3A_28, %dma_start3A] : memref<2000x128xf32, #tpu.memory_space<hbm>> -> memref<128x128xf32, #tpu.memory_space<hbm>>
          %dma_start3A_30 = arith.constant 0 : i32
          %dma_start3A_31 = tpu.memref_slice %arg21[%mul3A_26, %dma_start3A_30] : memref<2048x128xf32, #tpu.memory_space<vmem_shared>> -> memref<128x128xf32, #tpu.memory_space<vmem_shared>>
          tpu.enqueue_dma source(%dma_start3A_31 : memref<128x128xf32, #tpu.memory_space<vmem_shared>>) target(%dma_start3A_29 : memref<128x128xf32, #tpu.memory_space<hbm>>) target_semaphore(%run_scoped3A : memref<!tpu.dma_semaphore, #tpu.memory_space<semaphore_mem>>)
          %dma_wait3A = arith.constant 0 : i32
          %dma_wait3A_32 = tpu.memref_slice %arg9[%mul3A_28, %dma_wait3A] : memref<2000x128xf32, #tpu.memory_space<hbm>> -> memref<128x128xf32, #tpu.memory_space<hbm>>
          %dma_wait3A_33 = arith.constant 0 : i32
          %dma_wait3A_34 = tpu.memref_slice %arg21[%mul3A_26, %dma_wait3A_33] : memref<2048x128xf32, #tpu.memory_space<vmem_shared>> -> memref<128x128xf32, #tpu.memory_space<vmem_shared>>
          tpu.wait_dma2 semaphore(%run_scoped3A : memref<!tpu.dma_semaphore, #tpu.memory_space<semaphore_mem>>) src(%dma_wait3A_34 : memref<128x128xf32, #tpu.memory_space<vmem_shared>>) dst(%dma_wait3A_32 : memref<128x128xf32, #tpu.memory_space<hbm>>)
          tpu.yield
        }) : () -> ()
      } else {
      }
      %eq3A_20 = arith.constant 15 : i32
      %eq3A_21 = arith.cmpi eq, %arg1, %eq3A_20 : i32
      %convert_element_type3A_22 = arith.extui %eq3A_21 : i1 to i32
      %cond3A_23 = arith.constant 0 : i32
      %cond3A_24 = arith.cmpi ne, %convert_element_type3A_22, %cond3A_23 : i32
      scf.if %cond3A_24 {
        "tpu.region"() ({
          %run_scoped3A = tpu.sem_alloc : memref<!tpu.dma_semaphore, #tpu.memory_space<semaphore_mem>>
          %dma_start3A = arith.constant 1920 : i32
          %dma_start3A_25 = arith.constant 0 : i32
          %dma_start3A_26 = tpu.memref_slice %arg9[%dma_start3A, %dma_start3A_25] : memref<2000x128xf32, #tpu.memory_space<hbm>> -> memref<80x128xf32, #tpu.memory_space<hbm>>
          %dma_start3A_27 = arith.constant 1920 : i32
          %dma_start3A_28 = arith.constant 0 : i32
          %dma_start3A_29 = tpu.memref_slice %arg21[%dma_start3A_27, %dma_start3A_28] : memref<2048x128xf32, #tpu.memory_space<vmem_shared>> -> memref<80x128xf32, #tpu.memory_space<vmem_shared>>
          tpu.enqueue_dma source(%dma_start3A_29 : memref<80x128xf32, #tpu.memory_space<vmem_shared>>) target(%dma_start3A_26 : memref<80x128xf32, #tpu.memory_space<hbm>>) target_semaphore(%run_scoped3A : memref<!tpu.dma_semaphore, #tpu.memory_space<semaphore_mem>>)
          %dma_wait3A = arith.constant 1920 : i32
          %dma_wait3A_30 = arith.constant 0 : i32
          %dma_wait3A_31 = tpu.memref_slice %arg9[%dma_wait3A, %dma_wait3A_30] : memref<2000x128xf32, #tpu.memory_space<hbm>> -> memref<80x128xf32, #tpu.memory_space<hbm>>
          %dma_wait3A_32 = arith.constant 1920 : i32
          %dma_wait3A_33 = arith.constant 0 : i32
          %dma_wait3A_34 = tpu.memref_slice %arg21[%dma_wait3A_32, %dma_wait3A_33] : memref<2048x128xf32, #tpu.memory_space<vmem_shared>> -> memref<80x128xf32, #tpu.memory_space<vmem_shared>>
          tpu.wait_dma2 semaphore(%run_scoped3A : memref<!tpu.dma_semaphore, #tpu.memory_space<semaphore_mem>>) src(%dma_wait3A_34 : memref<80x128xf32, #tpu.memory_space<vmem_shared>>) dst(%dma_wait3A_31 : memref<80x128xf32, #tpu.memory_space<hbm>>)
          tpu.yield
        }) : () -> ()
      } else {
      }
    } else {
    }
    %eq3A_11 = arith.constant 1 : i32
    %eq3A_12 = arith.cmpi eq, %arg0, %eq3A_11 : i32
    %convert_element_type3A_13 = arith.extui %eq3A_12 : i1 to i32
    %cond3A_14 = arith.constant 0 : i32
    %cond3A_15 = arith.cmpi ne, %convert_element_type3A_13, %cond3A_14 : i32
    scf.if %cond3A_15 {
      %lt3A = arith.constant 15 : i32
      %lt3A_16 = arith.cmpi slt, %arg1, %lt3A : i32
      %convert_element_type3A_17 = arith.extui %lt3A_16 : i1 to i32
      %cond3A_18 = arith.constant 0 : i32
      %cond3A_19 = arith.cmpi ne, %convert_element_type3A_17, %cond3A_18 : i32
      scf.if %cond3A_19 {
        %mul3A_25 = arith.constant 128 : i32
        %mul3A_26 = arith.muli %mul3A_25, %arg1 : i32
        %mul3A_27 = arith.constant 128 : i32
        %mul3A_28 = arith.muli %mul3A_27, %arg1 : i32
        "tpu.region"() ({
          %run_scoped3A = tpu.sem_alloc : memref<!tpu.dma_semaphore, #tpu.memory_space<semaphore_mem>>
          %dma_start3A = arith.constant 0 : i32
          %dma_start3A_29 = tpu.memref_slice %arg10[%mul3A_28, %dma_start3A] : memref<2000x128xf32, #tpu.memory_space<hbm>> -> memref<128x128xf32, #tpu.memory_space<hbm>>
          %dma_start3A_30 = arith.constant 0 : i32
          %dma_start3A_31 = tpu.memref_slice %arg21[%mul3A_26, %dma_start3A_30] : memref<2048x128xf32, #tpu.memory_space<vmem_shared>> -> memref<128x128xf32, #tpu.memory_space<vmem_shared>>
          tpu.enqueue_dma source(%dma_start3A_31 : memref<128x128xf32, #tpu.memory_space<vmem_shared>>) target(%dma_start3A_29 : memref<128x128xf32, #tpu.memory_space<hbm>>) target_semaphore(%run_scoped3A : memref<!tpu.dma_semaphore, #tpu.memory_space<semaphore_mem>>)
          %dma_wait3A = arith.constant 0 : i32
          %dma_wait3A_32 = tpu.memref_slice %arg10[%mul3A_28, %dma_wait3A] : memref<2000x128xf32, #tpu.memory_space<hbm>> -> memref<128x128xf32, #tpu.memory_space<hbm>>
          %dma_wait3A_33 = arith.constant 0 : i32
          %dma_wait3A_34 = tpu.memref_slice %arg21[%mul3A_26, %dma_wait3A_33] : memref<2048x128xf32, #tpu.memory_space<vmem_shared>> -> memref<128x128xf32, #tpu.memory_space<vmem_shared>>
          tpu.wait_dma2 semaphore(%run_scoped3A : memref<!tpu.dma_semaphore, #tpu.memory_space<semaphore_mem>>) src(%dma_wait3A_34 : memref<128x128xf32, #tpu.memory_space<vmem_shared>>) dst(%dma_wait3A_32 : memref<128x128xf32, #tpu.memory_space<hbm>>)
          tpu.yield
        }) : () -> ()
      } else {
      }
      %eq3A_20 = arith.constant 15 : i32
      %eq3A_21 = arith.cmpi eq, %arg1, %eq3A_20 : i32
      %convert_element_type3A_22 = arith.extui %eq3A_21 : i1 to i32
      %cond3A_23 = arith.constant 0 : i32
      %cond3A_24 = arith.cmpi ne, %convert_element_type3A_22, %cond3A_23 : i32
      scf.if %cond3A_24 {
        "tpu.region"() ({
          %run_scoped3A = tpu.sem_alloc : memref<!tpu.dma_semaphore, #tpu.memory_space<semaphore_mem>>
          %dma_start3A = arith.constant 1920 : i32
          %dma_start3A_25 = arith.constant 0 : i32
          %dma_start3A_26 = tpu.memref_slice %arg10[%dma_start3A, %dma_start3A_25] : memref<2000x128xf32, #tpu.memory_space<hbm>> -> memref<80x128xf32, #tpu.memory_space<hbm>>
          %dma_start3A_27 = arith.constant 1920 : i32
          %dma_start3A_28 = arith.constant 0 : i32
          %dma_start3A_29 = tpu.memref_slice %arg21[%dma_start3A_27, %dma_start3A_28] : memref<2048x128xf32, #tpu.memory_space<vmem_shared>> -> memref<80x128xf32, #tpu.memory_space<vmem_shared>>
          tpu.enqueue_dma source(%dma_start3A_29 : memref<80x128xf32, #tpu.memory_space<vmem_shared>>) target(%dma_start3A_26 : memref<80x128xf32, #tpu.memory_space<hbm>>) target_semaphore(%run_scoped3A : memref<!tpu.dma_semaphore, #tpu.memory_space<semaphore_mem>>)
          %dma_wait3A = arith.constant 1920 : i32
          %dma_wait3A_30 = arith.constant 0 : i32
          %dma_wait3A_31 = tpu.memref_slice %arg10[%dma_wait3A, %dma_wait3A_30] : memref<2000x128xf32, #tpu.memory_space<hbm>> -> memref<80x128xf32, #tpu.memory_space<hbm>>
          %dma_wait3A_32 = arith.constant 1920 : i32
          %dma_wait3A_33 = arith.constant 0 : i32
          %dma_wait3A_34 = tpu.memref_slice %arg21[%dma_wait3A_32, %dma_wait3A_33] : memref<2048x128xf32, #tpu.memory_space<vmem_shared>> -> memref<80x128xf32, #tpu.memory_space<vmem_shared>>
          tpu.wait_dma2 semaphore(%run_scoped3A : memref<!tpu.dma_semaphore, #tpu.memory_space<semaphore_mem>>) src(%dma_wait3A_34 : memref<80x128xf32, #tpu.memory_space<vmem_shared>>) dst(%dma_wait3A_31 : memref<80x128xf32, #tpu.memory_space<hbm>>)
          tpu.yield
        }) : () -> ()
      } else {
      }
    } else {
    }
    return
  }
}

#map = affine_map<(d0, d1) -> (0, 0)>
#map1 = affine_map<(d0, d1) -> (0)>
#map2 = affine_map<(d0, d1) -> (0, 0, 0)>
module attributes {stable_mosaic.version = 14 : i64} {
  func.func @at11_phase_a(%arg0: i32, %arg1: i32, %arg2: memref<10112x32xf32, #tpu.memory_space<hbm>>, %arg3: memref<10112x32xf32, #tpu.memory_space<hbm>>, %arg4: memref<10112x32xf32, #tpu.memory_space<hbm>>, %arg5: memref<10112x32xf32, #tpu.memory_space<hbm>>, %arg6: memref<10112x128xf32, #tpu.memory_space<hbm>>, %arg7: memref<163840xi32, #tpu.memory_space<hbm>>, %arg8: memref<163840xi32, #tpu.memory_space<hbm>>, %arg9: memref<10112xi32, #tpu.memory_space<hbm>>, %arg10: memref<128x128xf32, #tpu.memory_space<hbm>>, %arg11: memref<128x32xf32, #tpu.memory_space<hbm>>, %arg12: memref<128x16xf32, #tpu.memory_space<hbm>>, %arg13: memref<128x16xf32, #tpu.memory_space<hbm>>, %arg14: memref<2x20000x32xf32, #tpu.memory_space<hbm>>, %arg15: memref<2x20000x32xf32, #tpu.memory_space<hbm>>, %arg16: memref<2x20000x32xf32, #tpu.memory_space<hbm>>, %arg17: memref<2x20000x32xf32, #tpu.memory_space<hbm>>, %arg18: memref<2000x128xf32, #tpu.memory_space<hbm>>, %arg19: memref<2000x128xf32, #tpu.memory_space<hbm>>, %arg20: memref<2000x16xf32, #tpu.memory_space<hbm>>, %arg21: memref<2000x16xf32, #tpu.memory_space<hbm>>, %arg22: memref<128x128xf32, #tpu.memory_space<vmem>>, %arg23: memref<128x32xf32, #tpu.memory_space<vmem>>, %arg24: memref<128x32xf32, #tpu.memory_space<vmem>>, %arg25: memref<128x128xf32, #tpu.memory_space<vmem>>, %arg26: memref<128x32xf32, #tpu.memory_space<vmem>>, %arg27: memref<128x16xf32, #tpu.memory_space<vmem>>, %arg28: memref<128x16xf32, #tpu.memory_space<vmem>>, %arg29: memref<128xi32, #tpu.memory_space<vmem>>, %arg30: memref<128xi32, #tpu.memory_space<vmem>>, %arg31: memref<128xi32, #tpu.memory_space<vmem>>, %arg32: memref<128xi32, #tpu.memory_space<vmem>>, %arg33: memref<!tpu.dma_semaphore, #tpu.memory_space<semaphore_mem>>, %arg34: memref<!tpu.dma_semaphore, #tpu.memory_space<semaphore_mem>>, %arg35: memref<!tpu.dma_semaphore, #tpu.memory_space<semaphore_mem>>, %arg36: memref<!tpu.dma_semaphore, #tpu.memory_space<semaphore_mem>>, %arg37: memref<20096x32xf32, #tpu.memory_space<vmem_shared>>, %arg38: memref<2048x128xf32, #tpu.memory_space<vmem_shared>>, %arg39: memref<2048x16xf32, #tpu.memory_space<vmem_shared>>) attributes {dimension_semantics = [#tpu.dimension_semantics<core_parallel>, #tpu.dimension_semantics<subcore_parallel>], iteration_bounds = array<i64: 2, 16>, scalar_prefetch = 0 : i64, scratch_operands = 18 : i64, tpu.core_type = #tpu.core_type<sc_vector_subcore>, window_params = [{transform_indices = #map}, {transform_indices = #map}, {transform_indices = #map}, {transform_indices = #map}, {transform_indices = #map}, {transform_indices = #map1}, {transform_indices = #map1}, {transform_indices = #map1}, {transform_indices = #map}, {transform_indices = #map}, {transform_indices = #map}, {transform_indices = #map}, {transform_indices = #map2}, {transform_indices = #map2}, {transform_indices = #map2}, {transform_indices = #map2}, {transform_indices = #map}, {transform_indices = #map}, {transform_indices = #map}, {transform_indices = #map}]} {
    "tpu.region"() ({
      %run_scoped3A = tpu.sem_alloc : memref<!tpu.dma_semaphore, #tpu.memory_space<semaphore_mem>>
      tpu.enqueue_dma source(%arg10 : memref<128x128xf32, #tpu.memory_space<hbm>>) target(%arg25 : memref<128x128xf32, #tpu.memory_space<vmem>>) target_semaphore(%run_scoped3A : memref<!tpu.dma_semaphore, #tpu.memory_space<semaphore_mem>>)
      tpu.wait_dma2 semaphore(%run_scoped3A : memref<!tpu.dma_semaphore, #tpu.memory_space<semaphore_mem>>) src(%arg10 : memref<128x128xf32, #tpu.memory_space<hbm>>) dst(%arg25 : memref<128x128xf32, #tpu.memory_space<vmem>>)
      tpu.yield
    }) : () -> ()
    "tpu.region"() ({
      %run_scoped3A = tpu.sem_alloc : memref<!tpu.dma_semaphore, #tpu.memory_space<semaphore_mem>>
      tpu.enqueue_dma source(%arg11 : memref<128x32xf32, #tpu.memory_space<hbm>>) target(%arg26 : memref<128x32xf32, #tpu.memory_space<vmem>>) target_semaphore(%run_scoped3A : memref<!tpu.dma_semaphore, #tpu.memory_space<semaphore_mem>>)
      tpu.wait_dma2 semaphore(%run_scoped3A : memref<!tpu.dma_semaphore, #tpu.memory_space<semaphore_mem>>) src(%arg11 : memref<128x32xf32, #tpu.memory_space<hbm>>) dst(%arg26 : memref<128x32xf32, #tpu.memory_space<vmem>>)
      tpu.yield
    }) : () -> ()
    "tpu.region"() ({
      %run_scoped3A = tpu.sem_alloc : memref<!tpu.dma_semaphore, #tpu.memory_space<semaphore_mem>>
      tpu.enqueue_dma source(%arg12 : memref<128x16xf32, #tpu.memory_space<hbm>>) target(%arg27 : memref<128x16xf32, #tpu.memory_space<vmem>>) target_semaphore(%run_scoped3A : memref<!tpu.dma_semaphore, #tpu.memory_space<semaphore_mem>>)
      tpu.wait_dma2 semaphore(%run_scoped3A : memref<!tpu.dma_semaphore, #tpu.memory_space<semaphore_mem>>) src(%arg12 : memref<128x16xf32, #tpu.memory_space<hbm>>) dst(%arg27 : memref<128x16xf32, #tpu.memory_space<vmem>>)
      tpu.yield
    }) : () -> ()
    "tpu.region"() ({
      %run_scoped3A = tpu.sem_alloc : memref<!tpu.dma_semaphore, #tpu.memory_space<semaphore_mem>>
      tpu.enqueue_dma source(%arg13 : memref<128x16xf32, #tpu.memory_space<hbm>>) target(%arg28 : memref<128x16xf32, #tpu.memory_space<vmem>>) target_semaphore(%run_scoped3A : memref<!tpu.dma_semaphore, #tpu.memory_space<semaphore_mem>>)
      tpu.wait_dma2 semaphore(%run_scoped3A : memref<!tpu.dma_semaphore, #tpu.memory_space<semaphore_mem>>) src(%arg13 : memref<128x16xf32, #tpu.memory_space<hbm>>) dst(%arg28 : memref<128x16xf32, #tpu.memory_space<vmem>>)
      tpu.yield
    }) : () -> ()
    %scan3A = arith.constant 0 : i32
    %scan3A_0 = arith.constant 0 : i32
    %scan3A_1 = arith.constant 10 : i32
    %scan3A_2 = arith.addi %scan3A_0, %scan3A_1 : i32
    %scan3A_3 = arith.constant 1 : i32
    scf.for %scan3A_123 = %scan3A_0 to %scan3A_2 step %scan3A_3  : i32 {
      %mul3A_124 = arith.constant 16 : i32
      %mul3A_125 = arith.muli %mul3A_124, %scan3A_123 : i32
      %add3A = arith.addi %arg1, %mul3A_125 : i32
      %lt3A = arith.constant 157 : i32
      %lt3A_126 = arith.cmpi slt, %add3A, %lt3A : i32
      %convert_element_type3A_127 = arith.extui %lt3A_126 : i1 to i32
      %cond3A_128 = arith.constant 0 : i32
      %cond3A_129 = arith.cmpi ne, %convert_element_type3A_127, %cond3A_128 : i32
      scf.if %cond3A_129 {
        %mul3A_130 = arith.constant 128 : i32
        %mul3A_131 = arith.muli %mul3A_130, %add3A : i32
        "tpu.region"() ({
          %run_scoped3A = tpu.sem_alloc : memref<!tpu.dma_semaphore, #tpu.memory_space<semaphore_mem>>
          %dma_start3A = arith.constant 0 : i32
          %dma_start3A_132 = tpu.memref_slice %arg37[%mul3A_131, %dma_start3A] : memref<20096x32xf32, #tpu.memory_space<vmem_shared>> -> memref<128x32xf32, #tpu.memory_space<vmem_shared>>
          %dma_start3A_133 = arith.constant 0 : i32
          %dma_start3A_134 = tpu.memref_slice %arg37[%mul3A_131, %dma_start3A_133] : memref<20096x32xf32, #tpu.memory_space<vmem_shared>> -> memref<128x32xf32, #tpu.memory_space<vmem_shared>>
          tpu.enqueue_dma source(%arg26 : memref<128x32xf32, #tpu.memory_space<vmem>>) target(%dma_start3A_134 : memref<128x32xf32, #tpu.memory_space<vmem_shared>>) target_semaphore(%run_scoped3A : memref<!tpu.dma_semaphore, #tpu.memory_space<semaphore_mem>>)
          %dma_wait3A = arith.constant 0 : i32
          %dma_wait3A_135 = tpu.memref_slice %arg37[%mul3A_131, %dma_wait3A] : memref<20096x32xf32, #tpu.memory_space<vmem_shared>> -> memref<128x32xf32, #tpu.memory_space<vmem_shared>>
          %dma_wait3A_136 = arith.constant 0 : i32
          %dma_wait3A_137 = tpu.memref_slice %arg37[%mul3A_131, %dma_wait3A_136] : memref<20096x32xf32, #tpu.memory_space<vmem_shared>> -> memref<128x32xf32, #tpu.memory_space<vmem_shared>>
          tpu.wait_dma2 semaphore(%run_scoped3A : memref<!tpu.dma_semaphore, #tpu.memory_space<semaphore_mem>>) src(%arg26 : memref<128x32xf32, #tpu.memory_space<vmem>>) dst(%dma_wait3A_137 : memref<128x32xf32, #tpu.memory_space<vmem_shared>>)
          tpu.yield
        }) : () -> ()
      } else {
      }
    }
    %scan3A_4 = arith.constant 10 : i32
    %barrier3A = arith.constant 0 : index
    tpu.barrier barrier_id(%barrier3A)
    %scan3A_5 = arith.constant 0 : i32
    %scan3A_6 = arith.constant 0 : i32
    %scan3A_7 = arith.constant 40 : i32
    %scan3A_8 = arith.addi %scan3A_6, %scan3A_7 : i32
    %scan3A_9 = arith.constant 1 : i32
    scf.for %scan3A_123 = %scan3A_6 to %scan3A_8 step %scan3A_9  : i32 {
      %mul3A_124 = arith.constant 625 : i32
      %mul3A_125 = arith.muli %mul3A_124, %arg0 : i32
      %add3A = arith.addi %mul3A_125, %arg1 : i32
      %mul3A_126 = arith.constant 16 : i32
      %mul3A_127 = arith.muli %mul3A_126, %scan3A_123 : i32
      %add3A_128 = arith.addi %add3A, %mul3A_127 : i32
      %add3A_129 = arith.constant 1 : i32
      %add3A_130 = arith.addi %arg0, %add3A_129 : i32
      %mul3A_131 = arith.constant 625 : i32
      %mul3A_132 = arith.muli %mul3A_131, %add3A_130 : i32
      %lt3A = arith.cmpi slt, %add3A_128, %mul3A_132 : i32
      %convert_element_type3A_133 = arith.extui %lt3A : i1 to i32
      %cond3A_134 = arith.constant 0 : i32
      %cond3A_135 = arith.cmpi ne, %convert_element_type3A_133, %cond3A_134 : i32
      scf.if %cond3A_135 {
        %mul3A_136 = arith.constant 128 : i32
        %mul3A_137 = arith.muli %mul3A_136, %add3A_128 : i32
        "tpu.region"() ({
          %run_scoped3A = tpu.sem_alloc : memref<!tpu.dma_semaphore, #tpu.memory_space<semaphore_mem>>
          %dma_start3A_142 = tpu.memref_slice %arg7[%mul3A_137] : memref<163840xi32, #tpu.memory_space<hbm>> -> memref<128xi32, #tpu.memory_space<hbm>>
          %dma_start3A_143 = tpu.memref_slice %arg7[%mul3A_137] : memref<163840xi32, #tpu.memory_space<hbm>> -> memref<128xi32, #tpu.memory_space<hbm>>
          tpu.enqueue_dma source(%dma_start3A_143 : memref<128xi32, #tpu.memory_space<hbm>>) target(%arg29 : memref<128xi32, #tpu.memory_space<vmem>>) target_semaphore(%run_scoped3A : memref<!tpu.dma_semaphore, #tpu.memory_space<semaphore_mem>>)
          %dma_wait3A_144 = tpu.memref_slice %arg7[%mul3A_137] : memref<163840xi32, #tpu.memory_space<hbm>> -> memref<128xi32, #tpu.memory_space<hbm>>
          %dma_wait3A_145 = tpu.memref_slice %arg7[%mul3A_137] : memref<163840xi32, #tpu.memory_space<hbm>> -> memref<128xi32, #tpu.memory_space<hbm>>
          tpu.wait_dma2 semaphore(%run_scoped3A : memref<!tpu.dma_semaphore, #tpu.memory_space<semaphore_mem>>) src(%dma_wait3A_145 : memref<128xi32, #tpu.memory_space<hbm>>) dst(%arg29 : memref<128xi32, #tpu.memory_space<vmem>>)
          tpu.yield
        }) : () -> ()
        "tpu.region"() ({
          %run_scoped3A = tpu.sem_alloc : memref<!tpu.dma_semaphore, #tpu.memory_space<semaphore_mem>>
          %dma_start3A_142 = tpu.memref_slice %arg8[%mul3A_137] : memref<163840xi32, #tpu.memory_space<hbm>> -> memref<128xi32, #tpu.memory_space<hbm>>
          %dma_start3A_143 = tpu.memref_slice %arg8[%mul3A_137] : memref<163840xi32, #tpu.memory_space<hbm>> -> memref<128xi32, #tpu.memory_space<hbm>>
          tpu.enqueue_dma source(%dma_start3A_143 : memref<128xi32, #tpu.memory_space<hbm>>) target(%arg31 : memref<128xi32, #tpu.memory_space<vmem>>) target_semaphore(%run_scoped3A : memref<!tpu.dma_semaphore, #tpu.memory_space<semaphore_mem>>)
          %dma_wait3A_144 = tpu.memref_slice %arg8[%mul3A_137] : memref<163840xi32, #tpu.memory_space<hbm>> -> memref<128xi32, #tpu.memory_space<hbm>>
          %dma_wait3A_145 = tpu.memref_slice %arg8[%mul3A_137] : memref<163840xi32, #tpu.memory_space<hbm>> -> memref<128xi32, #tpu.memory_space<hbm>>
          tpu.wait_dma2 semaphore(%run_scoped3A : memref<!tpu.dma_semaphore, #tpu.memory_space<semaphore_mem>>) src(%dma_wait3A_145 : memref<128xi32, #tpu.memory_space<hbm>>) dst(%arg31 : memref<128xi32, #tpu.memory_space<vmem>>)
          tpu.yield
        }) : () -> ()
        %dma_start3A = arith.constant 0 : i32
        %dma_start3A_138 = arith.constant 0 : i32
        %dma_start3A_139 = tpu.memref_slice %arg2[%dma_start3A, %dma_start3A_138] : memref<10112x32xf32, #tpu.memory_space<hbm>> -> memref<10112x32xf32, #tpu.memory_space<hbm>>
        tpu.enqueue_indirect_dma source(%dma_start3A_139 : memref<10112x32xf32, #tpu.memory_space<hbm>>) target(%arg23 : memref<128x32xf32, #tpu.memory_space<vmem>>) offsets(%arg29 : memref<128xi32, #tpu.memory_space<vmem>>) semaphore(%arg33 : memref<!tpu.dma_semaphore, #tpu.memory_space<semaphore_mem>>)
        %dma_wait3A = arith.constant 0 : i32
        %dma_wait3A_140 = arith.constant 0 : i32
        %dma_wait3A_141 = tpu.memref_slice %arg2[%dma_wait3A, %dma_wait3A_140] : memref<10112x32xf32, #tpu.memory_space<hbm>> -> memref<10112x32xf32, #tpu.memory_space<hbm>>
        tpu.wait_indirect_dma semaphore(%arg33 : memref<!tpu.dma_semaphore, #tpu.memory_space<semaphore_mem>>) src(%dma_wait3A_141 : memref<10112x32xf32, #tpu.memory_space<hbm>>) dst(%arg23 : memref<128x32xf32, #tpu.memory_space<vmem>>)
        "tpu.region"() ({
          %run_scoped3A = tpu.sem_alloc : memref<!tpu.dma_semaphore, #tpu.memory_space<semaphore_mem>>
          %dma_start3A_142 = arith.constant 0 : i32
          %dma_start3A_143 = arith.constant 0 : i32
          %dma_start3A_144 = tpu.memref_slice %arg37[%dma_start3A_142, %dma_start3A_143] : memref<20096x32xf32, #tpu.memory_space<vmem_shared>> -> memref<20096x32xf32, #tpu.memory_space<vmem_shared>>
          tpu.enqueue_indirect_dma source(%arg23 : memref<128x32xf32, #tpu.memory_space<vmem>>) target(%dma_start3A_144 : memref<20096x32xf32, #tpu.memory_space<vmem_shared>>) offsets(%arg31 : memref<128xi32, #tpu.memory_space<vmem>>) semaphore(%run_scoped3A : memref<!tpu.dma_semaphore, #tpu.memory_space<semaphore_mem>>) {add = true}
          %dma_wait3A_145 = arith.constant 0 : i32
          %dma_wait3A_146 = arith.constant 0 : i32
          %dma_wait3A_147 = tpu.memref_slice %arg37[%dma_wait3A_145, %dma_wait3A_146] : memref<20096x32xf32, #tpu.memory_space<vmem_shared>> -> memref<20096x32xf32, #tpu.memory_space<vmem_shared>>
          tpu.wait_indirect_dma semaphore(%run_scoped3A : memref<!tpu.dma_semaphore, #tpu.memory_space<semaphore_mem>>) src(%arg23 : memref<128x32xf32, #tpu.memory_space<vmem>>) dst(%dma_wait3A_147 : memref<20096x32xf32, #tpu.memory_space<vmem_shared>>)
          tpu.yield
        }) : () -> ()
      } else {
      }
    }
    %scan3A_10 = arith.constant 40 : i32
    %barrier3A_11 = arith.constant 0 : index
    tpu.barrier barrier_id(%barrier3A_11)
    %scan3A_12 = arith.constant 0 : i32
    %scan3A_13 = arith.constant 0 : i32
    %scan3A_14 = arith.constant 10 : i32
    %scan3A_15 = arith.addi %scan3A_13, %scan3A_14 : i32
    %scan3A_16 = arith.constant 1 : i32
    scf.for %scan3A_123 = %scan3A_13 to %scan3A_15 step %scan3A_16  : i32 {
      %mul3A_124 = arith.constant 16 : i32
      %mul3A_125 = arith.muli %mul3A_124, %scan3A_123 : i32
      %add3A = arith.addi %arg1, %mul3A_125 : i32
      %lt3A = arith.constant 156 : i32
      %lt3A_126 = arith.cmpi slt, %add3A, %lt3A : i32
      %convert_element_type3A_127 = arith.extui %lt3A_126 : i1 to i32
      %cond3A_128 = arith.constant 0 : i32
      %cond3A_129 = arith.cmpi ne, %convert_element_type3A_127, %cond3A_128 : i32
      scf.if %cond3A_129 {
        %mul3A_130 = arith.constant 128 : i32
        %mul3A_131 = arith.muli %mul3A_130, %add3A : i32
        %mul3A_132 = arith.constant 128 : i32
        %mul3A_133 = arith.muli %mul3A_132, %add3A : i32
        "tpu.region"() ({
          %run_scoped3A = tpu.sem_alloc : memref<!tpu.dma_semaphore, #tpu.memory_space<semaphore_mem>>
          %dma_start3A = arith.constant 0 : i32
          %dma_start3A_134 = tpu.memref_slice %arg14[%arg0, %mul3A_133, %dma_start3A] : memref<2x20000x32xf32, #tpu.memory_space<hbm>> -> memref<1x128x32xf32, #tpu.memory_space<hbm>>
          %dma_start3A_135 = tpu.memref_squeeze %dma_start3A_134 : memref<1x128x32xf32, #tpu.memory_space<hbm>> -> memref<128x32xf32, #tpu.memory_space<hbm>>
          %dma_start3A_136 = arith.constant 0 : i32
          %dma_start3A_137 = tpu.memref_slice %arg37[%mul3A_131, %dma_start3A_136] : memref<20096x32xf32, #tpu.memory_space<vmem_shared>> -> memref<128x32xf32, #tpu.memory_space<vmem_shared>>
          tpu.enqueue_dma source(%dma_start3A_137 : memref<128x32xf32, #tpu.memory_space<vmem_shared>>) target(%dma_start3A_135 : memref<128x32xf32, #tpu.memory_space<hbm>>) target_semaphore(%run_scoped3A : memref<!tpu.dma_semaphore, #tpu.memory_space<semaphore_mem>>)
          %dma_wait3A = arith.constant 0 : i32
          %dma_wait3A_138 = tpu.memref_slice %arg14[%arg0, %mul3A_133, %dma_wait3A] : memref<2x20000x32xf32, #tpu.memory_space<hbm>> -> memref<1x128x32xf32, #tpu.memory_space<hbm>>
          %dma_wait3A_139 = tpu.memref_squeeze %dma_wait3A_138 : memref<1x128x32xf32, #tpu.memory_space<hbm>> -> memref<128x32xf32, #tpu.memory_space<hbm>>
          %dma_wait3A_140 = arith.constant 0 : i32
          %dma_wait3A_141 = tpu.memref_slice %arg37[%mul3A_131, %dma_wait3A_140] : memref<20096x32xf32, #tpu.memory_space<vmem_shared>> -> memref<128x32xf32, #tpu.memory_space<vmem_shared>>
          tpu.wait_dma2 semaphore(%run_scoped3A : memref<!tpu.dma_semaphore, #tpu.memory_space<semaphore_mem>>) src(%dma_wait3A_141 : memref<128x32xf32, #tpu.memory_space<vmem_shared>>) dst(%dma_wait3A_139 : memref<128x32xf32, #tpu.memory_space<hbm>>)
          tpu.yield
        }) : () -> ()
      } else {
      }
    }
    %scan3A_17 = arith.constant 10 : i32
    %eq3A = arith.constant 15 : i32
    %eq3A_18 = arith.cmpi eq, %arg1, %eq3A : i32
    %convert_element_type3A = arith.extui %eq3A_18 : i1 to i32
    %cond3A = arith.constant 0 : i32
    %cond3A_19 = arith.cmpi ne, %convert_element_type3A, %cond3A : i32
    scf.if %cond3A_19 {
      "tpu.region"() ({
        %run_scoped3A = tpu.sem_alloc : memref<!tpu.dma_semaphore, #tpu.memory_space<semaphore_mem>>
        %dma_start3A = arith.constant 19968 : i32
        %dma_start3A_123 = arith.constant 0 : i32
        %dma_start3A_124 = tpu.memref_slice %arg14[%arg0, %dma_start3A, %dma_start3A_123] : memref<2x20000x32xf32, #tpu.memory_space<hbm>> -> memref<1x32x32xf32, #tpu.memory_space<hbm>>
        %dma_start3A_125 = tpu.memref_squeeze %dma_start3A_124 : memref<1x32x32xf32, #tpu.memory_space<hbm>> -> memref<32x32xf32, #tpu.memory_space<hbm>>
        %dma_start3A_126 = arith.constant 19968 : i32
        %dma_start3A_127 = arith.constant 0 : i32
        %dma_start3A_128 = tpu.memref_slice %arg37[%dma_start3A_126, %dma_start3A_127] : memref<20096x32xf32, #tpu.memory_space<vmem_shared>> -> memref<32x32xf32, #tpu.memory_space<vmem_shared>>
        tpu.enqueue_dma source(%dma_start3A_128 : memref<32x32xf32, #tpu.memory_space<vmem_shared>>) target(%dma_start3A_125 : memref<32x32xf32, #tpu.memory_space<hbm>>) target_semaphore(%run_scoped3A : memref<!tpu.dma_semaphore, #tpu.memory_space<semaphore_mem>>)
        %dma_wait3A = arith.constant 19968 : i32
        %dma_wait3A_129 = arith.constant 0 : i32
        %dma_wait3A_130 = tpu.memref_slice %arg14[%arg0, %dma_wait3A, %dma_wait3A_129] : memref<2x20000x32xf32, #tpu.memory_space<hbm>> -> memref<1x32x32xf32, #tpu.memory_space<hbm>>
        %dma_wait3A_131 = tpu.memref_squeeze %dma_wait3A_130 : memref<1x32x32xf32, #tpu.memory_space<hbm>> -> memref<32x32xf32, #tpu.memory_space<hbm>>
        %dma_wait3A_132 = arith.constant 19968 : i32
        %dma_wait3A_133 = arith.constant 0 : i32
        %dma_wait3A_134 = tpu.memref_slice %arg37[%dma_wait3A_132, %dma_wait3A_133] : memref<20096x32xf32, #tpu.memory_space<vmem_shared>> -> memref<32x32xf32, #tpu.memory_space<vmem_shared>>
        tpu.wait_dma2 semaphore(%run_scoped3A : memref<!tpu.dma_semaphore, #tpu.memory_space<semaphore_mem>>) src(%dma_wait3A_134 : memref<32x32xf32, #tpu.memory_space<vmem_shared>>) dst(%dma_wait3A_131 : memref<32x32xf32, #tpu.memory_space<hbm>>)
        tpu.yield
      }) : () -> ()
    } else {
    }
    %barrier3A_20 = arith.constant 0 : index
    tpu.barrier barrier_id(%barrier3A_20)
    %scan3A_21 = arith.constant 0 : i32
    %scan3A_22 = arith.constant 0 : i32
    %scan3A_23 = arith.constant 10 : i32
    %scan3A_24 = arith.addi %scan3A_22, %scan3A_23 : i32
    %scan3A_25 = arith.constant 1 : i32
    scf.for %scan3A_123 = %scan3A_22 to %scan3A_24 step %scan3A_25  : i32 {
      %mul3A_124 = arith.constant 16 : i32
      %mul3A_125 = arith.muli %mul3A_124, %scan3A_123 : i32
      %add3A = arith.addi %arg1, %mul3A_125 : i32
      %lt3A = arith.constant 157 : i32
      %lt3A_126 = arith.cmpi slt, %add3A, %lt3A : i32
      %convert_element_type3A_127 = arith.extui %lt3A_126 : i1 to i32
      %cond3A_128 = arith.constant 0 : i32
      %cond3A_129 = arith.cmpi ne, %convert_element_type3A_127, %cond3A_128 : i32
      scf.if %cond3A_129 {
        %mul3A_130 = arith.constant 128 : i32
        %mul3A_131 = arith.muli %mul3A_130, %add3A : i32
        "tpu.region"() ({
          %run_scoped3A = tpu.sem_alloc : memref<!tpu.dma_semaphore, #tpu.memory_space<semaphore_mem>>
          %dma_start3A = arith.constant 0 : i32
          %dma_start3A_132 = tpu.memref_slice %arg37[%mul3A_131, %dma_start3A] : memref<20096x32xf32, #tpu.memory_space<vmem_shared>> -> memref<128x32xf32, #tpu.memory_space<vmem_shared>>
          %dma_start3A_133 = arith.constant 0 : i32
          %dma_start3A_134 = tpu.memref_slice %arg37[%mul3A_131, %dma_start3A_133] : memref<20096x32xf32, #tpu.memory_space<vmem_shared>> -> memref<128x32xf32, #tpu.memory_space<vmem_shared>>
          tpu.enqueue_dma source(%arg26 : memref<128x32xf32, #tpu.memory_space<vmem>>) target(%dma_start3A_134 : memref<128x32xf32, #tpu.memory_space<vmem_shared>>) target_semaphore(%run_scoped3A : memref<!tpu.dma_semaphore, #tpu.memory_space<semaphore_mem>>)
          %dma_wait3A = arith.constant 0 : i32
          %dma_wait3A_135 = tpu.memref_slice %arg37[%mul3A_131, %dma_wait3A] : memref<20096x32xf32, #tpu.memory_space<vmem_shared>> -> memref<128x32xf32, #tpu.memory_space<vmem_shared>>
          %dma_wait3A_136 = arith.constant 0 : i32
          %dma_wait3A_137 = tpu.memref_slice %arg37[%mul3A_131, %dma_wait3A_136] : memref<20096x32xf32, #tpu.memory_space<vmem_shared>> -> memref<128x32xf32, #tpu.memory_space<vmem_shared>>
          tpu.wait_dma2 semaphore(%run_scoped3A : memref<!tpu.dma_semaphore, #tpu.memory_space<semaphore_mem>>) src(%arg26 : memref<128x32xf32, #tpu.memory_space<vmem>>) dst(%dma_wait3A_137 : memref<128x32xf32, #tpu.memory_space<vmem_shared>>)
          tpu.yield
        }) : () -> ()
      } else {
      }
    }
    %scan3A_26 = arith.constant 10 : i32
    %barrier3A_27 = arith.constant 0 : index
    tpu.barrier barrier_id(%barrier3A_27)
    %scan3A_28 = arith.constant 0 : i32
    %scan3A_29 = arith.constant 0 : i32
    %scan3A_30 = arith.constant 40 : i32
    %scan3A_31 = arith.addi %scan3A_29, %scan3A_30 : i32
    %scan3A_32 = arith.constant 1 : i32
    scf.for %scan3A_123 = %scan3A_29 to %scan3A_31 step %scan3A_32  : i32 {
      %mul3A_124 = arith.constant 625 : i32
      %mul3A_125 = arith.muli %mul3A_124, %arg0 : i32
      %add3A = arith.addi %mul3A_125, %arg1 : i32
      %mul3A_126 = arith.constant 16 : i32
      %mul3A_127 = arith.muli %mul3A_126, %scan3A_123 : i32
      %add3A_128 = arith.addi %add3A, %mul3A_127 : i32
      %add3A_129 = arith.constant 1 : i32
      %add3A_130 = arith.addi %arg0, %add3A_129 : i32
      %mul3A_131 = arith.constant 625 : i32
      %mul3A_132 = arith.muli %mul3A_131, %add3A_130 : i32
      %lt3A = arith.cmpi slt, %add3A_128, %mul3A_132 : i32
      %convert_element_type3A_133 = arith.extui %lt3A : i1 to i32
      %cond3A_134 = arith.constant 0 : i32
      %cond3A_135 = arith.cmpi ne, %convert_element_type3A_133, %cond3A_134 : i32
      scf.if %cond3A_135 {
        %mul3A_136 = arith.constant 128 : i32
        %mul3A_137 = arith.muli %mul3A_136, %add3A_128 : i32
        "tpu.region"() ({
          %run_scoped3A = tpu.sem_alloc : memref<!tpu.dma_semaphore, #tpu.memory_space<semaphore_mem>>
          %dma_start3A_142 = tpu.memref_slice %arg7[%mul3A_137] : memref<163840xi32, #tpu.memory_space<hbm>> -> memref<128xi32, #tpu.memory_space<hbm>>
          %dma_start3A_143 = tpu.memref_slice %arg7[%mul3A_137] : memref<163840xi32, #tpu.memory_space<hbm>> -> memref<128xi32, #tpu.memory_space<hbm>>
          tpu.enqueue_dma source(%dma_start3A_143 : memref<128xi32, #tpu.memory_space<hbm>>) target(%arg29 : memref<128xi32, #tpu.memory_space<vmem>>) target_semaphore(%run_scoped3A : memref<!tpu.dma_semaphore, #tpu.memory_space<semaphore_mem>>)
          %dma_wait3A_144 = tpu.memref_slice %arg7[%mul3A_137] : memref<163840xi32, #tpu.memory_space<hbm>> -> memref<128xi32, #tpu.memory_space<hbm>>
          %dma_wait3A_145 = tpu.memref_slice %arg7[%mul3A_137] : memref<163840xi32, #tpu.memory_space<hbm>> -> memref<128xi32, #tpu.memory_space<hbm>>
          tpu.wait_dma2 semaphore(%run_scoped3A : memref<!tpu.dma_semaphore, #tpu.memory_space<semaphore_mem>>) src(%dma_wait3A_145 : memref<128xi32, #tpu.memory_space<hbm>>) dst(%arg29 : memref<128xi32, #tpu.memory_space<vmem>>)
          tpu.yield
        }) : () -> ()
        "tpu.region"() ({
          %run_scoped3A = tpu.sem_alloc : memref<!tpu.dma_semaphore, #tpu.memory_space<semaphore_mem>>
          %dma_start3A_142 = tpu.memref_slice %arg8[%mul3A_137] : memref<163840xi32, #tpu.memory_space<hbm>> -> memref<128xi32, #tpu.memory_space<hbm>>
          %dma_start3A_143 = tpu.memref_slice %arg8[%mul3A_137] : memref<163840xi32, #tpu.memory_space<hbm>> -> memref<128xi32, #tpu.memory_space<hbm>>
          tpu.enqueue_dma source(%dma_start3A_143 : memref<128xi32, #tpu.memory_space<hbm>>) target(%arg31 : memref<128xi32, #tpu.memory_space<vmem>>) target_semaphore(%run_scoped3A : memref<!tpu.dma_semaphore, #tpu.memory_space<semaphore_mem>>)
          %dma_wait3A_144 = tpu.memref_slice %arg8[%mul3A_137] : memref<163840xi32, #tpu.memory_space<hbm>> -> memref<128xi32, #tpu.memory_space<hbm>>
          %dma_wait3A_145 = tpu.memref_slice %arg8[%mul3A_137] : memref<163840xi32, #tpu.memory_space<hbm>> -> memref<128xi32, #tpu.memory_space<hbm>>
          tpu.wait_dma2 semaphore(%run_scoped3A : memref<!tpu.dma_semaphore, #tpu.memory_space<semaphore_mem>>) src(%dma_wait3A_145 : memref<128xi32, #tpu.memory_space<hbm>>) dst(%arg31 : memref<128xi32, #tpu.memory_space<vmem>>)
          tpu.yield
        }) : () -> ()
        %dma_start3A = arith.constant 0 : i32
        %dma_start3A_138 = arith.constant 0 : i32
        %dma_start3A_139 = tpu.memref_slice %arg3[%dma_start3A, %dma_start3A_138] : memref<10112x32xf32, #tpu.memory_space<hbm>> -> memref<10112x32xf32, #tpu.memory_space<hbm>>
        tpu.enqueue_indirect_dma source(%dma_start3A_139 : memref<10112x32xf32, #tpu.memory_space<hbm>>) target(%arg23 : memref<128x32xf32, #tpu.memory_space<vmem>>) offsets(%arg29 : memref<128xi32, #tpu.memory_space<vmem>>) semaphore(%arg33 : memref<!tpu.dma_semaphore, #tpu.memory_space<semaphore_mem>>)
        %dma_wait3A = arith.constant 0 : i32
        %dma_wait3A_140 = arith.constant 0 : i32
        %dma_wait3A_141 = tpu.memref_slice %arg3[%dma_wait3A, %dma_wait3A_140] : memref<10112x32xf32, #tpu.memory_space<hbm>> -> memref<10112x32xf32, #tpu.memory_space<hbm>>
        tpu.wait_indirect_dma semaphore(%arg33 : memref<!tpu.dma_semaphore, #tpu.memory_space<semaphore_mem>>) src(%dma_wait3A_141 : memref<10112x32xf32, #tpu.memory_space<hbm>>) dst(%arg23 : memref<128x32xf32, #tpu.memory_space<vmem>>)
        "tpu.region"() ({
          %run_scoped3A = tpu.sem_alloc : memref<!tpu.dma_semaphore, #tpu.memory_space<semaphore_mem>>
          %dma_start3A_142 = arith.constant 0 : i32
          %dma_start3A_143 = arith.constant 0 : i32
          %dma_start3A_144 = tpu.memref_slice %arg37[%dma_start3A_142, %dma_start3A_143] : memref<20096x32xf32, #tpu.memory_space<vmem_shared>> -> memref<20096x32xf32, #tpu.memory_space<vmem_shared>>
          tpu.enqueue_indirect_dma source(%arg23 : memref<128x32xf32, #tpu.memory_space<vmem>>) target(%dma_start3A_144 : memref<20096x32xf32, #tpu.memory_space<vmem_shared>>) offsets(%arg31 : memref<128xi32, #tpu.memory_space<vmem>>) semaphore(%run_scoped3A : memref<!tpu.dma_semaphore, #tpu.memory_space<semaphore_mem>>) {add = true}
          %dma_wait3A_145 = arith.constant 0 : i32
          %dma_wait3A_146 = arith.constant 0 : i32
          %dma_wait3A_147 = tpu.memref_slice %arg37[%dma_wait3A_145, %dma_wait3A_146] : memref<20096x32xf32, #tpu.memory_space<vmem_shared>> -> memref<20096x32xf32, #tpu.memory_space<vmem_shared>>
          tpu.wait_indirect_dma semaphore(%run_scoped3A : memref<!tpu.dma_semaphore, #tpu.memory_space<semaphore_mem>>) src(%arg23 : memref<128x32xf32, #tpu.memory_space<vmem>>) dst(%dma_wait3A_147 : memref<20096x32xf32, #tpu.memory_space<vmem_shared>>)
          tpu.yield
        }) : () -> ()
      } else {
      }
    }
    %scan3A_33 = arith.constant 40 : i32
    %barrier3A_34 = arith.constant 0 : index
    tpu.barrier barrier_id(%barrier3A_34)
    %scan3A_35 = arith.constant 0 : i32
    %scan3A_36 = arith.constant 0 : i32
    %scan3A_37 = arith.constant 10 : i32
    %scan3A_38 = arith.addi %scan3A_36, %scan3A_37 : i32
    %scan3A_39 = arith.constant 1 : i32
    scf.for %scan3A_123 = %scan3A_36 to %scan3A_38 step %scan3A_39  : i32 {
      %mul3A_124 = arith.constant 16 : i32
      %mul3A_125 = arith.muli %mul3A_124, %scan3A_123 : i32
      %add3A = arith.addi %arg1, %mul3A_125 : i32
      %lt3A = arith.constant 156 : i32
      %lt3A_126 = arith.cmpi slt, %add3A, %lt3A : i32
      %convert_element_type3A_127 = arith.extui %lt3A_126 : i1 to i32
      %cond3A_128 = arith.constant 0 : i32
      %cond3A_129 = arith.cmpi ne, %convert_element_type3A_127, %cond3A_128 : i32
      scf.if %cond3A_129 {
        %mul3A_130 = arith.constant 128 : i32
        %mul3A_131 = arith.muli %mul3A_130, %add3A : i32
        %mul3A_132 = arith.constant 128 : i32
        %mul3A_133 = arith.muli %mul3A_132, %add3A : i32
        "tpu.region"() ({
          %run_scoped3A = tpu.sem_alloc : memref<!tpu.dma_semaphore, #tpu.memory_space<semaphore_mem>>
          %dma_start3A = arith.constant 0 : i32
          %dma_start3A_134 = tpu.memref_slice %arg15[%arg0, %mul3A_133, %dma_start3A] : memref<2x20000x32xf32, #tpu.memory_space<hbm>> -> memref<1x128x32xf32, #tpu.memory_space<hbm>>
          %dma_start3A_135 = tpu.memref_squeeze %dma_start3A_134 : memref<1x128x32xf32, #tpu.memory_space<hbm>> -> memref<128x32xf32, #tpu.memory_space<hbm>>
          %dma_start3A_136 = arith.constant 0 : i32
          %dma_start3A_137 = tpu.memref_slice %arg37[%mul3A_131, %dma_start3A_136] : memref<20096x32xf32, #tpu.memory_space<vmem_shared>> -> memref<128x32xf32, #tpu.memory_space<vmem_shared>>
          tpu.enqueue_dma source(%dma_start3A_137 : memref<128x32xf32, #tpu.memory_space<vmem_shared>>) target(%dma_start3A_135 : memref<128x32xf32, #tpu.memory_space<hbm>>) target_semaphore(%run_scoped3A : memref<!tpu.dma_semaphore, #tpu.memory_space<semaphore_mem>>)
          %dma_wait3A = arith.constant 0 : i32
          %dma_wait3A_138 = tpu.memref_slice %arg15[%arg0, %mul3A_133, %dma_wait3A] : memref<2x20000x32xf32, #tpu.memory_space<hbm>> -> memref<1x128x32xf32, #tpu.memory_space<hbm>>
          %dma_wait3A_139 = tpu.memref_squeeze %dma_wait3A_138 : memref<1x128x32xf32, #tpu.memory_space<hbm>> -> memref<128x32xf32, #tpu.memory_space<hbm>>
          %dma_wait3A_140 = arith.constant 0 : i32
          %dma_wait3A_141 = tpu.memref_slice %arg37[%mul3A_131, %dma_wait3A_140] : memref<20096x32xf32, #tpu.memory_space<vmem_shared>> -> memref<128x32xf32, #tpu.memory_space<vmem_shared>>
          tpu.wait_dma2 semaphore(%run_scoped3A : memref<!tpu.dma_semaphore, #tpu.memory_space<semaphore_mem>>) src(%dma_wait3A_141 : memref<128x32xf32, #tpu.memory_space<vmem_shared>>) dst(%dma_wait3A_139 : memref<128x32xf32, #tpu.memory_space<hbm>>)
          tpu.yield
        }) : () -> ()
      } else {
      }
    }
    %scan3A_40 = arith.constant 10 : i32
    %eq3A_41 = arith.constant 15 : i32
    %eq3A_42 = arith.cmpi eq, %arg1, %eq3A_41 : i32
    %convert_element_type3A_43 = arith.extui %eq3A_42 : i1 to i32
    %cond3A_44 = arith.constant 0 : i32
    %cond3A_45 = arith.cmpi ne, %convert_element_type3A_43, %cond3A_44 : i32
    scf.if %cond3A_45 {
      "tpu.region"() ({
        %run_scoped3A = tpu.sem_alloc : memref<!tpu.dma_semaphore, #tpu.memory_space<semaphore_mem>>
        %dma_start3A = arith.constant 19968 : i32
        %dma_start3A_123 = arith.constant 0 : i32
        %dma_start3A_124 = tpu.memref_slice %arg15[%arg0, %dma_start3A, %dma_start3A_123] : memref<2x20000x32xf32, #tpu.memory_space<hbm>> -> memref<1x32x32xf32, #tpu.memory_space<hbm>>
        %dma_start3A_125 = tpu.memref_squeeze %dma_start3A_124 : memref<1x32x32xf32, #tpu.memory_space<hbm>> -> memref<32x32xf32, #tpu.memory_space<hbm>>
        %dma_start3A_126 = arith.constant 19968 : i32
        %dma_start3A_127 = arith.constant 0 : i32
        %dma_start3A_128 = tpu.memref_slice %arg37[%dma_start3A_126, %dma_start3A_127] : memref<20096x32xf32, #tpu.memory_space<vmem_shared>> -> memref<32x32xf32, #tpu.memory_space<vmem_shared>>
        tpu.enqueue_dma source(%dma_start3A_128 : memref<32x32xf32, #tpu.memory_space<vmem_shared>>) target(%dma_start3A_125 : memref<32x32xf32, #tpu.memory_space<hbm>>) target_semaphore(%run_scoped3A : memref<!tpu.dma_semaphore, #tpu.memory_space<semaphore_mem>>)
        %dma_wait3A = arith.constant 19968 : i32
        %dma_wait3A_129 = arith.constant 0 : i32
        %dma_wait3A_130 = tpu.memref_slice %arg15[%arg0, %dma_wait3A, %dma_wait3A_129] : memref<2x20000x32xf32, #tpu.memory_space<hbm>> -> memref<1x32x32xf32, #tpu.memory_space<hbm>>
        %dma_wait3A_131 = tpu.memref_squeeze %dma_wait3A_130 : memref<1x32x32xf32, #tpu.memory_space<hbm>> -> memref<32x32xf32, #tpu.memory_space<hbm>>
        %dma_wait3A_132 = arith.constant 19968 : i32
        %dma_wait3A_133 = arith.constant 0 : i32
        %dma_wait3A_134 = tpu.memref_slice %arg37[%dma_wait3A_132, %dma_wait3A_133] : memref<20096x32xf32, #tpu.memory_space<vmem_shared>> -> memref<32x32xf32, #tpu.memory_space<vmem_shared>>
        tpu.wait_dma2 semaphore(%run_scoped3A : memref<!tpu.dma_semaphore, #tpu.memory_space<semaphore_mem>>) src(%dma_wait3A_134 : memref<32x32xf32, #tpu.memory_space<vmem_shared>>) dst(%dma_wait3A_131 : memref<32x32xf32, #tpu.memory_space<hbm>>)
        tpu.yield
      }) : () -> ()
    } else {
    }
    %barrier3A_46 = arith.constant 0 : index
    tpu.barrier barrier_id(%barrier3A_46)
    %scan3A_47 = arith.constant 0 : i32
    %scan3A_48 = arith.constant 0 : i32
    %scan3A_49 = arith.constant 10 : i32
    %scan3A_50 = arith.addi %scan3A_48, %scan3A_49 : i32
    %scan3A_51 = arith.constant 1 : i32
    scf.for %scan3A_123 = %scan3A_48 to %scan3A_50 step %scan3A_51  : i32 {
      %mul3A_124 = arith.constant 16 : i32
      %mul3A_125 = arith.muli %mul3A_124, %scan3A_123 : i32
      %add3A = arith.addi %arg1, %mul3A_125 : i32
      %lt3A = arith.constant 157 : i32
      %lt3A_126 = arith.cmpi slt, %add3A, %lt3A : i32
      %convert_element_type3A_127 = arith.extui %lt3A_126 : i1 to i32
      %cond3A_128 = arith.constant 0 : i32
      %cond3A_129 = arith.cmpi ne, %convert_element_type3A_127, %cond3A_128 : i32
      scf.if %cond3A_129 {
        %mul3A_130 = arith.constant 128 : i32
        %mul3A_131 = arith.muli %mul3A_130, %add3A : i32
        "tpu.region"() ({
          %run_scoped3A = tpu.sem_alloc : memref<!tpu.dma_semaphore, #tpu.memory_space<semaphore_mem>>
          %dma_start3A = arith.constant 0 : i32
          %dma_start3A_132 = tpu.memref_slice %arg37[%mul3A_131, %dma_start3A] : memref<20096x32xf32, #tpu.memory_space<vmem_shared>> -> memref<128x32xf32, #tpu.memory_space<vmem_shared>>
          %dma_start3A_133 = arith.constant 0 : i32
          %dma_start3A_134 = tpu.memref_slice %arg37[%mul3A_131, %dma_start3A_133] : memref<20096x32xf32, #tpu.memory_space<vmem_shared>> -> memref<128x32xf32, #tpu.memory_space<vmem_shared>>
          tpu.enqueue_dma source(%arg26 : memref<128x32xf32, #tpu.memory_space<vmem>>) target(%dma_start3A_134 : memref<128x32xf32, #tpu.memory_space<vmem_shared>>) target_semaphore(%run_scoped3A : memref<!tpu.dma_semaphore, #tpu.memory_space<semaphore_mem>>)
          %dma_wait3A = arith.constant 0 : i32
          %dma_wait3A_135 = tpu.memref_slice %arg37[%mul3A_131, %dma_wait3A] : memref<20096x32xf32, #tpu.memory_space<vmem_shared>> -> memref<128x32xf32, #tpu.memory_space<vmem_shared>>
          %dma_wait3A_136 = arith.constant 0 : i32
          %dma_wait3A_137 = tpu.memref_slice %arg37[%mul3A_131, %dma_wait3A_136] : memref<20096x32xf32, #tpu.memory_space<vmem_shared>> -> memref<128x32xf32, #tpu.memory_space<vmem_shared>>
          tpu.wait_dma2 semaphore(%run_scoped3A : memref<!tpu.dma_semaphore, #tpu.memory_space<semaphore_mem>>) src(%arg26 : memref<128x32xf32, #tpu.memory_space<vmem>>) dst(%dma_wait3A_137 : memref<128x32xf32, #tpu.memory_space<vmem_shared>>)
          tpu.yield
        }) : () -> ()
      } else {
      }
    }
    %scan3A_52 = arith.constant 10 : i32
    %barrier3A_53 = arith.constant 0 : index
    tpu.barrier barrier_id(%barrier3A_53)
    %scan3A_54 = arith.constant 0 : i32
    %scan3A_55 = arith.constant 0 : i32
    %scan3A_56 = arith.constant 40 : i32
    %scan3A_57 = arith.addi %scan3A_55, %scan3A_56 : i32
    %scan3A_58 = arith.constant 1 : i32
    scf.for %scan3A_123 = %scan3A_55 to %scan3A_57 step %scan3A_58  : i32 {
      %mul3A_124 = arith.constant 625 : i32
      %mul3A_125 = arith.muli %mul3A_124, %arg0 : i32
      %add3A = arith.addi %mul3A_125, %arg1 : i32
      %mul3A_126 = arith.constant 16 : i32
      %mul3A_127 = arith.muli %mul3A_126, %scan3A_123 : i32
      %add3A_128 = arith.addi %add3A, %mul3A_127 : i32
      %add3A_129 = arith.constant 1 : i32
      %add3A_130 = arith.addi %arg0, %add3A_129 : i32
      %mul3A_131 = arith.constant 625 : i32
      %mul3A_132 = arith.muli %mul3A_131, %add3A_130 : i32
      %lt3A = arith.cmpi slt, %add3A_128, %mul3A_132 : i32
      %convert_element_type3A_133 = arith.extui %lt3A : i1 to i32
      %cond3A_134 = arith.constant 0 : i32
      %cond3A_135 = arith.cmpi ne, %convert_element_type3A_133, %cond3A_134 : i32
      scf.if %cond3A_135 {
        %mul3A_136 = arith.constant 128 : i32
        %mul3A_137 = arith.muli %mul3A_136, %add3A_128 : i32
        "tpu.region"() ({
          %run_scoped3A = tpu.sem_alloc : memref<!tpu.dma_semaphore, #tpu.memory_space<semaphore_mem>>
          %dma_start3A_142 = tpu.memref_slice %arg7[%mul3A_137] : memref<163840xi32, #tpu.memory_space<hbm>> -> memref<128xi32, #tpu.memory_space<hbm>>
          %dma_start3A_143 = tpu.memref_slice %arg7[%mul3A_137] : memref<163840xi32, #tpu.memory_space<hbm>> -> memref<128xi32, #tpu.memory_space<hbm>>
          tpu.enqueue_dma source(%dma_start3A_143 : memref<128xi32, #tpu.memory_space<hbm>>) target(%arg29 : memref<128xi32, #tpu.memory_space<vmem>>) target_semaphore(%run_scoped3A : memref<!tpu.dma_semaphore, #tpu.memory_space<semaphore_mem>>)
          %dma_wait3A_144 = tpu.memref_slice %arg7[%mul3A_137] : memref<163840xi32, #tpu.memory_space<hbm>> -> memref<128xi32, #tpu.memory_space<hbm>>
          %dma_wait3A_145 = tpu.memref_slice %arg7[%mul3A_137] : memref<163840xi32, #tpu.memory_space<hbm>> -> memref<128xi32, #tpu.memory_space<hbm>>
          tpu.wait_dma2 semaphore(%run_scoped3A : memref<!tpu.dma_semaphore, #tpu.memory_space<semaphore_mem>>) src(%dma_wait3A_145 : memref<128xi32, #tpu.memory_space<hbm>>) dst(%arg29 : memref<128xi32, #tpu.memory_space<vmem>>)
          tpu.yield
        }) : () -> ()
        "tpu.region"() ({
          %run_scoped3A = tpu.sem_alloc : memref<!tpu.dma_semaphore, #tpu.memory_space<semaphore_mem>>
          %dma_start3A_142 = tpu.memref_slice %arg8[%mul3A_137] : memref<163840xi32, #tpu.memory_space<hbm>> -> memref<128xi32, #tpu.memory_space<hbm>>
          %dma_start3A_143 = tpu.memref_slice %arg8[%mul3A_137] : memref<163840xi32, #tpu.memory_space<hbm>> -> memref<128xi32, #tpu.memory_space<hbm>>
          tpu.enqueue_dma source(%dma_start3A_143 : memref<128xi32, #tpu.memory_space<hbm>>) target(%arg31 : memref<128xi32, #tpu.memory_space<vmem>>) target_semaphore(%run_scoped3A : memref<!tpu.dma_semaphore, #tpu.memory_space<semaphore_mem>>)
          %dma_wait3A_144 = tpu.memref_slice %arg8[%mul3A_137] : memref<163840xi32, #tpu.memory_space<hbm>> -> memref<128xi32, #tpu.memory_space<hbm>>
          %dma_wait3A_145 = tpu.memref_slice %arg8[%mul3A_137] : memref<163840xi32, #tpu.memory_space<hbm>> -> memref<128xi32, #tpu.memory_space<hbm>>
          tpu.wait_dma2 semaphore(%run_scoped3A : memref<!tpu.dma_semaphore, #tpu.memory_space<semaphore_mem>>) src(%dma_wait3A_145 : memref<128xi32, #tpu.memory_space<hbm>>) dst(%arg31 : memref<128xi32, #tpu.memory_space<vmem>>)
          tpu.yield
        }) : () -> ()
        %dma_start3A = arith.constant 0 : i32
        %dma_start3A_138 = arith.constant 0 : i32
        %dma_start3A_139 = tpu.memref_slice %arg4[%dma_start3A, %dma_start3A_138] : memref<10112x32xf32, #tpu.memory_space<hbm>> -> memref<10112x32xf32, #tpu.memory_space<hbm>>
        tpu.enqueue_indirect_dma source(%dma_start3A_139 : memref<10112x32xf32, #tpu.memory_space<hbm>>) target(%arg23 : memref<128x32xf32, #tpu.memory_space<vmem>>) offsets(%arg29 : memref<128xi32, #tpu.memory_space<vmem>>) semaphore(%arg33 : memref<!tpu.dma_semaphore, #tpu.memory_space<semaphore_mem>>)
        %dma_wait3A = arith.constant 0 : i32
        %dma_wait3A_140 = arith.constant 0 : i32
        %dma_wait3A_141 = tpu.memref_slice %arg4[%dma_wait3A, %dma_wait3A_140] : memref<10112x32xf32, #tpu.memory_space<hbm>> -> memref<10112x32xf32, #tpu.memory_space<hbm>>
        tpu.wait_indirect_dma semaphore(%arg33 : memref<!tpu.dma_semaphore, #tpu.memory_space<semaphore_mem>>) src(%dma_wait3A_141 : memref<10112x32xf32, #tpu.memory_space<hbm>>) dst(%arg23 : memref<128x32xf32, #tpu.memory_space<vmem>>)
        "tpu.region"() ({
          %run_scoped3A = tpu.sem_alloc : memref<!tpu.dma_semaphore, #tpu.memory_space<semaphore_mem>>
          %dma_start3A_142 = arith.constant 0 : i32
          %dma_start3A_143 = arith.constant 0 : i32
          %dma_start3A_144 = tpu.memref_slice %arg37[%dma_start3A_142, %dma_start3A_143] : memref<20096x32xf32, #tpu.memory_space<vmem_shared>> -> memref<20096x32xf32, #tpu.memory_space<vmem_shared>>
          tpu.enqueue_indirect_dma source(%arg23 : memref<128x32xf32, #tpu.memory_space<vmem>>) target(%dma_start3A_144 : memref<20096x32xf32, #tpu.memory_space<vmem_shared>>) offsets(%arg31 : memref<128xi32, #tpu.memory_space<vmem>>) semaphore(%run_scoped3A : memref<!tpu.dma_semaphore, #tpu.memory_space<semaphore_mem>>) {add = true}
          %dma_wait3A_145 = arith.constant 0 : i32
          %dma_wait3A_146 = arith.constant 0 : i32
          %dma_wait3A_147 = tpu.memref_slice %arg37[%dma_wait3A_145, %dma_wait3A_146] : memref<20096x32xf32, #tpu.memory_space<vmem_shared>> -> memref<20096x32xf32, #tpu.memory_space<vmem_shared>>
          tpu.wait_indirect_dma semaphore(%run_scoped3A : memref<!tpu.dma_semaphore, #tpu.memory_space<semaphore_mem>>) src(%arg23 : memref<128x32xf32, #tpu.memory_space<vmem>>) dst(%dma_wait3A_147 : memref<20096x32xf32, #tpu.memory_space<vmem_shared>>)
          tpu.yield
        }) : () -> ()
      } else {
      }
    }
    %scan3A_59 = arith.constant 40 : i32
    %barrier3A_60 = arith.constant 0 : index
    tpu.barrier barrier_id(%barrier3A_60)
    %scan3A_61 = arith.constant 0 : i32
    %scan3A_62 = arith.constant 0 : i32
    %scan3A_63 = arith.constant 10 : i32
    %scan3A_64 = arith.addi %scan3A_62, %scan3A_63 : i32
    %scan3A_65 = arith.constant 1 : i32
    scf.for %scan3A_123 = %scan3A_62 to %scan3A_64 step %scan3A_65  : i32 {
      %mul3A_124 = arith.constant 16 : i32
      %mul3A_125 = arith.muli %mul3A_124, %scan3A_123 : i32
      %add3A = arith.addi %arg1, %mul3A_125 : i32
      %lt3A = arith.constant 156 : i32
      %lt3A_126 = arith.cmpi slt, %add3A, %lt3A : i32
      %convert_element_type3A_127 = arith.extui %lt3A_126 : i1 to i32
      %cond3A_128 = arith.constant 0 : i32
      %cond3A_129 = arith.cmpi ne, %convert_element_type3A_127, %cond3A_128 : i32
      scf.if %cond3A_129 {
        %mul3A_130 = arith.constant 128 : i32
        %mul3A_131 = arith.muli %mul3A_130, %add3A : i32
        %mul3A_132 = arith.constant 128 : i32
        %mul3A_133 = arith.muli %mul3A_132, %add3A : i32
        "tpu.region"() ({
          %run_scoped3A = tpu.sem_alloc : memref<!tpu.dma_semaphore, #tpu.memory_space<semaphore_mem>>
          %dma_start3A = arith.constant 0 : i32
          %dma_start3A_134 = tpu.memref_slice %arg16[%arg0, %mul3A_133, %dma_start3A] : memref<2x20000x32xf32, #tpu.memory_space<hbm>> -> memref<1x128x32xf32, #tpu.memory_space<hbm>>
          %dma_start3A_135 = tpu.memref_squeeze %dma_start3A_134 : memref<1x128x32xf32, #tpu.memory_space<hbm>> -> memref<128x32xf32, #tpu.memory_space<hbm>>
          %dma_start3A_136 = arith.constant 0 : i32
          %dma_start3A_137 = tpu.memref_slice %arg37[%mul3A_131, %dma_start3A_136] : memref<20096x32xf32, #tpu.memory_space<vmem_shared>> -> memref<128x32xf32, #tpu.memory_space<vmem_shared>>
          tpu.enqueue_dma source(%dma_start3A_137 : memref<128x32xf32, #tpu.memory_space<vmem_shared>>) target(%dma_start3A_135 : memref<128x32xf32, #tpu.memory_space<hbm>>) target_semaphore(%run_scoped3A : memref<!tpu.dma_semaphore, #tpu.memory_space<semaphore_mem>>)
          %dma_wait3A = arith.constant 0 : i32
          %dma_wait3A_138 = tpu.memref_slice %arg16[%arg0, %mul3A_133, %dma_wait3A] : memref<2x20000x32xf32, #tpu.memory_space<hbm>> -> memref<1x128x32xf32, #tpu.memory_space<hbm>>
          %dma_wait3A_139 = tpu.memref_squeeze %dma_wait3A_138 : memref<1x128x32xf32, #tpu.memory_space<hbm>> -> memref<128x32xf32, #tpu.memory_space<hbm>>
          %dma_wait3A_140 = arith.constant 0 : i32
          %dma_wait3A_141 = tpu.memref_slice %arg37[%mul3A_131, %dma_wait3A_140] : memref<20096x32xf32, #tpu.memory_space<vmem_shared>> -> memref<128x32xf32, #tpu.memory_space<vmem_shared>>
          tpu.wait_dma2 semaphore(%run_scoped3A : memref<!tpu.dma_semaphore, #tpu.memory_space<semaphore_mem>>) src(%dma_wait3A_141 : memref<128x32xf32, #tpu.memory_space<vmem_shared>>) dst(%dma_wait3A_139 : memref<128x32xf32, #tpu.memory_space<hbm>>)
          tpu.yield
        }) : () -> ()
      } else {
      }
    }
    %scan3A_66 = arith.constant 10 : i32
    %eq3A_67 = arith.constant 15 : i32
    %eq3A_68 = arith.cmpi eq, %arg1, %eq3A_67 : i32
    %convert_element_type3A_69 = arith.extui %eq3A_68 : i1 to i32
    %cond3A_70 = arith.constant 0 : i32
    %cond3A_71 = arith.cmpi ne, %convert_element_type3A_69, %cond3A_70 : i32
    scf.if %cond3A_71 {
      "tpu.region"() ({
        %run_scoped3A = tpu.sem_alloc : memref<!tpu.dma_semaphore, #tpu.memory_space<semaphore_mem>>
        %dma_start3A = arith.constant 19968 : i32
        %dma_start3A_123 = arith.constant 0 : i32
        %dma_start3A_124 = tpu.memref_slice %arg16[%arg0, %dma_start3A, %dma_start3A_123] : memref<2x20000x32xf32, #tpu.memory_space<hbm>> -> memref<1x32x32xf32, #tpu.memory_space<hbm>>
        %dma_start3A_125 = tpu.memref_squeeze %dma_start3A_124 : memref<1x32x32xf32, #tpu.memory_space<hbm>> -> memref<32x32xf32, #tpu.memory_space<hbm>>
        %dma_start3A_126 = arith.constant 19968 : i32
        %dma_start3A_127 = arith.constant 0 : i32
        %dma_start3A_128 = tpu.memref_slice %arg37[%dma_start3A_126, %dma_start3A_127] : memref<20096x32xf32, #tpu.memory_space<vmem_shared>> -> memref<32x32xf32, #tpu.memory_space<vmem_shared>>
        tpu.enqueue_dma source(%dma_start3A_128 : memref<32x32xf32, #tpu.memory_space<vmem_shared>>) target(%dma_start3A_125 : memref<32x32xf32, #tpu.memory_space<hbm>>) target_semaphore(%run_scoped3A : memref<!tpu.dma_semaphore, #tpu.memory_space<semaphore_mem>>)
        %dma_wait3A = arith.constant 19968 : i32
        %dma_wait3A_129 = arith.constant 0 : i32
        %dma_wait3A_130 = tpu.memref_slice %arg16[%arg0, %dma_wait3A, %dma_wait3A_129] : memref<2x20000x32xf32, #tpu.memory_space<hbm>> -> memref<1x32x32xf32, #tpu.memory_space<hbm>>
        %dma_wait3A_131 = tpu.memref_squeeze %dma_wait3A_130 : memref<1x32x32xf32, #tpu.memory_space<hbm>> -> memref<32x32xf32, #tpu.memory_space<hbm>>
        %dma_wait3A_132 = arith.constant 19968 : i32
        %dma_wait3A_133 = arith.constant 0 : i32
        %dma_wait3A_134 = tpu.memref_slice %arg37[%dma_wait3A_132, %dma_wait3A_133] : memref<20096x32xf32, #tpu.memory_space<vmem_shared>> -> memref<32x32xf32, #tpu.memory_space<vmem_shared>>
        tpu.wait_dma2 semaphore(%run_scoped3A : memref<!tpu.dma_semaphore, #tpu.memory_space<semaphore_mem>>) src(%dma_wait3A_134 : memref<32x32xf32, #tpu.memory_space<vmem_shared>>) dst(%dma_wait3A_131 : memref<32x32xf32, #tpu.memory_space<hbm>>)
        tpu.yield
      }) : () -> ()
    } else {
    }
    %barrier3A_72 = arith.constant 0 : index
    tpu.barrier barrier_id(%barrier3A_72)
    %scan3A_73 = arith.constant 0 : i32
    %scan3A_74 = arith.constant 0 : i32
    %scan3A_75 = arith.constant 10 : i32
    %scan3A_76 = arith.addi %scan3A_74, %scan3A_75 : i32
    %scan3A_77 = arith.constant 1 : i32
    scf.for %scan3A_123 = %scan3A_74 to %scan3A_76 step %scan3A_77  : i32 {
      %mul3A_124 = arith.constant 16 : i32
      %mul3A_125 = arith.muli %mul3A_124, %scan3A_123 : i32
      %add3A = arith.addi %arg1, %mul3A_125 : i32
      %lt3A = arith.constant 157 : i32
      %lt3A_126 = arith.cmpi slt, %add3A, %lt3A : i32
      %convert_element_type3A_127 = arith.extui %lt3A_126 : i1 to i32
      %cond3A_128 = arith.constant 0 : i32
      %cond3A_129 = arith.cmpi ne, %convert_element_type3A_127, %cond3A_128 : i32
      scf.if %cond3A_129 {
        %mul3A_130 = arith.constant 128 : i32
        %mul3A_131 = arith.muli %mul3A_130, %add3A : i32
        "tpu.region"() ({
          %run_scoped3A = tpu.sem_alloc : memref<!tpu.dma_semaphore, #tpu.memory_space<semaphore_mem>>
          %dma_start3A = arith.constant 0 : i32
          %dma_start3A_132 = tpu.memref_slice %arg37[%mul3A_131, %dma_start3A] : memref<20096x32xf32, #tpu.memory_space<vmem_shared>> -> memref<128x32xf32, #tpu.memory_space<vmem_shared>>
          %dma_start3A_133 = arith.constant 0 : i32
          %dma_start3A_134 = tpu.memref_slice %arg37[%mul3A_131, %dma_start3A_133] : memref<20096x32xf32, #tpu.memory_space<vmem_shared>> -> memref<128x32xf32, #tpu.memory_space<vmem_shared>>
          tpu.enqueue_dma source(%arg26 : memref<128x32xf32, #tpu.memory_space<vmem>>) target(%dma_start3A_134 : memref<128x32xf32, #tpu.memory_space<vmem_shared>>) target_semaphore(%run_scoped3A : memref<!tpu.dma_semaphore, #tpu.memory_space<semaphore_mem>>)
          %dma_wait3A = arith.constant 0 : i32
          %dma_wait3A_135 = tpu.memref_slice %arg37[%mul3A_131, %dma_wait3A] : memref<20096x32xf32, #tpu.memory_space<vmem_shared>> -> memref<128x32xf32, #tpu.memory_space<vmem_shared>>
          %dma_wait3A_136 = arith.constant 0 : i32
          %dma_wait3A_137 = tpu.memref_slice %arg37[%mul3A_131, %dma_wait3A_136] : memref<20096x32xf32, #tpu.memory_space<vmem_shared>> -> memref<128x32xf32, #tpu.memory_space<vmem_shared>>
          tpu.wait_dma2 semaphore(%run_scoped3A : memref<!tpu.dma_semaphore, #tpu.memory_space<semaphore_mem>>) src(%arg26 : memref<128x32xf32, #tpu.memory_space<vmem>>) dst(%dma_wait3A_137 : memref<128x32xf32, #tpu.memory_space<vmem_shared>>)
          tpu.yield
        }) : () -> ()
      } else {
      }
    }
    %scan3A_78 = arith.constant 10 : i32
    %barrier3A_79 = arith.constant 0 : index
    tpu.barrier barrier_id(%barrier3A_79)
    %scan3A_80 = arith.constant 0 : i32
    %scan3A_81 = arith.constant 0 : i32
    %scan3A_82 = arith.constant 40 : i32
    %scan3A_83 = arith.addi %scan3A_81, %scan3A_82 : i32
    %scan3A_84 = arith.constant 1 : i32
    scf.for %scan3A_123 = %scan3A_81 to %scan3A_83 step %scan3A_84  : i32 {
      %mul3A_124 = arith.constant 625 : i32
      %mul3A_125 = arith.muli %mul3A_124, %arg0 : i32
      %add3A = arith.addi %mul3A_125, %arg1 : i32
      %mul3A_126 = arith.constant 16 : i32
      %mul3A_127 = arith.muli %mul3A_126, %scan3A_123 : i32
      %add3A_128 = arith.addi %add3A, %mul3A_127 : i32
      %add3A_129 = arith.constant 1 : i32
      %add3A_130 = arith.addi %arg0, %add3A_129 : i32
      %mul3A_131 = arith.constant 625 : i32
      %mul3A_132 = arith.muli %mul3A_131, %add3A_130 : i32
      %lt3A = arith.cmpi slt, %add3A_128, %mul3A_132 : i32
      %convert_element_type3A_133 = arith.extui %lt3A : i1 to i32
      %cond3A_134 = arith.constant 0 : i32
      %cond3A_135 = arith.cmpi ne, %convert_element_type3A_133, %cond3A_134 : i32
      scf.if %cond3A_135 {
        %mul3A_136 = arith.constant 128 : i32
        %mul3A_137 = arith.muli %mul3A_136, %add3A_128 : i32
        "tpu.region"() ({
          %run_scoped3A = tpu.sem_alloc : memref<!tpu.dma_semaphore, #tpu.memory_space<semaphore_mem>>
          %dma_start3A_142 = tpu.memref_slice %arg7[%mul3A_137] : memref<163840xi32, #tpu.memory_space<hbm>> -> memref<128xi32, #tpu.memory_space<hbm>>
          %dma_start3A_143 = tpu.memref_slice %arg7[%mul3A_137] : memref<163840xi32, #tpu.memory_space<hbm>> -> memref<128xi32, #tpu.memory_space<hbm>>
          tpu.enqueue_dma source(%dma_start3A_143 : memref<128xi32, #tpu.memory_space<hbm>>) target(%arg29 : memref<128xi32, #tpu.memory_space<vmem>>) target_semaphore(%run_scoped3A : memref<!tpu.dma_semaphore, #tpu.memory_space<semaphore_mem>>)
          %dma_wait3A_144 = tpu.memref_slice %arg7[%mul3A_137] : memref<163840xi32, #tpu.memory_space<hbm>> -> memref<128xi32, #tpu.memory_space<hbm>>
          %dma_wait3A_145 = tpu.memref_slice %arg7[%mul3A_137] : memref<163840xi32, #tpu.memory_space<hbm>> -> memref<128xi32, #tpu.memory_space<hbm>>
          tpu.wait_dma2 semaphore(%run_scoped3A : memref<!tpu.dma_semaphore, #tpu.memory_space<semaphore_mem>>) src(%dma_wait3A_145 : memref<128xi32, #tpu.memory_space<hbm>>) dst(%arg29 : memref<128xi32, #tpu.memory_space<vmem>>)
          tpu.yield
        }) : () -> ()
        "tpu.region"() ({
          %run_scoped3A = tpu.sem_alloc : memref<!tpu.dma_semaphore, #tpu.memory_space<semaphore_mem>>
          %dma_start3A_142 = tpu.memref_slice %arg8[%mul3A_137] : memref<163840xi32, #tpu.memory_space<hbm>> -> memref<128xi32, #tpu.memory_space<hbm>>
          %dma_start3A_143 = tpu.memref_slice %arg8[%mul3A_137] : memref<163840xi32, #tpu.memory_space<hbm>> -> memref<128xi32, #tpu.memory_space<hbm>>
          tpu.enqueue_dma source(%dma_start3A_143 : memref<128xi32, #tpu.memory_space<hbm>>) target(%arg31 : memref<128xi32, #tpu.memory_space<vmem>>) target_semaphore(%run_scoped3A : memref<!tpu.dma_semaphore, #tpu.memory_space<semaphore_mem>>)
          %dma_wait3A_144 = tpu.memref_slice %arg8[%mul3A_137] : memref<163840xi32, #tpu.memory_space<hbm>> -> memref<128xi32, #tpu.memory_space<hbm>>
          %dma_wait3A_145 = tpu.memref_slice %arg8[%mul3A_137] : memref<163840xi32, #tpu.memory_space<hbm>> -> memref<128xi32, #tpu.memory_space<hbm>>
          tpu.wait_dma2 semaphore(%run_scoped3A : memref<!tpu.dma_semaphore, #tpu.memory_space<semaphore_mem>>) src(%dma_wait3A_145 : memref<128xi32, #tpu.memory_space<hbm>>) dst(%arg31 : memref<128xi32, #tpu.memory_space<vmem>>)
          tpu.yield
        }) : () -> ()
        %dma_start3A = arith.constant 0 : i32
        %dma_start3A_138 = arith.constant 0 : i32
        %dma_start3A_139 = tpu.memref_slice %arg5[%dma_start3A, %dma_start3A_138] : memref<10112x32xf32, #tpu.memory_space<hbm>> -> memref<10112x32xf32, #tpu.memory_space<hbm>>
        tpu.enqueue_indirect_dma source(%dma_start3A_139 : memref<10112x32xf32, #tpu.memory_space<hbm>>) target(%arg23 : memref<128x32xf32, #tpu.memory_space<vmem>>) offsets(%arg29 : memref<128xi32, #tpu.memory_space<vmem>>) semaphore(%arg33 : memref<!tpu.dma_semaphore, #tpu.memory_space<semaphore_mem>>)
        %dma_wait3A = arith.constant 0 : i32
        %dma_wait3A_140 = arith.constant 0 : i32
        %dma_wait3A_141 = tpu.memref_slice %arg5[%dma_wait3A, %dma_wait3A_140] : memref<10112x32xf32, #tpu.memory_space<hbm>> -> memref<10112x32xf32, #tpu.memory_space<hbm>>
        tpu.wait_indirect_dma semaphore(%arg33 : memref<!tpu.dma_semaphore, #tpu.memory_space<semaphore_mem>>) src(%dma_wait3A_141 : memref<10112x32xf32, #tpu.memory_space<hbm>>) dst(%arg23 : memref<128x32xf32, #tpu.memory_space<vmem>>)
        "tpu.region"() ({
          %run_scoped3A = tpu.sem_alloc : memref<!tpu.dma_semaphore, #tpu.memory_space<semaphore_mem>>
          %dma_start3A_142 = arith.constant 0 : i32
          %dma_start3A_143 = arith.constant 0 : i32
          %dma_start3A_144 = tpu.memref_slice %arg37[%dma_start3A_142, %dma_start3A_143] : memref<20096x32xf32, #tpu.memory_space<vmem_shared>> -> memref<20096x32xf32, #tpu.memory_space<vmem_shared>>
          tpu.enqueue_indirect_dma source(%arg23 : memref<128x32xf32, #tpu.memory_space<vmem>>) target(%dma_start3A_144 : memref<20096x32xf32, #tpu.memory_space<vmem_shared>>) offsets(%arg31 : memref<128xi32, #tpu.memory_space<vmem>>) semaphore(%run_scoped3A : memref<!tpu.dma_semaphore, #tpu.memory_space<semaphore_mem>>) {add = true}
          %dma_wait3A_145 = arith.constant 0 : i32
          %dma_wait3A_146 = arith.constant 0 : i32
          %dma_wait3A_147 = tpu.memref_slice %arg37[%dma_wait3A_145, %dma_wait3A_146] : memref<20096x32xf32, #tpu.memory_space<vmem_shared>> -> memref<20096x32xf32, #tpu.memory_space<vmem_shared>>
          tpu.wait_indirect_dma semaphore(%run_scoped3A : memref<!tpu.dma_semaphore, #tpu.memory_space<semaphore_mem>>) src(%arg23 : memref<128x32xf32, #tpu.memory_space<vmem>>) dst(%dma_wait3A_147 : memref<20096x32xf32, #tpu.memory_space<vmem_shared>>)
          tpu.yield
        }) : () -> ()
      } else {
      }
    }
    %scan3A_85 = arith.constant 40 : i32
    %barrier3A_86 = arith.constant 0 : index
    tpu.barrier barrier_id(%barrier3A_86)
    %scan3A_87 = arith.constant 0 : i32
    %scan3A_88 = arith.constant 0 : i32
    %scan3A_89 = arith.constant 10 : i32
    %scan3A_90 = arith.addi %scan3A_88, %scan3A_89 : i32
    %scan3A_91 = arith.constant 1 : i32
    scf.for %scan3A_123 = %scan3A_88 to %scan3A_90 step %scan3A_91  : i32 {
      %mul3A_124 = arith.constant 16 : i32
      %mul3A_125 = arith.muli %mul3A_124, %scan3A_123 : i32
      %add3A = arith.addi %arg1, %mul3A_125 : i32
      %lt3A = arith.constant 156 : i32
      %lt3A_126 = arith.cmpi slt, %add3A, %lt3A : i32
      %convert_element_type3A_127 = arith.extui %lt3A_126 : i1 to i32
      %cond3A_128 = arith.constant 0 : i32
      %cond3A_129 = arith.cmpi ne, %convert_element_type3A_127, %cond3A_128 : i32
      scf.if %cond3A_129 {
        %mul3A_130 = arith.constant 128 : i32
        %mul3A_131 = arith.muli %mul3A_130, %add3A : i32
        %mul3A_132 = arith.constant 128 : i32
        %mul3A_133 = arith.muli %mul3A_132, %add3A : i32
        "tpu.region"() ({
          %run_scoped3A = tpu.sem_alloc : memref<!tpu.dma_semaphore, #tpu.memory_space<semaphore_mem>>
          %dma_start3A = arith.constant 0 : i32
          %dma_start3A_134 = tpu.memref_slice %arg17[%arg0, %mul3A_133, %dma_start3A] : memref<2x20000x32xf32, #tpu.memory_space<hbm>> -> memref<1x128x32xf32, #tpu.memory_space<hbm>>
          %dma_start3A_135 = tpu.memref_squeeze %dma_start3A_134 : memref<1x128x32xf32, #tpu.memory_space<hbm>> -> memref<128x32xf32, #tpu.memory_space<hbm>>
          %dma_start3A_136 = arith.constant 0 : i32
          %dma_start3A_137 = tpu.memref_slice %arg37[%mul3A_131, %dma_start3A_136] : memref<20096x32xf32, #tpu.memory_space<vmem_shared>> -> memref<128x32xf32, #tpu.memory_space<vmem_shared>>
          tpu.enqueue_dma source(%dma_start3A_137 : memref<128x32xf32, #tpu.memory_space<vmem_shared>>) target(%dma_start3A_135 : memref<128x32xf32, #tpu.memory_space<hbm>>) target_semaphore(%run_scoped3A : memref<!tpu.dma_semaphore, #tpu.memory_space<semaphore_mem>>)
          %dma_wait3A = arith.constant 0 : i32
          %dma_wait3A_138 = tpu.memref_slice %arg17[%arg0, %mul3A_133, %dma_wait3A] : memref<2x20000x32xf32, #tpu.memory_space<hbm>> -> memref<1x128x32xf32, #tpu.memory_space<hbm>>
          %dma_wait3A_139 = tpu.memref_squeeze %dma_wait3A_138 : memref<1x128x32xf32, #tpu.memory_space<hbm>> -> memref<128x32xf32, #tpu.memory_space<hbm>>
          %dma_wait3A_140 = arith.constant 0 : i32
          %dma_wait3A_141 = tpu.memref_slice %arg37[%mul3A_131, %dma_wait3A_140] : memref<20096x32xf32, #tpu.memory_space<vmem_shared>> -> memref<128x32xf32, #tpu.memory_space<vmem_shared>>
          tpu.wait_dma2 semaphore(%run_scoped3A : memref<!tpu.dma_semaphore, #tpu.memory_space<semaphore_mem>>) src(%dma_wait3A_141 : memref<128x32xf32, #tpu.memory_space<vmem_shared>>) dst(%dma_wait3A_139 : memref<128x32xf32, #tpu.memory_space<hbm>>)
          tpu.yield
        }) : () -> ()
      } else {
      }
    }
    %scan3A_92 = arith.constant 10 : i32
    %eq3A_93 = arith.constant 15 : i32
    %eq3A_94 = arith.cmpi eq, %arg1, %eq3A_93 : i32
    %convert_element_type3A_95 = arith.extui %eq3A_94 : i1 to i32
    %cond3A_96 = arith.constant 0 : i32
    %cond3A_97 = arith.cmpi ne, %convert_element_type3A_95, %cond3A_96 : i32
    scf.if %cond3A_97 {
      "tpu.region"() ({
        %run_scoped3A = tpu.sem_alloc : memref<!tpu.dma_semaphore, #tpu.memory_space<semaphore_mem>>
        %dma_start3A = arith.constant 19968 : i32
        %dma_start3A_123 = arith.constant 0 : i32
        %dma_start3A_124 = tpu.memref_slice %arg17[%arg0, %dma_start3A, %dma_start3A_123] : memref<2x20000x32xf32, #tpu.memory_space<hbm>> -> memref<1x32x32xf32, #tpu.memory_space<hbm>>
        %dma_start3A_125 = tpu.memref_squeeze %dma_start3A_124 : memref<1x32x32xf32, #tpu.memory_space<hbm>> -> memref<32x32xf32, #tpu.memory_space<hbm>>
        %dma_start3A_126 = arith.constant 19968 : i32
        %dma_start3A_127 = arith.constant 0 : i32
        %dma_start3A_128 = tpu.memref_slice %arg37[%dma_start3A_126, %dma_start3A_127] : memref<20096x32xf32, #tpu.memory_space<vmem_shared>> -> memref<32x32xf32, #tpu.memory_space<vmem_shared>>
        tpu.enqueue_dma source(%dma_start3A_128 : memref<32x32xf32, #tpu.memory_space<vmem_shared>>) target(%dma_start3A_125 : memref<32x32xf32, #tpu.memory_space<hbm>>) target_semaphore(%run_scoped3A : memref<!tpu.dma_semaphore, #tpu.memory_space<semaphore_mem>>)
        %dma_wait3A = arith.constant 19968 : i32
        %dma_wait3A_129 = arith.constant 0 : i32
        %dma_wait3A_130 = tpu.memref_slice %arg17[%arg0, %dma_wait3A, %dma_wait3A_129] : memref<2x20000x32xf32, #tpu.memory_space<hbm>> -> memref<1x32x32xf32, #tpu.memory_space<hbm>>
        %dma_wait3A_131 = tpu.memref_squeeze %dma_wait3A_130 : memref<1x32x32xf32, #tpu.memory_space<hbm>> -> memref<32x32xf32, #tpu.memory_space<hbm>>
        %dma_wait3A_132 = arith.constant 19968 : i32
        %dma_wait3A_133 = arith.constant 0 : i32
        %dma_wait3A_134 = tpu.memref_slice %arg37[%dma_wait3A_132, %dma_wait3A_133] : memref<20096x32xf32, #tpu.memory_space<vmem_shared>> -> memref<32x32xf32, #tpu.memory_space<vmem_shared>>
        tpu.wait_dma2 semaphore(%run_scoped3A : memref<!tpu.dma_semaphore, #tpu.memory_space<semaphore_mem>>) src(%dma_wait3A_134 : memref<32x32xf32, #tpu.memory_space<vmem_shared>>) dst(%dma_wait3A_131 : memref<32x32xf32, #tpu.memory_space<hbm>>)
        tpu.yield
      }) : () -> ()
    } else {
    }
    %barrier3A_98 = arith.constant 0 : index
    tpu.barrier barrier_id(%barrier3A_98)
    %mul3A = arith.constant 128 : i32
    %mul3A_99 = arith.muli %mul3A, %arg1 : i32
    "tpu.region"() ({
      %run_scoped3A = tpu.sem_alloc : memref<!tpu.dma_semaphore, #tpu.memory_space<semaphore_mem>>
      %dma_start3A = arith.constant 0 : i32
      %dma_start3A_123 = tpu.memref_slice %arg38[%mul3A_99, %dma_start3A] : memref<2048x128xf32, #tpu.memory_space<vmem_shared>> -> memref<128x128xf32, #tpu.memory_space<vmem_shared>>
      %dma_start3A_124 = arith.constant 0 : i32
      %dma_start3A_125 = tpu.memref_slice %arg38[%mul3A_99, %dma_start3A_124] : memref<2048x128xf32, #tpu.memory_space<vmem_shared>> -> memref<128x128xf32, #tpu.memory_space<vmem_shared>>
      tpu.enqueue_dma source(%arg25 : memref<128x128xf32, #tpu.memory_space<vmem>>) target(%dma_start3A_125 : memref<128x128xf32, #tpu.memory_space<vmem_shared>>) target_semaphore(%run_scoped3A : memref<!tpu.dma_semaphore, #tpu.memory_space<semaphore_mem>>)
      %dma_wait3A = arith.constant 0 : i32
      %dma_wait3A_126 = tpu.memref_slice %arg38[%mul3A_99, %dma_wait3A] : memref<2048x128xf32, #tpu.memory_space<vmem_shared>> -> memref<128x128xf32, #tpu.memory_space<vmem_shared>>
      %dma_wait3A_127 = arith.constant 0 : i32
      %dma_wait3A_128 = tpu.memref_slice %arg38[%mul3A_99, %dma_wait3A_127] : memref<2048x128xf32, #tpu.memory_space<vmem_shared>> -> memref<128x128xf32, #tpu.memory_space<vmem_shared>>
      tpu.wait_dma2 semaphore(%run_scoped3A : memref<!tpu.dma_semaphore, #tpu.memory_space<semaphore_mem>>) src(%arg25 : memref<128x128xf32, #tpu.memory_space<vmem>>) dst(%dma_wait3A_128 : memref<128x128xf32, #tpu.memory_space<vmem_shared>>)
      tpu.yield
    }) : () -> ()
    %eq3A_100 = arith.constant 8 : i32
    %eq3A_101 = arith.cmpi eq, %arg1, %eq3A_100 : i32
    %convert_element_type3A_102 = arith.extui %eq3A_101 : i1 to i32
    %cond3A_103 = arith.constant 0 : i32
    %cond3A_104 = arith.cmpi ne, %convert_element_type3A_102, %cond3A_103 : i32
    scf.if %cond3A_104 {
      %scan3A_123 = arith.constant 0 : i32
      %scan3A_124 = arith.constant 0 : i32
      %scan3A_125 = arith.constant 16 : i32
      %scan3A_126 = arith.addi %scan3A_124, %scan3A_125 : i32
      %scan3A_127 = arith.constant 1 : i32
      scf.for %scan3A_129 = %scan3A_124 to %scan3A_126 step %scan3A_127  : i32 {
        %mul3A_130 = arith.constant 128 : i32
        %mul3A_131 = arith.muli %mul3A_130, %scan3A_129 : i32
        "tpu.region"() ({
          %run_scoped3A = tpu.sem_alloc : memref<!tpu.dma_semaphore, #tpu.memory_space<semaphore_mem>>
          %dma_start3A = arith.constant 0 : i32
          %dma_start3A_132 = tpu.memref_slice %arg39[%mul3A_131, %dma_start3A] : memref<2048x16xf32, #tpu.memory_space<vmem_shared>> -> memref<128x16xf32, #tpu.memory_space<vmem_shared>>
          %dma_start3A_133 = arith.constant 0 : i32
          %dma_start3A_134 = tpu.memref_slice %arg39[%mul3A_131, %dma_start3A_133] : memref<2048x16xf32, #tpu.memory_space<vmem_shared>> -> memref<128x16xf32, #tpu.memory_space<vmem_shared>>
          tpu.enqueue_dma source(%arg27 : memref<128x16xf32, #tpu.memory_space<vmem>>) target(%dma_start3A_134 : memref<128x16xf32, #tpu.memory_space<vmem_shared>>) target_semaphore(%run_scoped3A : memref<!tpu.dma_semaphore, #tpu.memory_space<semaphore_mem>>)
          %dma_wait3A = arith.constant 0 : i32
          %dma_wait3A_135 = tpu.memref_slice %arg39[%mul3A_131, %dma_wait3A] : memref<2048x16xf32, #tpu.memory_space<vmem_shared>> -> memref<128x16xf32, #tpu.memory_space<vmem_shared>>
          %dma_wait3A_136 = arith.constant 0 : i32
          %dma_wait3A_137 = tpu.memref_slice %arg39[%mul3A_131, %dma_wait3A_136] : memref<2048x16xf32, #tpu.memory_space<vmem_shared>> -> memref<128x16xf32, #tpu.memory_space<vmem_shared>>
          tpu.wait_dma2 semaphore(%run_scoped3A : memref<!tpu.dma_semaphore, #tpu.memory_space<semaphore_mem>>) src(%arg27 : memref<128x16xf32, #tpu.memory_space<vmem>>) dst(%dma_wait3A_137 : memref<128x16xf32, #tpu.memory_space<vmem_shared>>)
          tpu.yield
        }) : () -> ()
      }
      %scan3A_128 = arith.constant 16 : i32
    } else {
    }
    %barrier3A_105 = arith.constant 0 : index
    tpu.barrier barrier_id(%barrier3A_105)
    %scan3A_106 = arith.constant 0 : i32
    %scan3A_107 = arith.constant 0 : i32
    %scan3A_108 = arith.constant 3 : i32
    %scan3A_109 = arith.addi %scan3A_107, %scan3A_108 : i32
    %scan3A_110 = arith.constant 1 : i32
    scf.for %scan3A_123 = %scan3A_107 to %scan3A_109 step %scan3A_110  : i32 {
      %mul3A_124 = arith.constant 40 : i32
      %mul3A_125 = arith.muli %mul3A_124, %arg0 : i32
      %add3A = arith.addi %mul3A_125, %arg1 : i32
      %mul3A_126 = arith.constant 16 : i32
      %mul3A_127 = arith.muli %mul3A_126, %scan3A_123 : i32
      %add3A_128 = arith.addi %add3A, %mul3A_127 : i32
      %mul3A_129 = arith.constant 40 : i32
      %mul3A_130 = arith.muli %mul3A_129, %arg0 : i32
      %add3A_131 = arith.constant 40 : i32
      %add3A_132 = arith.addi %mul3A_130, %add3A_131 : i32
      %lt3A = arith.cmpi slt, %add3A_128, %add3A_132 : i32
      %lt3A_133 = arith.constant 79 : i32
      %lt3A_134 = arith.cmpi slt, %add3A_128, %lt3A_133 : i32
      %and3A = arith.andi %lt3A, %lt3A_134 : i1
      %convert_element_type3A_135 = arith.extui %and3A : i1 to i32
      %cond3A_136 = arith.constant 0 : i32
      %cond3A_137 = arith.cmpi ne, %convert_element_type3A_135, %cond3A_136 : i32
      scf.if %cond3A_137 {
        %mul3A_138 = arith.constant 128 : i32
        %mul3A_139 = arith.muli %mul3A_138, %add3A_128 : i32
        "tpu.region"() ({
          %run_scoped3A = tpu.sem_alloc : memref<!tpu.dma_semaphore, #tpu.memory_space<semaphore_mem>>
          %dma_start3A = arith.constant 0 : i32
          %dma_start3A_140 = tpu.memref_slice %arg6[%mul3A_139, %dma_start3A] : memref<10112x128xf32, #tpu.memory_space<hbm>> -> memref<128x128xf32, #tpu.memory_space<hbm>>
          %dma_start3A_141 = arith.constant 0 : i32
          %dma_start3A_142 = tpu.memref_slice %arg6[%mul3A_139, %dma_start3A_141] : memref<10112x128xf32, #tpu.memory_space<hbm>> -> memref<128x128xf32, #tpu.memory_space<hbm>>
          tpu.enqueue_dma source(%dma_start3A_142 : memref<128x128xf32, #tpu.memory_space<hbm>>) target(%arg22 : memref<128x128xf32, #tpu.memory_space<vmem>>) target_semaphore(%run_scoped3A : memref<!tpu.dma_semaphore, #tpu.memory_space<semaphore_mem>>)
          %dma_wait3A = arith.constant 0 : i32
          %dma_wait3A_143 = tpu.memref_slice %arg6[%mul3A_139, %dma_wait3A] : memref<10112x128xf32, #tpu.memory_space<hbm>> -> memref<128x128xf32, #tpu.memory_space<hbm>>
          %dma_wait3A_144 = arith.constant 0 : i32
          %dma_wait3A_145 = tpu.memref_slice %arg6[%mul3A_139, %dma_wait3A_144] : memref<10112x128xf32, #tpu.memory_space<hbm>> -> memref<128x128xf32, #tpu.memory_space<hbm>>
          tpu.wait_dma2 semaphore(%run_scoped3A : memref<!tpu.dma_semaphore, #tpu.memory_space<semaphore_mem>>) src(%dma_wait3A_145 : memref<128x128xf32, #tpu.memory_space<hbm>>) dst(%arg22 : memref<128x128xf32, #tpu.memory_space<vmem>>)
          tpu.yield
        }) : () -> ()
        "tpu.region"() ({
          %run_scoped3A = tpu.sem_alloc : memref<!tpu.dma_semaphore, #tpu.memory_space<semaphore_mem>>
          %dma_start3A = tpu.memref_slice %arg9[%mul3A_139] : memref<10112xi32, #tpu.memory_space<hbm>> -> memref<128xi32, #tpu.memory_space<hbm>>
          %dma_start3A_140 = tpu.memref_slice %arg9[%mul3A_139] : memref<10112xi32, #tpu.memory_space<hbm>> -> memref<128xi32, #tpu.memory_space<hbm>>
          tpu.enqueue_dma source(%dma_start3A_140 : memref<128xi32, #tpu.memory_space<hbm>>) target(%arg29 : memref<128xi32, #tpu.memory_space<vmem>>) target_semaphore(%run_scoped3A : memref<!tpu.dma_semaphore, #tpu.memory_space<semaphore_mem>>)
          %dma_wait3A = tpu.memref_slice %arg9[%mul3A_139] : memref<10112xi32, #tpu.memory_space<hbm>> -> memref<128xi32, #tpu.memory_space<hbm>>
          %dma_wait3A_141 = tpu.memref_slice %arg9[%mul3A_139] : memref<10112xi32, #tpu.memory_space<hbm>> -> memref<128xi32, #tpu.memory_space<hbm>>
          tpu.wait_dma2 semaphore(%run_scoped3A : memref<!tpu.dma_semaphore, #tpu.memory_space<semaphore_mem>>) src(%dma_wait3A_141 : memref<128xi32, #tpu.memory_space<hbm>>) dst(%arg29 : memref<128xi32, #tpu.memory_space<vmem>>)
          tpu.yield
        }) : () -> ()
        "tpu.region"() ({
          %run_scoped3A = tpu.sem_alloc : memref<!tpu.dma_semaphore, #tpu.memory_space<semaphore_mem>>
          %dma_start3A = arith.constant 0 : i32
          %dma_start3A_140 = arith.constant 0 : i32
          %dma_start3A_141 = tpu.memref_slice %arg38[%dma_start3A, %dma_start3A_140] : memref<2048x128xf32, #tpu.memory_space<vmem_shared>> -> memref<2048x128xf32, #tpu.memory_space<vmem_shared>>
          tpu.enqueue_indirect_dma source(%arg22 : memref<128x128xf32, #tpu.memory_space<vmem>>) target(%dma_start3A_141 : memref<2048x128xf32, #tpu.memory_space<vmem_shared>>) offsets(%arg29 : memref<128xi32, #tpu.memory_space<vmem>>) semaphore(%run_scoped3A : memref<!tpu.dma_semaphore, #tpu.memory_space<semaphore_mem>>) {add = true}
          %dma_wait3A = arith.constant 0 : i32
          %dma_wait3A_142 = arith.constant 0 : i32
          %dma_wait3A_143 = tpu.memref_slice %arg38[%dma_wait3A, %dma_wait3A_142] : memref<2048x128xf32, #tpu.memory_space<vmem_shared>> -> memref<2048x128xf32, #tpu.memory_space<vmem_shared>>
          tpu.wait_indirect_dma semaphore(%run_scoped3A : memref<!tpu.dma_semaphore, #tpu.memory_space<semaphore_mem>>) src(%arg22 : memref<128x128xf32, #tpu.memory_space<vmem>>) dst(%dma_wait3A_143 : memref<2048x128xf32, #tpu.memory_space<vmem_shared>>)
          tpu.yield
        }) : () -> ()
        "tpu.region"() ({
          %run_scoped3A = tpu.sem_alloc : memref<!tpu.dma_semaphore, #tpu.memory_space<semaphore_mem>>
          %dma_start3A = arith.constant 0 : i32
          %dma_start3A_140 = arith.constant 0 : i32
          %dma_start3A_141 = tpu.memref_slice %arg39[%dma_start3A, %dma_start3A_140] : memref<2048x16xf32, #tpu.memory_space<vmem_shared>> -> memref<2048x16xf32, #tpu.memory_space<vmem_shared>>
          tpu.enqueue_indirect_dma source(%arg28 : memref<128x16xf32, #tpu.memory_space<vmem>>) target(%dma_start3A_141 : memref<2048x16xf32, #tpu.memory_space<vmem_shared>>) offsets(%arg29 : memref<128xi32, #tpu.memory_space<vmem>>) semaphore(%run_scoped3A : memref<!tpu.dma_semaphore, #tpu.memory_space<semaphore_mem>>) {add = true}
          %dma_wait3A = arith.constant 0 : i32
          %dma_wait3A_142 = arith.constant 0 : i32
          %dma_wait3A_143 = tpu.memref_slice %arg39[%dma_wait3A, %dma_wait3A_142] : memref<2048x16xf32, #tpu.memory_space<vmem_shared>> -> memref<2048x16xf32, #tpu.memory_space<vmem_shared>>
          tpu.wait_indirect_dma semaphore(%run_scoped3A : memref<!tpu.dma_semaphore, #tpu.memory_space<semaphore_mem>>) src(%arg28 : memref<128x16xf32, #tpu.memory_space<vmem>>) dst(%dma_wait3A_143 : memref<2048x16xf32, #tpu.memory_space<vmem_shared>>)
          tpu.yield
        }) : () -> ()
      } else {
      }
    }
    %scan3A_111 = arith.constant 3 : i32
    %barrier3A_112 = arith.constant 0 : index
    tpu.barrier barrier_id(%barrier3A_112)
    %eq3A_113 = arith.constant 0 : i32
    %eq3A_114 = arith.cmpi eq, %arg0, %eq3A_113 : i32
    %convert_element_type3A_115 = arith.extui %eq3A_114 : i1 to i32
    %cond3A_116 = arith.constant 0 : i32
    %cond3A_117 = arith.cmpi ne, %convert_element_type3A_115, %cond3A_116 : i32
    scf.if %cond3A_117 {
      %lt3A = arith.constant 15 : i32
      %lt3A_123 = arith.cmpi slt, %arg1, %lt3A : i32
      %convert_element_type3A_124 = arith.extui %lt3A_123 : i1 to i32
      %cond3A_125 = arith.constant 0 : i32
      %cond3A_126 = arith.cmpi ne, %convert_element_type3A_124, %cond3A_125 : i32
      scf.if %cond3A_126 {
        %mul3A_132 = arith.constant 128 : i32
        %mul3A_133 = arith.muli %mul3A_132, %arg1 : i32
        %mul3A_134 = arith.constant 128 : i32
        %mul3A_135 = arith.muli %mul3A_134, %arg1 : i32
        "tpu.region"() ({
          %run_scoped3A = tpu.sem_alloc : memref<!tpu.dma_semaphore, #tpu.memory_space<semaphore_mem>>
          %dma_start3A = arith.constant 0 : i32
          %dma_start3A_136 = tpu.memref_slice %arg18[%mul3A_135, %dma_start3A] : memref<2000x128xf32, #tpu.memory_space<hbm>> -> memref<128x128xf32, #tpu.memory_space<hbm>>
          %dma_start3A_137 = arith.constant 0 : i32
          %dma_start3A_138 = tpu.memref_slice %arg38[%mul3A_133, %dma_start3A_137] : memref<2048x128xf32, #tpu.memory_space<vmem_shared>> -> memref<128x128xf32, #tpu.memory_space<vmem_shared>>
          tpu.enqueue_dma source(%dma_start3A_138 : memref<128x128xf32, #tpu.memory_space<vmem_shared>>) target(%dma_start3A_136 : memref<128x128xf32, #tpu.memory_space<hbm>>) target_semaphore(%run_scoped3A : memref<!tpu.dma_semaphore, #tpu.memory_space<semaphore_mem>>)
          %dma_wait3A = arith.constant 0 : i32
          %dma_wait3A_139 = tpu.memref_slice %arg18[%mul3A_135, %dma_wait3A] : memref<2000x128xf32, #tpu.memory_space<hbm>> -> memref<128x128xf32, #tpu.memory_space<hbm>>
          %dma_wait3A_140 = arith.constant 0 : i32
          %dma_wait3A_141 = tpu.memref_slice %arg38[%mul3A_133, %dma_wait3A_140] : memref<2048x128xf32, #tpu.memory_space<vmem_shared>> -> memref<128x128xf32, #tpu.memory_space<vmem_shared>>
          tpu.wait_dma2 semaphore(%run_scoped3A : memref<!tpu.dma_semaphore, #tpu.memory_space<semaphore_mem>>) src(%dma_wait3A_141 : memref<128x128xf32, #tpu.memory_space<vmem_shared>>) dst(%dma_wait3A_139 : memref<128x128xf32, #tpu.memory_space<hbm>>)
          tpu.yield
        }) : () -> ()
      } else {
      }
      %eq3A_127 = arith.constant 15 : i32
      %eq3A_128 = arith.cmpi eq, %arg1, %eq3A_127 : i32
      %convert_element_type3A_129 = arith.extui %eq3A_128 : i1 to i32
      %cond3A_130 = arith.constant 0 : i32
      %cond3A_131 = arith.cmpi ne, %convert_element_type3A_129, %cond3A_130 : i32
      scf.if %cond3A_131 {
        "tpu.region"() ({
          %run_scoped3A = tpu.sem_alloc : memref<!tpu.dma_semaphore, #tpu.memory_space<semaphore_mem>>
          %dma_start3A = arith.constant 1920 : i32
          %dma_start3A_132 = arith.constant 0 : i32
          %dma_start3A_133 = tpu.memref_slice %arg18[%dma_start3A, %dma_start3A_132] : memref<2000x128xf32, #tpu.memory_space<hbm>> -> memref<80x128xf32, #tpu.memory_space<hbm>>
          %dma_start3A_134 = arith.constant 1920 : i32
          %dma_start3A_135 = arith.constant 0 : i32
          %dma_start3A_136 = tpu.memref_slice %arg38[%dma_start3A_134, %dma_start3A_135] : memref<2048x128xf32, #tpu.memory_space<vmem_shared>> -> memref<80x128xf32, #tpu.memory_space<vmem_shared>>
          tpu.enqueue_dma source(%dma_start3A_136 : memref<80x128xf32, #tpu.memory_space<vmem_shared>>) target(%dma_start3A_133 : memref<80x128xf32, #tpu.memory_space<hbm>>) target_semaphore(%run_scoped3A : memref<!tpu.dma_semaphore, #tpu.memory_space<semaphore_mem>>)
          %dma_wait3A = arith.constant 1920 : i32
          %dma_wait3A_137 = arith.constant 0 : i32
          %dma_wait3A_138 = tpu.memref_slice %arg18[%dma_wait3A, %dma_wait3A_137] : memref<2000x128xf32, #tpu.memory_space<hbm>> -> memref<80x128xf32, #tpu.memory_space<hbm>>
          %dma_wait3A_139 = arith.constant 1920 : i32
          %dma_wait3A_140 = arith.constant 0 : i32
          %dma_wait3A_141 = tpu.memref_slice %arg38[%dma_wait3A_139, %dma_wait3A_140] : memref<2048x128xf32, #tpu.memory_space<vmem_shared>> -> memref<80x128xf32, #tpu.memory_space<vmem_shared>>
          tpu.wait_dma2 semaphore(%run_scoped3A : memref<!tpu.dma_semaphore, #tpu.memory_space<semaphore_mem>>) src(%dma_wait3A_141 : memref<80x128xf32, #tpu.memory_space<vmem_shared>>) dst(%dma_wait3A_138 : memref<80x128xf32, #tpu.memory_space<hbm>>)
          tpu.yield
        }) : () -> ()
        "tpu.region"() ({
          %run_scoped3A = tpu.sem_alloc : memref<!tpu.dma_semaphore, #tpu.memory_space<semaphore_mem>>
          %dma_start3A = arith.constant 0 : i32
          %dma_start3A_132 = arith.constant 0 : i32
          %dma_start3A_133 = tpu.memref_slice %arg20[%dma_start3A, %dma_start3A_132] : memref<2000x16xf32, #tpu.memory_space<hbm>> -> memref<2000x16xf32, #tpu.memory_space<hbm>>
          %dma_start3A_134 = arith.constant 0 : i32
          %dma_start3A_135 = arith.constant 0 : i32
          %dma_start3A_136 = tpu.memref_slice %arg39[%dma_start3A_134, %dma_start3A_135] : memref<2048x16xf32, #tpu.memory_space<vmem_shared>> -> memref<2000x16xf32, #tpu.memory_space<vmem_shared>>
          tpu.enqueue_dma source(%dma_start3A_136 : memref<2000x16xf32, #tpu.memory_space<vmem_shared>>) target(%dma_start3A_133 : memref<2000x16xf32, #tpu.memory_space<hbm>>) target_semaphore(%run_scoped3A : memref<!tpu.dma_semaphore, #tpu.memory_space<semaphore_mem>>)
          %dma_wait3A = arith.constant 0 : i32
          %dma_wait3A_137 = arith.constant 0 : i32
          %dma_wait3A_138 = tpu.memref_slice %arg20[%dma_wait3A, %dma_wait3A_137] : memref<2000x16xf32, #tpu.memory_space<hbm>> -> memref<2000x16xf32, #tpu.memory_space<hbm>>
          %dma_wait3A_139 = arith.constant 0 : i32
          %dma_wait3A_140 = arith.constant 0 : i32
          %dma_wait3A_141 = tpu.memref_slice %arg39[%dma_wait3A_139, %dma_wait3A_140] : memref<2048x16xf32, #tpu.memory_space<vmem_shared>> -> memref<2000x16xf32, #tpu.memory_space<vmem_shared>>
          tpu.wait_dma2 semaphore(%run_scoped3A : memref<!tpu.dma_semaphore, #tpu.memory_space<semaphore_mem>>) src(%dma_wait3A_141 : memref<2000x16xf32, #tpu.memory_space<vmem_shared>>) dst(%dma_wait3A_138 : memref<2000x16xf32, #tpu.memory_space<hbm>>)
          tpu.yield
        }) : () -> ()
      } else {
      }
    } else {
    }
    %eq3A_118 = arith.constant 1 : i32
    %eq3A_119 = arith.cmpi eq, %arg0, %eq3A_118 : i32
    %convert_element_type3A_120 = arith.extui %eq3A_119 : i1 to i32
    %cond3A_121 = arith.constant 0 : i32
    %cond3A_122 = arith.cmpi ne, %convert_element_type3A_120, %cond3A_121 : i32
    scf.if %cond3A_122 {
      %lt3A = arith.constant 15 : i32
      %lt3A_123 = arith.cmpi slt, %arg1, %lt3A : i32
      %convert_element_type3A_124 = arith.extui %lt3A_123 : i1 to i32
      %cond3A_125 = arith.constant 0 : i32
      %cond3A_126 = arith.cmpi ne, %convert_element_type3A_124, %cond3A_125 : i32
      scf.if %cond3A_126 {
        %mul3A_132 = arith.constant 128 : i32
        %mul3A_133 = arith.muli %mul3A_132, %arg1 : i32
        %mul3A_134 = arith.constant 128 : i32
        %mul3A_135 = arith.muli %mul3A_134, %arg1 : i32
        "tpu.region"() ({
          %run_scoped3A = tpu.sem_alloc : memref<!tpu.dma_semaphore, #tpu.memory_space<semaphore_mem>>
          %dma_start3A = arith.constant 0 : i32
          %dma_start3A_136 = tpu.memref_slice %arg19[%mul3A_135, %dma_start3A] : memref<2000x128xf32, #tpu.memory_space<hbm>> -> memref<128x128xf32, #tpu.memory_space<hbm>>
          %dma_start3A_137 = arith.constant 0 : i32
          %dma_start3A_138 = tpu.memref_slice %arg38[%mul3A_133, %dma_start3A_137] : memref<2048x128xf32, #tpu.memory_space<vmem_shared>> -> memref<128x128xf32, #tpu.memory_space<vmem_shared>>
          tpu.enqueue_dma source(%dma_start3A_138 : memref<128x128xf32, #tpu.memory_space<vmem_shared>>) target(%dma_start3A_136 : memref<128x128xf32, #tpu.memory_space<hbm>>) target_semaphore(%run_scoped3A : memref<!tpu.dma_semaphore, #tpu.memory_space<semaphore_mem>>)
          %dma_wait3A = arith.constant 0 : i32
          %dma_wait3A_139 = tpu.memref_slice %arg19[%mul3A_135, %dma_wait3A] : memref<2000x128xf32, #tpu.memory_space<hbm>> -> memref<128x128xf32, #tpu.memory_space<hbm>>
          %dma_wait3A_140 = arith.constant 0 : i32
          %dma_wait3A_141 = tpu.memref_slice %arg38[%mul3A_133, %dma_wait3A_140] : memref<2048x128xf32, #tpu.memory_space<vmem_shared>> -> memref<128x128xf32, #tpu.memory_space<vmem_shared>>
          tpu.wait_dma2 semaphore(%run_scoped3A : memref<!tpu.dma_semaphore, #tpu.memory_space<semaphore_mem>>) src(%dma_wait3A_141 : memref<128x128xf32, #tpu.memory_space<vmem_shared>>) dst(%dma_wait3A_139 : memref<128x128xf32, #tpu.memory_space<hbm>>)
          tpu.yield
        }) : () -> ()
      } else {
      }
      %eq3A_127 = arith.constant 15 : i32
      %eq3A_128 = arith.cmpi eq, %arg1, %eq3A_127 : i32
      %convert_element_type3A_129 = arith.extui %eq3A_128 : i1 to i32
      %cond3A_130 = arith.constant 0 : i32
      %cond3A_131 = arith.cmpi ne, %convert_element_type3A_129, %cond3A_130 : i32
      scf.if %cond3A_131 {
        "tpu.region"() ({
          %run_scoped3A = tpu.sem_alloc : memref<!tpu.dma_semaphore, #tpu.memory_space<semaphore_mem>>
          %dma_start3A = arith.constant 1920 : i32
          %dma_start3A_132 = arith.constant 0 : i32
          %dma_start3A_133 = tpu.memref_slice %arg19[%dma_start3A, %dma_start3A_132] : memref<2000x128xf32, #tpu.memory_space<hbm>> -> memref<80x128xf32, #tpu.memory_space<hbm>>
          %dma_start3A_134 = arith.constant 1920 : i32
          %dma_start3A_135 = arith.constant 0 : i32
          %dma_start3A_136 = tpu.memref_slice %arg38[%dma_start3A_134, %dma_start3A_135] : memref<2048x128xf32, #tpu.memory_space<vmem_shared>> -> memref<80x128xf32, #tpu.memory_space<vmem_shared>>
          tpu.enqueue_dma source(%dma_start3A_136 : memref<80x128xf32, #tpu.memory_space<vmem_shared>>) target(%dma_start3A_133 : memref<80x128xf32, #tpu.memory_space<hbm>>) target_semaphore(%run_scoped3A : memref<!tpu.dma_semaphore, #tpu.memory_space<semaphore_mem>>)
          %dma_wait3A = arith.constant 1920 : i32
          %dma_wait3A_137 = arith.constant 0 : i32
          %dma_wait3A_138 = tpu.memref_slice %arg19[%dma_wait3A, %dma_wait3A_137] : memref<2000x128xf32, #tpu.memory_space<hbm>> -> memref<80x128xf32, #tpu.memory_space<hbm>>
          %dma_wait3A_139 = arith.constant 1920 : i32
          %dma_wait3A_140 = arith.constant 0 : i32
          %dma_wait3A_141 = tpu.memref_slice %arg38[%dma_wait3A_139, %dma_wait3A_140] : memref<2048x128xf32, #tpu.memory_space<vmem_shared>> -> memref<80x128xf32, #tpu.memory_space<vmem_shared>>
          tpu.wait_dma2 semaphore(%run_scoped3A : memref<!tpu.dma_semaphore, #tpu.memory_space<semaphore_mem>>) src(%dma_wait3A_141 : memref<80x128xf32, #tpu.memory_space<vmem_shared>>) dst(%dma_wait3A_138 : memref<80x128xf32, #tpu.memory_space<hbm>>)
          tpu.yield
        }) : () -> ()
        "tpu.region"() ({
          %run_scoped3A = tpu.sem_alloc : memref<!tpu.dma_semaphore, #tpu.memory_space<semaphore_mem>>
          %dma_start3A = arith.constant 0 : i32
          %dma_start3A_132 = arith.constant 0 : i32
          %dma_start3A_133 = tpu.memref_slice %arg21[%dma_start3A, %dma_start3A_132] : memref<2000x16xf32, #tpu.memory_space<hbm>> -> memref<2000x16xf32, #tpu.memory_space<hbm>>
          %dma_start3A_134 = arith.constant 0 : i32
          %dma_start3A_135 = arith.constant 0 : i32
          %dma_start3A_136 = tpu.memref_slice %arg39[%dma_start3A_134, %dma_start3A_135] : memref<2048x16xf32, #tpu.memory_space<vmem_shared>> -> memref<2000x16xf32, #tpu.memory_space<vmem_shared>>
          tpu.enqueue_dma source(%dma_start3A_136 : memref<2000x16xf32, #tpu.memory_space<vmem_shared>>) target(%dma_start3A_133 : memref<2000x16xf32, #tpu.memory_space<hbm>>) target_semaphore(%run_scoped3A : memref<!tpu.dma_semaphore, #tpu.memory_space<semaphore_mem>>)
          %dma_wait3A = arith.constant 0 : i32
          %dma_wait3A_137 = arith.constant 0 : i32
          %dma_wait3A_138 = tpu.memref_slice %arg21[%dma_wait3A, %dma_wait3A_137] : memref<2000x16xf32, #tpu.memory_space<hbm>> -> memref<2000x16xf32, #tpu.memory_space<hbm>>
          %dma_wait3A_139 = arith.constant 0 : i32
          %dma_wait3A_140 = arith.constant 0 : i32
          %dma_wait3A_141 = tpu.memref_slice %arg39[%dma_wait3A_139, %dma_wait3A_140] : memref<2048x16xf32, #tpu.memory_space<vmem_shared>> -> memref<2000x16xf32, #tpu.memory_space<vmem_shared>>
          tpu.wait_dma2 semaphore(%run_scoped3A : memref<!tpu.dma_semaphore, #tpu.memory_space<semaphore_mem>>) src(%dma_wait3A_141 : memref<2000x16xf32, #tpu.memory_space<vmem_shared>>) dst(%dma_wait3A_138 : memref<2000x16xf32, #tpu.memory_space<hbm>>)
          tpu.yield
        }) : () -> ()
      } else {
      }
    } else {
    }
    return
  }
}

module attributes {stable_mosaic.version = 14 : i64} {
  func.func @at11_phase_b2(%arg0: i32, %arg1: memref<2x400x32xf32, #tpu.memory_space<vmem>>, %arg2: memref<2x400x32xf32, #tpu.memory_space<vmem>>, %arg3: memref<2x400x32xf32, #tpu.memory_space<vmem>>, %arg4: memref<2x400x32xf32, #tpu.memory_space<vmem>>, %arg5: memref<128x256xf32, #tpu.memory_space<vmem>>, %arg6: memref<400x256xf32, #tpu.memory_space<vmem>>) attributes {dimension_semantics = [#tpu.dimension_semantics<arbitrary>], iteration_bounds = array<i64: 50>, scalar_prefetch = 0 : i64, scratch_operands = 0 : i64, tpu.core_type = #tpu.core_type<tc>, window_params = [{transform_indices = @transform_0, window_bounds = array<i64: 2, 400, 32>}, {transform_indices = @transform_1, window_bounds = array<i64: 2, 400, 32>}, {transform_indices = @transform_2, window_bounds = array<i64: 2, 400, 32>}, {transform_indices = @transform_3, window_bounds = array<i64: 2, 400, 32>}, {pipeline_mode = #tpu.pipeline_mode<synchronous>, transform_indices = @transform_4, window_bounds = array<i64: 128, 256>}, {transform_indices = @transform_5, window_bounds = array<i64: 400, 256>}]} {
    %get3A = arith.constant 0 : index
    %get3A_0 = arith.constant 0 : index
    %get3A_1 = arith.constant 0 : index
    %get3A_2 = vector.load %arg1[%get3A, %get3A_0, %get3A_1] : memref<2x400x32xf32, #tpu.memory_space<vmem>>, vector<2x400x32xf32>
    %slice3A = vector.extract_strided_slice %get3A_2 {offsets = [0, 0, 0], sizes = [1, 400, 32], strides = [1, 1, 1]} : vector<2x400x32xf32> to vector<1x400x32xf32>
    %squeeze3A = vector.shape_cast %slice3A : vector<1x400x32xf32> to vector<400x32xf32>
    %slice3A_3 = vector.extract_strided_slice %get3A_2 {offsets = [1, 0, 0], sizes = [1, 400, 32], strides = [1, 1, 1]} : vector<2x400x32xf32> to vector<1x400x32xf32>
    %squeeze3A_4 = vector.shape_cast %slice3A_3 : vector<1x400x32xf32> to vector<400x32xf32>
    %add3A = arith.addf %squeeze3A, %squeeze3A_4 : vector<400x32xf32>
    %get3A_5 = arith.constant 0 : index
    %get3A_6 = arith.constant 0 : index
    %get3A_7 = arith.constant 0 : index
    %get3A_8 = vector.load %arg2[%get3A_5, %get3A_6, %get3A_7] : memref<2x400x32xf32, #tpu.memory_space<vmem>>, vector<2x400x32xf32>
    %slice3A_9 = vector.extract_strided_slice %get3A_8 {offsets = [0, 0, 0], sizes = [1, 400, 32], strides = [1, 1, 1]} : vector<2x400x32xf32> to vector<1x400x32xf32>
    %squeeze3A_10 = vector.shape_cast %slice3A_9 : vector<1x400x32xf32> to vector<400x32xf32>
    %slice3A_11 = vector.extract_strided_slice %get3A_8 {offsets = [1, 0, 0], sizes = [1, 400, 32], strides = [1, 1, 1]} : vector<2x400x32xf32> to vector<1x400x32xf32>
    %squeeze3A_12 = vector.shape_cast %slice3A_11 : vector<1x400x32xf32> to vector<400x32xf32>
    %add3A_13 = arith.addf %squeeze3A_10, %squeeze3A_12 : vector<400x32xf32>
    %get3A_14 = arith.constant 0 : index
    %get3A_15 = arith.constant 0 : index
    %get3A_16 = arith.constant 0 : index
    %get3A_17 = vector.load %arg3[%get3A_14, %get3A_15, %get3A_16] : memref<2x400x32xf32, #tpu.memory_space<vmem>>, vector<2x400x32xf32>
    %slice3A_18 = vector.extract_strided_slice %get3A_17 {offsets = [0, 0, 0], sizes = [1, 400, 32], strides = [1, 1, 1]} : vector<2x400x32xf32> to vector<1x400x32xf32>
    %squeeze3A_19 = vector.shape_cast %slice3A_18 : vector<1x400x32xf32> to vector<400x32xf32>
    %slice3A_20 = vector.extract_strided_slice %get3A_17 {offsets = [1, 0, 0], sizes = [1, 400, 32], strides = [1, 1, 1]} : vector<2x400x32xf32> to vector<1x400x32xf32>
    %squeeze3A_21 = vector.shape_cast %slice3A_20 : vector<1x400x32xf32> to vector<400x32xf32>
    %add3A_22 = arith.addf %squeeze3A_19, %squeeze3A_21 : vector<400x32xf32>
    %get3A_23 = arith.constant 0 : index
    %get3A_24 = arith.constant 0 : index
    %get3A_25 = arith.constant 0 : index
    %get3A_26 = vector.load %arg4[%get3A_23, %get3A_24, %get3A_25] : memref<2x400x32xf32, #tpu.memory_space<vmem>>, vector<2x400x32xf32>
    %slice3A_27 = vector.extract_strided_slice %get3A_26 {offsets = [0, 0, 0], sizes = [1, 400, 32], strides = [1, 1, 1]} : vector<2x400x32xf32> to vector<1x400x32xf32>
    %squeeze3A_28 = vector.shape_cast %slice3A_27 : vector<1x400x32xf32> to vector<400x32xf32>
    %slice3A_29 = vector.extract_strided_slice %get3A_26 {offsets = [1, 0, 0], sizes = [1, 400, 32], strides = [1, 1, 1]} : vector<2x400x32xf32> to vector<1x400x32xf32>
    %squeeze3A_30 = vector.shape_cast %slice3A_29 : vector<1x400x32xf32> to vector<400x32xf32>
    %add3A_31 = arith.addf %squeeze3A_28, %squeeze3A_30 : vector<400x32xf32>
    %concatenate3A = tpu.concatenate %add3A, %add3A_13, %add3A_22, %add3A_31 in 1 : vector<400x32xf32>, vector<400x32xf32>, vector<400x32xf32>, vector<400x32xf32> -> vector<400x128xf32>
    %get3A_32 = arith.constant 0 : index
    %get3A_33 = arith.constant 0 : index
    %get3A_34 = vector.load %arg5[%get3A_32, %get3A_33] : memref<128x256xf32, #tpu.memory_space<vmem>>, vector<128x256xf32>
    %dot_general3A = arith.constant dense<0.000000e+00> : vector<400x256xf32>
    %dot_general3A_35 = tpu.matmul %concatenate3A, %get3A_34, %dot_general3A {dimension_numbers = #tpu.dot_dimension_numbers<[1], [0], [0], [1], [0, 0, 1, 1], [], []>, transpose_lhs_hint = false} : vector<400x128xf32>, vector<128x256xf32>, vector<400x256xf32> -> vector<400x256xf32>
    %swap3A = arith.constant 0 : index
    %swap3A_36 = arith.constant 0 : index
    %swap3A_37 = vector.load %arg6[%swap3A, %swap3A_36] : memref<400x256xf32, #tpu.memory_space<vmem>>, vector<400x256xf32>
    tpu.vector_store %arg6[%swap3A, %swap3A_36], %dot_general3A_35 {strides = array<i32>} : memref<400x256xf32, #tpu.memory_space<vmem>>, vector<400x256xf32>,
    return
  }
  func.func @transform_0(%arg0: i32) -> (i32, i32, i32) {
    %c0_i32 = arith.constant 0 : i32
    %c0_i32_0 = arith.constant 0 : i32
    %c0_i32_1 = arith.constant 0 : i32
    return %c0_i32, %arg0, %c0_i32_0 : i32, i32, i32
  }
  func.func @transform_1(%arg0: i32) -> (i32, i32, i32) {
    %c0_i32 = arith.constant 0 : i32
    %c0_i32_0 = arith.constant 0 : i32
    %c0_i32_1 = arith.constant 0 : i32
    return %c0_i32, %arg0, %c0_i32_0 : i32, i32, i32
  }
  func.func @transform_2(%arg0: i32) -> (i32, i32, i32) {
    %c0_i32 = arith.constant 0 : i32
    %c0_i32_0 = arith.constant 0 : i32
    %c0_i32_1 = arith.constant 0 : i32
    return %c0_i32, %arg0, %c0_i32_0 : i32, i32, i32
  }
  func.func @transform_3(%arg0: i32) -> (i32, i32, i32) {
    %c0_i32 = arith.constant 0 : i32
    %c0_i32_0 = arith.constant 0 : i32
    %c0_i32_1 = arith.constant 0 : i32
    return %c0_i32, %arg0, %c0_i32_0 : i32, i32, i32
  }
  func.func @transform_4(%arg0: i32) -> (i32, i32) {
    %c0_i32 = arith.constant 0 : i32
    %c0_i32_0 = arith.constant 0 : i32
    %c0_i32_1 = arith.constant 0 : i32
    return %c0_i32, %c0_i32_0 : i32, i32
  }
  func.func @transform_5(%arg0: i32) -> (i32, i32) {
    %c0_i32 = arith.constant 0 : i32
    %c0_i32_0 = arith.constant 0 : i32
    return %arg0, %c0_i32 : i32, i32
  }
}

module attributes {stable_mosaic.version = 14 : i64} {
  func.func @at11_phase_b3(%arg0: memref<2000x128xf32, #tpu.memory_space<vmem>>, %arg1: memref<2000x128xf32, #tpu.memory_space<vmem>>, %arg2: memref<2000x16xf32, #tpu.memory_space<vmem>>, %arg3: memref<2000x16xf32, #tpu.memory_space<vmem>>, %arg4: memref<128x128xf32, #tpu.memory_space<vmem>>, %arg5: memref<128x128xf32, #tpu.memory_space<vmem>>, %arg6: memref<128x128xf32, #tpu.memory_space<vmem>>, %arg7: memref<2000x128xf32, #tpu.memory_space<vmem>>, %arg8: memref<2000x128xf32, #tpu.memory_space<vmem>>, %arg9: memref<2000x128xf32, #tpu.memory_space<vmem>>) attributes {dimension_semantics = [], scalar_prefetch = 0 : i64, scratch_operands = 0 : i64, tpu.core_type = #tpu.core_type<tc>} {
    %get3A = arith.constant 0 : index
    %get3A_0 = arith.constant 0 : index
    %get3A_1 = vector.load %arg2[%get3A, %get3A_0] : memref<2000x16xf32, #tpu.memory_space<vmem>>, vector<2000x16xf32>
    %slice3A = vector.extract_strided_slice %get3A_1 {offsets = [0, 0], sizes = [2000, 1], strides = [1, 1]} : vector<2000x16xf32> to vector<2000x1xf32>
    %get3A_2 = arith.constant 0 : index
    %get3A_3 = arith.constant 0 : index
    %get3A_4 = vector.load %arg3[%get3A_2, %get3A_3] : memref<2000x16xf32, #tpu.memory_space<vmem>>, vector<2000x16xf32>
    %slice3A_5 = vector.extract_strided_slice %get3A_4 {offsets = [0, 0], sizes = [2000, 1], strides = [1, 1]} : vector<2000x16xf32> to vector<2000x1xf32>
    %add3A = arith.addf %slice3A, %slice3A_5 : vector<2000x1xf32>
    %get3A_6 = arith.constant 0 : index
    %get3A_7 = arith.constant 0 : index
    %get3A_8 = vector.load %arg0[%get3A_6, %get3A_7] : memref<2000x128xf32, #tpu.memory_space<vmem>>, vector<2000x128xf32>
    %get3A_9 = arith.constant 0 : index
    %get3A_10 = arith.constant 0 : index
    %get3A_11 = vector.load %arg1[%get3A_9, %get3A_10] : memref<2000x128xf32, #tpu.memory_space<vmem>>, vector<2000x128xf32>
    %add3A_12 = arith.addf %get3A_8, %get3A_11 : vector<2000x128xf32>
    %max3A = arith.constant 1.000000e+00 : f32
    %max3A_13 = vector.broadcast %max3A : f32 to vector<2000x1xf32>
    %max3A_14 = arith.maximumf %add3A, %max3A_13 : vector<2000x1xf32>
    %div3A = vector.broadcast %max3A_14 : vector<2000x1xf32> to vector<2000x128xf32>
    %div3A_15 = arith.divf %add3A_12, %div3A : vector<2000x128xf32>
    %get3A_16 = arith.constant 0 : index
    %get3A_17 = arith.constant 0 : index
    %get3A_18 = vector.load %arg4[%get3A_16, %get3A_17] : memref<128x128xf32, #tpu.memory_space<vmem>>, vector<128x128xf32>
    %dot_general3A = arith.constant dense<0.000000e+00> : vector<2000x128xf32>
    %dot_general3A_19 = tpu.matmul %div3A_15, %get3A_18, %dot_general3A {dimension_numbers = #tpu.dot_dimension_numbers<[1], [0], [0], [1], [0, 0, 1, 1], [], []>, transpose_lhs_hint = false} : vector<2000x128xf32>, vector<128x128xf32>, vector<2000x128xf32> -> vector<2000x128xf32>
    %swap3A = arith.constant 0 : index
    %swap3A_20 = arith.constant 0 : index
    %swap3A_21 = vector.load %arg7[%swap3A, %swap3A_20] : memref<2000x128xf32, #tpu.memory_space<vmem>>, vector<2000x128xf32>
    tpu.vector_store %arg7[%swap3A, %swap3A_20], %dot_general3A_19 {strides = array<i32>} : memref<2000x128xf32, #tpu.memory_space<vmem>>, vector<2000x128xf32>,
    %get3A_22 = arith.constant 0 : index
    %get3A_23 = arith.constant 0 : index
    %get3A_24 = vector.load %arg5[%get3A_22, %get3A_23] : memref<128x128xf32, #tpu.memory_space<vmem>>, vector<128x128xf32>
    %dot_general3A_25 = arith.constant dense<0.000000e+00> : vector<2000x128xf32>
    %dot_general3A_26 = tpu.matmul %div3A_15, %get3A_24, %dot_general3A_25 {dimension_numbers = #tpu.dot_dimension_numbers<[1], [0], [0], [1], [0, 0, 1, 1], [], []>, transpose_lhs_hint = false} : vector<2000x128xf32>, vector<128x128xf32>, vector<2000x128xf32> -> vector<2000x128xf32>
    %swap3A_27 = arith.constant 0 : index
    %swap3A_28 = arith.constant 0 : index
    %swap3A_29 = vector.load %arg8[%swap3A_27, %swap3A_28] : memref<2000x128xf32, #tpu.memory_space<vmem>>, vector<2000x128xf32>
    tpu.vector_store %arg8[%swap3A_27, %swap3A_28], %dot_general3A_26 {strides = array<i32>} : memref<2000x128xf32, #tpu.memory_space<vmem>>, vector<2000x128xf32>,
    %get3A_30 = arith.constant 0 : index
    %get3A_31 = arith.constant 0 : index
    %get3A_32 = vector.load %arg6[%get3A_30, %get3A_31] : memref<128x128xf32, #tpu.memory_space<vmem>>, vector<128x128xf32>
    %dot_general3A_33 = arith.constant dense<0.000000e+00> : vector<2000x128xf32>
    %dot_general3A_34 = tpu.matmul %div3A_15, %get3A_32, %dot_general3A_33 {dimension_numbers = #tpu.dot_dimension_numbers<[1], [0], [0], [1], [0, 0, 1, 1], [], []>, transpose_lhs_hint = false} : vector<2000x128xf32>, vector<128x128xf32>, vector<2000x128xf32> -> vector<2000x128xf32>
    %swap3A_35 = arith.constant 0 : index
    %swap3A_36 = arith.constant 0 : index
    %swap3A_37 = vector.load %arg9[%swap3A_35, %swap3A_36] : memref<2000x128xf32, #tpu.memory_space<vmem>>, vector<2000x128xf32>
    tpu.vector_store %arg9[%swap3A_35, %swap3A_36], %dot_general3A_34 {strides = array<i32>} : memref<2000x128xf32, #tpu.memory_space<vmem>>, vector<2000x128xf32>,
    return
  }
}

module attributes {stable_mosaic.version = 14 : i64} {
  func.func @at11_phase_b1(%arg0: i32, %arg1: memref<400x128xf32, #tpu.memory_space<vmem>>, %arg2: memref<128x128xf32, #tpu.memory_space<vmem>>, %arg3: memref<128x128xf32, #tpu.memory_space<vmem>>, %arg4: memref<400x128xf32, #tpu.memory_space<vmem>>, %arg5: memref<400x128xf32, #tpu.memory_space<vmem>>) attributes {dimension_semantics = [#tpu.dimension_semantics<arbitrary>], iteration_bounds = array<i64: 25>, scalar_prefetch = 0 : i64, scratch_operands = 0 : i64, tpu.core_type = #tpu.core_type<tc>, window_params = [{transform_indices = @transform_0, window_bounds = array<i64: 400, 128>}, {pipeline_mode = #tpu.pipeline_mode<synchronous>, transform_indices = @transform_1, window_bounds = array<i64: 128, 128>}, {pipeline_mode = #tpu.pipeline_mode<synchronous>, transform_indices = @transform_2, window_bounds = array<i64: 128, 128>}, {transform_indices = @transform_3, window_bounds = array<i64: 400, 128>}, {transform_indices = @transform_4, window_bounds = array<i64: 400, 128>}]} {
    %get3A = arith.constant 0 : index
    %get3A_0 = arith.constant 0 : index
    %get3A_1 = vector.load %arg1[%get3A, %get3A_0] : memref<400x128xf32, #tpu.memory_space<vmem>>, vector<400x128xf32>
    %get3A_2 = arith.constant 0 : index
    %get3A_3 = arith.constant 0 : index
    %get3A_4 = vector.load %arg2[%get3A_2, %get3A_3] : memref<128x128xf32, #tpu.memory_space<vmem>>, vector<128x128xf32>
    %dot_general3A = arith.constant dense<0.000000e+00> : vector<400x128xf32>
    %dot_general3A_5 = tpu.matmul %get3A_1, %get3A_4, %dot_general3A {dimension_numbers = #tpu.dot_dimension_numbers<[1], [0], [0], [1], [0, 0, 1, 1], [], []>, transpose_lhs_hint = false} : vector<400x128xf32>, vector<128x128xf32>, vector<400x128xf32> -> vector<400x128xf32>
    %swap3A = arith.constant 0 : index
    %swap3A_6 = arith.constant 0 : index
    %swap3A_7 = vector.load %arg4[%swap3A, %swap3A_6] : memref<400x128xf32, #tpu.memory_space<vmem>>, vector<400x128xf32>
    tpu.vector_store %arg4[%swap3A, %swap3A_6], %dot_general3A_5 {strides = array<i32>} : memref<400x128xf32, #tpu.memory_space<vmem>>, vector<400x128xf32>,
    %get3A_8 = arith.constant 0 : index
    %get3A_9 = arith.constant 0 : index
    %get3A_10 = vector.load %arg3[%get3A_8, %get3A_9] : memref<128x128xf32, #tpu.memory_space<vmem>>, vector<128x128xf32>
    %dot_general3A_11 = arith.constant dense<0.000000e+00> : vector<400x128xf32>
    %dot_general3A_12 = tpu.matmul %get3A_1, %get3A_10, %dot_general3A_11 {dimension_numbers = #tpu.dot_dimension_numbers<[1], [0], [0], [1], [0, 0, 1, 1], [], []>, transpose_lhs_hint = false} : vector<400x128xf32>, vector<128x128xf32>, vector<400x128xf32> -> vector<400x128xf32>
    %swap3A_13 = arith.constant 0 : index
    %swap3A_14 = arith.constant 0 : index
    %swap3A_15 = vector.load %arg5[%swap3A_13, %swap3A_14] : memref<400x128xf32, #tpu.memory_space<vmem>>, vector<400x128xf32>
    tpu.vector_store %arg5[%swap3A_13, %swap3A_14], %dot_general3A_12 {strides = array<i32>} : memref<400x128xf32, #tpu.memory_space<vmem>>, vector<400x128xf32>,
    return
  }
  func.func @transform_0(%arg0: i32) -> (i32, i32) {
    %c0_i32 = arith.constant 0 : i32
    %c0_i32_0 = arith.constant 0 : i32
    return %arg0, %c0_i32 : i32, i32
  }
  func.func @transform_1(%arg0: i32) -> (i32, i32) {
    %c0_i32 = arith.constant 0 : i32
    %c0_i32_0 = arith.constant 0 : i32
    %c0_i32_1 = arith.constant 0 : i32
    return %c0_i32, %c0_i32_0 : i32, i32
  }
  func.func @transform_2(%arg0: i32) -> (i32, i32) {
    %c0_i32 = arith.constant 0 : i32
    %c0_i32_0 = arith.constant 0 : i32
    %c0_i32_1 = arith.constant 0 : i32
    return %c0_i32, %c0_i32_0 : i32, i32
  }
  func.func @transform_3(%arg0: i32) -> (i32, i32) {
    %c0_i32 = arith.constant 0 : i32
    %c0_i32_0 = arith.constant 0 : i32
    return %arg0, %c0_i32 : i32, i32
  }
  func.func @transform_4(%arg0: i32) -> (i32, i32) {
    %c0_i32 = arith.constant 0 : i32
    %c0_i32_0 = arith.constant 0 : i32
    return %arg0, %c0_i32 : i32, i32
  }
}

</mosaic_0001>

<sc_bundles>
// kernel: at11_phase_a.3.cloned.1.call-start
scs
__scs_entry_jumppad:
0x0: {  	(pc) =	sbr.rel $0x88, $3  }
0x1: {  	(tag) =	ssettag $0x0;
	lr =	simm.s32 $0x1  }
0x2: {  	[smem:$0x3F96] =	sst lr;
	_ =	strace $0xD0000000  }
0x3: {  	_ = 	snop  }
0x4: {  	_ = 	snop  }
0x5: {  	_ = 	snop  }
0x6: {  	_ = 	snop  }
0x7: {  	_ = 	snop  }
__scs_overlays_trampoline_lowered:
0x8: {  	[smem:$0x3FA5] =	sst s0  }
0x9: {  	[smem:$0x3FA6] =	sst s1  }
0xa: {  	[smem:$0x3FA7] =	sst s2  }
0xb: {  	[smem:$0x3FA8] =	sst s3  }
0xc: {  	[smem:$0x3FA9] =	sst s4  }
0xd: {  	[smem:$0x3FAA] =	sst s5  }
0xe: {  	[smem:$0x3FAB] =	sst s6  }
0xf: {  	[smem:$0x3FAC] =	sst s7  }
0x10: {  	[smem:$0x3FAD] =	sst s8  }
0x11: {  	[smem:$0x3FAE] =	sst s9;
	s0 =	simm.s32 @!p0 $0x0  }
0x12: {  	s1 =	sld [smem:$0x3F94];
	s0 =	simm.s32 @p0 $0x1  }
0x13: {  	[smem:$0x3FAF] =	sst s0;
	s0 =	simm.s32 @!p1 $0x0  }
0x14: {  	s2 =	sld [smem:$0x3F93];
	s0 =	simm.s32 @p1 $0x1  }
0x15: {  	[smem:$0x3FB0] =	sst s0;
	s0 =	simm.s32 @!p2 $0x0  }
0x16: {  	s3 =	sld [smem:$0x3FDB];
	s0 =	simm.s32 @p2 $0x1  }
0x17: {  	s4 =	simm.s32 $0x1BF5;
	[smem:$0x3FB2] =	sst s0  }
0x18: {  	s0 =	sld [smem:$0x3F95];
	_ =	swait.ge [sflag:s4], $0x0  }
0x19: {  	s7 =	sld [smem:$0x3F96]  }
0x1a: {  	s8 =	sadd.s32 $0xFFFFE003, lr  }
0x1b: {  	s9 =	sadd.s32 $0xFFFFFEF7, lr;
	s5 =	simm.s32 $0xFFFFFFFF;
	p2 =	slt.u32 s8, $0xFFFFF086  }
0x1c: {  	p1 =	slt.u32 s9, $0xF7A;
	s5 =	simm.s32 @!p2 $0x0  }
0x1d: {  	s5 =	simm.s32 @p1 $0x1;
	p0 =	seq.s32 s7, s2  }
0x1e: {  	s7 =	smul.u32 @!p0 $0xF7A, s2;
	p2 =	seq.s32 @!p0 s5, $0x0  }
0x1f: {  	s9 =	smul.u32 $0xF7A, s1;
	s8 =	simm.s32 @!p0 $0x1BF5;
	p2 =	por !p2, p0  }
0x20: {  	[sflag:s8] =	ssyncset.s32 @!p0 $0xFFFFF086;
	s6 =	sadd.s32 @!p0 s3, s7;
	s7 =	simm.s32 @!p0 $0x108  }
0x21: {  	s3 =	sadd.s32 s3, s9;
	s6 =	sadd.s32 @!p0 $0x88, s6;
	s7 =	simm.s32 @p2 $0x1082  }
0x22: {  	[simem:s7], [sflag:s8] =	dma.local @!p0 [hbm:s6], $0xF7A  }
0x23: {  	s9 =	sor.u32 $0xD0000000, s2;
	s6 =	simm.s32 $0x108;
	_ =	swait.ge @!p0 [sflag:s8], $0x0  }
0x24: {  	s3 =	sadd.s32 $0x88, s3;
	s6 =	simm.s32 @!p1 $0x1082;
	[sflag:s4] =	ssyncset.s32 $0xFFFFF086  }
0x25: {  	[simem:s6], [sflag:s4] =	dma.local [hbm:s3], $0xF7A  }
0x26: {  	[smem:$0x3F96] =	sst s1;
	(tag) =	ssettag s2;
	_ =	strace s9  }
0x27: {  	s1 =	sld [smem:$0x3FA6]  }
0x28: {  	s2 =	sld [smem:$0x3FA7]  }
0x29: {  	s4 =	sld [smem:$0x3FA9]  }
0x2a: {  	p0 =	seq.s32 s5, $0x0;
	s5 =	sld [smem:$0x3FAA]  }
0x2b: {  	s6 =	sld [smem:$0x3FAB]  }
0x2c: {  	s7 =	sld [smem:$0x3FAC]  }
0x2d: {  	s3 =	simm.s32 $0x108;
	s8 =	sld [smem:$0x3FAD]  }
0x2e: {  	s3 =	simm.s32 @!p0 $0x1082;
	s9 =	sld [smem:$0x3FAE]  }
0x2f: {  	lr =	sadd.s32 s0, s3;
	s0 =	sld [smem:$0x3FA5]  }
0x30: {  	s3 =	sld [smem:$0x3FA8]  }
0x31: {  	[smem:$0x3FB1] =	sst s10  }
0x32: {  	s10 =	sld [smem:$0x3FAF];
	_ =	sdelay $0x3  }
0x33: {  	p0 =	seq.s32 s10, $0x1;
	s10 =	sld [smem:$0x3FB1];
	_ =	sdelay $0x3  }
0x34: {  	[smem:$0x3FB1] =	sst s10  }
0x35: {  	s10 =	sld [smem:$0x3FB0];
	_ =	sdelay $0x3  }
0x36: {  	p1 =	seq.s32 s10, $0x1;
	s10 =	sld [smem:$0x3FB1];
	_ =	sdelay $0x3  }
0x37: {  	[smem:$0x3FB1] =	sst s10  }
0x38: {  	s10 =	sld [smem:$0x3FB2]  }
0x39: {  	_ = 	snop;
	(pc) =	sbr.ind lr, $3  }
0x3a: {  	_ = 	snop  }
0x3b: {  	_ = 	snop  }
0x3c: {  	p2 =	seq.s32 s10, $0x1;
	s10 =	sld [smem:$0x3FB1]  }
0x3d: {  	_ =	shalt  }
0x3e: {  	_ =	shalt  }
0x3f: {  	_ =	shalt  }
0x40: {  	_ =	shalt  }
0x41: {  	_ =	shalt  }
0x42: {  	_ =	shalt  }
0x43: {  	_ =	shalt  }
0x44: {  	_ =	shalt  }
0x45: {  	_ =	shalt  }
0x46: {  	_ =	shalt  }
0x47: {  	_ =	shalt  }
0x48: {  	_ =	shalt  }
0x49: {  	_ =	shalt  }
0x4a: {  	_ =	shalt  }
0x4b: {  	_ =	shalt  }
0x4c: {  	_ =	shalt  }
0x4d: {  	_ =	shalt  }
0x4e: {  	_ =	shalt  }
0x4f: {  	_ =	shalt  }
0x50: {  	_ =	shalt  }
0x51: {  	_ =	shalt  }
0x52: {  	_ =	shalt  }
0x53: {  	_ =	shalt  }
0x54: {  	_ =	shalt  }
0x55: {  	_ =	shalt  }
0x56: {  	_ =	shalt  }
0x57: {  	_ =	shalt  }
0x58: {  	_ =	shalt  }
0x59: {  	_ =	shalt  }
0x5a: {  	_ =	shalt  }
0x5b: {  	_ =	shalt  }
0x5c: {  	_ =	shalt  }
0x5d: {  	_ =	shalt  }
0x5e: {  	_ =	shalt  }
0x5f: {  	_ =	shalt  }
0x60: {  	_ =	shalt  }
0x61: {  	_ =	shalt  }
0x62: {  	_ =	shalt  }
0x63: {  	_ =	shalt  }
0x64: {  	_ =	shalt  }
0x65: {  	_ =	shalt  }
0x66: {  	_ =	shalt  }
0x67: {  	_ =	shalt  }
0x68: {  	_ =	shalt  }
0x69: {  	_ =	shalt  }
0x6a: {  	_ =	shalt  }
0x6b: {  	_ =	shalt  }
0x6c: {  	_ =	shalt  }
0x6d: {  	_ =	shalt  }
0x6e: {  	_ =	shalt  }
0x6f: {  	_ =	shalt  }
0x70: {  	_ =	shalt  }
0x71: {  	_ =	shalt  }
0x72: {  	_ =	shalt  }
0x73: {  	_ =	shalt  }
0x74: {  	_ =	shalt  }
0x75: {  	_ =	shalt  }
0x76: {  	_ =	shalt  }
0x77: {  	_ =	shalt  }
0x78: {  	_ =	shalt  }
0x79: {  	_ =	shalt  }
0x7a: {  	_ =	shalt  }
0x7b: {  	_ =	shalt  }
0x7c: {  	_ =	shalt  }
0x7d: {  	_ =	shalt  }
0x7e: {  	_ =	shalt  }
0x7f: {  	_ =	shalt  }
0x80: {  	_ =	shalt  }
0x81: {  	_ =	shalt  }
0x82: {  	_ =	shalt  }
0x83: {  	_ =	shalt  }
0x84: {  	_ =	shalt  }
0x85: {  	_ =	shalt  }
0x86: {  	_ =	shalt  }
0x87: {  	_ =	shalt  }
.Lfunc_end0:
.L_simem_size_0:
called_computation_lowered:
.L_overlay_start_0:
0x88: {  	s2 =	sld [smem:$0x3FD9]  }
0x89: {  	s3 =	sld [smem:$0x3FFE];
	_ =	sdelay $0x1  }
0x8a: {  	s1 =	srdreg.scid  }
0x8b: {  	s0 =	sand.u32 $0x1, s1  }
0x8c: {  	s17 =	sshll.u32 s0, $0xA;
	s2 =	sadd.s32 s3, s2  }
0x8d: {  	s2 =	sadd.s32 s2, s17  }
0x8e: {  	[smem:$0x3FBD] =	sst s2  }
0x8f: {  	_ = 	snop  }
0x90: {  	s2 =	sld [smem:$0x3FD0];
	(tm) =	ssettm $0x1  }
0x91: {  	s18 =	sld [smem:$0x3FFB];
	_ =	sdelay $0x3  }
0x92: {  	_ =	strace s18  }
0x93: {  	s3 =	sld [smem:$0x3FFC];
	_ =	sdelay $0x3  }
0x94: {  	_ =	strace s3  }
0x95: {  	s3 =	sld [smem:$0x3FFD];
	_ =	sdelay $0x3  }
0x96: {  	_ =	strace s3  }
0x97: {  	_ =	strace $0x8FFFFFFF  }
0x98: {  	s19 =	sld [smem:$0x3FDB];
	_ =	sdelay $0x1  }
0x99: {  	s4 =	simm.s32 $_scs_section_size  }
0x9a: {  	s5 =	simm.s32 $_size__tile_overlayer_lowered;
	s6 =	simm.s32 $_tile_overlayer_lowered  }
0x9b: {  	s22 =	simm.s32 $0x1BFF;
	s21 =	sshll.u32 s6, $0x1;
	s3 =	sadd.s32 s4, s19  }
0x9c: {  	s7 =	simm.s32 $0x0;
	s20 =	sshll.u32 s5, $0x1;
	s5 =	sadd.s32 s21, s3  }
0x9d: {  	[timem:s7], [sflag:s22] =	dma.local [hbm:s5], s20  }
0x9e: {  	_ =	swait.ge [sflag:s22], s20  }
0x9f: {  	s4 =	ssub.s32 $0x0, s20;
	[sflag:s22] =	ssyncset.done $0x0  }
0xa0: {  	[sflag:s22] =	ssyncadd.s32 s4;
	_ =	sdelay $0x1  }
0xa1: {  	s23 =	simm.s32 $0x1B8B  }
0xa2: {  	_ =	swait.ge [sflag:s23], $0x1  }
0xa3: {  	[sflag:s23] =	ssyncset.done $0x0  }
0xa4: {  	s25 =	simm.s32 $0x1B8E;
	s24 =	sld [smem:$0x3FFE];
	[sflag:s23] =	ssyncadd.s32 $0xFFFFFFFF  }
0xa5: {  	s26 =	simm.s32 $execute0_lowered;
	[smem:$0x3FD2] =	sst s25  }
0xa6: {  	s5 =	sshll.u32 s26, $0x1;
	_ =	strace $0x80000046;
	[dreg:$0x1] =	wrdreg $0xFFFFFFFF  }
0xa7: {  	s28 =	simm.s32 $_size_execute0_lowered;
	s3 =	sadd.s32 s3, s5;
	[dreg:$0x0] =	wrdreg $0x0  }
0xa8: {  	s5 =	sshll.u32 s28, $0x1;
	[dreg:$0x2] =	wrdreg s3  }
0xa9: {  	[dreg:$0x3] =	wrdreg s5  }
0xaa: {  	[dreg:$0x4] =	wrdreg $0xC0  }
0xab: {  	_ =	task [dreg:s7], $0x5FFFF  }
0xac: {  	[dreg:$0x1] =	wrdreg $0xFFFFFFFF  }
0xad: {  	[dreg:$0x0] =	wrdreg $0x60  }
0xae: {  	[dreg:$0x2] =	wrdreg s24  }
0xaf: {  	[dreg:$0x3] =	wrdreg s2  }
0xb0: {  	[dreg:$0x4] =	wrdreg $0xB1000  }
0xb1: {  	[dreg:$0x5] =	wrdreg $0x14E000  }
0xb2: {  	[dreg:$0x6] =	wrdreg $0x18E000  }
0xb3: {  	[dreg:$0x7] =	wrdreg $0x9  }
0xb4: {  	_ =	task.clear_ibuf [dreg:s7], $0x8FFFF;
	_ =	strace $0x90000046  }
0xb5: {  	s29 =	simm.s32 $0x9;
	_ =	strace $0x80000048  }
0xb6: {  	_ =	swait.ge [sflag:s29], $0x1  }
0xb7: {  	[sflag:s29] =	ssyncadd.s32 $0xFFFFFFFF  }
0xb8: {  	_ =	strace $0x90000048  }
0xb9: {  	_ =	sfence  }
0xba: {  	s30 =	sld [smem:$0x0];
	_ =	sdelay $0x2  }
0xbb: {  	s31 =	sshll.u32 s1, $0xD;
	s1 =	sshrl.u32 s1, $0x2  }
0xbc: {  	s3 =	sand.u32 $0x4000, s31;
	s1 =	sadd.s32 s1, s30  }
0xbd: {  	s0 =	sor.u32 s3, s0;
	s1 =	sshll.u32 s1, $0x11  }
0xbe: {  	s0 =	sor.u32 s1, s0  }
0xbf: {  	s0 =	sadd.s32 $0x8F2B, s0  }
0xc0: {  	[sflag:s0] =	ssyncadd.remote.s32 $0x1  }
0xc1: {  	_ =	sfence.sel $0xFFFF  }
0xc2: {  	[dreg:$0x0] =	wrdreg $0xFFFFFFFF;
	(pc) =	sbr.abs _section_cstart, $3  }
0xc3: {  	[dreg:$0x1] =	wrdreg $0xFFFFFFFF  }
0xc4: {  	_ =	task.clear_ibuf [dreg:s7], $0x2FFFF;
	_ =	strace $0x9FFFFFFF  }
0xc5: {  	(tm) =	ssettm $0x7FFFFFFF  }
tec
execute0_lowered:
.L_overlay_start_1:
0x0: {  	(tag) =	ssettag $0x1  }
0x1: {  	s0 =	srdreg.scid  }
0x2: {  	s0 =	sand.u32 $0x1, s0  }
0x3: {  	s16 =	smul.u32 $0x9C400, s0  }
0x4: {  	s2 =	rddreg [dreg:$0x0]  }
0x5: {  	s17 =	rddreg [dreg:$0x1];
	s7 =	stileid.u32;
	s4 =	sshrl.u32 s16, $0x3  }
0x6: {  	s15 =	sadd.s32 $0x61600, s2;
	s14 =	sadd.s32 $0xAFA00, s2;
	s6 =	sadd.s32 $0x13800, s4  }
0x7: {  	s1 =	sadd.s32 $0x88800, s2;
	s3 =	ssub.s32 $0x2, s0;
	s4 =	sadd.s32 s17, s6  }
0x8: {  	s5 =	sshrl.u32 s3, $0x1;
	s21 =	sadd.s32 s15, s6;
	[dreg:$0x6] =	wrdreg s4  }
0x9: {  	s3 =	ssub.s32 s3, s5;
	s22 =	sadd.s32 s14, s6;
	[dreg:$0x7] =	wrdreg s21  }
0xa: {  	s23 =	sadd.s32 s1, s6;
	[dreg:$0x8] =	wrdreg s22;
	s4 =	sshll.u32 s7, $0xC  }
0xb: {  	[dreg:$0x9] =	wrdreg s23;
	s5 =	sor.u32 $0x10000, s4;
	s6 =	sor.u32 $0x20000, s4  }
0xc: {  	s29 =	sor.u32 $0x30000, s4;
	s8 =	sor.u32 $0x40000, s4;
	s11 =	sadd.s32 s16, s4  }
0xd: {  	s9 =	sor.u32 $0x50000, s4;
	s10 =	sor.u32 $0x60000, s4;
	s18 =	sshrl.u32 s11, $0x3  }
0xe: {  	s24 =	sadd.s32 s16, s5;
	s12 =	sadd.s32 s16, s6;
	s13 =	sadd.s32 s16, s29  }
0xf: {  	s25 =	sadd.s32 s16, s8;
	s26 =	sadd.s32 s16, s9;
	s28 =	sadd.s32 s16, s10  }
0x10: {  	s11 =	sor.u32 $0x70000, s4;
	s19 =	sshrl.u32 s24, $0x3;
	s21 =	sshrl.u32 s12, $0x3  }
0x11: {  	s22 =	sshrl.u32 s13, $0x3;
	s23 =	sshrl.u32 s25, $0x3;
	s24 =	sshrl.u32 s26, $0x3  }
0x12: {  	s25 =	sshrl.u32 s28, $0x3;
	s13 =	sor.u32 $0x90, s7;
	s30 =	sadd.s32 s17, s18  }
0x13: {  	s20 =	sshll.u32 s13, $0xC;
	[dreg:$0xa] =	wrdreg s30;
	s30 =	sadd.s32 s17, s19  }
0x14: {  	p3 =	sgt.u32 s13, $0x9C;
	p4 =	sgt.u32 s13, $0x9B;
	s13 =	rddreg [dreg:$0x3]  }
0x15: {  	s12 =	sor.u32 $0x80000, s4;
	[dreg:$0xb] =	wrdreg s30;
	s30 =	sadd.s32 s17, s21  }
0x16: {  	s26 =	sadd.s32 s16, s11;
	[dreg:$0xc] =	wrdreg s30;
	s30 =	sadd.s32 s17, s22  }
0x17: {  	s28 =	sadd.s32 s16, s12;
	[dreg:$0xd] =	wrdreg s30;
	s30 =	sadd.s32 s17, s23  }
0x18: {  	s26 =	sshrl.u32 s26, $0x3;
	[dreg:$0xe] =	wrdreg s30;
	s30 =	sadd.s32 s17, s24  }
0x19: {  	s28 =	sshrl.u32 s28, $0x3;
	[dreg:$0xf] =	wrdreg s30;
	s30 =	sadd.s32 s17, s25  }
0x1a: {  	s16 =	sadd.s32 s16, s20;
	[dreg:$0x10] =	wrdreg s30;
	s30 =	sadd.s32 s17, s26  }
0x1b: {  	s16 =	sshrl.u32 s16, $0x3;
	[dreg:$0x11] =	wrdreg s30;
	s30 =	sadd.s32 s17, s28  }
0x1c: {  	s17 =	sadd.s32 s17, s16;
	[dreg:$0x12] =	wrdreg s30  }
0x1d: {  	[dreg:$0x13] =	wrdreg s17;
	s17 =	sadd.s32 s15, s18  }
0x1e: {  	[dreg:$0x14] =	wrdreg s17;
	s17 =	sadd.s32 s15, s19  }
0x1f: {  	[dreg:$0x15] =	wrdreg s17;
	s17 =	sadd.s32 s15, s21  }
0x20: {  	[dreg:$0x16] =	wrdreg s17;
	s17 =	sadd.s32 s15, s22  }
0x21: {  	[dreg:$0x17] =	wrdreg s17;
	s17 =	sadd.s32 s15, s23  }
0x22: {  	[dreg:$0x18] =	wrdreg s17;
	s17 =	sadd.s32 s15, s24  }
0x23: {  	[dreg:$0x19] =	wrdreg s17;
	s17 =	sadd.s32 s15, s25  }
0x24: {  	[dreg:$0x1a] =	wrdreg s17;
	s17 =	sadd.s32 s15, s26  }
0x25: {  	[dreg:$0x1b] =	wrdreg s17;
	s17 =	sadd.s32 s15, s28  }
0x26: {  	s15 =	sadd.s32 s15, s16;
	[dreg:$0x1c] =	wrdreg s17  }
0x27: {  	[dreg:$0x1d] =	wrdreg s15;
	s17 =	sadd.s32 s14, s18  }
0x28: {  	[dreg:$0x1e] =	wrdreg s17;
	s17 =	sadd.s32 s14, s19  }
0x29: {  	[dreg:$0x1f] =	wrdreg s17;
	s17 =	sadd.s32 s14, s21  }
0x2a: {  	[smem:$0x7B6] =	sst s17;
	s17 =	sadd.s32 s14, s22  }
0x2b: {  	[smem:$0x7B7] =	sst s17;
	s17 =	sadd.s32 s14, s23  }
0x2c: {  	[smem:$0x7B8] =	sst s17;
	s17 =	sadd.s32 s14, s24  }
0x2d: {  	[smem:$0x7B9] =	sst s17;
	s17 =	sadd.s32 s14, s25  }
0x2e: {  	[smem:$0x7BA] =	sst s17;
	s17 =	sadd.s32 s14, s26  }
0x2f: {  	s26 =	sadd.s32 s1, s26;
	[smem:$0x7BB] =	sst s17  }
0x30: {  	s17 =	sadd.s32 s14, s28;
	[smem:$0x7C5] =	sst s26  }
0x31: {  	s14 =	sadd.s32 s14, s16;
	[smem:$0x7BC] =	sst s17  }
0x32: {  	[smem:$0x7BD] =	sst s14;
	s17 =	sadd.s32 s1, s18  }
0x33: {  	s18 =	sadd.s32 s1, s19;
	[smem:$0x7BE] =	sst s17  }
0x34: {  	s19 =	sadd.s32 s1, s21;
	[smem:$0x7BF] =	sst s18  }
0x35: {  	s21 =	sadd.s32 s1, s22;
	[smem:$0x7C0] =	sst s19  }
0x36: {  	s22 =	sadd.s32 s1, s23;
	[smem:$0x7C1] =	sst s21  }
0x37: {  	s23 =	sadd.s32 s1, s24;
	[smem:$0x7C2] =	sst s22  }
0x38: {  	s24 =	sadd.s32 s1, s25;
	[smem:$0x7C3] =	sst s23  }
0x39: {  	s25 =	smul.u32 $0x28, s0;
	[smem:$0x7C4] =	sst s24  }
0x3a: {  	s17 =	sadd.s32 s1, s28;
	s1 =	sadd.s32 s1, s16;
	s21 =	sadd.s32 $0x2CA00, s2  }
0x3b: {  	s28 =	smul.u32 $0x2710, s0;
	[smem:$0x7C6] =	sst s17;
	s18 =	sadd.s32 s7, s25  }
0x3c: {  	[smem:$0x7C7] =	sst s1;
	s14 =	smin.u32 s25, $0x27;
	s22 =	sshll.u32 s18, $0xB  }
0x3d: {  	s23 =	sadd.s32 $0x10, s18;
	s24 =	sadd.s32 $0x20, s18;
	s14 =	sadd.s32 $0x28, s14  }
0x3e: {  	s1 =	sshll.u32 s18, $0x4;
	s16 =	sadd.s32 s21, s22;
	s25 =	sshll.u32 s23, $0xB  }
0x3f: {  	s26 =	sshll.u32 s24, $0xB;
	[smem:$0x7C8] =	sst s16;
	s16 =	sadd.s32 s21, s25  }
0x40: {  	p0 =	sge.u32 s18, s14;
	s15 =	sadd.s32 s21, s26;
	[smem:$0x7C9] =	sst s16  }
0x41: {  	s19 =	sshll.u32 s23, $0x4;
	[smem:$0x7CA] =	sst s15;
	s15 =	simm.s32 @!p0 $0x0  }
0x42: {  	s16 =	sadd.s32 $0x5E200, s2;
	s15 =	simm.s32 @p0 $0x1;
	p0 =	sge.u32 s23, s14  }
0x43: {  	s1 =	sadd.s32 s16, s1;
	s23 =	simm.s32 $0x0;
	[smem:$0x7CB] =	sst s15  }
0x44: {  	s15 =	simm.s32 @!p0 $0x0;
	[smem:$0x7CD] =	sst s1;
	s1 =	sadd.s32 s16, s19  }
0x45: {  	[smem:$0x7FF] =	sst s23;
	s15 =	simm.s32 @p0 $0x1;
	p0 =	seq.s32 s0, $0x1  }
0x46: {  	s21 =	sshll.u32 s24, $0x4;
	[smem:$0x7CE] =	sst s1;
	p1 =	seq.s32 @p0 s7, $0xF  }
0x47: {  	s1 =	sadd.s32 s16, s21;
	s21 =	rddreg [dreg:$0x2];
	p5 =	por !p1, !p0  }
0x48: {  	p2 =	sge.u32 s24, s14;
	[smem:$0x7CF] =	sst s1;
	s1 =	simm.s32 @!p5 $0x0  }
0x49: {  	[smem:$0x7CC] =	sst s15;
	p1 =	por p1, !p0;
	s1 =	simm.s32 @p5 $0x1  }
0x4a: {  	s22 =	sshll.u32 s7, $0x4;
	[smem:$0x7D0] =	sst s1;
	s1 =	simm.s32 @!p1 $0x0  }
0x4b: {  	s15 =	sadd.s32 s28, s2;
	s1 =	simm.s32 @p1 $0x1;
	p1 =	seq.s32 @!p0 s7, $0xF  }
0x4c: {  	s0 =	smul.u32 $0x271, s0;
	s14 =	sadd.s32 s22, s15;
	p5 =	por !p1, p0  }
0x4d: {  	[smem:$0x7D1] =	sst s1;
	p0 =	por p1, p0;
	s1 =	simm.s32 @!p5 $0x0  }
0x4e: {  	s15 =	rddreg [dreg:$0x4];
	s16 =	simm.s32 @!p0 $0x0;
	s1 =	simm.s32 @p5 $0x1  }
0x4f: {  	s16 =	simm.s32 @p0 $0x1;
	[smem:$0x7D2] =	sst s1  }
0x50: {  	s18 =	sadd.s32 $0x5E800, s2;
	s25 =	sadd.s32 s7, s0;
	[smem:$0x7D3] =	sst s16  }
0x51: {  	s24 =	sshll.u32 s7, $0xB;
	_ =	strace $0x80000047;
	[smem:$0x7D4] =	sst s25  }
0x52: {  	s26 =	sshll.u32 s7, $0xE;
	s19 =	sadd.s32 $0x5F000, s2;
	[smem:$0x7D7] =	sst s18  }
0x53: {  	s23 =	sadd.s32 $0x5F200, s2;
	s22 =	sadd.s32 $0x5F400, s2;
	[smem:$0x7D8] =	sst s19  }
0x54: {  	p0 =	sne.s32 @p4 s7, $0xF;
	s1 =	sadd.s32 s24, s2;
	[smem:$0x7D9] =	sst s22  }
0x55: {  	s16 =	sadd.s32 s26, s13;
	s24 =	sadd.s32 $0x60600, s2;
	[smem:$0x7DA] =	sst s23  }
0x56: {  	s26 =	sadd.s32 $0x5F600, s2;
	p5 =	por p0, !p4;
	[smem:$0x7DB] =	sst s24  }
0x57: {  	p0 =	sne.s32 s7, $0x8;
	s7 =	sadd.s32 $0x9C000, s21;
	[smem:$0x7DC] =	sst s26  }
0x58: {  	[smem:$0x7EC] =	sst s7  }
0x59: {  	s28 =	sadd.s32 $0xD6C00, s1;
	[smem:$0x7FD] =	sst s16  }
0x5a: {  	s17 =	sadd.s32 $0xDEA00, s1;
	[smem:$0x7D5] =	sst s28  }
0x5b: {  	s18 =	smax.u32 s3, $0x1;
	[smem:$0x7D6] =	sst s17  }
0x5c: {  	s19 =	sadd.s32 s4, s21;
	[smem:$0x7DF] =	sst s18  }
0x5d: {  	s22 =	sadd.s32 s5, s21;
	[smem:$0x7E0] =	sst s19  }
0x5e: {  	s23 =	sadd.s32 s6, s21;
	[smem:$0x7E1] =	sst s22  }
0x5f: {  	s24 =	sadd.s32 s29, s21;
	[smem:$0x7E2] =	sst s23  }
0x60: {  	s26 =	sadd.s32 s8, s21;
	[smem:$0x7E3] =	sst s24  }
0x61: {  	s3 =	sadd.s32 s10, s21;
	[smem:$0x7E4] =	sst s26  }
0x62: {  	s4 =	sadd.s32 s11, s21;
	[smem:$0x7E6] =	sst s3  }
0x63: {  	s5 =	sadd.s32 s12, s21;
	[smem:$0x7E7] =	sst s4  }
0x64: {  	s6 =	sadd.s32 s20, s21;
	[smem:$0x7E8] =	sst s5  }
0x65: {  	s8 =	sadd.s32 $0x3C000, s13;
	[smem:$0x7E9] =	sst s6  }
0x66: {  	s10 =	sadd.s32 $0x1000, s15;
	[smem:$0x7ED] =	sst s8  }
0x67: {  	s11 =	sadd.s32 $0x1800, s15;
	[smem:$0x7EF] =	sst s10  }
0x68: {  	s31 =	sadd.s32 $0x18E00, s2;
	s12 =	sadd.s32 $0x2000, s15;
	[smem:$0x7F0] =	sst s11  }
0x69: {  	s30 =	sadd.s32 $0x22C00, s2;
	s13 =	sadd.s32 $0x2800, s15;
	[smem:$0x7F1] =	sst s12  }
0x6a: {  	s25 =	sadd.s32 $0x271, s0;
	s20 =	sadd.s32 $0x5000, s15;
	[smem:$0x7F2] =	sst s13  }
0x6b: {  	s0 =	sadd.s32 $0xF000, s2;
	s28 =	sadd.s32 $0xDE400, s2;
	[smem:$0x7F7] =	sst s20  }
0x6c: {  	s1 =	sadd.s32 $0x5200, s2;
	s2 =	sadd.s32 $0xE6200, s2;
	[smem:$0x7DD] =	sst s28  }
0x6d: {  	s17 =	sadd.s32 $0x3800, s15;
	[smem:$0x7DE] =	sst s2  }
0x6e: {  	s18 =	sadd.s32 $0x4000, s15;
	[smem:$0x7F4] =	sst s17  }
0x6f: {  	s19 =	sadd.s32 $0x4800, s15;
	[smem:$0x7F5] =	sst s18  }
0x70: {  	s22 =	sadd.s32 $0x5800, s15;
	[smem:$0x7F6] =	sst s19  }
0x71: {  	s23 =	sadd.s32 $0x6000, s15;
	[smem:$0x7F8] =	sst s22  }
0x72: {  	s24 =	sadd.s32 $0x6800, s15;
	[smem:$0x7F9] =	sst s23  }
0x73: {  	s29 =	sadd.s32 $0x54200, s14;
	s26 =	sadd.s32 $0x7000, s15;
	[smem:$0x7FA] =	sst s24  }
0x74: {  	s3 =	simm.s32 @!p4 $0x0;
	s28 =	sadd.s32 s9, s21;
	[smem:$0x7FB] =	sst s26  }
0x75: {  	s7 =	simm.s32 $0x9000;
	s3 =	simm.s32 @p4 $0x1;
	[smem:$0x7E5] =	sst s28  }
.Ltmp0:
0x76: {  	s9 =	sadd.s32 $0x800, s15;
	[smem:$0x7EA] =	sst s3;
	(pc) =	sbr.rel .LBB2_1-.Ltmp0, $4  }
0x77: {  	s2 =	sadd.s32 $0x59200, s14;
	s14 =	sadd.s32 $0x3000, s15;
	[smem:$0x7EE] =	sst s9  }
0x78: {  	s3 =	simm.s32 @!p0 $0x0;
	[smem:$0x7F3] =	sst s14;
	s28 =	sadd.s32 $0x7800, s15  }
0x79: {  	s12 =	simm.s32 $0x5000;
	s3 =	simm.s32 @p0 $0x1;
	[smem:$0x7FC] =	sst s28  }
0x7a: {  	s6 =	simm.s32 $0x2;
	s13 =	simm.s32 $0x0;
	[smem:$0x7EB] =	sst s3  }
.LBB2_11:
0x7b: {  	[bflag:$0x0] =	sbarrier.arrive $0xFFFF  }
0x7c: {  	s3 =	sld [smem:$0x7CB];
	_ =	sdelay $0x1  }
0x7d: {  	s4 =	sld [smem:$0x7C8]  }
0x7e: {  	p0 =	seq.s32 s3, $0x1  }
0x7f: {  	s3 =	simm.s32 @!p0 $0x0  }
0x80: {  	[tilespmem:s3], [sflag:$0x3] =	stream.linear.gather @!p0 [hbm4b:s4+s3], $0x4000, $0x38;
	[tilespmem:$0x19600] =	vst v63  }
0x81: {  	s4 =	simm.s32 @!p0 $0x3  }
0x82: {  	_ =	swait.ge @!p0 [sflag:s4], $0x4000  }
0x83: {  	s8 =	sld [smem:$0x7CD]  }
0x84: {  	[sflag:s4] =	ssyncset.done @!p0 $0x0  }
0x85: {  	s5 =	simm.s32 @!p0 $0xB000;
	[sflag:s4] =	ssyncadd.s32 @!p0 $0xFFFFC000  }
0x86: {  	[tilespmem:s5], [sflag:$0x3] =	stream.linear.gather @!p0 [hbm4b:s8+s3], $0x80, $0x38;
	[tilespmem:$0x19600] =	vst v63  }
0x87: {  	_ =	swait.ge @!p0 [sflag:s4], $0x80  }
0x88: {  	[sflag:s4] =	ssyncset.done @!p0 $0x0  }
0x89: {  	[sflag:s4] =	ssyncadd.s32 @!p0 $0xFFFFFF80  }
0x8a: {  	s8 =	simm.s32 @!p0 $0x80;
	s9 =	rddreg [dreg:$0x3]  }
0x8b: {  	[spmem:s9] =	stream.indirect.scatter.add.f32 @!p0 [tilespmem:s3], [sflag:$0x3], $0x80, s5, s8, $0xb8;
	[tilespmem:$0x19600] =	vst v63  }
0x8c: {  	_ =	swait.ge @!p0 [sflag:s4], $0x4000  }
0x8d: {  	[sflag:s4] =	ssyncset.done @!p0 $0x0  }
0x8e: {  	[sflag:s4] =	ssyncadd.s32 @!p0 $0xFFFFC000  }
0x8f: {  	s3 =	simm.s32 @!p0 $0xA800;
	s11 =	rddreg [dreg:$0x4]  }
0x90: {  	[spmem:s11] =	stream.indirect.scatter.add.f32 @!p0 [tilespmem:s3], [sflag:$0x2], $0x10, s5, s8, $0xb8;
	[tilespmem:$0x19600] =	vst v63  }
0x91: {  	s3 =	simm.s32 @!p0 $0x2  }
0x92: {  	_ =	swait.ge @!p0 [sflag:s3], $0x800  }
0x93: {  	s20 =	sld [smem:$0x7CC];
	_ =	sdelay $0x1  }
0x94: {  	[sflag:s3] =	ssyncset.done @!p0 $0x0;
	s4 =	sld [smem:$0x7C9]  }
0x95: {  	[sflag:s3] =	ssyncadd.s32 @!p0 $0xFFFFF800;
	p0 =	seq.s32 s20, $0x1  }
0x96: {  	s3 =	simm.s32 @!p0 $0x0  }
0x97: {  	[tilespmem:s3], [sflag:$0x3] =	stream.linear.gather @!p0 [hbm4b:s4+s3], $0x4000, $0x38;
	[tilespmem:$0x19600] =	vst v63  }
0x98: {  	s4 =	simm.s32 @!p0 $0x3  }
0x99: {  	_ =	swait.ge @!p0 [sflag:s4], $0x4000  }
0x9a: {  	s8 =	sld [smem:$0x7CE]  }
0x9b: {  	[sflag:s4] =	ssyncset.done @!p0 $0x0  }
0x9c: {  	s5 =	simm.s32 @!p0 $0xB000;
	[sflag:s4] =	ssyncadd.s32 @!p0 $0xFFFFC000  }
0x9d: {  	[tilespmem:s5], [sflag:$0x3] =	stream.linear.gather @!p0 [hbm4b:s8+s3], $0x80, $0x38;
	[tilespmem:$0x19600] =	vst v63  }
0x9e: {  	_ =	swait.ge @!p0 [sflag:s4], $0x80  }
0x9f: {  	[sflag:s4] =	ssyncset.done @!p0 $0x0  }
0xa0: {  	s8 =	simm.s32 @!p0 $0x80;
	[sflag:s4] =	ssyncadd.s32 @!p0 $0xFFFFFF80  }
0xa1: {  	[spmem:s9] =	stream.indirect.scatter.add.f32 @!p0 [tilespmem:s3], [sflag:$0x3], $0x80, s5, s8, $0xb8;
	[tilespmem:$0x19600] =	vst v63  }
0xa2: {  	_ =	swait.ge @!p0 [sflag:s4], $0x4000  }
0xa3: {  	[sflag:s4] =	ssyncset.done @!p0 $0x0  }
0xa4: {  	s3 =	simm.s32 @!p0 $0xA800;
	[sflag:s4] =	ssyncadd.s32 @!p0 $0xFFFFC000  }
0xa5: {  	[spmem:s11] =	stream.indirect.scatter.add.f32 @!p0 [tilespmem:s3], [sflag:$0x2], $0x10, s5, s8, $0xb8;
	[tilespmem:$0x19600] =	vst v63  }
0xa6: {  	s3 =	simm.s32 @!p0 $0x2  }
0xa7: {  	_ =	swait.ge @!p0 [sflag:s3], $0x800  }
0xa8: {  	s4 =	sld [smem:$0x7CA]  }
0xa9: {  	[sflag:s3] =	ssyncset.done @!p0 $0x0  }
0xaa: {  	[sflag:s3] =	ssyncadd.s32 @!p0 $0xFFFFF800;
	s3 =	simm.s32 @!p2 $0x0  }
0xab: {  	[tilespmem:s3], [sflag:$0x3] =	stream.linear.gather @!p2 [hbm4b:s4+s3], $0x4000, $0x38;
	[tilespmem:$0x19600] =	vst v63  }
0xac: {  	s4 =	simm.s32 @!p2 $0x3  }
0xad: {  	_ =	swait.ge @!p2 [sflag:s4], $0x4000  }
0xae: {  	s8 =	sld [smem:$0x7CF]  }
0xaf: {  	[sflag:s4] =	ssyncset.done @!p2 $0x0  }
0xb0: {  	s5 =	simm.s32 @!p2 $0xB000;
	[sflag:s4] =	ssyncadd.s32 @!p2 $0xFFFFC000  }
0xb1: {  	[tilespmem:s5], [sflag:$0x3] =	stream.linear.gather @!p2 [hbm4b:s8+s3], $0x80, $0x38;
	[tilespmem:$0x19600] =	vst v63  }
0xb2: {  	_ =	swait.ge @!p2 [sflag:s4], $0x80  }
0xb3: {  	[sflag:s4] =	ssyncset.done @!p2 $0x0  }
0xb4: {  	s8 =	simm.s32 @!p2 $0x80;
	[sflag:s4] =	ssyncadd.s32 @!p2 $0xFFFFFF80  }
0xb5: {  	[spmem:s9] =	stream.indirect.scatter.add.f32 @!p2 [tilespmem:s3], [sflag:$0x3], $0x80, s5, s8, $0xb8;
	[tilespmem:$0x19600] =	vst v63  }
0xb6: {  	_ =	swait.ge @!p2 [sflag:s4], $0x4000  }
0xb7: {  	[sflag:s4] =	ssyncset.done @!p2 $0x0  }
0xb8: {  	s3 =	simm.s32 @!p2 $0xA800;
	[sflag:s4] =	ssyncadd.s32 @!p2 $0xFFFFC000  }
0xb9: {  	[spmem:s11] =	stream.indirect.scatter.add.f32 @!p2 [tilespmem:s3], [sflag:$0x2], $0x10, s5, s8, $0xb8;
	[tilespmem:$0x19600] =	vst v63  }
0xba: {  	s3 =	simm.s32 @!p2 $0x2  }
0xbb: {  	_ =	swait.ge @!p2 [sflag:s3], $0x800  }
0xbc: {  	[sflag:s3] =	ssyncset.done @!p2 $0x0  }
0xbd: {  	[sflag:s3] =	ssyncadd.s32 @!p2 $0xFFFFF800  }
0xbe: {  	[bflag:$0x0] =	sbarrier.arrive $0xFFFF  }
0xbf: {  	s22 =	sld [smem:$0x7D0]  }
0xc0: {  	s9 =	sld [smem:$0x7ED]  }
0xc1: {  	s5 =	sld [smem:$0x7DE]  }
0xc2: {  	p0 =	seq.s32 s22, $0x1  }
0xc3: {  	s3 =	sshrl.u32 @!p0 s9, $0x3;
	s4 =	simm.s32 @!p0 $0x1FC2  }
0xc4: {  	[hbm:s5], [sflag:s4] =	dma.local @!p0 [spmem:s3], $0x500  }
0xc5: {  	s3 =	simm.s32 @!p0 $0x2  }
0xc6: {  	_ =	swait.ge @!p0 [sflag:s3], $0x500  }
0xc7: {  	s8 =	sld [smem:$0x7DC]  }
0xc8: {  	[sflag:s3] =	ssyncset.done @!p0 $0x0  }
0xc9: {  	s5 =	sshrl.u32 @!p0 s11, $0x3;
	[sflag:s3] =	ssyncadd.s32 @!p0 $0xFFFFFB00  }
0xca: {  	[hbm:s8], [sflag:s4] =	dma.local @!p0 [spmem:s5], $0xFA0  }
0xcb: {  	_ =	swait.ge @!p0 [sflag:s3], $0xFA0  }
0xcc: {  	s23 =	sld [smem:$0x7D1];
	_ =	sdelay $0x1  }
0xcd: {  	[sflag:s3] =	ssyncset.done @!p0 $0x0;
	s4 =	sld [smem:$0x7D6]  }
0xce: {  	[sflag:s3] =	ssyncadd.s32 @!p0 $0xFFFFF060;
	p0 =	seq.s32 s23, $0x1  }
0xcf: {  	s3 =	sshrl.u32 @!p0 s16, $0x3  }
0xd0: {  	[hbm:s4], [sflag:s10] =	dma.local @!p0 [spmem:s3], $0x800  }
0xd1: {  	s3 =	simm.s32 @!p0 $0x2  }
0xd2: {  	_ =	swait.ge @!p0 [sflag:s3], $0x800  }
0xd3: {  	s24 =	sld [smem:$0x7D2];
	_ =	sdelay $0x1  }
0xd4: {  	[sflag:s3] =	ssyncset.done @!p0 $0x0;
	s5 =	sld [smem:$0x7DD]  }
0xd5: {  	[sflag:s3] =	ssyncadd.s32 @!p0 $0xFFFFF800;
	p0 =	seq.s32 s24, $0x1  }
0xd6: {  	s3 =	sshrl.u32 @!p0 s9, $0x3;
	s4 =	simm.s32 @!p0 $0x1FC2  }
0xd7: {  	[hbm:s5], [sflag:s4] =	dma.local @!p0 [spmem:s3], $0x500  }
0xd8: {  	s3 =	simm.s32 @!p0 $0x2  }
0xd9: {  	_ =	swait.ge @!p0 [sflag:s3], $0x500  }
0xda: {  	s8 =	sld [smem:$0x7DB]  }
0xdb: {  	[sflag:s3] =	ssyncset.done @!p0 $0x0  }
0xdc: {  	s5 =	sshrl.u32 @!p0 s11, $0x3;
	[sflag:s3] =	ssyncadd.s32 @!p0 $0xFFFFFB00  }
0xdd: {  	[hbm:s8], [sflag:s4] =	dma.local @!p0 [spmem:s5], $0xFA0  }
0xde: {  	_ =	swait.ge @!p0 [sflag:s3], $0xFA0  }
0xdf: {  	s26 =	sld [smem:$0x7D3];
	_ =	sdelay $0x1  }
0xe0: {  	s4 =	sld [smem:$0x7D5]  }
0xe1: {  	[sflag:s3] =	ssyncset.done @!p0 $0x0;
	p1 =	seq.s32 s26, $0x1  }
0xe2: {  	[sflag:s3] =	ssyncadd.s32 @!p0 $0xFFFFF060;
	s3 =	sshrl.u32 @!p1 s16, $0x3  }
0xe3: {  	[hbm:s4], [sflag:s10] =	dma.local @!p1 [spmem:s3], $0x800  }
0xe4: {  	s3 =	simm.s32 @!p1 $0x2  }
0xe5: {  	_ =	swait.ge @!p1 [sflag:s3], $0x800  }
0xe6: {  	s28 =	sld [smem:$0x7DF];
	_ =	sdelay $0x1  }
0xe7: {  	s13 =	sadd.s32 $0x1, s13  }
0xe8: {  	p0 =	sne.s32 s13, s28  }
.Ltmp1:
0xe9: {  	_ = 	snop;
	(pc) =	sbr.rel @!p0 .LBB2_12-.Ltmp1, $3  }
0xea: {  	_ =	sdelay $0x1  }
0xeb: {  	[sflag:s3] =	ssyncset.done @!p1 $0x0  }
0xec: {  	[sflag:s3] =	ssyncadd.s32 @!p1 $0xFFFFF800  }
.LBB2_1:
0xed: {  	s4 =	sld [smem:$0x7D7];
	_ =	sdelay $0x1  }
0xee: {  	[smem:$0x7B5] =	sst s13;
	s3 =	simm.s32 $0x0  }
0xef: {  	[tilespmem:s12], [sflag:$0x2] =	stream.linear.gather [hbm4b:s4+s3], $0x4000, $0x38;
	[tilespmem:$0x19600] =	vst v63  }
0xf0: {  	_ =	swait.ge [sflag:s6], $0x4000  }
0xf1: {  	s13 =	sld [smem:$0x7D8]  }
0xf2: {  	[sflag:s6] =	ssyncset.done $0x0  }
0xf3: {  	[sflag:s6] =	ssyncadd.s32 $0xFFFFC000  }
0xf4: {  	[tilespmem:s7], [sflag:$0x2] =	stream.linear.gather [hbm4b:s13+s3], $0x1000, $0x38;
	[tilespmem:$0x19600] =	vst v63  }
0xf5: {  	_ =	swait.ge [sflag:s6], $0x1000  }
0xf6: {  	s14 =	sld [smem:$0x7D9]  }
0xf7: {  	[sflag:s6] =	ssyncset.done $0x0  }
0xf8: {  	s5 =	simm.s32 $0xA000;
	[sflag:s6] =	ssyncadd.s32 $0xFFFFF000  }
0xf9: {  	[tilespmem:s5], [sflag:$0x2] =	stream.linear.gather [hbm4b:s14+s3], $0x800, $0x38;
	[tilespmem:$0x19600] =	vst v63  }
0xfa: {  	_ =	swait.ge [sflag:s6], $0x800  }
0xfb: {  	s15 =	sld [smem:$0x7DA]  }
0xfc: {  	[sflag:s6] =	ssyncset.done $0x0  }
0xfd: {  	s16 =	simm.s32 $0xA800;
	[sflag:s6] =	ssyncadd.s32 $0xFFFFF800  }
0xfe: {  	[tilespmem:s16], [sflag:$0x2] =	stream.linear.gather [hbm4b:s15+s3], $0x800, $0x38;
	[tilespmem:$0x19600] =	vst v63  }
0xff: {  	_ =	swait.ge [sflag:s6], $0x800  }
0x100: {  	s17 =	sld [smem:$0x7E0]  }
0x101: {  	[sflag:s6] =	ssyncset.done $0x0  }
0x102: {  	[sflag:s6] =	ssyncadd.s32 $0xFFFFF800  }
0x103: {  	[spmem:s17] =	stream.linear.scatter [tilespmem:s7], [sflag:$0x2], $0x1000, $0x38;
	[tilespmem:$0x19600] =	vst v63  }
0x104: {  	_ =	swait.ge [sflag:s6], $0x1000  }
0x105: {  	s18 =	sld [smem:$0x7E1]  }
0x106: {  	[sflag:s6] =	ssyncset.done $0x0  }
0x107: {  	[sflag:s6] =	ssyncadd.s32 $0xFFFFF000  }
0x108: {  	[spmem:s18] =	stream.linear.scatter [tilespmem:s7], [sflag:$0x2], $0x1000, $0x38;
	[tilespmem:$0x19600] =	vst v63  }
0x109: {  	_ =	swait.ge [sflag:s6], $0x1000  }
0x10a: {  	s19 =	sld [smem:$0x7E2]  }
0x10b: {  	[sflag:s6] =	ssyncset.done $0x0  }
0x10c: {  	[sflag:s6] =	ssyncadd.s32 $0xFFFFF000  }
0x10d: {  	[spmem:s19] =	stream.linear.scatter [tilespmem:s7], [sflag:$0x2], $0x1000, $0x38;
	[tilespmem:$0x19600] =	vst v63  }
0x10e: {  	_ =	swait.ge [sflag:s6], $0x1000  }
0x10f: {  	s20 =	sld [smem:$0x7E3]  }
0x110: {  	[sflag:s6] =	ssyncset.done $0x0  }
0x111: {  	[sflag:s6] =	ssyncadd.s32 $0xFFFFF000  }
0x112: {  	[spmem:s20] =	stream.linear.scatter [tilespmem:s7], [sflag:$0x2], $0x1000, $0x38;
	[tilespmem:$0x19600] =	vst v63  }
0x113: {  	_ =	swait.ge [sflag:s6], $0x1000  }
0x114: {  	s22 =	sld [smem:$0x7E4]  }
0x115: {  	[sflag:s6] =	ssyncset.done $0x0  }
0x116: {  	[sflag:s6] =	ssyncadd.s32 $0xFFFFF000  }
0x117: {  	[spmem:s22] =	stream.linear.scatter [tilespmem:s7], [sflag:$0x2], $0x1000, $0x38;
	[tilespmem:$0x19600] =	vst v63  }
0x118: {  	_ =	swait.ge [sflag:s6], $0x1000  }
0x119: {  	s23 =	sld [smem:$0x7E5]  }
0x11a: {  	[sflag:s6] =	ssyncset.done $0x0  }
0x11b: {  	[sflag:s6] =	ssyncadd.s32 $0xFFFFF000  }
0x11c: {  	[spmem:s23] =	stream.linear.scatter [tilespmem:s7], [sflag:$0x2], $0x1000, $0x38;
	[tilespmem:$0x19600] =	vst v63  }
0x11d: {  	_ =	swait.ge [sflag:s6], $0x1000  }
0x11e: {  	s24 =	sld [smem:$0x7E6]  }
0x11f: {  	[sflag:s6] =	ssyncset.done $0x0  }
0x120: {  	[sflag:s6] =	ssyncadd.s32 $0xFFFFF000  }
0x121: {  	[spmem:s24] =	stream.linear.scatter [tilespmem:s7], [sflag:$0x2], $0x1000, $0x38;
	[tilespmem:$0x19600] =	vst v63  }
0x122: {  	_ =	swait.ge [sflag:s6], $0x1000  }
0x123: {  	s26 =	sld [smem:$0x7E7]  }
0x124: {  	[sflag:s6] =	ssyncset.done $0x0  }
0x125: {  	[sflag:s6] =	ssyncadd.s32 $0xFFFFF000  }
0x126: {  	[spmem:s26] =	stream.linear.scatter [tilespmem:s7], [sflag:$0x2], $0x1000, $0x38;
	[tilespmem:$0x19600] =	vst v63  }
0x127: {  	_ =	swait.ge [sflag:s6], $0x1000  }
0x128: {  	s28 =	sld [smem:$0x7E8]  }
0x129: {  	[sflag:s6] =	ssyncset.done $0x0  }
0x12a: {  	[sflag:s6] =	ssyncadd.s32 $0xFFFFF000  }
0x12b: {  	[spmem:s28] =	stream.linear.scatter [tilespmem:s7], [sflag:$0x2], $0x1000, $0x38;
	[tilespmem:$0x19600] =	vst v63  }
0x12c: {  	_ =	swait.ge [sflag:s6], $0x1000  }
0x12d: {  	s4 =	sld [smem:$0x7E9]  }
0x12e: {  	[sflag:s6] =	ssyncset.done $0x0  }
0x12f: {  	s3 =	simm.s32 @!p3 $0x9000;
	[sflag:s6] =	ssyncadd.s32 $0xFFFFF000  }
0x130: {  	[spmem:s4] =	stream.linear.scatter @!p3 [tilespmem:s3], [sflag:$0x2], $0x1000, $0x38;
	[tilespmem:$0x19600] =	vst v63  }
0x131: {  	s3 =	simm.s32 @!p3 $0x2  }
0x132: {  	_ =	swait.ge @!p3 [sflag:s3], $0x1000  }
0x133: {  	s9 =	sld [smem:$0x7D4];
	_ =	sdelay $0x1  }
0x134: {  	[sflag:s3] =	ssyncset.done @!p3 $0x0  }
0x135: {  	[sflag:s3] =	ssyncadd.s32 @!p3 $0xFFFFF000;
	p6 =	sge.u32 s9, s25  }
0x136: {  	[bflag:$0x0] =	sbarrier.arrive $0xFFFF;
	s3 =	sadd.s32 @!p6 $0x0, s2  }
0x137: {  	s4 =	simm.s32 @!p6 $0x0;
	s5 =	simm.s32 @!p6 $0xB000;
	s8 =	simm.s32 @!p6 $0x3  }
0x138: {  	[tilespmem:s5], [sflag:$0x3] =	stream.linear.gather @!p6 [hbm4b:s3+s4], $0x80, $0x38;
	[tilespmem:$0x19600] =	vst v63  }
0x139: {  	_ =	swait.ge @!p6 [sflag:s8], $0x80  }
0x13a: {  	[sflag:s8] =	ssyncset.done @!p6 $0x0  }
0x13b: {  	s10 =	simm.s32 @!p6 $0xB080;
	s3 =	sadd.s32 @!p6 $0x0, s29;
	[sflag:s8] =	ssyncadd.s32 @!p6 $0xFFFFFF80  }
0x13c: {  	[tilespmem:s10], [sflag:$0x3] =	stream.linear.gather @!p6 [hbm4b:s3+s4], $0x80, $0x38;
	[tilespmem:$0x19600] =	vst v63  }
0x13d: {  	p4 =	por p6, p6;
	_ =	swait.ge @!p6 [sflag:s8], $0x80  }
0x13e: {  	[sflag:s8] =	ssyncset.done @!p4 $0x0  }
0x13f: {  	s3 =	simm.s32 @!p4 $0x80;
	s4 =	simm.s32 @!p4 $0x4000;
	[sflag:s8] =	ssyncadd.s32 @!p4 $0xFFFFFF80  }
0x140: {  	[tilespmem:s4], [sflag:$0x1] =	stream.indirect.gather @!p4 [hbm4b:s30+s3], $0x20, s5, s3, $0xb8;
	[tilespmem:$0x19600] =	vst v63  }
0x141: {  	s5 =	simm.s32 @!p4 $0x1  }
0x142: {  	_ =	swait.ge @!p4 [sflag:s5], $0x1000  }
0x143: {  	[sflag:s5] =	ssyncset.done @!p4 $0x0  }
0x144: {  	[sflag:s5] =	ssyncadd.s32 @!p4 $0xFFFFF000  }
0x145: {  	[spmem:s21] =	stream.indirect.scatter.add.f32 @!p4 [tilespmem:s4], [sflag:$0x2], $0x20, s10, s3, $0xb8;
	[tilespmem:$0x19600] =	vst v63  }
0x146: {  	s8 =	simm.s32 @!p4 $0x2;
	s5 =	simm.s32 $0x200;
	s4 =	sadd.s32 $0x10, s9  }
0x147: {  	s3 =	simm.s32 $0x100;
	p0 =	sge.u32 s4, s25;
	_ =	swait.ge @!p4 [sflag:s8], $0x1000  }
.LBB2_2:
0x148: {  	s10 =	sadd.s32 @!p0 s3, s2;
	s11 =	simm.s32 @!p0 $0x0;
	[sflag:s8] =	ssyncset.done @!p4 $0x0  }
0x149: {  	s12 =	simm.s32 @!p0 $0xB000;
	s13 =	simm.s32 @!p0 $0x3;
	[sflag:s8] =	ssyncadd.s32 @!p4 $0xFFFFF000  }
0x14a: {  	[tilespmem:s12], [sflag:$0x3] =	stream.linear.gather @!p0 [hbm4b:s10+s11], $0x80, $0x38;
	[tilespmem:$0x19600] =	vst v63  }
0x14b: {  	s8 =	smov.u32 s5;
	s5 =	sadd.s32 $0x100, s5;
	_ =	swait.ge @!p0 [sflag:s13], $0x80  }
0x14c: {  	s14 =	simm.s32 @!p0 $0xB080;
	s10 =	sadd.s32 @!p0 s3, s29;
	[sflag:s13] =	ssyncset.done @!p0 $0x0  }
0x14d: {  	p1 =	sne.s32 s5, $0x2800;
	s3 =	smov.u32 s8;
	[sflag:s13] =	ssyncadd.s32 @!p0 $0xFFFFFF80  }
0x14e: {  	[tilespmem:s14], [sflag:$0x3] =	stream.linear.gather @!p0 [hbm4b:s10+s11], $0x80, $0x38;
	[tilespmem:$0x19600] =	vst v63  }
0x14f: {  	p4 =	por p0, p0;
	_ =	swait.ge @!p0 [sflag:s13], $0x80  }
0x150: {  	s10 =	simm.s32 @!p4 $0x80;
	s11 =	simm.s32 @!p4 $0x4000;
	[sflag:s13] =	ssyncset.done @!p4 $0x0  }
0x151: {  	s8 =	simm.s32 @!p4 $0x1;
	[sflag:s13] =	ssyncadd.s32 @!p4 $0xFFFFFF80  }
0x152: {  	[tilespmem:s11], [sflag:$0x1] =	stream.indirect.gather @!p4 [hbm4b:s30+s10], $0x20, s12, s10, $0xb8;
	[tilespmem:$0x19600] =	vst v63  }
.Ltmp2:
0x153: {  	_ =	swait.ge @!p4 [sflag:s8], $0x1000;
	(pc) =	sbr.rel @p1 .LBB2_2-.Ltmp2, $4  }
0x154: {  	[sflag:s8] =	ssyncset.done @!p4 $0x0  }
0x155: {  	s4 =	sadd.s32 $0x10, s4;
	[sflag:s8] =	ssyncadd.s32 @!p4 $0xFFFFF000;
	s8 =	simm.s32 @!p4 $0x2  }
0x156: {  	[spmem:s21] =	stream.indirect.scatter.add.f32 @!p4 [tilespmem:s11], [sflag:$0x2], $0x20, s14, s10, $0xb8;
	[tilespmem:$0x19600] =	vst v63  }
0x157: {  	p0 =	sge.u32 s4, s25;
	_ =	swait.ge @!p4 [sflag:s8], $0x1000  }
0x158: {  	s4 =	sadd.s32 @!p0 s3, s2;
	s5 =	simm.s32 @!p0 $0x0;
	[sflag:s8] =	ssyncset.done @!p4 $0x0  }
0x159: {  	s10 =	simm.s32 @!p0 $0xB000;
	s11 =	simm.s32 @!p0 $0x3;
	[sflag:s8] =	ssyncadd.s32 @!p4 $0xFFFFF000  }
0x15a: {  	[tilespmem:s10], [sflag:$0x3] =	stream.linear.gather @!p0 [hbm4b:s4+s5], $0x80, $0x38;
	[tilespmem:$0x19600] =	vst v63  }
0x15b: {  	_ =	swait.ge @!p0 [sflag:s11], $0x80  }
0x15c: {  	[sflag:s11] =	ssyncset.done @!p0 $0x0  }
0x15d: {  	s3 =	sadd.s32 @!p0 s3, s29;
	s4 =	simm.s32 @!p0 $0xB080;
	[sflag:s11] =	ssyncadd.s32 @!p0 $0xFFFFFF80  }
0x15e: {  	[tilespmem:s4], [sflag:$0x3] =	stream.linear.gather @!p0 [hbm4b:s3+s5], $0x80, $0x38;
	[tilespmem:$0x19600] =	vst v63  }
0x15f: {  	_ =	swait.ge @!p0 [sflag:s11], $0x80;
	p0 =	por p0, p0  }
0x160: {  	[sflag:s11] =	ssyncset.done @!p0 $0x0;
	s3 =	simm.s32 @!p0 $0x80  }
0x161: {  	s5 =	simm.s32 @!p0 $0x4000;
	s8 =	simm.s32 @!p0 $0x1;
	[sflag:s11] =	ssyncadd.s32 @!p0 $0xFFFFFF80  }
0x162: {  	[tilespmem:s5], [sflag:$0x1] =	stream.indirect.gather @!p0 [hbm4b:s30+s3], $0x20, s10, s3, $0xb8;
	[tilespmem:$0x19600] =	vst v63  }
0x163: {  	_ =	swait.ge @!p0 [sflag:s8], $0x1000  }
0x164: {  	[sflag:s8] =	ssyncset.done @!p0 $0x0  }
0x165: {  	[sflag:s8] =	ssyncadd.s32 @!p0 $0xFFFFF000;
	s8 =	simm.s32 @!p0 $0x2  }
0x166: {  	[spmem:s21] =	stream.indirect.scatter.add.f32 @!p0 [tilespmem:s5], [sflag:$0x2], $0x20, s4, s3, $0xb8;
	[tilespmem:$0x19600] =	vst v63  }
0x167: {  	_ =	swait.ge @!p0 [sflag:s8], $0x1000  }
0x168: {  	[sflag:s8] =	ssyncset.done @!p0 $0x0  }
0x169: {  	[sflag:s8] =	ssyncadd.s32 @!p0 $0xFFFFF000  }
0x16a: {  	[bflag:$0x0] =	sbarrier.arrive $0xFFFF  }
0x16b: {  	s14 =	sld [smem:$0x7E0];
	_ =	sdelay $0x1  }
0x16c: {  	s12 =	stileid.u32  }
0x16d: {  	s3 =	sshll.u32 s12, $0x6;
	s15 =	rddreg [dreg:$0xa];
	s13 =	sshrl.u32 s14, $0x3  }
0x16e: {  	s10 =	sor.u32 $0x1C02, s3;
	[smem:$0x7B2] =	sst s13  }
0x16f: {  	[hbm:s15], [sflag:s10] =	dma.local [spmem:s13], $0x200  }
0x170: {  	_ =	swait.ge [sflag:s6], $0x200  }
0x171: {  	s15 =	sld [smem:$0x7E1];
	_ =	sdelay $0x1  }
0x172: {  	[sflag:s6] =	ssyncset.done $0x0  }
0x173: {  	s17 =	rddreg [dreg:$0xb];
	[sflag:s6] =	ssyncadd.s32 $0xFFFFFE00;
	s16 =	sshrl.u32 s15, $0x3  }
0x174: {  	[hbm:s17], [sflag:s10] =	dma.local [spmem:s16], $0x200  }
0x175: {  	_ =	swait.ge [sflag:s6], $0x200  }
0x176: {  	s20 =	smov.u32 s16;
	s16 =	sld [smem:$0x7E2];
	_ =	sdelay $0x2  }
0x177: {  	[sflag:s6] =	ssyncset.done $0x0;
	s19 =	rddreg [dreg:$0xc];
	s18 =	sshrl.u32 s16, $0x3  }
0x178: {  	[sflag:s6] =	ssyncadd.s32 $0xFFFFFE00;
	[smem:$0x7B3] =	sst s18  }
0x179: {  	[hbm:s19], [sflag:s10] =	dma.local [spmem:s18], $0x200  }
0x17a: {  	_ =	swait.ge [sflag:s6], $0x200  }
0x17b: {  	s17 =	sld [smem:$0x7E3];
	_ =	sdelay $0x1  }
0x17c: {  	[sflag:s6] =	ssyncset.done $0x0  }
0x17d: {  	s24 =	rddreg [dreg:$0xd];
	[sflag:s6] =	ssyncadd.s32 $0xFFFFFE00;
	s22 =	sshrl.u32 s17, $0x3  }
0x17e: {  	[hbm:s24], [sflag:s10] =	dma.local [spmem:s22], $0x200  }
0x17f: {  	_ =	swait.ge [sflag:s6], $0x200  }
0x180: {  	s18 =	sld [smem:$0x7E4];
	_ =	sdelay $0x1  }
0x181: {  	[sflag:s6] =	ssyncset.done $0x0  }
0x182: {  	s28 =	rddreg [dreg:$0xe];
	[sflag:s6] =	ssyncadd.s32 $0xFFFFFE00;
	s26 =	sshrl.u32 s18, $0x3  }
0x183: {  	[hbm:s28], [sflag:s10] =	dma.local [spmem:s26], $0x200  }
0x184: {  	_ =	swait.ge [sflag:s6], $0x200  }
0x185: {  	s19 =	sld [smem:$0x7E5];
	_ =	sdelay $0x1  }
0x186: {  	[sflag:s6] =	ssyncset.done $0x0  }
0x187: {  	s5 =	rddreg [dreg:$0xf];
	[sflag:s6] =	ssyncadd.s32 $0xFFFFFE00;
	s4 =	sshrl.u32 s19, $0x3  }
0x188: {  	[hbm:s5], [sflag:s10] =	dma.local [spmem:s4], $0x200  }
0x189: {  	_ =	swait.ge [sflag:s6], $0x200  }
0x18a: {  	s28 =	sld [smem:$0x7E6];
	_ =	sdelay $0x1  }
0x18b: {  	[sflag:s6] =	ssyncset.done $0x0  }
0x18c: {  	s9 =	rddreg [dreg:$0x10];
	[sflag:s6] =	ssyncadd.s32 $0xFFFFFE00;
	s8 =	sshrl.u32 s28, $0x3  }
0x18d: {  	[hbm:s9], [sflag:s10] =	dma.local [spmem:s8], $0x200  }
0x18e: {  	_ =	swait.ge [sflag:s6], $0x200  }
0x18f: {  	s3 =	sld [smem:$0x7E7];
	_ =	sdelay $0x2  }
0x190: {  	[sflag:s6] =	ssyncset.done $0x0;
	s9 =	rddreg [dreg:$0x11];
	s12 =	sshrl.u32 s3, $0x3  }
0x191: {  	[sflag:s6] =	ssyncadd.s32 $0xFFFFFE00;
	[smem:$0x7B4] =	sst s12  }
0x192: {  	[hbm:s9], [sflag:s10] =	dma.local [spmem:s12], $0x200  }
0x193: {  	_ =	swait.ge [sflag:s6], $0x200  }
0x194: {  	s5 =	sld [smem:$0x7E8];
	_ =	sdelay $0x1  }
0x195: {  	s24 =	smov.u32 s4;
	[sflag:s6] =	ssyncset.done $0x0  }
0x196: {  	s13 =	rddreg [dreg:$0x12];
	[sflag:s6] =	ssyncadd.s32 $0xFFFFFE00;
	s4 =	sshrl.u32 s5, $0x3  }
0x197: {  	[hbm:s13], [sflag:s10] =	dma.local [spmem:s4], $0x200  }
0x198: {  	_ =	swait.ge [sflag:s6], $0x200  }
0x199: {  	s9 =	sld [smem:$0x7EC]  }
0x19a: {  	s11 =	smov.u32 s26  }
0x19b: {  	s26 =	smov.u32 s8;
	s12 =	simm.s32 @!p5 $0x1FC2;
	[sflag:s6] =	ssyncset.done $0x0  }
0x19c: {  	[sflag:s6] =	ssyncadd.s32 $0xFFFFFE00;
	s8 =	sshrl.u32 @!p5 s9, $0x3;
	s9 =	rddreg [dreg:$0x6]  }
0x19d: {  	[hbm:s9], [sflag:s12] =	dma.local @!p5 [spmem:s8], $0x80  }
0x19e: {  	s12 =	simm.s32 @!p5 $0x2  }
0x19f: {  	_ =	swait.ge @!p5 [sflag:s12], $0x80  }
0x1a0: {  	s23 =	smov.u32 s22;
	s22 =	sld [smem:$0x7EA];
	_ =	sdelay $0x2  }
0x1a1: {  	p0 =	seq.s32 s22, $0x1;
	s22 =	sld [smem:$0x7E9];
	_ =	sdelay $0x1  }
0x1a2: {  	[sflag:s12] =	ssyncset.done @!p5 $0x0;
	s9 =	rddreg [dreg:$0x13]  }
0x1a3: {  	[sflag:s12] =	ssyncadd.s32 @!p5 $0xFFFFFF80;
	s13 =	simm.s32 @!p0 $0x2;
	s12 =	sshrl.u32 @!p0 s22, $0x3  }
0x1a4: {  	[hbm:s9], [sflag:s10] =	dma.local @!p0 [spmem:s12], $0x200  }
0x1a5: {  	_ =	swait.ge @!p0 [sflag:s13], $0x200  }
0x1a6: {  	[sflag:s13] =	ssyncset.done @!p0 $0x0  }
0x1a7: {  	[sflag:s13] =	ssyncadd.s32 @!p0 $0xFFFFFE00  }
0x1a8: {  	[bflag:$0x0] =	sbarrier.arrive $0xFFFF  }
0x1a9: {  	[spmem:s14] =	stream.linear.scatter [tilespmem:s7], [sflag:$0x2], $0x1000, $0x38;
	[tilespmem:$0x19600] =	vst v63  }
0x1aa: {  	_ =	swait.ge [sflag:s6], $0x1000  }
0x1ab: {  	[sflag:s6] =	ssyncset.done $0x0  }
0x1ac: {  	[sflag:s6] =	ssyncadd.s32 $0xFFFFF000  }
0x1ad: {  	[spmem:s15] =	stream.linear.scatter [tilespmem:s7], [sflag:$0x2], $0x1000, $0x38;
	[tilespmem:$0x19600] =	vst v63  }
0x1ae: {  	_ =	swait.ge [sflag:s6], $0x1000  }
0x1af: {  	[sflag:s6] =	ssyncset.done $0x0  }
0x1b0: {  	[sflag:s6] =	ssyncadd.s32 $0xFFFFF000  }
0x1b1: {  	[spmem:s16] =	stream.linear.scatter [tilespmem:s7], [sflag:$0x2], $0x1000, $0x38;
	[tilespmem:$0x19600] =	vst v63  }
0x1b2: {  	_ =	swait.ge [sflag:s6], $0x1000  }
0x1b3: {  	[sflag:s6] =	ssyncset.done $0x0  }
0x1b4: {  	[sflag:s6] =	ssyncadd.s32 $0xFFFFF000  }
0x1b5: {  	[spmem:s17] =	stream.linear.scatter [tilespmem:s7], [sflag:$0x2], $0x1000, $0x38;
	[tilespmem:$0x19600] =	vst v63  }
0x1b6: {  	_ =	swait.ge [sflag:s6], $0x1000  }
0x1b7: {  	[sflag:s6] =	ssyncset.done $0x0  }
0x1b8: {  	[sflag:s6] =	ssyncadd.s32 $0xFFFFF000  }
0x1b9: {  	[spmem:s18] =	stream.linear.scatter [tilespmem:s7], [sflag:$0x2], $0x1000, $0x38;
	[tilespmem:$0x19600] =	vst v63  }
0x1ba: {  	_ =	swait.ge [sflag:s6], $0x1000  }
0x1bb: {  	[sflag:s6] =	ssyncset.done $0x0  }
0x1bc: {  	[sflag:s6] =	ssyncadd.s32 $0xFFFFF000  }
0x1bd: {  	[spmem:s19] =	stream.linear.scatter [tilespmem:s7], [sflag:$0x2], $0x1000, $0x38;
	[tilespmem:$0x19600] =	vst v63  }
0x1be: {  	_ =	swait.ge [sflag:s6], $0x1000  }
0x1bf: {  	[sflag:s6] =	ssyncset.done $0x0  }
0x1c0: {  	[sflag:s6] =	ssyncadd.s32 $0xFFFFF000  }
0x1c1: {  	[spmem:s28] =	stream.linear.scatter [tilespmem:s7], [sflag:$0x2], $0x1000, $0x38;
	[tilespmem:$0x19600] =	vst v63  }
0x1c2: {  	_ =	swait.ge [sflag:s6], $0x1000  }
0x1c3: {  	[sflag:s6] =	ssyncset.done $0x0  }
0x1c4: {  	[sflag:s6] =	ssyncadd.s32 $0xFFFFF000  }
0x1c5: {  	[spmem:s3] =	stream.linear.scatter [tilespmem:s7], [sflag:$0x2], $0x1000, $0x38;
	[tilespmem:$0x19600] =	vst v63  }
0x1c6: {  	_ =	swait.ge [sflag:s6], $0x1000  }
0x1c7: {  	[sflag:s6] =	ssyncset.done $0x0  }
0x1c8: {  	[sflag:s6] =	ssyncadd.s32 $0xFFFFF000  }
0x1c9: {  	[spmem:s5] =	stream.linear.scatter [tilespmem:s7], [sflag:$0x2], $0x1000, $0x38;
	[tilespmem:$0x19600] =	vst v63  }
0x1ca: {  	_ =	swait.ge [sflag:s6], $0x1000  }
0x1cb: {  	[sflag:s6] =	ssyncset.done $0x0  }
0x1cc: {  	s13 =	simm.s32 @!p3 $0x9000;
	[sflag:s6] =	ssyncadd.s32 $0xFFFFF000  }
0x1cd: {  	[spmem:s22] =	stream.linear.scatter @!p3 [tilespmem:s13], [sflag:$0x2], $0x1000, $0x38;
	[tilespmem:$0x19600] =	vst v63  }
0x1ce: {  	s13 =	simm.s32 @!p3 $0x2  }
0x1cf: {  	_ =	swait.ge @!p3 [sflag:s13], $0x1000  }
0x1d0: {  	[sflag:s13] =	ssyncset.done @!p3 $0x0  }
0x1d1: {  	s14 =	simm.s32 @!p6 $0x0;
	s15 =	simm.s32 @!p6 $0xB000;
	[sflag:s13] =	ssyncadd.s32 @!p3 $0xFFFFF000  }
0x1d2: {  	s16 =	simm.s32 @!p6 $0x3;
	s13 =	sadd.s32 @!p6 $0x0, s2;
	[bflag:$0x0] =	sbarrier.arrive $0xFFFF  }
0x1d3: {  	[tilespmem:s15], [sflag:$0x3] =	stream.linear.gather @!p6 [hbm4b:s13+s14], $0x80, $0x38;
	[tilespmem:$0x19600] =	vst v63  }
0x1d4: {  	_ =	swait.ge @!p6 [sflag:s16], $0x80  }
0x1d5: {  	[sflag:s16] =	ssyncset.done @!p6 $0x0  }
0x1d6: {  	s17 =	simm.s32 @!p6 $0xB080;
	s13 =	sadd.s32 @!p6 $0x0, s29;
	[sflag:s16] =	ssyncadd.s32 @!p6 $0xFFFFFF80  }
0x1d7: {  	[tilespmem:s17], [sflag:$0x3] =	stream.linear.gather @!p6 [hbm4b:s13+s14], $0x80, $0x38;
	[tilespmem:$0x19600] =	vst v63  }
0x1d8: {  	p4 =	por p6, p6;
	_ =	swait.ge @!p6 [sflag:s16], $0x80  }
0x1d9: {  	[sflag:s16] =	ssyncset.done @!p4 $0x0  }
0x1da: {  	s13 =	simm.s32 @!p4 $0x80;
	s14 =	simm.s32 @!p4 $0x4000;
	[sflag:s16] =	ssyncadd.s32 @!p4 $0xFFFFFF80  }
0x1db: {  	[tilespmem:s14], [sflag:$0x1] =	stream.indirect.gather @!p4 [hbm4b:s31+s13], $0x20, s15, s13, $0xb8;
	[tilespmem:$0x19600] =	vst v63  }
0x1dc: {  	s15 =	simm.s32 @!p4 $0x1  }
0x1dd: {  	_ =	swait.ge @!p4 [sflag:s15], $0x1000  }
0x1de: {  	[sflag:s15] =	ssyncset.done @!p4 $0x0;
	s28 =	sld [smem:$0x7D4]  }
0x1df: {  	[sflag:s15] =	ssyncadd.s32 @!p4 $0xFFFFF000  }
0x1e0: {  	[spmem:s21] =	stream.indirect.scatter.add.f32 @!p4 [tilespmem:s14], [sflag:$0x2], $0x20, s17, s13, $0xb8;
	[tilespmem:$0x19600] =	vst v63  }
0x1e1: {  	s16 =	simm.s32 @!p4 $0x2;
	s15 =	simm.s32 $0x200;
	s14 =	sadd.s32 $0x10, s28  }
0x1e2: {  	s13 =	simm.s32 $0x100;
	_ =	swait.ge @!p4 [sflag:s16], $0x1000;
	p0 =	sge.u32 s14, s25  }
.LBB2_4:
0x1e3: {  	s17 =	sadd.s32 @!p0 s13, s2;
	s18 =	simm.s32 @!p0 $0x0;
	[sflag:s16] =	ssyncset.done @!p4 $0x0  }
0x1e4: {  	s19 =	simm.s32 @!p0 $0xB000;
	s28 =	simm.s32 @!p0 $0x3;
	[sflag:s16] =	ssyncadd.s32 @!p4 $0xFFFFF000  }
0x1e5: {  	[tilespmem:s19], [sflag:$0x3] =	stream.linear.gather @!p0 [hbm4b:s17+s18], $0x80, $0x38;
	[tilespmem:$0x19600] =	vst v63  }
0x1e6: {  	s16 =	smov.u32 s15;
	s15 =	sadd.s32 $0x100, s15;
	_ =	swait.ge @!p0 [sflag:s28], $0x80  }
0x1e7: {  	s9 =	simm.s32 @!p0 $0xB080;
	s17 =	sadd.s32 @!p0 s13, s29;
	[sflag:s28] =	ssyncset.done @!p0 $0x0  }
0x1e8: {  	p1 =	sne.s32 s15, $0x2800;
	s13 =	smov.u32 s16;
	[sflag:s28] =	ssyncadd.s32 @!p0 $0xFFFFFF80  }
0x1e9: {  	[tilespmem:s9], [sflag:$0x3] =	stream.linear.gather @!p0 [hbm4b:s17+s18], $0x80, $0x38;
	[tilespmem:$0x19600] =	vst v63  }
0x1ea: {  	p4 =	por p0, p0;
	_ =	swait.ge @!p0 [sflag:s28], $0x80  }
0x1eb: {  	s17 =	simm.s32 @!p4 $0x80;
	s18 =	simm.s32 @!p4 $0x4000;
	[sflag:s28] =	ssyncset.done @!p4 $0x0  }
0x1ec: {  	s16 =	simm.s32 @!p4 $0x1;
	[sflag:s28] =	ssyncadd.s32 @!p4 $0xFFFFFF80  }
0x1ed: {  	[tilespmem:s18], [sflag:$0x1] =	stream.indirect.gather @!p4 [hbm4b:s31+s17], $0x20, s19, s17, $0xb8;
	[tilespmem:$0x19600] =	vst v63  }
.Ltmp3:
0x1ee: {  	_ =	swait.ge @!p4 [sflag:s16], $0x1000;
	(pc) =	sbr.rel @p1 .LBB2_4-.Ltmp3, $4  }
0x1ef: {  	[sflag:s16] =	ssyncset.done @!p4 $0x0  }
0x1f0: {  	s14 =	sadd.s32 $0x10, s14;
	[sflag:s16] =	ssyncadd.s32 @!p4 $0xFFFFF000;
	s16 =	simm.s32 @!p4 $0x2  }
0x1f1: {  	[spmem:s21] =	stream.indirect.scatter.add.f32 @!p4 [tilespmem:s18], [sflag:$0x2], $0x20, s9, s17, $0xb8;
	[tilespmem:$0x19600] =	vst v63  }
0x1f2: {  	p0 =	sge.u32 s14, s25;
	_ =	swait.ge @!p4 [sflag:s16], $0x1000  }
0x1f3: {  	s9 =	sadd.s32 @!p0 s13, s2;
	s14 =	simm.s32 @!p0 $0x0;
	[sflag:s16] =	ssyncset.done @!p4 $0x0  }
0x1f4: {  	s15 =	simm.s32 @!p0 $0xB000;
	[sflag:s16] =	ssyncadd.s32 @!p4 $0xFFFFF000;
	s16 =	simm.s32 @!p0 $0x3  }
0x1f5: {  	[tilespmem:s15], [sflag:$0x3] =	stream.linear.gather @!p0 [hbm4b:s9+s14], $0x80, $0x38;
	[tilespmem:$0x19600] =	vst v63  }
0x1f6: {  	_ =	swait.ge @!p0 [sflag:s16], $0x80  }
0x1f7: {  	[sflag:s16] =	ssyncset.done @!p0 $0x0  }
0x1f8: {  	s9 =	sadd.s32 @!p0 s13, s29;
	s13 =	simm.s32 @!p0 $0xB080;
	[sflag:s16] =	ssyncadd.s32 @!p0 $0xFFFFFF80  }
0x1f9: {  	[tilespmem:s13], [sflag:$0x3] =	stream.linear.gather @!p0 [hbm4b:s9+s14], $0x80, $0x38;
	[tilespmem:$0x19600] =	vst v63  }
0x1fa: {  	_ =	swait.ge @!p0 [sflag:s16], $0x80;
	p0 =	por p0, p0  }
0x1fb: {  	[sflag:s16] =	ssyncset.done @!p0 $0x0;
	s9 =	simm.s32 @!p0 $0x80  }
0x1fc: {  	s14 =	simm.s32 @!p0 $0x4000;
	[sflag:s16] =	ssyncadd.s32 @!p0 $0xFFFFFF80;
	s16 =	simm.s32 @!p0 $0x1  }
0x1fd: {  	[tilespmem:s14], [sflag:$0x1] =	stream.indirect.gather @!p0 [hbm4b:s31+s9], $0x20, s15, s9, $0xb8;
	[tilespmem:$0x19600] =	vst v63  }
0x1fe: {  	_ =	swait.ge @!p0 [sflag:s16], $0x1000  }
0x1ff: {  	[sflag:s16] =	ssyncset.done @!p0 $0x0  }
0x200: {  	s15 =	simm.s32 @!p0 $0x2;
	[sflag:s16] =	ssyncadd.s32 @!p0 $0xFFFFF000  }
0x201: {  	[spmem:s21] =	stream.indirect.scatter.add.f32 @!p0 [tilespmem:s14], [sflag:$0x2], $0x20, s13, s9, $0xb8;
	[tilespmem:$0x19600] =	vst v63  }
0x202: {  	_ =	swait.ge @!p0 [sflag:s15], $0x1000  }
0x203: {  	[sflag:s15] =	ssyncset.done @!p0 $0x0  }
0x204: {  	[sflag:s15] =	ssyncadd.s32 @!p0 $0xFFFFF000  }
0x205: {  	[bflag:$0x0] =	sbarrier.arrive $0xFFFF  }
0x206: {  	s5 =	sld [smem:$0x7B2];
	_ =	sdelay $0x1  }
0x207: {  	s22 =	rddreg [dreg:$0x14]  }
0x208: {  	[hbm:s22], [sflag:s10] =	dma.local [spmem:s5], $0x200  }
0x209: {  	_ =	swait.ge [sflag:s6], $0x200  }
0x20a: {  	[sflag:s6] =	ssyncset.done $0x0  }
0x20b: {  	s28 =	rddreg [dreg:$0x15];
	[sflag:s6] =	ssyncadd.s32 $0xFFFFFE00  }
0x20c: {  	[hbm:s28], [sflag:s10] =	dma.local [spmem:s20], $0x200  }
0x20d: {  	_ =	swait.ge [sflag:s6], $0x200  }
0x20e: {  	s22 =	sld [smem:$0x7B3]  }
0x20f: {  	[sflag:s6] =	ssyncset.done $0x0  }
0x210: {  	s3 =	rddreg [dreg:$0x16];
	[sflag:s6] =	ssyncadd.s32 $0xFFFFFE00  }
0x211: {  	[hbm:s3], [sflag:s10] =	dma.local [spmem:s22], $0x200  }
0x212: {  	_ =	swait.ge [sflag:s6], $0x200  }
0x213: {  	[sflag:s6] =	ssyncset.done $0x0  }
0x214: {  	s13 =	rddreg [dreg:$0x17];
	[sflag:s6] =	ssyncadd.s32 $0xFFFFFE00  }
0x215: {  	[hbm:s13], [sflag:s10] =	dma.local [spmem:s23], $0x200  }
0x216: {  	_ =	swait.ge [sflag:s6], $0x200  }
0x217: {  	[sflag:s6] =	ssyncset.done $0x0  }
0x218: {  	s14 =	rddreg [dreg:$0x18];
	[sflag:s6] =	ssyncadd.s32 $0xFFFFFE00  }
0x219: {  	[hbm:s14], [sflag:s10] =	dma.local [spmem:s11], $0x200  }
0x21a: {  	_ =	swait.ge [sflag:s6], $0x200  }
0x21b: {  	[sflag:s6] =	ssyncset.done $0x0  }
0x21c: {  	s15 =	rddreg [dreg:$0x19];
	[sflag:s6] =	ssyncadd.s32 $0xFFFFFE00  }
0x21d: {  	[hbm:s15], [sflag:s10] =	dma.local [spmem:s24], $0x200  }
0x21e: {  	_ =	swait.ge [sflag:s6], $0x200  }
0x21f: {  	[sflag:s6] =	ssyncset.done $0x0  }
0x220: {  	s16 =	rddreg [dreg:$0x1a];
	[sflag:s6] =	ssyncadd.s32 $0xFFFFFE00  }
0x221: {  	[hbm:s16], [sflag:s10] =	dma.local [spmem:s26], $0x200  }
0x222: {  	_ =	swait.ge [sflag:s6], $0x200  }
0x223: {  	s3 =	sld [smem:$0x7B4]  }
0x224: {  	[sflag:s6] =	ssyncset.done $0x0  }
0x225: {  	s17 =	rddreg [dreg:$0x1b];
	[sflag:s6] =	ssyncadd.s32 $0xFFFFFE00  }
0x226: {  	[hbm:s17], [sflag:s10] =	dma.local [spmem:s3], $0x200  }
0x227: {  	_ =	swait.ge [sflag:s6], $0x200  }
0x228: {  	[sflag:s6] =	ssyncset.done $0x0  }
0x229: {  	s18 =	rddreg [dreg:$0x1c];
	[sflag:s6] =	ssyncadd.s32 $0xFFFFFE00  }
0x22a: {  	[hbm:s18], [sflag:s10] =	dma.local [spmem:s4], $0x200  }
0x22b: {  	_ =	swait.ge [sflag:s6], $0x200  }
0x22c: {  	[sflag:s6] =	ssyncset.done $0x0  }
0x22d: {  	s9 =	simm.s32 @!p5 $0x1FC2;
	s13 =	rddreg [dreg:$0x7];
	[sflag:s6] =	ssyncadd.s32 $0xFFFFFE00  }
0x22e: {  	[hbm:s13], [sflag:s9] =	dma.local @!p5 [spmem:s8], $0x80  }
0x22f: {  	s9 =	simm.s32 @!p5 $0x2  }
0x230: {  	_ =	swait.ge @!p5 [sflag:s9], $0x80  }
0x231: {  	s19 =	sld [smem:$0x7EA];
	_ =	sdelay $0x1  }
0x232: {  	[sflag:s9] =	ssyncset.done @!p5 $0x0  }
0x233: {  	[sflag:s9] =	ssyncadd.s32 @!p5 $0xFFFFFF80;
	s9 =	rddreg [dreg:$0x1d];
	p0 =	seq.s32 s19, $0x1  }
0x234: {  	[hbm:s9], [sflag:s10] =	dma.local @!p0 [spmem:s12], $0x200  }
0x235: {  	s9 =	simm.s32 @!p0 $0x2  }
0x236: {  	_ =	swait.ge @!p0 [sflag:s9], $0x200  }
0x237: {  	[sflag:s9] =	ssyncset.done @!p0 $0x0  }
0x238: {  	[sflag:s9] =	ssyncadd.s32 @!p0 $0xFFFFFE00  }
0x239: {  	[bflag:$0x0] =	sbarrier.arrive $0xFFFF  }
0x23a: {  	s28 =	sld [smem:$0x7E0];
	_ =	sdelay $0x2  }
0x23b: {  	[spmem:s28] =	stream.linear.scatter [tilespmem:s7], [sflag:$0x2], $0x1000, $0x38;
	[tilespmem:$0x19600] =	vst v63  }
0x23c: {  	_ =	swait.ge [sflag:s6], $0x1000  }
0x23d: {  	s3 =	sld [smem:$0x7E1]  }
0x23e: {  	[sflag:s6] =	ssyncset.done $0x0  }
0x23f: {  	[sflag:s6] =	ssyncadd.s32 $0xFFFFF000  }
0x240: {  	[spmem:s3] =	stream.linear.scatter [tilespmem:s7], [sflag:$0x2], $0x1000, $0x38;
	[tilespmem:$0x19600] =	vst v63  }
0x241: {  	_ =	swait.ge [sflag:s6], $0x1000  }
0x242: {  	s13 =	sld [smem:$0x7E2]  }
0x243: {  	[sflag:s6] =	ssyncset.done $0x0  }
0x244: {  	[sflag:s6] =	ssyncadd.s32 $0xFFFFF000  }
0x245: {  	[spmem:s13] =	stream.linear.scatter [tilespmem:s7], [sflag:$0x2], $0x1000, $0x38;
	[tilespmem:$0x19600] =	vst v63  }
0x246: {  	_ =	swait.ge [sflag:s6], $0x1000  }
0x247: {  	s14 =	sld [smem:$0x7E3]  }
0x248: {  	[sflag:s6] =	ssyncset.done $0x0  }
0x249: {  	[sflag:s6] =	ssyncadd.s32 $0xFFFFF000  }
0x24a: {  	[spmem:s14] =	stream.linear.scatter [tilespmem:s7], [sflag:$0x2], $0x1000, $0x38;
	[tilespmem:$0x19600] =	vst v63  }
0x24b: {  	_ =	swait.ge [sflag:s6], $0x1000  }
0x24c: {  	s15 =	sld [smem:$0x7E4]  }
0x24d: {  	[sflag:s6] =	ssyncset.done $0x0  }
0x24e: {  	[sflag:s6] =	ssyncadd.s32 $0xFFFFF000  }
0x24f: {  	[spmem:s15] =	stream.linear.scatter [tilespmem:s7], [sflag:$0x2], $0x1000, $0x38;
	[tilespmem:$0x19600] =	vst v63  }
0x250: {  	_ =	swait.ge [sflag:s6], $0x1000  }
0x251: {  	s16 =	sld [smem:$0x7E5]  }
0x252: {  	[sflag:s6] =	ssyncset.done $0x0  }
0x253: {  	[sflag:s6] =	ssyncadd.s32 $0xFFFFF000  }
0x254: {  	[spmem:s16] =	stream.linear.scatter [tilespmem:s7], [sflag:$0x2], $0x1000, $0x38;
	[tilespmem:$0x19600] =	vst v63  }
0x255: {  	_ =	swait.ge [sflag:s6], $0x1000  }
0x256: {  	s17 =	sld [smem:$0x7E6]  }
0x257: {  	[sflag:s6] =	ssyncset.done $0x0  }
0x258: {  	[sflag:s6] =	ssyncadd.s32 $0xFFFFF000  }
0x259: {  	[spmem:s17] =	stream.linear.scatter [tilespmem:s7], [sflag:$0x2], $0x1000, $0x38;
	[tilespmem:$0x19600] =	vst v63  }
0x25a: {  	_ =	swait.ge [sflag:s6], $0x1000  }
0x25b: {  	s18 =	sld [smem:$0x7E7]  }
0x25c: {  	[sflag:s6] =	ssyncset.done $0x0  }
0x25d: {  	[sflag:s6] =	ssyncadd.s32 $0xFFFFF000  }
0x25e: {  	[spmem:s18] =	stream.linear.scatter [tilespmem:s7], [sflag:$0x2], $0x1000, $0x38;
	[tilespmem:$0x19600] =	vst v63  }
0x25f: {  	_ =	swait.ge [sflag:s6], $0x1000  }
0x260: {  	s19 =	sld [smem:$0x7E8]  }
0x261: {  	[sflag:s6] =	ssyncset.done $0x0  }
0x262: {  	[sflag:s6] =	ssyncadd.s32 $0xFFFFF000  }
0x263: {  	[spmem:s19] =	stream.linear.scatter [tilespmem:s7], [sflag:$0x2], $0x1000, $0x38;
	[tilespmem:$0x19600] =	vst v63  }
0x264: {  	_ =	swait.ge [sflag:s6], $0x1000  }
0x265: {  	s3 =	sld [smem:$0x7E9]  }
0x266: {  	[sflag:s6] =	ssyncset.done $0x0  }
0x267: {  	s9 =	simm.s32 @!p3 $0x9000;
	[sflag:s6] =	ssyncadd.s32 $0xFFFFF000  }
0x268: {  	[spmem:s3] =	stream.linear.scatter @!p3 [tilespmem:s9], [sflag:$0x2], $0x1000, $0x38;
	[tilespmem:$0x19600] =	vst v63  }
0x269: {  	s9 =	simm.s32 @!p3 $0x2  }
0x26a: {  	_ =	swait.ge @!p3 [sflag:s9], $0x1000  }
0x26b: {  	[sflag:s9] =	ssyncset.done @!p3 $0x0  }
0x26c: {  	s13 =	simm.s32 @!p6 $0x0;
	s14 =	simm.s32 @!p6 $0xB000;
	[sflag:s9] =	ssyncadd.s32 @!p3 $0xFFFFF000  }
0x26d: {  	s15 =	simm.s32 @!p6 $0x3;
	s9 =	sadd.s32 @!p6 $0x0, s2;
	[bflag:$0x0] =	sbarrier.arrive $0xFFFF  }
0x26e: {  	[tilespmem:s14], [sflag:$0x3] =	stream.linear.gather @!p6 [hbm4b:s9+s13], $0x80, $0x38;
	[tilespmem:$0x19600] =	vst v63  }
0x26f: {  	_ =	swait.ge @!p6 [sflag:s15], $0x80  }
0x270: {  	[sflag:s15] =	ssyncset.done @!p6 $0x0  }
0x271: {  	s16 =	simm.s32 @!p6 $0xB080;
	s9 =	sadd.s32 @!p6 $0x0, s29;
	[sflag:s15] =	ssyncadd.s32 @!p6 $0xFFFFFF80  }
0x272: {  	[tilespmem:s16], [sflag:$0x3] =	stream.linear.gather @!p6 [hbm4b:s9+s13], $0x80, $0x38;
	[tilespmem:$0x19600] =	vst v63  }
0x273: {  	p4 =	por p6, p6;
	_ =	swait.ge @!p6 [sflag:s15], $0x80  }
0x274: {  	[sflag:s15] =	ssyncset.done @!p4 $0x0  }
0x275: {  	s9 =	simm.s32 @!p4 $0x80;
	s13 =	simm.s32 @!p4 $0x4000;
	[sflag:s15] =	ssyncadd.s32 @!p4 $0xFFFFFF80  }
0x276: {  	[tilespmem:s13], [sflag:$0x1] =	stream.indirect.gather @!p4 [hbm4b:s0+s9], $0x20, s14, s9, $0xb8;
	[tilespmem:$0x19600] =	vst v63  }
0x277: {  	s14 =	simm.s32 @!p4 $0x1  }
0x278: {  	_ =	swait.ge @!p4 [sflag:s14], $0x1000  }
0x279: {  	[sflag:s14] =	ssyncset.done @!p4 $0x0;
	s28 =	sld [smem:$0x7D4]  }
0x27a: {  	[sflag:s14] =	ssyncadd.s32 @!p4 $0xFFFFF000  }
0x27b: {  	[spmem:s21] =	stream.indirect.scatter.add.f32 @!p4 [tilespmem:s13], [sflag:$0x2], $0x20, s16, s9, $0xb8;
	[tilespmem:$0x19600] =	vst v63  }
0x27c: {  	s15 =	simm.s32 $0x200;
	s16 =	simm.s32 @!p4 $0x2;
	s14 =	sadd.s32 $0x10, s28  }
0x27d: {  	s13 =	simm.s32 $0x100;
	_ =	swait.ge @!p4 [sflag:s16], $0x1000;
	p0 =	sge.u32 s14, s25  }
.LBB2_6:
0x27e: {  	s9 =	sadd.s32 @!p0 s13, s2;
	s17 =	simm.s32 @!p0 $0x0;
	[sflag:s16] =	ssyncset.done @!p4 $0x0  }
0x27f: {  	s18 =	simm.s32 @!p0 $0xB000;
	s19 =	simm.s32 @!p0 $0x3;
	[sflag:s16] =	ssyncadd.s32 @!p4 $0xFFFFF000  }
0x280: {  	[tilespmem:s18], [sflag:$0x3] =	stream.linear.gather @!p0 [hbm4b:s9+s17], $0x80, $0x38;
	[tilespmem:$0x19600] =	vst v63  }
0x281: {  	s9 =	smov.u32 s15;
	s15 =	sadd.s32 $0x100, s15;
	_ =	swait.ge @!p0 [sflag:s19], $0x80  }
0x282: {  	s28 =	simm.s32 @!p0 $0xB080;
	s16 =	sadd.s32 @!p0 s13, s29;
	[sflag:s19] =	ssyncset.done @!p0 $0x0  }
0x283: {  	p1 =	sne.s32 s15, $0x2800;
	s13 =	smov.u32 s9;
	[sflag:s19] =	ssyncadd.s32 @!p0 $0xFFFFFF80  }
0x284: {  	[tilespmem:s28], [sflag:$0x3] =	stream.linear.gather @!p0 [hbm4b:s16+s17], $0x80, $0x38;
	[tilespmem:$0x19600] =	vst v63  }
0x285: {  	p4 =	por p0, p0;
	_ =	swait.ge @!p0 [sflag:s19], $0x80  }
0x286: {  	s9 =	simm.s32 @!p4 $0x80;
	s17 =	simm.s32 @!p4 $0x4000;
	[sflag:s19] =	ssyncset.done @!p4 $0x0  }
0x287: {  	s16 =	simm.s32 @!p4 $0x1;
	[sflag:s19] =	ssyncadd.s32 @!p4 $0xFFFFFF80  }
0x288: {  	[tilespmem:s17], [sflag:$0x1] =	stream.indirect.gather @!p4 [hbm4b:s0+s9], $0x20, s18, s9, $0xb8;
	[tilespmem:$0x19600] =	vst v63  }
.Ltmp4:
0x289: {  	_ =	swait.ge @!p4 [sflag:s16], $0x1000;
	(pc) =	sbr.rel @p1 .LBB2_6-.Ltmp4, $4  }
0x28a: {  	[sflag:s16] =	ssyncset.done @!p4 $0x0  }
0x28b: {  	s14 =	sadd.s32 $0x10, s14;
	[sflag:s16] =	ssyncadd.s32 @!p4 $0xFFFFF000;
	s16 =	simm.s32 @!p4 $0x2  }
0x28c: {  	[spmem:s21] =	stream.indirect.scatter.add.f32 @!p4 [tilespmem:s17], [sflag:$0x2], $0x20, s28, s9, $0xb8;
	[tilespmem:$0x19600] =	vst v63  }
0x28d: {  	p0 =	sge.u32 s14, s25;
	_ =	swait.ge @!p4 [sflag:s16], $0x1000  }
0x28e: {  	s9 =	sadd.s32 @!p0 s13, s2;
	s14 =	simm.s32 @!p0 $0x0;
	[sflag:s16] =	ssyncset.done @!p4 $0x0  }
0x28f: {  	s15 =	simm.s32 @!p0 $0xB000;
	[sflag:s16] =	ssyncadd.s32 @!p4 $0xFFFFF000;
	s16 =	simm.s32 @!p0 $0x3  }
0x290: {  	[tilespmem:s15], [sflag:$0x3] =	stream.linear.gather @!p0 [hbm4b:s9+s14], $0x80, $0x38;
	[tilespmem:$0x19600] =	vst v63  }
0x291: {  	_ =	swait.ge @!p0 [sflag:s16], $0x80  }
0x292: {  	[sflag:s16] =	ssyncset.done @!p0 $0x0  }
0x293: {  	s9 =	sadd.s32 @!p0 s13, s29;
	s13 =	simm.s32 @!p0 $0xB080;
	[sflag:s16] =	ssyncadd.s32 @!p0 $0xFFFFFF80  }
0x294: {  	[tilespmem:s13], [sflag:$0x3] =	stream.linear.gather @!p0 [hbm4b:s9+s14], $0x80, $0x38;
	[tilespmem:$0x19600] =	vst v63  }
0x295: {  	_ =	swait.ge @!p0 [sflag:s16], $0x80;
	p0 =	por p0, p0  }
0x296: {  	[sflag:s16] =	ssyncset.done @!p0 $0x0;
	s9 =	simm.s32 @!p0 $0x80  }
0x297: {  	s14 =	simm.s32 @!p0 $0x4000;
	[sflag:s16] =	ssyncadd.s32 @!p0 $0xFFFFFF80;
	s16 =	simm.s32 @!p0 $0x1  }
0x298: {  	[tilespmem:s14], [sflag:$0x1] =	stream.indirect.gather @!p0 [hbm4b:s0+s9], $0x20, s15, s9, $0xb8;
	[tilespmem:$0x19600] =	vst v63  }
0x299: {  	_ =	swait.ge @!p0 [sflag:s16], $0x1000  }
0x29a: {  	[sflag:s16] =	ssyncset.done @!p0 $0x0  }
0x29b: {  	s15 =	simm.s32 @!p0 $0x2;
	[sflag:s16] =	ssyncadd.s32 @!p0 $0xFFFFF000  }
0x29c: {  	[spmem:s21] =	stream.indirect.scatter.add.f32 @!p0 [tilespmem:s14], [sflag:$0x2], $0x20, s13, s9, $0xb8;
	[tilespmem:$0x19600] =	vst v63  }
0x29d: {  	_ =	swait.ge @!p0 [sflag:s15], $0x1000  }
0x29e: {  	[sflag:s15] =	ssyncset.done @!p0 $0x0  }
0x29f: {  	[sflag:s15] =	ssyncadd.s32 @!p0 $0xFFFFF000  }
0x2a0: {  	[bflag:$0x0] =	sbarrier.arrive $0xFFFF  }
0x2a1: {  	s19 =	rddreg [dreg:$0x1e]  }
0x2a2: {  	[hbm:s19], [sflag:s10] =	dma.local [spmem:s5], $0x200  }
0x2a3: {  	_ =	swait.ge [sflag:s6], $0x200  }
0x2a4: {  	[sflag:s6] =	ssyncset.done $0x0  }
0x2a5: {  	s28 =	rddreg [dreg:$0x1f];
	[sflag:s6] =	ssyncadd.s32 $0xFFFFFE00  }
0x2a6: {  	[hbm:s28], [sflag:s10] =	dma.local [spmem:s20], $0x200  }
0x2a7: {  	_ =	swait.ge [sflag:s6], $0x200  }
0x2a8: {  	s3 =	sld [smem:$0x7B6]  }
0x2a9: {  	[sflag:s6] =	ssyncset.done $0x0  }
0x2aa: {  	[sflag:s6] =	ssyncadd.s32 $0xFFFFFE00  }
0x2ab: {  	[hbm:s3], [sflag:s10] =	dma.local [spmem:s22], $0x200  }
0x2ac: {  	_ =	swait.ge [sflag:s6], $0x200  }
0x2ad: {  	s13 =	sld [smem:$0x7B7]  }
0x2ae: {  	[sflag:s6] =	ssyncset.done $0x0  }
0x2af: {  	[sflag:s6] =	ssyncadd.s32 $0xFFFFFE00  }
0x2b0: {  	[hbm:s13], [sflag:s10] =	dma.local [spmem:s23], $0x200  }
0x2b1: {  	_ =	swait.ge [sflag:s6], $0x200  }
0x2b2: {  	s14 =	sld [smem:$0x7B8]  }
0x2b3: {  	[sflag:s6] =	ssyncset.done $0x0  }
0x2b4: {  	[sflag:s6] =	ssyncadd.s32 $0xFFFFFE00  }
0x2b5: {  	[hbm:s14], [sflag:s10] =	dma.local [spmem:s11], $0x200  }
0x2b6: {  	_ =	swait.ge [sflag:s6], $0x200  }
0x2b7: {  	s15 =	sld [smem:$0x7B9]  }
0x2b8: {  	[sflag:s6] =	ssyncset.done $0x0  }
0x2b9: {  	[sflag:s6] =	ssyncadd.s32 $0xFFFFFE00  }
0x2ba: {  	[hbm:s15], [sflag:s10] =	dma.local [spmem:s24], $0x200  }
0x2bb: {  	_ =	swait.ge [sflag:s6], $0x200  }
0x2bc: {  	s16 =	sld [smem:$0x7BA]  }
0x2bd: {  	[sflag:s6] =	ssyncset.done $0x0  }
0x2be: {  	[sflag:s6] =	ssyncadd.s32 $0xFFFFFE00  }
0x2bf: {  	[hbm:s16], [sflag:s10] =	dma.local [spmem:s26], $0x200  }
0x2c0: {  	_ =	swait.ge [sflag:s6], $0x200  }
0x2c1: {  	s17 =	sld [smem:$0x7BB]  }
0x2c2: {  	s3 =	sld [smem:$0x7B4]  }
0x2c3: {  	[sflag:s6] =	ssyncset.done $0x0  }
0x2c4: {  	[sflag:s6] =	ssyncadd.s32 $0xFFFFFE00  }
0x2c5: {  	[hbm:s17], [sflag:s10] =	dma.local [spmem:s3], $0x200  }
0x2c6: {  	_ =	swait.ge [sflag:s6], $0x200  }
0x2c7: {  	s18 =	sld [smem:$0x7BC]  }
0x2c8: {  	[sflag:s6] =	ssyncset.done $0x0  }
0x2c9: {  	[sflag:s6] =	ssyncadd.s32 $0xFFFFFE00  }
0x2ca: {  	[hbm:s18], [sflag:s10] =	dma.local [spmem:s4], $0x200  }
0x2cb: {  	_ =	swait.ge [sflag:s6], $0x200  }
0x2cc: {  	[sflag:s6] =	ssyncset.done $0x0  }
0x2cd: {  	s9 =	simm.s32 @!p5 $0x1FC2;
	s13 =	rddreg [dreg:$0x8];
	[sflag:s6] =	ssyncadd.s32 $0xFFFFFE00  }
0x2ce: {  	[hbm:s13], [sflag:s9] =	dma.local @!p5 [spmem:s8], $0x80  }
0x2cf: {  	s9 =	simm.s32 @!p5 $0x2  }
0x2d0: {  	_ =	swait.ge @!p5 [sflag:s9], $0x80  }
0x2d1: {  	[sflag:s9] =	ssyncset.done @!p5 $0x0;
	s19 =	sld [smem:$0x7EA]  }
0x2d2: {  	[sflag:s9] =	ssyncadd.s32 @!p5 $0xFFFFFF80;
	s9 =	sld [smem:$0x7BD];
	_ =	sdelay $0x1  }
0x2d3: {  	p0 =	seq.s32 s19, $0x1  }
0x2d4: {  	[hbm:s9], [sflag:s10] =	dma.local @!p0 [spmem:s12], $0x200  }
0x2d5: {  	s9 =	simm.s32 @!p0 $0x2  }
0x2d6: {  	_ =	swait.ge @!p0 [sflag:s9], $0x200  }
0x2d7: {  	[sflag:s9] =	ssyncset.done @!p0 $0x0  }
0x2d8: {  	[sflag:s9] =	ssyncadd.s32 @!p0 $0xFFFFFE00  }
0x2d9: {  	[bflag:$0x0] =	sbarrier.arrive $0xFFFF  }
0x2da: {  	s28 =	sld [smem:$0x7E0];
	_ =	sdelay $0x2  }
0x2db: {  	[spmem:s28] =	stream.linear.scatter [tilespmem:s7], [sflag:$0x2], $0x1000, $0x38;
	[tilespmem:$0x19600] =	vst v63  }
0x2dc: {  	_ =	swait.ge [sflag:s6], $0x1000  }
0x2dd: {  	s3 =	sld [smem:$0x7E1]  }
0x2de: {  	[sflag:s6] =	ssyncset.done $0x0  }
0x2df: {  	[sflag:s6] =	ssyncadd.s32 $0xFFFFF000  }
0x2e0: {  	[spmem:s3] =	stream.linear.scatter [tilespmem:s7], [sflag:$0x2], $0x1000, $0x38;
	[tilespmem:$0x19600] =	vst v63  }
0x2e1: {  	_ =	swait.ge [sflag:s6], $0x1000  }
0x2e2: {  	s13 =	sld [smem:$0x7E2]  }
0x2e3: {  	[sflag:s6] =	ssyncset.done $0x0  }
0x2e4: {  	[sflag:s6] =	ssyncadd.s32 $0xFFFFF000  }
0x2e5: {  	[spmem:s13] =	stream.linear.scatter [tilespmem:s7], [sflag:$0x2], $0x1000, $0x38;
	[tilespmem:$0x19600] =	vst v63  }
0x2e6: {  	_ =	swait.ge [sflag:s6], $0x1000  }
0x2e7: {  	s14 =	sld [smem:$0x7E3]  }
0x2e8: {  	[sflag:s6] =	ssyncset.done $0x0  }
0x2e9: {  	[sflag:s6] =	ssyncadd.s32 $0xFFFFF000  }
0x2ea: {  	[spmem:s14] =	stream.linear.scatter [tilespmem:s7], [sflag:$0x2], $0x1000, $0x38;
	[tilespmem:$0x19600] =	vst v63  }
0x2eb: {  	_ =	swait.ge [sflag:s6], $0x1000  }
0x2ec: {  	s15 =	sld [smem:$0x7E4]  }
0x2ed: {  	[sflag:s6] =	ssyncset.done $0x0  }
0x2ee: {  	[sflag:s6] =	ssyncadd.s32 $0xFFFFF000  }
0x2ef: {  	[spmem:s15] =	stream.linear.scatter [tilespmem:s7], [sflag:$0x2], $0x1000, $0x38;
	[tilespmem:$0x19600] =	vst v63  }
0x2f0: {  	_ =	swait.ge [sflag:s6], $0x1000  }
0x2f1: {  	s16 =	sld [smem:$0x7E5]  }
0x2f2: {  	[sflag:s6] =	ssyncset.done $0x0  }
0x2f3: {  	[sflag:s6] =	ssyncadd.s32 $0xFFFFF000  }
0x2f4: {  	[spmem:s16] =	stream.linear.scatter [tilespmem:s7], [sflag:$0x2], $0x1000, $0x38;
	[tilespmem:$0x19600] =	vst v63  }
0x2f5: {  	_ =	swait.ge [sflag:s6], $0x1000  }
0x2f6: {  	s17 =	sld [smem:$0x7E6]  }
0x2f7: {  	[sflag:s6] =	ssyncset.done $0x0  }
0x2f8: {  	[sflag:s6] =	ssyncadd.s32 $0xFFFFF000  }
0x2f9: {  	[spmem:s17] =	stream.linear.scatter [tilespmem:s7], [sflag:$0x2], $0x1000, $0x38;
	[tilespmem:$0x19600] =	vst v63  }
0x2fa: {  	_ =	swait.ge [sflag:s6], $0x1000  }
0x2fb: {  	s18 =	sld [smem:$0x7E7]  }
0x2fc: {  	[sflag:s6] =	ssyncset.done $0x0  }
0x2fd: {  	[sflag:s6] =	ssyncadd.s32 $0xFFFFF000  }
0x2fe: {  	[spmem:s18] =	stream.linear.scatter [tilespmem:s7], [sflag:$0x2], $0x1000, $0x38;
	[tilespmem:$0x19600] =	vst v63  }
0x2ff: {  	_ =	swait.ge [sflag:s6], $0x1000  }
0x300: {  	s19 =	sld [smem:$0x7E8]  }
0x301: {  	[sflag:s6] =	ssyncset.done $0x0  }
0x302: {  	[sflag:s6] =	ssyncadd.s32 $0xFFFFF000  }
0x303: {  	[spmem:s19] =	stream.linear.scatter [tilespmem:s7], [sflag:$0x2], $0x1000, $0x38;
	[tilespmem:$0x19600] =	vst v63  }
0x304: {  	_ =	swait.ge [sflag:s6], $0x1000  }
0x305: {  	s3 =	sld [smem:$0x7E9]  }
0x306: {  	[sflag:s6] =	ssyncset.done $0x0  }
0x307: {  	s9 =	simm.s32 @!p3 $0x9000;
	[sflag:s6] =	ssyncadd.s32 $0xFFFFF000  }
0x308: {  	[spmem:s3] =	stream.linear.scatter @!p3 [tilespmem:s9], [sflag:$0x2], $0x1000, $0x38;
	[tilespmem:$0x19600] =	vst v63  }
0x309: {  	s9 =	simm.s32 @!p3 $0x2  }
0x30a: {  	_ =	swait.ge @!p3 [sflag:s9], $0x1000  }
0x30b: {  	[sflag:s9] =	ssyncset.done @!p3 $0x0  }
0x30c: {  	s13 =	simm.s32 @!p6 $0x0;
	s14 =	simm.s32 @!p6 $0xB000;
	[sflag:s9] =	ssyncadd.s32 @!p3 $0xFFFFF000  }
0x30d: {  	s15 =	simm.s32 @!p6 $0x3;
	s9 =	sadd.s32 @!p6 $0x0, s2;
	[bflag:$0x0] =	sbarrier.arrive $0xFFFF  }
0x30e: {  	[tilespmem:s14], [sflag:$0x3] =	stream.linear.gather @!p6 [hbm4b:s9+s13], $0x80, $0x38;
	[tilespmem:$0x19600] =	vst v63  }
0x30f: {  	_ =	swait.ge @!p6 [sflag:s15], $0x80  }
0x310: {  	[sflag:s15] =	ssyncset.done @!p6 $0x0  }
0x311: {  	s16 =	simm.s32 @!p6 $0xB080;
	s9 =	sadd.s32 @!p6 $0x0, s29;
	[sflag:s15] =	ssyncadd.s32 @!p6 $0xFFFFFF80  }
0x312: {  	[tilespmem:s16], [sflag:$0x3] =	stream.linear.gather @!p6 [hbm4b:s9+s13], $0x80, $0x38;
	[tilespmem:$0x19600] =	vst v63  }
0x313: {  	p4 =	por p6, p6;
	_ =	swait.ge @!p6 [sflag:s15], $0x80  }
0x314: {  	[sflag:s15] =	ssyncset.done @!p4 $0x0  }
0x315: {  	s9 =	simm.s32 @!p4 $0x80;
	s13 =	simm.s32 @!p4 $0x4000;
	[sflag:s15] =	ssyncadd.s32 @!p4 $0xFFFFFF80  }
0x316: {  	[tilespmem:s13], [sflag:$0x1] =	stream.indirect.gather @!p4 [hbm4b:s1+s9], $0x20, s14, s9, $0xb8;
	[tilespmem:$0x19600] =	vst v63  }
0x317: {  	s14 =	simm.s32 @!p4 $0x1  }
0x318: {  	_ =	swait.ge @!p4 [sflag:s14], $0x1000  }
0x319: {  	[sflag:s14] =	ssyncset.done @!p4 $0x0;
	s28 =	sld [smem:$0x7D4]  }
0x31a: {  	[sflag:s14] =	ssyncadd.s32 @!p4 $0xFFFFF000  }
0x31b: {  	[spmem:s21] =	stream.indirect.scatter.add.f32 @!p4 [tilespmem:s13], [sflag:$0x2], $0x20, s16, s9, $0xb8;
	[tilespmem:$0x19600] =	vst v63  }
0x31c: {  	s15 =	simm.s32 $0x200;
	s16 =	simm.s32 @!p4 $0x2;
	s14 =	sadd.s32 $0x10, s28  }
0x31d: {  	s13 =	simm.s32 $0x100;
	_ =	swait.ge @!p4 [sflag:s16], $0x1000;
	p0 =	sge.u32 s14, s25  }
.LBB2_8:
0x31e: {  	s9 =	sadd.s32 @!p0 s13, s2;
	s17 =	simm.s32 @!p0 $0x0;
	[sflag:s16] =	ssyncset.done @!p4 $0x0  }
0x31f: {  	s18 =	simm.s32 @!p0 $0xB000;
	s19 =	simm.s32 @!p0 $0x3;
	[sflag:s16] =	ssyncadd.s32 @!p4 $0xFFFFF000  }
0x320: {  	[tilespmem:s18], [sflag:$0x3] =	stream.linear.gather @!p0 [hbm4b:s9+s17], $0x80, $0x38;
	[tilespmem:$0x19600] =	vst v63  }
0x321: {  	s9 =	smov.u32 s15;
	s15 =	sadd.s32 $0x100, s15;
	_ =	swait.ge @!p0 [sflag:s19], $0x80  }
0x322: {  	s28 =	simm.s32 @!p0 $0xB080;
	s16 =	sadd.s32 @!p0 s13, s29;
	[sflag:s19] =	ssyncset.done @!p0 $0x0  }
0x323: {  	p1 =	sne.s32 s15, $0x2800;
	s13 =	smov.u32 s9;
	[sflag:s19] =	ssyncadd.s32 @!p0 $0xFFFFFF80  }
0x324: {  	[tilespmem:s28], [sflag:$0x3] =	stream.linear.gather @!p0 [hbm4b:s16+s17], $0x80, $0x38;
	[tilespmem:$0x19600] =	vst v63  }
0x325: {  	p4 =	por p0, p0;
	_ =	swait.ge @!p0 [sflag:s19], $0x80  }
0x326: {  	s9 =	simm.s32 @!p4 $0x80;
	s17 =	simm.s32 @!p4 $0x4000;
	[sflag:s19] =	ssyncset.done @!p4 $0x0  }
0x327: {  	s16 =	simm.s32 @!p4 $0x1;
	[sflag:s19] =	ssyncadd.s32 @!p4 $0xFFFFFF80  }
0x328: {  	[tilespmem:s17], [sflag:$0x1] =	stream.indirect.gather @!p4 [hbm4b:s1+s9], $0x20, s18, s9, $0xb8;
	[tilespmem:$0x19600] =	vst v63  }
.Ltmp5:
0x329: {  	_ =	swait.ge @!p4 [sflag:s16], $0x1000;
	(pc) =	sbr.rel @p1 .LBB2_8-.Ltmp5, $4  }
0x32a: {  	[sflag:s16] =	ssyncset.done @!p4 $0x0  }
0x32b: {  	s14 =	sadd.s32 $0x10, s14;
	[sflag:s16] =	ssyncadd.s32 @!p4 $0xFFFFF000;
	s16 =	simm.s32 @!p4 $0x2  }
0x32c: {  	[spmem:s21] =	stream.indirect.scatter.add.f32 @!p4 [tilespmem:s17], [sflag:$0x2], $0x20, s28, s9, $0xb8;
	[tilespmem:$0x19600] =	vst v63  }
0x32d: {  	p0 =	sge.u32 s14, s25;
	_ =	swait.ge @!p4 [sflag:s16], $0x1000  }
0x32e: {  	s9 =	sadd.s32 @!p0 s13, s2;
	s14 =	simm.s32 @!p0 $0x0;
	[sflag:s16] =	ssyncset.done @!p4 $0x0  }
0x32f: {  	s15 =	simm.s32 @!p0 $0xB000;
	[sflag:s16] =	ssyncadd.s32 @!p4 $0xFFFFF000;
	s16 =	simm.s32 @!p0 $0x3  }
0x330: {  	[tilespmem:s15], [sflag:$0x3] =	stream.linear.gather @!p0 [hbm4b:s9+s14], $0x80, $0x38;
	[tilespmem:$0x19600] =	vst v63  }
0x331: {  	_ =	swait.ge @!p0 [sflag:s16], $0x80  }
0x332: {  	[sflag:s16] =	ssyncset.done @!p0 $0x0  }
0x333: {  	s9 =	sadd.s32 @!p0 s13, s29;
	s13 =	simm.s32 @!p0 $0xB080;
	[sflag:s16] =	ssyncadd.s32 @!p0 $0xFFFFFF80  }
0x334: {  	[tilespmem:s13], [sflag:$0x3] =	stream.linear.gather @!p0 [hbm4b:s9+s14], $0x80, $0x38;
	[tilespmem:$0x19600] =	vst v63  }
0x335: {  	_ =	swait.ge @!p0 [sflag:s16], $0x80;
	p0 =	por p0, p0  }
0x336: {  	[sflag:s16] =	ssyncset.done @!p0 $0x0  }
0x337: {  	s9 =	simm.s32 @!p0 $0x80;
	s14 =	simm.s32 @!p0 $0x4000;
	[sflag:s16] =	ssyncadd.s32 @!p0 $0xFFFFFF80  }
0x338: {  	[tilespmem:s14], [sflag:$0x1] =	stream.indirect.gather @!p0 [hbm4b:s1+s9], $0x20, s15, s9, $0xb8;
	[tilespmem:$0x19600] =	vst v63  }
0x339: {  	s15 =	simm.s32 @!p0 $0x1  }
0x33a: {  	_ =	swait.ge @!p0 [sflag:s15], $0x1000  }
0x33b: {  	[sflag:s15] =	ssyncset.done @!p0 $0x0  }
0x33c: {  	[sflag:s15] =	ssyncadd.s32 @!p0 $0xFFFFF000  }
0x33d: {  	[spmem:s21] =	stream.indirect.scatter.add.f32 @!p0 [tilespmem:s14], [sflag:$0x2], $0x20, s13, s9, $0xb8;
	[tilespmem:$0x19600] =	vst v63  }
0x33e: {  	s9 =	simm.s32 @!p0 $0x2  }
0x33f: {  	_ =	swait.ge @!p0 [sflag:s9], $0x1000  }
0x340: {  	[sflag:s9] =	ssyncset.done @!p0 $0x0  }
0x341: {  	[sflag:s9] =	ssyncadd.s32 @!p0 $0xFFFFF000  }
0x342: {  	[bflag:$0x0] =	sbarrier.arrive $0xFFFF  }
0x343: {  	s15 =	sld [smem:$0x7BE];
	_ =	sdelay $0x2  }
0x344: {  	[hbm:s15], [sflag:s10] =	dma.local [spmem:s5], $0x200  }
0x345: {  	_ =	swait.ge [sflag:s6], $0x200  }
0x346: {  	s3 =	sld [smem:$0x7BF]  }
0x347: {  	[sflag:s6] =	ssyncset.done $0x0  }
0x348: {  	[sflag:s6] =	ssyncadd.s32 $0xFFFFFE00  }
0x349: {  	[hbm:s3], [sflag:s10] =	dma.local [spmem:s20], $0x200  }
0x34a: {  	_ =	swait.ge [sflag:s6], $0x200  }
0x34b: {  	s16 =	sld [smem:$0x7C0]  }
0x34c: {  	[sflag:s6] =	ssyncset.done $0x0  }
0x34d: {  	[sflag:s6] =	ssyncadd.s32 $0xFFFFFE00  }
0x34e: {  	[hbm:s16], [sflag:s10] =	dma.local [spmem:s22], $0x200  }
0x34f: {  	_ =	swait.ge [sflag:s6], $0x200  }
0x350: {  	s17 =	sld [smem:$0x7C1]  }
0x351: {  	[sflag:s6] =	ssyncset.done $0x0  }
0x352: {  	[sflag:s6] =	ssyncadd.s32 $0xFFFFFE00  }
0x353: {  	[hbm:s17], [sflag:s10] =	dma.local [spmem:s23], $0x200  }
0x354: {  	_ =	swait.ge [sflag:s6], $0x200  }
0x355: {  	s18 =	sld [smem:$0x7C2]  }
0x356: {  	[sflag:s6] =	ssyncset.done $0x0  }
0x357: {  	[sflag:s6] =	ssyncadd.s32 $0xFFFFFE00  }
0x358: {  	[hbm:s18], [sflag:s10] =	dma.local [spmem:s11], $0x200  }
0x359: {  	_ =	swait.ge [sflag:s6], $0x200  }
0x35a: {  	s19 =	sld [smem:$0x7C3]  }
0x35b: {  	[sflag:s6] =	ssyncset.done $0x0  }
0x35c: {  	[sflag:s6] =	ssyncadd.s32 $0xFFFFFE00  }
0x35d: {  	[hbm:s19], [sflag:s10] =	dma.local [spmem:s24], $0x200  }
0x35e: {  	_ =	swait.ge [sflag:s6], $0x200  }
0x35f: {  	s20 =	sld [smem:$0x7C4]  }
0x360: {  	[sflag:s6] =	ssyncset.done $0x0  }
0x361: {  	[sflag:s6] =	ssyncadd.s32 $0xFFFFFE00  }
0x362: {  	[hbm:s20], [sflag:s10] =	dma.local [spmem:s26], $0x200  }
0x363: {  	_ =	swait.ge [sflag:s6], $0x200  }
0x364: {  	s22 =	sld [smem:$0x7C5]  }
0x365: {  	s23 =	sld [smem:$0x7B4]  }
0x366: {  	[sflag:s6] =	ssyncset.done $0x0  }
0x367: {  	[sflag:s6] =	ssyncadd.s32 $0xFFFFFE00  }
0x368: {  	[hbm:s22], [sflag:s10] =	dma.local [spmem:s23], $0x200  }
0x369: {  	_ =	swait.ge [sflag:s6], $0x200  }
0x36a: {  	s24 =	sld [smem:$0x7C6]  }
0x36b: {  	[sflag:s6] =	ssyncset.done $0x0  }
0x36c: {  	[sflag:s6] =	ssyncadd.s32 $0xFFFFFE00  }
0x36d: {  	[hbm:s24], [sflag:s10] =	dma.local [spmem:s4], $0x200  }
0x36e: {  	_ =	swait.ge [sflag:s6], $0x200  }
0x36f: {  	[sflag:s6] =	ssyncset.done $0x0  }
0x370: {  	s3 =	simm.s32 @!p5 $0x1FC2;
	s4 =	rddreg [dreg:$0x9];
	[sflag:s6] =	ssyncadd.s32 $0xFFFFFE00  }
0x371: {  	[hbm:s4], [sflag:s3] =	dma.local @!p5 [spmem:s8], $0x80  }
0x372: {  	s3 =	simm.s32 @!p5 $0x2  }
0x373: {  	_ =	swait.ge @!p5 [sflag:s3], $0x80  }
0x374: {  	[sflag:s3] =	ssyncset.done @!p5 $0x0;
	s26 =	sld [smem:$0x7EA]  }
0x375: {  	[sflag:s3] =	ssyncadd.s32 @!p5 $0xFFFFFF80;
	s3 =	sld [smem:$0x7C7];
	_ =	sdelay $0x1  }
0x376: {  	p0 =	seq.s32 s26, $0x1  }
0x377: {  	[hbm:s3], [sflag:s10] =	dma.local @!p0 [spmem:s12], $0x200  }
0x378: {  	s3 =	simm.s32 @!p0 $0x2  }
0x379: {  	_ =	swait.ge @!p0 [sflag:s3], $0x200  }
0x37a: {  	[sflag:s3] =	ssyncset.done @!p0 $0x0  }
0x37b: {  	[sflag:s3] =	ssyncadd.s32 @!p0 $0xFFFFFE00  }
0x37c: {  	[bflag:$0x0] =	sbarrier.arrive $0xFFFF  }
0x37d: {  	s16 =	sld [smem:$0x7FD];
	_ =	sdelay $0x1  }
0x37e: {  	s12 =	simm.s32 $0x5000  }
0x37f: {  	[spmem:s16] =	stream.linear.scatter [tilespmem:s12], [sflag:$0x2], $0x4000, $0x38;
	[tilespmem:$0x19600] =	vst v63  }
0x380: {  	_ =	swait.ge [sflag:s6], $0x4000  }
0x381: {  	s28 =	sld [smem:$0x7EB];
	_ =	sdelay $0x2  }
0x382: {  	p0 =	seq.s32 s28, $0x1  }
.Ltmp6:
0x383: {  	_ = 	snop;
	(pc) =	sbr.rel @p0 .LBB2_11-.Ltmp6, $3  }
0x384: {  	_ =	sdelay $0x1  }
0x385: {  	[sflag:s6] =	ssyncset.done $0x0  }
0x386: {  	s13 =	sld [smem:$0x7B5];
	[sflag:s6] =	ssyncadd.s32 $0xFFFFC000  }
0x387: {  	s3 =	rddreg [dreg:$0x4];
	s4 =	simm.s32 $0xA000  }
0x388: {  	[spmem:s3] =	stream.linear.scatter [tilespmem:s4], [sflag:$0x2], $0x800, $0x38;
	[tilespmem:$0x19600] =	vst v63  }
0x389: {  	_ =	swait.ge [sflag:s6], $0x800  }
0x38a: {  	s5 =	sld [smem:$0x7EE]  }
0x38b: {  	[sflag:s6] =	ssyncset.done $0x0  }
0x38c: {  	[sflag:s6] =	ssyncadd.s32 $0xFFFFF800  }
0x38d: {  	[spmem:s5] =	stream.linear.scatter [tilespmem:s4], [sflag:$0x2], $0x800, $0x38;
	[tilespmem:$0x19600] =	vst v63  }
0x38e: {  	_ =	swait.ge [sflag:s6], $0x800  }
0x38f: {  	s8 =	sld [smem:$0x7EF]  }
0x390: {  	[sflag:s6] =	ssyncset.done $0x0  }
0x391: {  	[sflag:s6] =	ssyncadd.s32 $0xFFFFF800  }
0x392: {  	[spmem:s8] =	stream.linear.scatter [tilespmem:s4], [sflag:$0x2], $0x800, $0x38;
	[tilespmem:$0x19600] =	vst v63  }
0x393: {  	_ =	swait.ge [sflag:s6], $0x800  }
0x394: {  	s9 =	sld [smem:$0x7F0]  }
0x395: {  	[sflag:s6] =	ssyncset.done $0x0  }
0x396: {  	[sflag:s6] =	ssyncadd.s32 $0xFFFFF800  }
0x397: {  	[spmem:s9] =	stream.linear.scatter [tilespmem:s4], [sflag:$0x2], $0x800, $0x38;
	[tilespmem:$0x19600] =	vst v63  }
0x398: {  	_ =	swait.ge [sflag:s6], $0x800  }
0x399: {  	s11 =	sld [smem:$0x7F1]  }
0x39a: {  	[sflag:s6] =	ssyncset.done $0x0  }
0x39b: {  	[sflag:s6] =	ssyncadd.s32 $0xFFFFF800  }
0x39c: {  	[spmem:s11] =	stream.linear.scatter [tilespmem:s4], [sflag:$0x2], $0x800, $0x38;
	[tilespmem:$0x19600] =	vst v63  }
0x39d: {  	_ =	swait.ge [sflag:s6], $0x800  }
0x39e: {  	s14 =	sld [smem:$0x7F2]  }
0x39f: {  	[sflag:s6] =	ssyncset.done $0x0  }
0x3a0: {  	[sflag:s6] =	ssyncadd.s32 $0xFFFFF800  }
0x3a1: {  	[spmem:s14] =	stream.linear.scatter [tilespmem:s4], [sflag:$0x2], $0x800, $0x38;
	[tilespmem:$0x19600] =	vst v63  }
0x3a2: {  	_ =	swait.ge [sflag:s6], $0x800  }
0x3a3: {  	s15 =	sld [smem:$0x7F3]  }
0x3a4: {  	[sflag:s6] =	ssyncset.done $0x0  }
0x3a5: {  	[sflag:s6] =	ssyncadd.s32 $0xFFFFF800  }
0x3a6: {  	[spmem:s15] =	stream.linear.scatter [tilespmem:s4], [sflag:$0x2], $0x800, $0x38;
	[tilespmem:$0x19600] =	vst v63  }
0x3a7: {  	_ =	swait.ge [sflag:s6], $0x800  }
0x3a8: {  	s17 =	sld [smem:$0x7F4]  }
0x3a9: {  	[sflag:s6] =	ssyncset.done $0x0  }
0x3aa: {  	[sflag:s6] =	ssyncadd.s32 $0xFFFFF800  }
0x3ab: {  	[spmem:s17] =	stream.linear.scatter [tilespmem:s4], [sflag:$0x2], $0x800, $0x38;
	[tilespmem:$0x19600] =	vst v63  }
0x3ac: {  	_ =	swait.ge [sflag:s6], $0x800  }
0x3ad: {  	s18 =	sld [smem:$0x7F5]  }
0x3ae: {  	[sflag:s6] =	ssyncset.done $0x0  }
0x3af: {  	[sflag:s6] =	ssyncadd.s32 $0xFFFFF800  }
0x3b0: {  	[spmem:s18] =	stream.linear.scatter [tilespmem:s4], [sflag:$0x2], $0x800, $0x38;
	[tilespmem:$0x19600] =	vst v63  }
0x3b1: {  	_ =	swait.ge [sflag:s6], $0x800  }
0x3b2: {  	s19 =	sld [smem:$0x7F6]  }
0x3b3: {  	[sflag:s6] =	ssyncset.done $0x0  }
0x3b4: {  	[sflag:s6] =	ssyncadd.s32 $0xFFFFF800  }
0x3b5: {  	[spmem:s19] =	stream.linear.scatter [tilespmem:s4], [sflag:$0x2], $0x800, $0x38;
	[tilespmem:$0x19600] =	vst v63  }
0x3b6: {  	_ =	swait.ge [sflag:s6], $0x800  }
0x3b7: {  	s20 =	sld [smem:$0x7F7]  }
0x3b8: {  	[sflag:s6] =	ssyncset.done $0x0  }
0x3b9: {  	[sflag:s6] =	ssyncadd.s32 $0xFFFFF800  }
0x3ba: {  	[spmem:s20] =	stream.linear.scatter [tilespmem:s4], [sflag:$0x2], $0x800, $0x38;
	[tilespmem:$0x19600] =	vst v63  }
0x3bb: {  	_ =	swait.ge [sflag:s6], $0x800  }
0x3bc: {  	s22 =	sld [smem:$0x7F8]  }
0x3bd: {  	[sflag:s6] =	ssyncset.done $0x0  }
0x3be: {  	[sflag:s6] =	ssyncadd.s32 $0xFFFFF800  }
0x3bf: {  	[spmem:s22] =	stream.linear.scatter [tilespmem:s4], [sflag:$0x2], $0x800, $0x38;
	[tilespmem:$0x19600] =	vst v63  }
0x3c0: {  	_ =	swait.ge [sflag:s6], $0x800  }
0x3c1: {  	s23 =	sld [smem:$0x7F9]  }
0x3c2: {  	[sflag:s6] =	ssyncset.done $0x0  }
0x3c3: {  	[sflag:s6] =	ssyncadd.s32 $0xFFFFF800  }
0x3c4: {  	[spmem:s23] =	stream.linear.scatter [tilespmem:s4], [sflag:$0x2], $0x800, $0x38;
	[tilespmem:$0x19600] =	vst v63  }
0x3c5: {  	_ =	swait.ge [sflag:s6], $0x800  }
0x3c6: {  	s24 =	sld [smem:$0x7FA]  }
0x3c7: {  	[sflag:s6] =	ssyncset.done $0x0  }
0x3c8: {  	[sflag:s6] =	ssyncadd.s32 $0xFFFFF800  }
0x3c9: {  	[spmem:s24] =	stream.linear.scatter [tilespmem:s4], [sflag:$0x2], $0x800, $0x38;
	[tilespmem:$0x19600] =	vst v63  }
0x3ca: {  	_ =	swait.ge [sflag:s6], $0x800  }
0x3cb: {  	s26 =	sld [smem:$0x7FB]  }
0x3cc: {  	[sflag:s6] =	ssyncset.done $0x0  }
0x3cd: {  	[sflag:s6] =	ssyncadd.s32 $0xFFFFF800  }
0x3ce: {  	[spmem:s26] =	stream.linear.scatter [tilespmem:s4], [sflag:$0x2], $0x800, $0x38;
	[tilespmem:$0x19600] =	vst v63  }
0x3cf: {  	_ =	swait.ge [sflag:s6], $0x800  }
0x3d0: {  	s28 =	sld [smem:$0x7FC]  }
0x3d1: {  	[sflag:s6] =	ssyncset.done $0x0  }
.Ltmp7:
0x3d2: {  	[sflag:s6] =	ssyncadd.s32 $0xFFFFF800;
	(pc) =	sbr.rel .LBB2_11-.Ltmp7, $4  }
0x3d3: {  	[spmem:s28] =	stream.linear.scatter [tilespmem:s4], [sflag:$0x2], $0x800, $0x38;
	[tilespmem:$0x19600] =	vst v63  }
0x3d4: {  	_ =	swait.ge [sflag:s6], $0x800  }
0x3d5: {  	[sflag:s6] =	ssyncset.done $0x0  }
0x3d6: {  	[sflag:s6] =	ssyncadd.s32 $0xFFFFF800  }
.LBB2_12:
0x3d7: {  	_ =	sfence.sel $0x180000  }
0x3d8: {  	[bflag:$0x0] =	sbarrier.arrive $0xFFFF  }
0x3d9: {  	_ =	strace $0x90000047  }
0x3da: {  	s0 =	stileid.u32;
	[bflag:$0x2] =	sbarrier.arrive $0xFFFF  }
0x3db: {  	p0 =	sne.s32 s0, $0x0;
	s0 =	rddreg [dreg:$0x5]  }
0x3dc: {  	s0 =	sadd.s32 @!p0 $0x100000, s0  }
0x3dd: {  	[sflag:s0] =	ssyncadd.tile.s32 @!p0 $0x1;
	_ =	shalt  }
.Lfunc_end2:
_tile_overlayer_lowered:
.L_overlay_start_2:
0x3de: {  	(tag) =	ssettag $0x2  }
0x3df: {  	s0 =	rddreg [dreg:$0x0];
	s2 =	stileid.u32  }
0x3e0: {  	s1 =	rddreg [dreg:$0x1];
	p0 =	sne.s32 s2, $0x0  }
0x3e1: {  	s3 =	rddreg [dreg:$0x2];
	[bflag:$0x3] =	sbarrier.arrive $0xFFFF;
	s2 =	simm.s32 @!p0 $0x1C02  }
0x3e2: {  	[timem:s3], [sflag:s2] =	dma.local @!p0 [hbm:s0], s1  }
0x3e3: {  	s0 =	simm.s32 @!p0 $0x2  }
0x3e4: {  	_ =	swait.ge @!p0 [sflag:s0], s1  }
0x3e5: {  	s1 =	ssub.s32 @!p0 $0x0, s1;
	[sflag:s0] =	ssyncset.done @!p0 $0x0  }
0x3e6: {  	[sflag:s0] =	ssyncadd.s32 @!p0 s1  }
0x3e7: {  	[bflag:$0x3] =	sbarrier.arrive $0xFFFF  }
0x3e8: {  	_ =	shalt  }

// kernel: at11_phase_c1.3.cloned.1.call-start
scs
__scs_entry_jumppad:
0x0: {  	(pc) =	sbr.rel $0x88, $3  }
0x1: {  	(tag) =	ssettag $0x0;
	lr =	simm.s32 $0x1  }
0x2: {  	[smem:$0x3F96] =	sst lr;
	_ =	strace $0xD0000000  }
0x3: {  	_ = 	snop  }
0x4: {  	_ = 	snop  }
0x5: {  	_ = 	snop  }
0x6: {  	_ = 	snop  }
0x7: {  	_ = 	snop  }
__scs_overlays_trampoline_lowered:
0x8: {  	[smem:$0x3FA5] =	sst s0  }
0x9: {  	[smem:$0x3FA6] =	sst s1  }
0xa: {  	[smem:$0x3FA7] =	sst s2  }
0xb: {  	[smem:$0x3FA8] =	sst s3  }
0xc: {  	[smem:$0x3FA9] =	sst s4  }
0xd: {  	[smem:$0x3FAA] =	sst s5  }
0xe: {  	[smem:$0x3FAB] =	sst s6  }
0xf: {  	[smem:$0x3FAC] =	sst s7  }
0x10: {  	[smem:$0x3FAD] =	sst s8  }
0x11: {  	[smem:$0x3FAE] =	sst s9;
	s0 =	simm.s32 @!p0 $0x0  }
0x12: {  	s1 =	sld [smem:$0x3F94];
	s0 =	simm.s32 @p0 $0x1  }
0x13: {  	[smem:$0x3FAF] =	sst s0;
	s0 =	simm.s32 @!p1 $0x0  }
0x14: {  	s2 =	sld [smem:$0x3F93];
	s0 =	simm.s32 @p1 $0x1  }
0x15: {  	[smem:$0x3FB0] =	sst s0;
	s0 =	simm.s32 @!p2 $0x0  }
0x16: {  	s3 =	sld [smem:$0x3FDB];
	s0 =	simm.s32 @p2 $0x1  }
0x17: {  	s4 =	simm.s32 $0x1BF5;
	[smem:$0x3FB2] =	sst s0  }
0x18: {  	s0 =	sld [smem:$0x3F95];
	_ =	swait.ge [sflag:s4], $0x0  }
0x19: {  	s7 =	sld [smem:$0x3F96]  }
0x1a: {  	s8 =	sadd.s32 $0xFFFFE003, lr  }
0x1b: {  	s9 =	sadd.s32 $0xFFFFFEF7, lr;
	s5 =	simm.s32 $0xFFFFFFFF;
	p2 =	slt.u32 s8, $0xFFFFF086  }
0x1c: {  	p1 =	slt.u32 s9, $0xF7A;
	s5 =	simm.s32 @!p2 $0x0  }
0x1d: {  	s5 =	simm.s32 @p1 $0x1;
	p0 =	seq.s32 s7, s2  }
0x1e: {  	s7 =	smul.u32 @!p0 $0xF7A, s2;
	p2 =	seq.s32 @!p0 s5, $0x0  }
0x1f: {  	s9 =	smul.u32 $0xF7A, s1;
	s8 =	simm.s32 @!p0 $0x1BF5;
	p2 =	por !p2, p0  }
0x20: {  	[sflag:s8] =	ssyncset.s32 @!p0 $0xFFFFF086;
	s6 =	sadd.s32 @!p0 s3, s7;
	s7 =	simm.s32 @!p0 $0x108  }
0x21: {  	s3 =	sadd.s32 s3, s9;
	s6 =	sadd.s32 @!p0 $0x88, s6;
	s7 =	simm.s32 @p2 $0x1082  }
0x22: {  	[simem:s7], [sflag:s8] =	dma.local @!p0 [hbm:s6], $0xF7A  }
0x23: {  	s9 =	sor.u32 $0xD0000000, s2;
	s6 =	simm.s32 $0x108;
	_ =	swait.ge @!p0 [sflag:s8], $0x0  }
0x24: {  	s3 =	sadd.s32 $0x88, s3;
	s6 =	simm.s32 @!p1 $0x1082;
	[sflag:s4] =	ssyncset.s32 $0xFFFFF086  }
0x25: {  	[simem:s6], [sflag:s4] =	dma.local [hbm:s3], $0xF7A  }
0x26: {  	[smem:$0x3F96] =	sst s1;
	(tag) =	ssettag s2;
	_ =	strace s9  }
0x27: {  	s1 =	sld [smem:$0x3FA6]  }
0x28: {  	s2 =	sld [smem:$0x3FA7]  }
0x29: {  	s4 =	sld [smem:$0x3FA9]  }
0x2a: {  	p0 =	seq.s32 s5, $0x0;
	s5 =	sld [smem:$0x3FAA]  }
0x2b: {  	s6 =	sld [smem:$0x3FAB]  }
0x2c: {  	s7 =	sld [smem:$0x3FAC]  }
0x2d: {  	s3 =	simm.s32 $0x108;
	s8 =	sld [smem:$0x3FAD]  }
0x2e: {  	s3 =	simm.s32 @!p0 $0x1082;
	s9 =	sld [smem:$0x3FAE]  }
0x2f: {  	lr =	sadd.s32 s0, s3;
	s0 =	sld [smem:$0x3FA5]  }
0x30: {  	s3 =	sld [smem:$0x3FA8]  }
0x31: {  	[smem:$0x3FB1] =	sst s10  }
0x32: {  	s10 =	sld [smem:$0x3FAF];
	_ =	sdelay $0x3  }
0x33: {  	p0 =	seq.s32 s10, $0x1;
	s10 =	sld [smem:$0x3FB1];
	_ =	sdelay $0x3  }
0x34: {  	[smem:$0x3FB1] =	sst s10  }
0x35: {  	s10 =	sld [smem:$0x3FB0];
	_ =	sdelay $0x3  }
0x36: {  	p1 =	seq.s32 s10, $0x1;
	s10 =	sld [smem:$0x3FB1];
	_ =	sdelay $0x3  }
0x37: {  	[smem:$0x3FB1] =	sst s10  }
0x38: {  	s10 =	sld [smem:$0x3FB2]  }
0x39: {  	_ = 	snop;
	(pc) =	sbr.ind lr, $3  }
0x3a: {  	_ = 	snop  }
0x3b: {  	_ = 	snop  }
0x3c: {  	p2 =	seq.s32 s10, $0x1;
	s10 =	sld [smem:$0x3FB1]  }
0x3d: {  	_ =	shalt  }
0x3e: {  	_ =	shalt  }
0x3f: {  	_ =	shalt  }
0x40: {  	_ =	shalt  }
0x41: {  	_ =	shalt  }
0x42: {  	_ =	shalt  }
0x43: {  	_ =	shalt  }
0x44: {  	_ =	shalt  }
0x45: {  	_ =	shalt  }
0x46: {  	_ =	shalt  }
0x47: {  	_ =	shalt  }
0x48: {  	_ =	shalt  }
0x49: {  	_ =	shalt  }
0x4a: {  	_ =	shalt  }
0x4b: {  	_ =	shalt  }
0x4c: {  	_ =	shalt  }
0x4d: {  	_ =	shalt  }
0x4e: {  	_ =	shalt  }
0x4f: {  	_ =	shalt  }
0x50: {  	_ =	shalt  }
0x51: {  	_ =	shalt  }
0x52: {  	_ =	shalt  }
0x53: {  	_ =	shalt  }
0x54: {  	_ =	shalt  }
0x55: {  	_ =	shalt  }
0x56: {  	_ =	shalt  }
0x57: {  	_ =	shalt  }
0x58: {  	_ =	shalt  }
0x59: {  	_ =	shalt  }
0x5a: {  	_ =	shalt  }
0x5b: {  	_ =	shalt  }
0x5c: {  	_ =	shalt  }
0x5d: {  	_ =	shalt  }
0x5e: {  	_ =	shalt  }
0x5f: {  	_ =	shalt  }
0x60: {  	_ =	shalt  }
0x61: {  	_ =	shalt  }
0x62: {  	_ =	shalt  }
0x63: {  	_ =	shalt  }
0x64: {  	_ =	shalt  }
0x65: {  	_ =	shalt  }
0x66: {  	_ =	shalt  }
0x67: {  	_ =	shalt  }
0x68: {  	_ =	shalt  }
0x69: {  	_ =	shalt  }
0x6a: {  	_ =	shalt  }
0x6b: {  	_ =	shalt  }
0x6c: {  	_ =	shalt  }
0x6d: {  	_ =	shalt  }
0x6e: {  	_ =	shalt  }
0x6f: {  	_ =	shalt  }
0x70: {  	_ =	shalt  }
0x71: {  	_ =	shalt  }
0x72: {  	_ =	shalt  }
0x73: {  	_ =	shalt  }
0x74: {  	_ =	shalt  }
0x75: {  	_ =	shalt  }
0x76: {  	_ =	shalt  }
0x77: {  	_ =	shalt  }
0x78: {  	_ =	shalt  }
0x79: {  	_ =	shalt  }
0x7a: {  	_ =	shalt  }
0x7b: {  	_ =	shalt  }
0x7c: {  	_ =	shalt  }
0x7d: {  	_ =	shalt  }
0x7e: {  	_ =	shalt  }
0x7f: {  	_ =	shalt  }
0x80: {  	_ =	shalt  }
0x81: {  	_ =	shalt  }
0x82: {  	_ =	shalt  }
0x83: {  	_ =	shalt  }
0x84: {  	_ =	shalt  }
0x85: {  	_ =	shalt  }
0x86: {  	_ =	shalt  }
0x87: {  	_ =	shalt  }
.Lfunc_end0:
.L_simem_size_0:
called_computation.1_lowered:
.L_overlay_start_0:
0x88: {  	s2 =	sld [smem:$0x3FD9]  }
0x89: {  	s3 =	sld [smem:$0x3FFE];
	_ =	sdelay $0x1  }
0x8a: {  	s1 =	srdreg.scid  }
0x8b: {  	s0 =	sand.u32 $0x1, s1  }
0x8c: {  	s17 =	sshll.u32 s0, $0xA;
	s2 =	sadd.s32 s3, s2  }
0x8d: {  	s2 =	sadd.s32 s2, s17  }
0x8e: {  	[smem:$0x3FBD] =	sst s2  }
0x8f: {  	_ = 	snop  }
0x90: {  	s2 =	sld [smem:$0x3FC4]  }
0x91: {  	s18 =	sld [smem:$0x3FC3];
	(tm) =	ssettm $0x1  }
0x92: {  	s4 =	sld [smem:$0x3FFB];
	_ =	sdelay $0x3  }
0x93: {  	_ =	strace s4  }
0x94: {  	s4 =	sld [smem:$0x3FFC];
	_ =	sdelay $0x3  }
0x95: {  	_ =	strace s4  }
0x96: {  	s4 =	sld [smem:$0x3FFD];
	_ =	sdelay $0x3  }
0x97: {  	_ =	strace s4  }
0x98: {  	_ =	strace $0x8FFFFFFF  }
0x99: {  	s19 =	sld [smem:$0x3FDB];
	_ =	sdelay $0x1  }
0x9a: {  	s5 =	simm.s32 $_scs_section_size  }
0x9b: {  	s6 =	simm.s32 $_size__tile_overlayer_lowered;
	s7 =	simm.s32 $_tile_overlayer_lowered  }
0x9c: {  	s22 =	simm.s32 $0x1BFF;
	s21 =	sshll.u32 s7, $0x1;
	s4 =	sadd.s32 s5, s19  }
0x9d: {  	s8 =	simm.s32 $0x0;
	s20 =	sshll.u32 s6, $0x1;
	s6 =	sadd.s32 s21, s4  }
0x9e: {  	[timem:s8], [sflag:s22] =	dma.local [hbm:s6], s20  }
0x9f: {  	_ =	swait.ge [sflag:s22], s20  }
0xa0: {  	s5 =	ssub.s32 $0x0, s20;
	[sflag:s22] =	ssyncset.done $0x0  }
0xa1: {  	[sflag:s22] =	ssyncadd.s32 s5;
	_ =	sdelay $0x1  }
0xa2: {  	s23 =	simm.s32 $0x1B8B  }
0xa3: {  	_ =	swait.ge [sflag:s23], $0x1  }
0xa4: {  	[sflag:s23] =	ssyncset.done $0x0  }
0xa5: {  	s25 =	simm.s32 $0x1B8E;
	s24 =	sld [smem:$0x3FFE];
	[sflag:s23] =	ssyncadd.s32 $0xFFFFFFFF  }
0xa6: {  	s26 =	simm.s32 $execute0_lowered;
	[smem:$0x3FD2] =	sst s25  }
0xa7: {  	s6 =	sshll.u32 s26, $0x1;
	_ =	strace $0x80000049;
	[dreg:$0x1] =	wrdreg $0xFFFFFFFF  }
0xa8: {  	s28 =	simm.s32 $_size_execute0_lowered;
	s4 =	sadd.s32 s4, s6;
	[dreg:$0x0] =	wrdreg $0x0  }
0xa9: {  	s6 =	sshll.u32 s28, $0x1;
	[dreg:$0x2] =	wrdreg s4  }
0xaa: {  	[dreg:$0x3] =	wrdreg s6  }
0xab: {  	[dreg:$0x4] =	wrdreg $0xC0  }
0xac: {  	_ =	task [dreg:s8], $0x5FFFF  }
0xad: {  	[dreg:$0x1] =	wrdreg $0xFFFFFFFF  }
0xae: {  	[dreg:$0x0] =	wrdreg $0x60  }
0xaf: {  	[dreg:$0x2] =	wrdreg s24  }
0xb0: {  	[dreg:$0x3] =	wrdreg s2  }
0xb1: {  	[dreg:$0x4] =	wrdreg s18  }
0xb2: {  	[dreg:$0x5] =	wrdreg $0x131000  }
0xb3: {  	[dreg:$0x6] =	wrdreg $0x9  }
0xb4: {  	_ =	task.clear_ibuf [dreg:s8], $0x7FFFF;
	_ =	strace $0x90000049  }
0xb5: {  	s29 =	simm.s32 $0x9;
	_ =	strace $0x8000004B  }
0xb6: {  	_ =	swait.ge [sflag:s29], $0x1  }
0xb7: {  	[sflag:s29] =	ssyncadd.s32 $0xFFFFFFFF  }
0xb8: {  	_ =	strace $0x9000004B  }
0xb9: {  	_ =	sfence  }
0xba: {  	s30 =	sld [smem:$0x0];
	_ =	sdelay $0x2  }
0xbb: {  	s31 =	sshll.u32 s1, $0xD;
	s1 =	sshrl.u32 s1, $0x2  }
0xbc: {  	s3 =	sand.u32 $0x4000, s31;
	s1 =	sadd.s32 s1, s30  }
0xbd: {  	s0 =	sor.u32 s3, s0;
	s1 =	sshll.u32 s1, $0x11  }
0xbe: {  	s0 =	sor.u32 s1, s0  }
0xbf: {  	s0 =	sadd.s32 $0x8F2B, s0  }
0xc0: {  	[sflag:s0] =	ssyncadd.remote.s32 $0x1  }
0xc1: {  	_ =	sfence.sel $0xFFFF  }
0xc2: {  	[dreg:$0x0] =	wrdreg $0xFFFFFFFF;
	(pc) =	sbr.abs _section_cstart, $3  }
0xc3: {  	[dreg:$0x1] =	wrdreg $0xFFFFFFFF  }
0xc4: {  	_ =	task.clear_ibuf [dreg:s8], $0x2FFFF;
	_ =	strace $0x9FFFFFFF  }
0xc5: {  	(tm) =	ssettm $0x7FFFFFFF  }
tec
execute0_lowered:
.L_overlay_start_1:
0x0: {  	(tag) =	ssettag $0x1  }
0x1: {  	s0 =	rddreg [dreg:$0x0]  }
0x2: {  	s3 =	rddreg [dreg:$0x3];
	s4 =	simm.s32 $0x0;
	s1 =	srdreg.scid  }
0x3: {  	s5 =	stileid.u32;
	s20 =	simm.s32 $0x3;
	s28 =	simm.s32 $0x1  }
0x4: {  	s29 =	simm.s32 $0x2;
	s30 =	simm.s32 $0xA000;
	s31 =	simm.s32 $0xC800  }
0x5: {  	[smem:$0x7FF] =	sst s4;
	s6 =	sadd.s32 $0xE6800, s0;
	s7 =	sadd.s32 $0x5200, s0  }
0x6: {  	s8 =	sadd.s32 $0xD000, s0;
	s1 =	sand.u32 $0x1, s1;
	s2 =	sadd.s32 $0x1CC00, s0  }
0x7: {  	s21 =	sshll.u32 s5, $0xB;
	s10 =	sadd.s32 $0x5F000, s0;
	s12 =	sshll.u32 s5, $0xE  }
0x8: {  	s23 =	sadd.s32 $0x3C000, s3;
	s24 =	sadd.s32 $0x24C00, s0;
	_ =	strace $0x8000004A  }
0x9: {  	[dreg:$0x5] =	wrdreg s2;
	s9 =	ssub.s32 $0x2, s1;
	s2 =	sadd.s32 s21, s0  }
0xa: {  	s12 =	sadd.s32 s12, s3;
	p3 =	seq.s32 s1, $0x1;
	[dreg:$0x8] =	wrdreg s23  }
0xb: {  	[dreg:$0x9] =	wrdreg s24;
	s0 =	sadd.s32 $0x2CA00, s0;
	s21 =	simm.s32 $0x4  }
0xc: {  	s23 =	simm.s32 $0xF080;
	s24 =	simm.s32 $0x50;
	s11 =	sshrl.u32 s9, $0x1  }
0xd: {  	s22 =	sadd.s32 $0x1D400, s2;
	s25 =	sadd.s32 $0x25200, s2;
	[dreg:$0xb] =	wrdreg s0  }
0xe: {  	p1 =	seq.s32 @p3 s5, $0xF;
	p4 =	seq.s32 @!p3 s5, $0xF;
	[dreg:$0x6] =	wrdreg s12  }
.Ltmp0:
0xf: {  	s2 =	simm.s32 $0x0;
	[dreg:$0x7] =	wrdreg s22;
	(pc) =	sbr.rel .LBB2_1-.Ltmp0, $4  }
0x10: {  	s9 =	ssub.s32 s9, s11;
	s11 =	sshll.u32 s1, $0x4;
	[dreg:$0xa] =	wrdreg s25  }
0x11: {  	s22 =	simm.s32 $0xF000;
	s25 =	simm.s32 $0x5000;
	p0 =	por !p1, !p3  }
0x12: {  	p1 =	por p1, !p3;
	p2 =	por !p4, p3;
	s26 =	smax.u32 s9, $0x1  }
0x13: {  	p3 =	por p4, p3;
	[dreg:$0xc] =	wrdreg s26;
	s26 =	simm.s32 $0x7800  }
.LBB2_7:
0x14: {  	[bflag:$0x0] =	sbarrier.arrive $0xFFFF  }
0x15: {  	s2 =	rddreg [dreg:$0x8]  }
0x16: {  	s1 =	simm.s32 @!p0 $0x1FC3;
	s3 =	rddreg [dreg:$0xb];
	s0 =	sshrl.u32 @!p0 s2, $0x3  }
0x17: {  	[hbm:s3], [sflag:s1] =	dma.local @!p0 [spmem:s0], $0x500  }
0x18: {  	s0 =	simm.s32 @!p0 $0x3  }
0x19: {  	_ =	swait.ge @!p0 [sflag:s0], $0x500  }
0x1a: {  	s12 =	rddreg [dreg:$0x6]  }
0x1b: {  	s1 =	sshll.u32 @!p1 s5, $0x6;
	[sflag:s0] =	ssyncset.done @!p0 $0x0;
	s3 =	rddreg [dreg:$0xa]  }
0x1c: {  	[sflag:s0] =	ssyncadd.s32 @!p0 $0xFFFFFB00;
	s0 =	sor.u32 @!p1 $0x1C03, s1;
	s1 =	sshrl.u32 @!p1 s12, $0x3  }
0x1d: {  	[hbm:s3], [sflag:s0] =	dma.local @!p1 [spmem:s1], $0x800  }
0x1e: {  	s0 =	simm.s32 @!p1 $0x3  }
0x1f: {  	_ =	swait.ge @!p1 [sflag:s0], $0x800  }
0x20: {  	s1 =	simm.s32 @!p2 $0x1FC3;
	[sflag:s0] =	ssyncset.done @!p1 $0x0  }
0x21: {  	[sflag:s0] =	ssyncadd.s32 @!p1 $0xFFFFF800;
	s0 =	sshrl.u32 @!p2 s2, $0x3;
	s2 =	rddreg [dreg:$0x9]  }
0x22: {  	[hbm:s2], [sflag:s1] =	dma.local @!p2 [spmem:s0], $0x500  }
0x23: {  	s0 =	simm.s32 @!p2 $0x3  }
0x24: {  	_ =	swait.ge @!p2 [sflag:s0], $0x500  }
0x25: {  	s1 =	sshll.u32 @!p3 s5, $0x6;
	[sflag:s0] =	ssyncset.done @!p2 $0x0;
	s2 =	rddreg [dreg:$0x7]  }
0x26: {  	[sflag:s0] =	ssyncadd.s32 @!p2 $0xFFFFFB00;
	s0 =	sor.u32 @!p3 $0x1C03, s1;
	s1 =	sshrl.u32 @!p3 s12, $0x3  }
0x27: {  	[hbm:s2], [sflag:s0] =	dma.local @!p3 [spmem:s1], $0x800  }
0x28: {  	s0 =	simm.s32 @!p3 $0x3  }
0x29: {  	_ =	swait.ge @!p3 [sflag:s0], $0x800  }
0x2a: {  	s18 =	rddreg [dreg:$0xd]  }
0x2b: {  	s19 =	rddreg [dreg:$0xc];
	s2 =	sadd.s32 $0x1, s18  }
0x2c: {  	p4 =	sne.s32 s2, s19  }
.Ltmp1:
0x2d: {  	_ = 	snop;
	(pc) =	sbr.rel @!p4 .LBB2_8-.Ltmp1, $3  }
0x2e: {  	_ =	sdelay $0x1  }
0x2f: {  	[sflag:s0] =	ssyncset.done @!p3 $0x0  }
0x30: {  	[sflag:s0] =	ssyncadd.s32 @!p3 $0xFFFFF800  }
.LBB2_1:
0x31: {  	[dreg:$0xd] =	wrdreg s2  }
0x32: {  	s0 =	rddreg [dreg:$0x5];
	s1 =	simm.s32 $0xF100  }
0x33: {  	[tilespmem:s1], [sflag:$0x3] =	stream.linear.gather [hbm4b:s0+s4], $0x4000, $0x38;
	[tilespmem:$0x17100] =	vst v63  }
0x34: {  	_ =	swait.ge [sflag:s20], $0x4000  }
0x35: {  	[sflag:s20] =	ssyncset.done $0x0  }
0x36: {  	[sflag:s20] =	ssyncadd.s32 $0xFFFFC000  }
0x37: {  	[spmem:s12] =	stream.linear.scatter [tilespmem:s1], [sflag:$0x3], $0x4000, $0x38;
	[tilespmem:$0x17100] =	vst v63  }
.Ltmp2:
0x38: {  	_ =	swait.ge [sflag:s20], $0x4000;
	(pc) =	sbr.rel .LBB2_2-.Ltmp2, $4  }
0x39: {  	[sflag:s20] =	ssyncset.done $0x0  }
0x3a: {  	[sflag:s20] =	ssyncadd.s32 $0xFFFFC000  }
0x3b: {  	[bflag:$0x0] =	sbarrier.arrive $0xFFFF  }
0x3c: {  	s9 =	simm.s32 $0x0  }
.LBB2_6:
0x3d: {  	s9 =	sadd.s32 $0x1, s9  }
0x3e: {  	p4 =	sne.s32 s9, $0x8  }
.Ltmp3:
0x3f: {  	_ = 	snop;
	(pc) =	sbr.rel @!p4 .LBB2_7-.Ltmp3, $1  }
0x40: {  	_ =	sdelay $0x3  }
.LBB2_2:
0x41: {  	s0 =	sshll.u32 s9, $0x5  }
0x42: {  	s0 =	sor.u32 s0, s11  }
0x43: {  	s19 =	sor.u32 s5, s0  }
0x44: {  	p4 =	sgt.u32 s19, $0xF9  }
.Ltmp4:
0x45: {  	_ = 	snop;
	(pc) =	sbr.rel @p4 .LBB2_6-.Ltmp4, $1  }
0x46: {  	_ =	sdelay $0x3  }
0x47: {  	s0 =	smul.u32 $0xA00, s19;
	_ =	sdelay $0x1  }
0x48: {  	s13 =	simm.s32 $0x0;
	s0 =	sadd.s32 s6, s0  }
0x49: {  	[tilespmem:s13], [sflag:$0x4] =	stream.linear.gather [hbm4b:s0+s13], $0x5000, $0x38;
	[tilespmem:$0x17100] =	vst v63  }
0x4a: {  	_ =	swait.ge [sflag:s21], $0x5000  }
0x4b: {  	[sflag:s21] =	ssyncset.done $0x0  }
0x4c: {  	s3 =	smul.u32 $0xA, s19;
	[sflag:s21] =	ssyncadd.s32 $0xFFFFB000  }
0x4d: {  	s1 =	rddreg [dreg:$0x1]  }
0x4e: {  	s1 =	sadd.s32 s1, s3  }
0x4f: {  	[tilespmem:s22], [sflag:$0x4] =	stream.linear.gather [hbm4b:s1+s13], $0x50, $0x38;
	[tilespmem:$0x17100] =	vst v63  }
0x50: {  	_ =	swait.ge [sflag:s21], $0x50  }
0x51: {  	[sflag:s21] =	ssyncset.done $0x0  }
0x52: {  	[sflag:s21] =	ssyncadd.s32 $0xFFFFFFB0  }
0x53: {  	s12 =	rddreg [dreg:$0x2]  }
0x54: {  	s0 =	sadd.s32 s12, s3  }
0x55: {  	[tilespmem:s23], [sflag:$0x4] =	stream.linear.gather [hbm4b:s0+s13], $0x50, $0x38;
	[tilespmem:$0x17100] =	vst v63  }
0x56: {  	_ =	swait.ge [sflag:s21], $0x50  }
0x57: {  	[sflag:s21] =	ssyncset.done $0x0  }
0x58: {  	[sflag:s21] =	ssyncadd.s32 $0xFFFFFFB0  }
0x59: {  	[tilespmem:s25], [sflag:$0x1] =	stream.indirect.gather [hbm4b:s7+s24], $0x80, s22, s24, $0xb8;
	[tilespmem:$0x17100] =	vst v63  }
0x5a: {  	_ = 	snop  }
0x5b: {  	[tilespmem:s26], [sflag:$0x2] =	stream.indirect.gather [hbm4b:s8+s24], $0x80, s22, s24, $0xb8;
	[tilespmem:$0x17100] =	vst v63  }
0x5c: {  	_ =	swait.ge [sflag:s28], $0x2800  }
0x5d: {  	[sflag:s28] =	ssyncset.done $0x0  }
0x5e: {  	[sflag:s28] =	ssyncadd.s32 $0xFFFFD800  }
0x5f: {  	_ =	swait.ge [sflag:s29], $0x2800  }
0x60: {  	s14 =	simm.s32 $0x5040;
	[sflag:s29] =	ssyncset.done $0x0  }
0x61: {  	s18 =	sand.u32 $0x7800, s13;
	s2 =	sand.u32 $0x380, s13;
	[sflag:s29] =	ssyncadd.s32 $0xFFFFD800  }
0x62: {  	s18 =	sor.u32 s2, s18;
	v0 =	vld [tilespmem:s14+$0xFFFFFFC0]  }
0x63: {  	v1 =	vld [tilespmem:s18+$0x0];
	_ =	sdelay $0x4  }
0x64: {  	v0 =	vadd.f32 v0, v1  }
0x65: {  	s15 =	simm.s32 $0xA040  }
0x66: {  	[tilespmem:s15+$0xFFFFFFC0] =	vst v0  }
0x67: {  	s16 =	simm.s32 $0x7840;
	v0 =	vld [tilespmem:s18+$0x400]  }
0x68: {  	v1 =	vld [tilespmem:s16+$0xFFFFFFC0];
	_ =	sdelay $0x4  }
0x69: {  	v0 =	vadd.f32 v1, v0  }
0x6a: {  	s17 =	simm.s32 $0xC840  }
0x6b: {  	[tilespmem:s17+$0xFFFFFFC0] =	vst v0  }
0x6c: {  	v0 =	vld [tilespmem:s18+$0x10]  }
0x6d: {  	v1 =	vld [tilespmem:s14+$0xFFFFFFD0];
	_ =	sdelay $0x4  }
0x6e: {  	v0 =	vadd.f32 v1, v0;
	_ =	sdelay $0x1  }
0x6f: {  	[tilespmem:s15+$0xFFFFFFD0] =	vst v0  }
0x70: {  	v0 =	vld [tilespmem:s18+$0x410]  }
0x71: {  	v1 =	vld [tilespmem:s16+$0xFFFFFFD0];
	_ =	sdelay $0x4  }
0x72: {  	v0 =	vadd.f32 v1, v0;
	_ =	sdelay $0x1  }
0x73: {  	[tilespmem:s17+$0xFFFFFFD0] =	vst v0  }
0x74: {  	v0 =	vld [tilespmem:s18+$0x20]  }
0x75: {  	v1 =	vld [tilespmem:s14+$0xFFFFFFE0];
	_ =	sdelay $0x4  }
0x76: {  	v0 =	vadd.f32 v1, v0;
	_ =	sdelay $0x1  }
0x77: {  	[tilespmem:s15+$0xFFFFFFE0] =	vst v0  }
0x78: {  	v0 =	vld [tilespmem:s18+$0x420]  }
0x79: {  	v1 =	vld [tilespmem:s16+$0xFFFFFFE0];
	_ =	sdelay $0x4  }
0x7a: {  	v0 =	vadd.f32 v1, v0;
	_ =	sdelay $0x1  }
0x7b: {  	[tilespmem:s17+$0xFFFFFFE0] =	vst v0  }
0x7c: {  	v0 =	vld [tilespmem:s18+$0x30]  }
0x7d: {  	v1 =	vld [tilespmem:s14+$0xFFFFFFF0];
	_ =	sdelay $0x4  }
0x7e: {  	v0 =	vadd.f32 v1, v0;
	_ =	sdelay $0x1  }
0x7f: {  	[tilespmem:s15+$0xFFFFFFF0] =	vst v0  }
0x80: {  	v0 =	vld [tilespmem:s18+$0x430]  }
0x81: {  	v1 =	vld [tilespmem:s16+$0xFFFFFFF0];
	_ =	sdelay $0x4  }
0x82: {  	v0 =	vadd.f32 v1, v0;
	_ =	sdelay $0x1  }
0x83: {  	[tilespmem:s17+$0xFFFFFFF0] =	vst v0  }
0x84: {  	v0 =	vld [tilespmem:s18+$0x40]  }
0x85: {  	v1 =	vld [tilespmem:s14+$0x0];
	_ =	sdelay $0x4  }
0x86: {  	v0 =	vadd.f32 v1, v0;
	_ =	sdelay $0x1  }
0x87: {  	[tilespmem:s15+$0x0] =	vst v0  }
0x88: {  	v0 =	vld [tilespmem:s18+$0x440]  }
0x89: {  	v1 =	vld [tilespmem:s16+$0x0];
	_ =	sdelay $0x4  }
0x8a: {  	v0 =	vadd.f32 v1, v0;
	_ =	sdelay $0x1  }
0x8b: {  	[tilespmem:s17+$0x0] =	vst v0  }
0x8c: {  	v0 =	vld [tilespmem:s18+$0x50]  }
0x8d: {  	v1 =	vld [tilespmem:s14+$0x10];
	_ =	sdelay $0x4  }
0x8e: {  	v0 =	vadd.f32 v1, v0;
	_ =	sdelay $0x1  }
0x8f: {  	[tilespmem:s15+$0x10] =	vst v0  }
0x90: {  	v0 =	vld [tilespmem:s18+$0x450]  }
0x91: {  	v1 =	vld [tilespmem:s16+$0x10];
	_ =	sdelay $0x4  }
0x92: {  	v0 =	vadd.f32 v1, v0;
	_ =	sdelay $0x1  }
0x93: {  	[tilespmem:s17+$0x10] =	vst v0  }
0x94: {  	v0 =	vld [tilespmem:s18+$0x60]  }
0x95: {  	v1 =	vld [tilespmem:s14+$0x20];
	_ =	sdelay $0x4  }
0x96: {  	v0 =	vadd.f32 v1, v0;
	_ =	sdelay $0x1  }
0x97: {  	[tilespmem:s15+$0x20] =	vst v0  }
0x98: {  	v0 =	vld [tilespmem:s18+$0x460]  }
0x99: {  	v1 =	vld [tilespmem:s16+$0x20];
	_ =	sdelay $0x4  }
0x9a: {  	v0 =	vadd.f32 v1, v0;
	_ =	sdelay $0x1  }
0x9b: {  	[tilespmem:s17+$0x20] =	vst v0  }
0x9c: {  	s2 =	simm.s32 $0x50C0;
	s1 =	simm.s32 $0xA0C0;
	v0 =	vld [tilespmem:s18+$0x70]  }
0x9d: {  	s12 =	simm.s32 $0x100;
	s0 =	simm.s32 $0x7840;
	v1 =	vld [tilespmem:s14+$0x30];
	s14 =	simm.s32 $0xC840  }
.LBB2_4:
0x9e: {  	s13 =	sadd.s32 $0x80, s13;
	s17 =	sadd.s32 $0x80, s17;
	s16 =	sadd.s32 $0x80, s16  }
0x9f: {  	p4 =	sne.s32 s12, $0x4F00;
	s3 =	smov.u32 s12;
	s12 =	sadd.s32 $0x100, s12  }
0xa0: {  	_ =	sdelay $0x1  }
0xa1: {  	v0 =	vadd.f32 v1, v0;
	_ =	sdelay $0x1  }
0xa2: {  	[tilespmem:s15+$0x30] =	vst v0;
	s15 =	smov.u32 s1  }
0xa3: {  	v0 =	vld [tilespmem:s18+$0x470]  }
0xa4: {  	v1 =	vld [tilespmem:s0+$0x30];
	s0 =	smov.u32 s16;
	_ =	sdelay $0x4  }
0xa5: {  	v0 =	vadd.f32 v1, v0;
	_ =	sdelay $0x1  }
0xa6: {  	s3 =	sand.u32 $0x7800, s3;
	s18 =	sand.u32 $0x380, s13;
	[tilespmem:s14+$0x30] =	vst v0;
	s14 =	smov.u32 s17  }
0xa7: {  	s18 =	sor.u32 s18, s3;
	v0 =	vld [tilespmem:s2+$0xFFFFFFC0]  }
0xa8: {  	v1 =	vld [tilespmem:s18+$0x0];
	_ =	sdelay $0x4  }
0xa9: {  	v0 =	vadd.f32 v0, v1;
	_ =	sdelay $0x1  }
0xaa: {  	[tilespmem:s1+$0xFFFFFFC0] =	vst v0  }
0xab: {  	v0 =	vld [tilespmem:s18+$0x400]  }
0xac: {  	v1 =	vld [tilespmem:s16+$0xFFFFFFC0];
	_ =	sdelay $0x4  }
0xad: {  	v0 =	vadd.f32 v1, v0;
	_ =	sdelay $0x1  }
0xae: {  	[tilespmem:s17+$0xFFFFFFC0] =	vst v0  }
0xaf: {  	v0 =	vld [tilespmem:s18+$0x10]  }
0xb0: {  	v1 =	vld [tilespmem:s2+$0xFFFFFFD0];
	_ =	sdelay $0x4  }
0xb1: {  	v0 =	vadd.f32 v1, v0;
	_ =	sdelay $0x1  }
0xb2: {  	[tilespmem:s1+$0xFFFFFFD0] =	vst v0  }
0xb3: {  	v0 =	vld [tilespmem:s18+$0x410]  }
0xb4: {  	v1 =	vld [tilespmem:s16+$0xFFFFFFD0];
	_ =	sdelay $0x4  }
0xb5: {  	v0 =	vadd.f32 v1, v0;
	_ =	sdelay $0x1  }
0xb6: {  	[tilespmem:s17+$0xFFFFFFD0] =	vst v0  }
0xb7: {  	v0 =	vld [tilespmem:s18+$0x20]  }
0xb8: {  	v1 =	vld [tilespmem:s2+$0xFFFFFFE0];
	_ =	sdelay $0x4  }
0xb9: {  	v0 =	vadd.f32 v1, v0;
	_ =	sdelay $0x1  }
0xba: {  	[tilespmem:s1+$0xFFFFFFE0] =	vst v0  }
0xbb: {  	v0 =	vld [tilespmem:s18+$0x420]  }
0xbc: {  	v1 =	vld [tilespmem:s16+$0xFFFFFFE0];
	_ =	sdelay $0x4  }
0xbd: {  	v0 =	vadd.f32 v1, v0;
	_ =	sdelay $0x1  }
0xbe: {  	[tilespmem:s17+$0xFFFFFFE0] =	vst v0  }
0xbf: {  	v0 =	vld [tilespmem:s18+$0x30]  }
0xc0: {  	v1 =	vld [tilespmem:s2+$0xFFFFFFF0];
	_ =	sdelay $0x4  }
0xc1: {  	v0 =	vadd.f32 v1, v0;
	_ =	sdelay $0x1  }
0xc2: {  	[tilespmem:s1+$0xFFFFFFF0] =	vst v0  }
0xc3: {  	v0 =	vld [tilespmem:s18+$0x430]  }
0xc4: {  	v1 =	vld [tilespmem:s16+$0xFFFFFFF0];
	_ =	sdelay $0x4  }
0xc5: {  	v0 =	vadd.f32 v1, v0;
	_ =	sdelay $0x1  }
0xc6: {  	[tilespmem:s17+$0xFFFFFFF0] =	vst v0  }
0xc7: {  	v0 =	vld [tilespmem:s18+$0x40]  }
0xc8: {  	v1 =	vld [tilespmem:s2+$0x0];
	_ =	sdelay $0x4  }
0xc9: {  	v0 =	vadd.f32 v1, v0;
	_ =	sdelay $0x1  }
0xca: {  	[tilespmem:s1+$0x0] =	vst v0  }
0xcb: {  	v0 =	vld [tilespmem:s18+$0x440]  }
0xcc: {  	v1 =	vld [tilespmem:s16+$0x0];
	_ =	sdelay $0x4  }
0xcd: {  	v0 =	vadd.f32 v1, v0;
	_ =	sdelay $0x1  }
0xce: {  	[tilespmem:s17+$0x0] =	vst v0  }
0xcf: {  	v0 =	vld [tilespmem:s18+$0x50]  }
0xd0: {  	v1 =	vld [tilespmem:s2+$0x10];
	_ =	sdelay $0x4  }
0xd1: {  	v0 =	vadd.f32 v1, v0;
	_ =	sdelay $0x1  }
0xd2: {  	[tilespmem:s1+$0x10] =	vst v0  }
0xd3: {  	v0 =	vld [tilespmem:s18+$0x450]  }
0xd4: {  	v1 =	vld [tilespmem:s16+$0x10];
	_ =	sdelay $0x4  }
0xd5: {  	v0 =	vadd.f32 v1, v0;
	_ =	sdelay $0x1  }
0xd6: {  	[tilespmem:s17+$0x10] =	vst v0  }
0xd7: {  	v0 =	vld [tilespmem:s18+$0x60]  }
0xd8: {  	v1 =	vld [tilespmem:s2+$0x20];
	_ =	sdelay $0x4  }
0xd9: {  	v0 =	vadd.f32 v1, v0;
	_ =	sdelay $0x1  }
0xda: {  	[tilespmem:s1+$0x20] =	vst v0  }
0xdb: {  	v0 =	vld [tilespmem:s18+$0x460]  }
0xdc: {  	v1 =	vld [tilespmem:s16+$0x20];
	_ =	sdelay $0x4  }
.Ltmp5:
0xdd: {  	v0 =	vadd.f32 v1, v0;
	(pc) =	sbr.rel @p4 .LBB2_4-.Ltmp5, $4  }
0xde: {  	_ = 	snop  }
0xdf: {  	[tilespmem:s17+$0x20] =	vst v0  }
0xe0: {  	v0 =	vld [tilespmem:s18+$0x70]  }
0xe1: {  	s1 =	sadd.s32 $0x80, s1;
	v1 =	vld [tilespmem:s2+$0x30];
	s2 =	sadd.s32 $0x80, s2  }
0xe2: {  	_ =	sdelay $0x3  }
0xe3: {  	v0 =	vadd.f32 v1, v0;
	_ =	sdelay $0x1  }
0xe4: {  	[tilespmem:s15+$0x30] =	vst v0  }
0xe5: {  	v0 =	vld [tilespmem:s18+$0x470]  }
0xe6: {  	v63 =	vld [tilespmem:s0+$0x30];
	_ =	sdelay $0x4  }
0xe7: {  	s18 =	smul.u32 $0x500, s19;
	v0 =	vadd.f32 v63, v0;
	_ =	sdelay $0x1  }
0xe8: {  	s0 =	sadd.s32 s10, s18;
	[tilespmem:s14+$0x30] =	vst v0  }
0xe9: {  	[hbm4b:s0+s4] =	stream.linear.scatter [tilespmem:s30], [sflag:$0x4], $0x2800, $0x38;
	[tilespmem:$0x17100] =	vst v63  }
0xea: {  	_ =	swait.ge [sflag:s21], $0x2800  }
0xeb: {  	[sflag:s21] =	ssyncset.done $0x0  }
0xec: {  	[sflag:s21] =	ssyncadd.s32 $0xFFFFD800  }
.Ltmp6:
0xed: {  	s19 =	rddreg [dreg:$0x3];
	(pc) =	sbr.rel .LBB2_6-.Ltmp6, $4  }
0xee: {  	[spmem:s19] =	stream.indirect.scatter.add.f32 [tilespmem:s31], [sflag:$0x3], $0x80, s23, s24, $0xb8;
	[tilespmem:$0x17100] =	vst v63  }
0xef: {  	_ =	swait.ge [sflag:s20], $0x2800  }
0xf0: {  	[sflag:s20] =	ssyncset.done $0x0  }
0xf1: {  	[sflag:s20] =	ssyncadd.s32 $0xFFFFD800  }
.LBB2_8:
0xf2: {  	_ =	sfence.sel $0x180000  }
0xf3: {  	[bflag:$0x0] =	sbarrier.arrive $0xFFFF  }
0xf4: {  	_ =	strace $0x9000004A  }
0xf5: {  	[bflag:$0x2] =	sbarrier.arrive $0xFFFF  }
0xf6: {  	p0 =	sne.s32 s5, $0x0;
	s0 =	rddreg [dreg:$0x4]  }
0xf7: {  	s0 =	sadd.s32 @!p0 $0x100000, s0  }
0xf8: {  	[sflag:s0] =	ssyncadd.tile.s32 @!p0 $0x1;
	_ =	shalt  }
.Lfunc_end2:
_tile_overlayer_lowered:
.L_overlay_start_2:
0xf9: {  	(tag) =	ssettag $0x2  }
0xfa: {  	s0 =	rddreg [dreg:$0x0];
	s2 =	stileid.u32  }
0xfb: {  	s1 =	rddreg [dreg:$0x1];
	p0 =	sne.s32 s2, $0x0  }
0xfc: {  	s3 =	rddreg [dreg:$0x2];
	[bflag:$0x3] =	sbarrier.arrive $0xFFFF;
	s2 =	simm.s32 @!p0 $0x1C03  }
0xfd: {  	[timem:s3], [sflag:s2] =	dma.local @!p0 [hbm:s0], s1  }
0xfe: {  	s0 =	simm.s32 @!p0 $0x3  }
0xff: {  	_ =	swait.ge @!p0 [sflag:s0], s1  }
0x100: {  	s1 =	ssub.s32 @!p0 $0x0, s1;
	[sflag:s0] =	ssyncset.done @!p0 $0x0  }
0x101: {  	[sflag:s0] =	ssyncadd.s32 @!p0 s1  }
0x102: {  	[bflag:$0x3] =	sbarrier.arrive $0xFFFF  }
0x103: {  	_ =	shalt  }

// kernel: at11_phase_c2.3.cloned.1.call-start
scs
__scs_entry_jumppad:
0x0: {  	(pc) =	sbr.rel $0x88, $3  }
0x1: {  	(tag) =	ssettag $0x0;
	lr =	simm.s32 $0x1  }
0x2: {  	[smem:$0x3F96] =	sst lr;
	_ =	strace $0xD0000000  }
0x3: {  	_ = 	snop  }
0x4: {  	_ = 	snop  }
0x5: {  	_ = 	snop  }
0x6: {  	_ = 	snop  }
0x7: {  	_ = 	snop  }
__scs_overlays_trampoline_lowered:
0x8: {  	[smem:$0x3FA5] =	sst s0  }
0x9: {  	[smem:$0x3FA6] =	sst s1  }
0xa: {  	[smem:$0x3FA7] =	sst s2  }
0xb: {  	[smem:$0x3FA8] =	sst s3  }
0xc: {  	[smem:$0x3FA9] =	sst s4  }
0xd: {  	[smem:$0x3FAA] =	sst s5  }
0xe: {  	[smem:$0x3FAB] =	sst s6  }
0xf: {  	[smem:$0x3FAC] =	sst s7  }
0x10: {  	[smem:$0x3FAD] =	sst s8  }
0x11: {  	[smem:$0x3FAE] =	sst s9;
	s0 =	simm.s32 @!p0 $0x0  }
0x12: {  	s1 =	sld [smem:$0x3F94];
	s0 =	simm.s32 @p0 $0x1  }
0x13: {  	[smem:$0x3FAF] =	sst s0;
	s0 =	simm.s32 @!p1 $0x0  }
0x14: {  	s2 =	sld [smem:$0x3F93];
	s0 =	simm.s32 @p1 $0x1  }
0x15: {  	[smem:$0x3FB0] =	sst s0;
	s0 =	simm.s32 @!p2 $0x0  }
0x16: {  	s3 =	sld [smem:$0x3FDB];
	s0 =	simm.s32 @p2 $0x1  }
0x17: {  	s4 =	simm.s32 $0x1BF5;
	[smem:$0x3FB2] =	sst s0  }
0x18: {  	s0 =	sld [smem:$0x3F95];
	_ =	swait.ge [sflag:s4], $0x0  }
0x19: {  	s7 =	sld [smem:$0x3F96]  }
0x1a: {  	s8 =	sadd.s32 $0xFFFFE003, lr  }
0x1b: {  	s9 =	sadd.s32 $0xFFFFFEF7, lr;
	s5 =	simm.s32 $0xFFFFFFFF;
	p2 =	slt.u32 s8, $0xFFFFF086  }
0x1c: {  	p1 =	slt.u32 s9, $0xF7A;
	s5 =	simm.s32 @!p2 $0x0  }
0x1d: {  	s5 =	simm.s32 @p1 $0x1;
	p0 =	seq.s32 s7, s2  }
0x1e: {  	s7 =	smul.u32 @!p0 $0xF7A, s2;
	p2 =	seq.s32 @!p0 s5, $0x0  }
0x1f: {  	s9 =	smul.u32 $0xF7A, s1;
	s8 =	simm.s32 @!p0 $0x1BF5;
	p2 =	por !p2, p0  }
0x20: {  	[sflag:s8] =	ssyncset.s32 @!p0 $0xFFFFF086;
	s6 =	sadd.s32 @!p0 s3, s7;
	s7 =	simm.s32 @!p0 $0x108  }
0x21: {  	s3 =	sadd.s32 s3, s9;
	s6 =	sadd.s32 @!p0 $0x88, s6;
	s7 =	simm.s32 @p2 $0x1082  }
0x22: {  	[simem:s7], [sflag:s8] =	dma.local @!p0 [hbm:s6], $0xF7A  }
0x23: {  	s9 =	sor.u32 $0xD0000000, s2;
	s6 =	simm.s32 $0x108;
	_ =	swait.ge @!p0 [sflag:s8], $0x0  }
0x24: {  	s3 =	sadd.s32 $0x88, s3;
	s6 =	simm.s32 @!p1 $0x1082;
	[sflag:s4] =	ssyncset.s32 $0xFFFFF086  }
0x25: {  	[simem:s6], [sflag:s4] =	dma.local [hbm:s3], $0xF7A  }
0x26: {  	[smem:$0x3F96] =	sst s1;
	(tag) =	ssettag s2;
	_ =	strace s9  }
0x27: {  	s1 =	sld [smem:$0x3FA6]  }
0x28: {  	s2 =	sld [smem:$0x3FA7]  }
0x29: {  	s4 =	sld [smem:$0x3FA9]  }
0x2a: {  	p0 =	seq.s32 s5, $0x0;
	s5 =	sld [smem:$0x3FAA]  }
0x2b: {  	s6 =	sld [smem:$0x3FAB]  }
0x2c: {  	s7 =	sld [smem:$0x3FAC]  }
0x2d: {  	s3 =	simm.s32 $0x108;
	s8 =	sld [smem:$0x3FAD]  }
0x2e: {  	s3 =	simm.s32 @!p0 $0x1082;
	s9 =	sld [smem:$0x3FAE]  }
0x2f: {  	lr =	sadd.s32 s0, s3;
	s0 =	sld [smem:$0x3FA5]  }
0x30: {  	s3 =	sld [smem:$0x3FA8]  }
0x31: {  	[smem:$0x3FB1] =	sst s10  }
0x32: {  	s10 =	sld [smem:$0x3FAF];
	_ =	sdelay $0x3  }
0x33: {  	p0 =	seq.s32 s10, $0x1;
	s10 =	sld [smem:$0x3FB1];
	_ =	sdelay $0x3  }
0x34: {  	[smem:$0x3FB1] =	sst s10  }
0x35: {  	s10 =	sld [smem:$0x3FB0];
	_ =	sdelay $0x3  }
0x36: {  	p1 =	seq.s32 s10, $0x1;
	s10 =	sld [smem:$0x3FB1];
	_ =	sdelay $0x3  }
0x37: {  	[smem:$0x3FB1] =	sst s10  }
0x38: {  	s10 =	sld [smem:$0x3FB2]  }
0x39: {  	_ = 	snop;
	(pc) =	sbr.ind lr, $3  }
0x3a: {  	_ = 	snop  }
0x3b: {  	_ = 	snop  }
0x3c: {  	p2 =	seq.s32 s10, $0x1;
	s10 =	sld [smem:$0x3FB1]  }
0x3d: {  	_ =	shalt  }
0x3e: {  	_ =	shalt  }
0x3f: {  	_ =	shalt  }
0x40: {  	_ =	shalt  }
0x41: {  	_ =	shalt  }
0x42: {  	_ =	shalt  }
0x43: {  	_ =	shalt  }
0x44: {  	_ =	shalt  }
0x45: {  	_ =	shalt  }
0x46: {  	_ =	shalt  }
0x47: {  	_ =	shalt  }
0x48: {  	_ =	shalt  }
0x49: {  	_ =	shalt  }
0x4a: {  	_ =	shalt  }
0x4b: {  	_ =	shalt  }
0x4c: {  	_ =	shalt  }
0x4d: {  	_ =	shalt  }
0x4e: {  	_ =	shalt  }
0x4f: {  	_ =	shalt  }
0x50: {  	_ =	shalt  }
0x51: {  	_ =	shalt  }
0x52: {  	_ =	shalt  }
0x53: {  	_ =	shalt  }
0x54: {  	_ =	shalt  }
0x55: {  	_ =	shalt  }
0x56: {  	_ =	shalt  }
0x57: {  	_ =	shalt  }
0x58: {  	_ =	shalt  }
0x59: {  	_ =	shalt  }
0x5a: {  	_ =	shalt  }
0x5b: {  	_ =	shalt  }
0x5c: {  	_ =	shalt  }
0x5d: {  	_ =	shalt  }
0x5e: {  	_ =	shalt  }
0x5f: {  	_ =	shalt  }
0x60: {  	_ =	shalt  }
0x61: {  	_ =	shalt  }
0x62: {  	_ =	shalt  }
0x63: {  	_ =	shalt  }
0x64: {  	_ =	shalt  }
0x65: {  	_ =	shalt  }
0x66: {  	_ =	shalt  }
0x67: {  	_ =	shalt  }
0x68: {  	_ =	shalt  }
0x69: {  	_ =	shalt  }
0x6a: {  	_ =	shalt  }
0x6b: {  	_ =	shalt  }
0x6c: {  	_ =	shalt  }
0x6d: {  	_ =	shalt  }
0x6e: {  	_ =	shalt  }
0x6f: {  	_ =	shalt  }
0x70: {  	_ =	shalt  }
0x71: {  	_ =	shalt  }
0x72: {  	_ =	shalt  }
0x73: {  	_ =	shalt  }
0x74: {  	_ =	shalt  }
0x75: {  	_ =	shalt  }
0x76: {  	_ =	shalt  }
0x77: {  	_ =	shalt  }
0x78: {  	_ =	shalt  }
0x79: {  	_ =	shalt  }
0x7a: {  	_ =	shalt  }
0x7b: {  	_ =	shalt  }
0x7c: {  	_ =	shalt  }
0x7d: {  	_ =	shalt  }
0x7e: {  	_ =	shalt  }
0x7f: {  	_ =	shalt  }
0x80: {  	_ =	shalt  }
0x81: {  	_ =	shalt  }
0x82: {  	_ =	shalt  }
0x83: {  	_ =	shalt  }
0x84: {  	_ =	shalt  }
0x85: {  	_ =	shalt  }
0x86: {  	_ =	shalt  }
0x87: {  	_ =	shalt  }
.Lfunc_end0:
.L_simem_size_0:
called_computation.2_lowered:
.L_overlay_start_0:
0x88: {  	s2 =	sld [smem:$0x3FD9]  }
0x89: {  	s3 =	sld [smem:$0x3FFE];
	_ =	sdelay $0x1  }
0x8a: {  	s1 =	srdreg.scid  }
0x8b: {  	s0 =	sand.u32 $0x1, s1  }
0x8c: {  	s17 =	sshll.u32 s0, $0xA;
	s2 =	sadd.s32 s3, s2  }
0x8d: {  	s2 =	sadd.s32 s2, s17  }
0x8e: {  	[smem:$0x3FBD] =	sst s2  }
0x8f: {  	_ = 	snop  }
0x90: {  	s2 =	sld [smem:$0x3FD0];
	(tm) =	ssettm $0x1  }
0x91: {  	s18 =	sld [smem:$0x3FFB];
	_ =	sdelay $0x3  }
0x92: {  	_ =	strace s18  }
0x93: {  	s3 =	sld [smem:$0x3FFC];
	_ =	sdelay $0x3  }
0x94: {  	_ =	strace s3  }
0x95: {  	s3 =	sld [smem:$0x3FFD];
	_ =	sdelay $0x3  }
0x96: {  	_ =	strace s3  }
0x97: {  	_ =	strace $0x8FFFFFFF  }
0x98: {  	s19 =	sld [smem:$0x3FDB];
	_ =	sdelay $0x1  }
0x99: {  	s4 =	simm.s32 $_scs_section_size  }
0x9a: {  	s5 =	simm.s32 $_size__tile_overlayer_lowered;
	s6 =	simm.s32 $_tile_overlayer_lowered  }
0x9b: {  	s22 =	simm.s32 $0x1BFF;
	s21 =	sshll.u32 s6, $0x1;
	s3 =	sadd.s32 s4, s19  }
0x9c: {  	s7 =	simm.s32 $0x0;
	s20 =	sshll.u32 s5, $0x1;
	s5 =	sadd.s32 s21, s3  }
0x9d: {  	[timem:s7], [sflag:s22] =	dma.local [hbm:s5], s20  }
0x9e: {  	_ =	swait.ge [sflag:s22], s20  }
0x9f: {  	s4 =	ssub.s32 $0x0, s20;
	[sflag:s22] =	ssyncset.done $0x0  }
0xa0: {  	[sflag:s22] =	ssyncadd.s32 s4;
	_ =	sdelay $0x1  }
0xa1: {  	s23 =	simm.s32 $0x1B8B  }
0xa2: {  	_ =	swait.ge [sflag:s23], $0x1  }
0xa3: {  	[sflag:s23] =	ssyncset.done $0x0  }
0xa4: {  	s25 =	simm.s32 $0x1B8E;
	s24 =	sld [smem:$0x3FFE];
	[sflag:s23] =	ssyncadd.s32 $0xFFFFFFFF  }
0xa5: {  	s26 =	simm.s32 $execute0_lowered;
	[smem:$0x3FD2] =	sst s25  }
0xa6: {  	s5 =	sshll.u32 s26, $0x1;
	_ =	strace $0x8000004C;
	[dreg:$0x1] =	wrdreg $0xFFFFFFFF  }
0xa7: {  	s28 =	simm.s32 $_size_execute0_lowered;
	s3 =	sadd.s32 s3, s5;
	[dreg:$0x0] =	wrdreg $0x0  }
0xa8: {  	s5 =	sshll.u32 s28, $0x1;
	[dreg:$0x2] =	wrdreg s3  }
0xa9: {  	[dreg:$0x3] =	wrdreg s5  }
0xaa: {  	[dreg:$0x4] =	wrdreg $0xC0  }
0xab: {  	_ =	task [dreg:s7], $0x5FFFF  }
0xac: {  	[dreg:$0x1] =	wrdreg $0xFFFFFFFF  }
0xad: {  	[dreg:$0x0] =	wrdreg $0x60  }
0xae: {  	[dreg:$0x2] =	wrdreg s2  }
0xaf: {  	[dreg:$0x3] =	wrdreg s24  }
0xb0: {  	[dreg:$0x4] =	wrdreg $0xC1800  }
0xb1: {  	[dreg:$0x5] =	wrdreg $0x9  }
0xb2: {  	_ =	task.clear_ibuf [dreg:s7], $0x6FFFF;
	_ =	strace $0x9000004C  }
0xb3: {  	s29 =	simm.s32 $0x9;
	_ =	strace $0x8000004E  }
0xb4: {  	_ =	swait.ge [sflag:s29], $0x1  }
0xb5: {  	[sflag:s29] =	ssyncadd.s32 $0xFFFFFFFF  }
0xb6: {  	_ =	strace $0x9000004E  }
0xb7: {  	_ =	sfence  }
0xb8: {  	s30 =	sld [smem:$0x0];
	_ =	sdelay $0x2  }
0xb9: {  	s31 =	sshll.u32 s1, $0xD;
	s1 =	sshrl.u32 s1, $0x2  }
0xba: {  	s3 =	sand.u32 $0x4000, s31;
	s1 =	sadd.s32 s1, s30  }
0xbb: {  	s0 =	sor.u32 s3, s0;
	s1 =	sshll.u32 s1, $0x11  }
0xbc: {  	s0 =	sor.u32 s1, s0  }
0xbd: {  	s0 =	sadd.s32 $0x8F2B, s0  }
0xbe: {  	[sflag:s0] =	ssyncadd.remote.s32 $0x1  }
0xbf: {  	_ =	sfence.sel $0xFFFF  }
0xc0: {  	[dreg:$0x0] =	wrdreg $0xFFFFFFFF;
	(pc) =	sbr.abs _section_cstart, $3  }
0xc1: {  	[dreg:$0x1] =	wrdreg $0xFFFFFFFF  }
0xc2: {  	_ =	task.clear_ibuf [dreg:s7], $0x2FFFF;
	_ =	strace $0x9FFFFFFF  }
0xc3: {  	(tm) =	ssettm $0x7FFFFFFF  }
tec
execute0_lowered:
.L_overlay_start_1:
0x0: {  	(tag) =	ssettag $0x1  }
0x1: {  	s1 =	rddreg [dreg:$0x0]  }
0x2: {  	s0 =	rddreg [dreg:$0x1]  }
0x3: {  	s3 =	srdreg.scid;
	s2 =	rddreg [dreg:$0x2];
	s28 =	simm.s32 $0x8180  }
0x4: {  	s29 =	simm.s32 $0x5;
	s30 =	simm.s32 $0x8000;
	s31 =	simm.s32 $0x8080  }
0x5: {  	s9 =	sand.u32 $0x1, s3;
	s3 =	simm.s32 $0x0;
	s4 =	sadd.s32 $0x5F000, s0  }
0x6: {  	s6 =	sadd.s32 $0x5E800, s0;
	s7 =	sadd.s32 $0xB2800, s0;
	s8 =	sadd.s32 $0xDA000, s0  }
0x7: {  	s5 =	smul.u32 $0x2800, s9;
	[smem:$0x7FF] =	sst s3;
	s10 =	ssub.s32 $0x2, s9  }
0x8: {  	p0 =	seq.s32 s9, $0x1;
	_ =	strace $0x8000004D;
	s23 =	sshrl.u32 s10, $0x1  }
0x9: {  	[dreg:$0x4] =	wrdreg s7;
	s15 =	sadd.s32 s5, s0;
	s5 =	stileid.u32  }
0xa: {  	[dreg:$0x5] =	wrdreg s8;
	s0 =	ssub.s32 s10, s23;
	s16 =	sor.u32 $0x10, s5  }
0xb: {  	s9 =	smax.u32 s0, $0x1;
	s24 =	sshll.u32 s5, $0xE;
	s25 =	sor.u32 $0x20, s5  }
0xc: {  	s17 =	sor.u32 $0x30, s5;
	s18 =	sor.u32 $0x40, s5;
	s19 =	sshll.u32 s5, $0xB  }
0xd: {  	s23 =	sshll.u32 s5, $0x4;
	p1 =	seq.s32 s5, $0xF;
	s11 =	sshll.u32 s16, $0xE  }
0xe: {  	s10 =	sadd.s32 s24, s2;
	s12 =	sshll.u32 s25, $0xE;
	s13 =	sshll.u32 s17, $0xE  }
0xf: {  	s14 =	sshll.u32 s18, $0xE;
	s20 =	sadd.s32 s7, s19;
	s16 =	sshll.u32 s16, $0xB  }
0x10: {  	s0 =	sshll.u32 s25, $0xB;
	s17 =	sshll.u32 s17, $0xB;
	s22 =	sshll.u32 s18, $0xB  }
0x11: {  	s24 =	sadd.s32 s8, s19;
	s15 =	sadd.s32 s23, s15;
	s18 =	simm.s32 $0x2  }
0x12: {  	s19 =	simm.s32 $0x3;
	s11 =	sadd.s32 s11, s2;
	[dreg:$0x6] =	wrdreg s20  }
0x13: {  	s12 =	sadd.s32 s12, s2;
	s13 =	sadd.s32 s13, s2;
	[dreg:$0xa] =	wrdreg s22  }
0x14: {  	s14 =	sadd.s32 s14, s2;
	s26 =	sadd.s32 s7, s16;
	[dreg:$0xb] =	wrdreg s24  }
0x15: {  	s21 =	sadd.s32 s7, s0;
	s7 =	sadd.s32 s7, s17;
	[dreg:$0x7] =	wrdreg s26  }
0x16: {  	s25 =	sadd.s32 s8, s16;
	s0 =	sadd.s32 s8, s0;
	[dreg:$0x8] =	wrdreg s21  }
.Ltmp0:
0x17: {  	s24 =	sadd.s32 $0x59200, s15;
	[dreg:$0x9] =	wrdreg s7;
	(pc) =	sbr.rel .LBB2_1-.Ltmp0, $4  }
0x18: {  	s16 =	simm.s32 $0x4000;
	s20 =	simm.s32 $0x4;
	[dreg:$0xc] =	wrdreg s25  }
0x19: {  	[dreg:$0xd] =	wrdreg s0;
	s26 =	sadd.s32 s8, s17;
	s25 =	sadd.s32 $0x54200, s15  }
0x1a: {  	s0 =	simm.s32 $0x8100;
	s17 =	simm.s32 $0x1;
	s21 =	simm.s32 $0x0  }
0x1b: {  	[dreg:$0xe] =	wrdreg s26;
	s26 =	sadd.s32 $0xAD800, s15;
	s15 =	simm.s32 $0x80  }
.LBB2_6:
0x1c: {  	s5 =	rddreg [dreg:$0xa]  }
0x1d: {  	s7 =	sshrl.u32 s14, $0x3;
	s5 =	sadd.s32 s23, s5  }
0x1e: {  	[hbm:s5], [sflag:s22] =	dma.local [spmem:s7], $0x800  }
0x1f: {  	_ =	swait.ge [sflag:s29], $0x800  }
0x20: {  	[sflag:s29] =	ssyncset.done $0x0  }
0x21: {  	[sflag:s29] =	ssyncadd.s32 $0xFFFFF800  }
.LBB2_7:
0x22: {  	s21 =	sadd.s32 $0x1, s21  }
0x23: {  	p2 =	sne.s32 s21, s9  }
.Ltmp1:
0x24: {  	_ = 	snop;
	(pc) =	sbr.rel @!p2 .LBB2_8-.Ltmp1, $1  }
0x25: {  	_ =	sdelay $0x3  }
.LBB2_1:
0x26: {  	[tilespmem:s28], [sflag:$0x5] =	stream.linear.gather [hbm4b:s6+s3], $0x4000, $0x38;
	[tilespmem:$0x1FD80] =	vst v63  }
0x27: {  	_ =	swait.ge [sflag:s29], $0x4000  }
0x28: {  	[sflag:s29] =	ssyncset.done $0x0  }
0x29: {  	[sflag:s29] =	ssyncadd.s32 $0xFFFFC000  }
0x2a: {  	[spmem:s10] =	stream.linear.scatter [tilespmem:s28], [sflag:$0x5], $0x4000, $0x38;
	[tilespmem:$0x1FD80] =	vst v63  }
0x2b: {  	_ =	swait.ge [sflag:s29], $0x4000  }
0x2c: {  	[sflag:s29] =	ssyncset.done $0x0  }
0x2d: {  	[sflag:s29] =	ssyncadd.s32 $0xFFFFC000  }
0x2e: {  	[spmem:s11] =	stream.linear.scatter [tilespmem:s28], [sflag:$0x5], $0x4000, $0x38;
	[tilespmem:$0x1FD80] =	vst v63  }
0x2f: {  	_ =	swait.ge [sflag:s29], $0x4000  }
0x30: {  	[sflag:s29] =	ssyncset.done $0x0  }
0x31: {  	[sflag:s29] =	ssyncadd.s32 $0xFFFFC000  }
0x32: {  	[spmem:s12] =	stream.linear.scatter [tilespmem:s28], [sflag:$0x5], $0x4000, $0x38;
	[tilespmem:$0x1FD80] =	vst v63  }
0x33: {  	_ =	swait.ge [sflag:s29], $0x4000  }
0x34: {  	[sflag:s29] =	ssyncset.done $0x0  }
0x35: {  	[sflag:s29] =	ssyncadd.s32 $0xFFFFC000  }
0x36: {  	[spmem:s13] =	stream.linear.scatter [tilespmem:s28], [sflag:$0x5], $0x4000, $0x38;
	[tilespmem:$0x1FD80] =	vst v63  }
0x37: {  	_ =	swait.ge [sflag:s29], $0x4000  }
0x38: {  	[sflag:s29] =	ssyncset.done $0x0  }
0x39: {  	s22 =	simm.s32 @!p1 $0x8180;
	[sflag:s29] =	ssyncadd.s32 $0xFFFFC000  }
0x3a: {  	[spmem:s14] =	stream.linear.scatter @!p1 [tilespmem:s22], [sflag:$0x5], $0x4000, $0x38;
	[tilespmem:$0x1FD80] =	vst v63  }
0x3b: {  	s22 =	simm.s32 @!p1 $0x5  }
0x3c: {  	_ =	swait.ge @!p1 [sflag:s22], $0x4000  }
0x3d: {  	[sflag:s22] =	ssyncset.done @!p1 $0x0  }
0x3e: {  	[sflag:s22] =	ssyncadd.s32 @!p1 $0xFFFFC000  }
0x3f: {  	s7 =	sadd.s32 $0x0, s24;
	[bflag:$0x0] =	sbarrier.arrive $0xFFFF  }
0x40: {  	[tilespmem:s30], [sflag:$0x5] =	stream.linear.gather [hbm4b:s7+s3], $0x80, $0x38;
	[tilespmem:$0x1FD80] =	vst v63  }
0x41: {  	_ =	swait.ge [sflag:s29], $0x80  }
0x42: {  	[sflag:s29] =	ssyncset.done $0x0  }
0x43: {  	s8 =	sadd.s32 $0x0, s25;
	[sflag:s29] =	ssyncadd.s32 $0xFFFFFF80  }
0x44: {  	[tilespmem:s31], [sflag:$0x5] =	stream.linear.gather [hbm4b:s8+s3], $0x80, $0x38;
	[tilespmem:$0x1FD80] =	vst v63  }
0x45: {  	_ =	swait.ge [sflag:s29], $0x80  }
0x46: {  	[sflag:s29] =	ssyncset.done $0x0  }
0x47: {  	s23 =	sadd.s32 $0x0, s26;
	[sflag:s29] =	ssyncadd.s32 $0xFFFFFF80  }
0x48: {  	[tilespmem:s0], [sflag:$0x5] =	stream.linear.gather [hbm4b:s23+s3], $0x80, $0x38;
	[tilespmem:$0x1FD80] =	vst v63  }
0x49: {  	_ =	swait.ge [sflag:s29], $0x80  }
0x4a: {  	[sflag:s29] =	ssyncset.done $0x0  }
0x4b: {  	[sflag:s29] =	ssyncadd.s32 $0xFFFFFF80  }
0x4c: {  	[tilespmem:s3], [sflag:$0x1] =	stream.indirect.gather [hbm4b:s1+s15], $0x80, s30, s15, $0xb8;
	[tilespmem:$0x1FD80] =	vst v63  }
0x4d: {  	_ = 	snop  }
0x4e: {  	[tilespmem:s16], [sflag:$0x2] =	stream.indirect.gather [hbm4b:s4+s15], $0x80, s31, s15, $0xb8;
	[tilespmem:$0x1FD80] =	vst v63  }
0x4f: {  	_ =	swait.ge [sflag:s17], $0x4000  }
0x50: {  	[sflag:s17] =	ssyncset.done $0x0  }
0x51: {  	[sflag:s17] =	ssyncadd.s32 $0xFFFFC000  }
0x52: {  	_ =	swait.ge [sflag:s18], $0x4000  }
0x53: {  	[sflag:s18] =	ssyncset.done $0x0  }
0x54: {  	[sflag:s18] =	ssyncadd.s32 $0xFFFFC000  }
0x55: {  	[spmem:s2] =	stream.indirect.scatter.add.f32 [tilespmem:s3], [sflag:$0x3], $0x80, s0, s15, $0xb8;
	[tilespmem:$0x1FD80] =	vst v63  }
0x56: {  	_ = 	snop  }
0x57: {  	[spmem:s2] =	stream.indirect.scatter.add.f32 [tilespmem:s16], [sflag:$0x4], $0x80, s0, s15, $0xb8;
	[tilespmem:$0x1FD80] =	vst v63  }
0x58: {  	_ =	swait.ge [sflag:s19], $0x4000  }
0x59: {  	[sflag:s19] =	ssyncset.done $0x0  }
0x5a: {  	[sflag:s19] =	ssyncadd.s32 $0xFFFFC000  }
0x5b: {  	_ =	swait.ge [sflag:s20], $0x4000  }
0x5c: {  	s22 =	simm.s32 $0x100;
	s23 =	simm.s32 $0x200;
	[sflag:s20] =	ssyncset.done $0x0  }
.LBB2_2:
0x5d: {  	s5 =	sadd.s32 s22, s24  }
0x5e: {  	[sflag:s20] =	ssyncadd.s32 $0xFFFFC000;
	s7 =	smov.u32 s23;
	s8 =	sadd.s32 $0x100, s23  }
0x5f: {  	[tilespmem:s30], [sflag:$0x5] =	stream.linear.gather [hbm4b:s5+s3], $0x80, $0x38;
	[tilespmem:$0x1FD80] =	vst v63  }
0x60: {  	p2 =	sne.s32 s23, $0x2700;
	_ =	swait.ge [sflag:s29], $0x80  }
0x61: {  	[sflag:s29] =	ssyncset.done $0x0  }
0x62: {  	s5 =	sadd.s32 s22, s25;
	[sflag:s29] =	ssyncadd.s32 $0xFFFFFF80  }
0x63: {  	[tilespmem:s31], [sflag:$0x5] =	stream.linear.gather [hbm4b:s5+s3], $0x80, $0x38;
	[tilespmem:$0x1FD80] =	vst v63  }
0x64: {  	_ =	swait.ge [sflag:s29], $0x80  }
0x65: {  	[sflag:s29] =	ssyncset.done $0x0  }
0x66: {  	s5 =	sadd.s32 s22, s26;
	s22 =	smov.u32 s7;
	[sflag:s29] =	ssyncadd.s32 $0xFFFFFF80  }
0x67: {  	[tilespmem:s0], [sflag:$0x5] =	stream.linear.gather [hbm4b:s5+s3], $0x80, $0x38;
	[tilespmem:$0x1FD80] =	vst v63  }
0x68: {  	_ =	swait.ge [sflag:s29], $0x80  }
0x69: {  	[sflag:s29] =	ssyncset.done $0x0  }
0x6a: {  	[sflag:s29] =	ssyncadd.s32 $0xFFFFFF80  }
0x6b: {  	[tilespmem:s3], [sflag:$0x1] =	stream.indirect.gather [hbm4b:s1+s15], $0x80, s30, s15, $0xb8;
	[tilespmem:$0x1FD80] =	vst v63  }
0x6c: {  	_ = 	snop  }
0x6d: {  	[tilespmem:s16], [sflag:$0x2] =	stream.indirect.gather [hbm4b:s4+s15], $0x80, s31, s15, $0xb8;
	[tilespmem:$0x1FD80] =	vst v63  }
0x6e: {  	_ =	swait.ge [sflag:s17], $0x4000  }
0x6f: {  	[sflag:s17] =	ssyncset.done $0x0  }
0x70: {  	[sflag:s17] =	ssyncadd.s32 $0xFFFFC000  }
0x71: {  	_ =	swait.ge [sflag:s18], $0x4000  }
0x72: {  	[sflag:s18] =	ssyncset.done $0x0  }
0x73: {  	[sflag:s18] =	ssyncadd.s32 $0xFFFFC000  }
0x74: {  	[spmem:s2] =	stream.indirect.scatter.add.f32 [tilespmem:s3], [sflag:$0x3], $0x80, s0, s15, $0xb8;
	[tilespmem:$0x1FD80] =	vst v63  }
0x75: {  	_ = 	snop  }
0x76: {  	[spmem:s2] =	stream.indirect.scatter.add.f32 [tilespmem:s16], [sflag:$0x4], $0x80, s0, s15, $0xb8;
	[tilespmem:$0x1FD80] =	vst v63  }
.Ltmp2:
0x77: {  	_ =	swait.ge [sflag:s19], $0x4000;
	(pc) =	sbr.rel @p2 .LBB2_2-.Ltmp2, $4  }
0x78: {  	[sflag:s19] =	ssyncset.done $0x0  }
0x79: {  	[sflag:s19] =	ssyncadd.s32 $0xFFFFC000  }
0x7a: {  	_ =	swait.ge [sflag:s20], $0x4000  }
0x7b: {  	s23 =	smov.u32 s8;
	[sflag:s20] =	ssyncset.done $0x0  }
0x7c: {  	s5 =	sadd.s32 s22, s24;
	[sflag:s20] =	ssyncadd.s32 $0xFFFFC000  }
0x7d: {  	[tilespmem:s30], [sflag:$0x5] =	stream.linear.gather [hbm4b:s5+s3], $0x80, $0x38;
	[tilespmem:$0x1FD80] =	vst v63  }
0x7e: {  	_ =	swait.ge [sflag:s29], $0x80  }
0x7f: {  	[sflag:s29] =	ssyncset.done $0x0  }
0x80: {  	s8 =	sadd.s32 s22, s25;
	[sflag:s29] =	ssyncadd.s32 $0xFFFFFF80  }
0x81: {  	[tilespmem:s31], [sflag:$0x5] =	stream.linear.gather [hbm4b:s8+s3], $0x80, $0x38;
	[tilespmem:$0x1FD80] =	vst v63  }
0x82: {  	_ =	swait.ge [sflag:s29], $0x80  }
0x83: {  	[sflag:s29] =	ssyncset.done $0x0  }
0x84: {  	s22 =	sadd.s32 s22, s26;
	[sflag:s29] =	ssyncadd.s32 $0xFFFFFF80  }
0x85: {  	[tilespmem:s0], [sflag:$0x5] =	stream.linear.gather [hbm4b:s22+s3], $0x80, $0x38;
	[tilespmem:$0x1FD80] =	vst v63  }
0x86: {  	_ =	swait.ge [sflag:s29], $0x80  }
0x87: {  	[sflag:s29] =	ssyncset.done $0x0  }
0x88: {  	[sflag:s29] =	ssyncadd.s32 $0xFFFFFF80  }
0x89: {  	[tilespmem:s3], [sflag:$0x1] =	stream.indirect.gather [hbm4b:s1+s15], $0x80, s30, s15, $0xb8;
	[tilespmem:$0x1FD80] =	vst v63  }
0x8a: {  	_ = 	snop  }
0x8b: {  	[tilespmem:s16], [sflag:$0x2] =	stream.indirect.gather [hbm4b:s4+s15], $0x80, s31, s15, $0xb8;
	[tilespmem:$0x1FD80] =	vst v63  }
0x8c: {  	_ =	swait.ge [sflag:s17], $0x4000  }
0x8d: {  	[sflag:s17] =	ssyncset.done $0x0  }
0x8e: {  	[sflag:s17] =	ssyncadd.s32 $0xFFFFC000  }
0x8f: {  	_ =	swait.ge [sflag:s18], $0x4000  }
0x90: {  	[sflag:s18] =	ssyncset.done $0x0  }
0x91: {  	[sflag:s18] =	ssyncadd.s32 $0xFFFFC000  }
0x92: {  	[spmem:s2] =	stream.indirect.scatter.add.f32 [tilespmem:s3], [sflag:$0x3], $0x80, s0, s15, $0xb8;
	[tilespmem:$0x1FD80] =	vst v63  }
0x93: {  	_ = 	snop  }
0x94: {  	[spmem:s2] =	stream.indirect.scatter.add.f32 [tilespmem:s16], [sflag:$0x4], $0x80, s0, s15, $0xb8;
	[tilespmem:$0x1FD80] =	vst v63  }
0x95: {  	_ =	swait.ge [sflag:s19], $0x4000  }
0x96: {  	[sflag:s19] =	ssyncset.done $0x0  }
0x97: {  	[sflag:s19] =	ssyncadd.s32 $0xFFFFC000  }
.Ltmp3:
0x98: {  	_ =	swait.ge [sflag:s20], $0x4000;
	(pc) =	sbr.rel @!p0 .LBB2_4-.Ltmp3, $4  }
0x99: {  	[sflag:s20] =	ssyncset.done $0x0  }
0x9a: {  	s23 =	stileid.u32;
	[sflag:s20] =	ssyncadd.s32 $0xFFFFC000  }
0x9b: {  	s5 =	sshll.u32 s23, $0x6;
	[bflag:$0x0] =	sbarrier.arrive $0xFFFF  }
0x9c: {  	s23 =	sshrl.u32 s10, $0x3;
	s22 =	sor.u32 $0x1C05, s5  }
0x9d: {  	s5 =	rddreg [dreg:$0xb]  }
0x9e: {  	[hbm:s5], [sflag:s22] =	dma.local [spmem:s23], $0x800  }
0x9f: {  	_ =	swait.ge [sflag:s29], $0x800  }
0xa0: {  	[sflag:s29] =	ssyncset.done $0x0  }
0xa1: {  	s23 =	sshrl.u32 s11, $0x3;
	s7 =	rddreg [dreg:$0xc];
	[sflag:s29] =	ssyncadd.s32 $0xFFFFF800  }
0xa2: {  	[hbm:s7], [sflag:s22] =	dma.local [spmem:s23], $0x800  }
0xa3: {  	_ =	swait.ge [sflag:s29], $0x800  }
0xa4: {  	[sflag:s29] =	ssyncset.done $0x0  }
0xa5: {  	s8 =	sshrl.u32 s12, $0x3;
	s23 =	rddreg [dreg:$0xd];
	[sflag:s29] =	ssyncadd.s32 $0xFFFFF800  }
0xa6: {  	[hbm:s23], [sflag:s22] =	dma.local [spmem:s8], $0x800  }
0xa7: {  	_ =	swait.ge [sflag:s29], $0x800  }
0xa8: {  	[sflag:s29] =	ssyncset.done $0x0  }
0xa9: {  	s8 =	sshrl.u32 s13, $0x3;
	s23 =	rddreg [dreg:$0xe];
	[sflag:s29] =	ssyncadd.s32 $0xFFFFF800  }
0xaa: {  	[hbm:s23], [sflag:s22] =	dma.local [spmem:s8], $0x800  }
.Ltmp4:
0xab: {  	_ = 	snop;
	(pc) =	sbr.rel @p1 .LBB2_7-.Ltmp4, $4  }
.Ltmp5:
0xac: {  	_ = 	snop;
	(pc) =	sbr.rel @!p1 .LBB2_6-.Ltmp5, $4  }
0xad: {  	_ =	swait.ge [sflag:s29], $0x800  }
0xae: {  	[sflag:s29] =	ssyncset.done $0x0  }
0xaf: {  	s23 =	rddreg [dreg:$0x5];
	[sflag:s29] =	ssyncadd.s32 $0xFFFFF800  }
0xb0: {  	_ = 	snop  }
.LBB2_4:
0xb1: {  	s5 =	rddreg [dreg:$0x6]  }
0xb2: {  	[hbm:s5], [sflag:s22] =	dma.local [spmem:s23], $0x800  }
0xb3: {  	_ =	swait.ge [sflag:s29], $0x800  }
0xb4: {  	[sflag:s29] =	ssyncset.done $0x0  }
0xb5: {  	s23 =	sshrl.u32 s11, $0x3;
	s7 =	rddreg [dreg:$0x7];
	[sflag:s29] =	ssyncadd.s32 $0xFFFFF800  }
0xb6: {  	[hbm:s7], [sflag:s22] =	dma.local [spmem:s23], $0x800  }
0xb7: {  	_ =	swait.ge [sflag:s29], $0x800  }
0xb8: {  	[sflag:s29] =	ssyncset.done $0x0  }
0xb9: {  	s8 =	sshrl.u32 s12, $0x3;
	s23 =	rddreg [dreg:$0x8];
	[sflag:s29] =	ssyncadd.s32 $0xFFFFF800  }
0xba: {  	[hbm:s23], [sflag:s22] =	dma.local [spmem:s8], $0x800  }
0xbb: {  	_ =	swait.ge [sflag:s29], $0x800  }
0xbc: {  	[sflag:s29] =	ssyncset.done $0x0  }
0xbd: {  	s8 =	sshrl.u32 s13, $0x3;
	s23 =	rddreg [dreg:$0x9];
	[sflag:s29] =	ssyncadd.s32 $0xFFFFF800  }
0xbe: {  	[hbm:s23], [sflag:s22] =	dma.local [spmem:s8], $0x800  }
.Ltmp6:
0xbf: {  	_ = 	snop;
	(pc) =	sbr.rel @p1 .LBB2_7-.Ltmp6, $4  }
.Ltmp7:
0xc0: {  	_ = 	snop;
	(pc) =	sbr.rel @!p1 .LBB2_6-.Ltmp7, $4  }
0xc1: {  	_ =	swait.ge [sflag:s29], $0x800  }
0xc2: {  	[sflag:s29] =	ssyncset.done $0x0  }
0xc3: {  	s23 =	rddreg [dreg:$0x4];
	[sflag:s29] =	ssyncadd.s32 $0xFFFFF800  }
0xc4: {  	_ = 	snop  }
.LBB2_8:
0xc5: {  	_ =	sfence.sel $0x180000  }
0xc6: {  	[bflag:$0x0] =	sbarrier.arrive $0xFFFF  }
0xc7: {  	_ =	strace $0x9000004D  }
0xc8: {  	s0 =	stileid.u32;
	[bflag:$0x2] =	sbarrier.arrive $0xFFFF  }
0xc9: {  	p0 =	sne.s32 s0, $0x0;
	s0 =	rddreg [dreg:$0x3]  }
0xca: {  	s0 =	sadd.s32 @!p0 $0x100000, s0  }
0xcb: {  	[sflag:s0] =	ssyncadd.tile.s32 @!p0 $0x1;
	_ =	shalt  }
.Lfunc_end2:
_tile_overlayer_lowered:
.L_overlay_start_2:
0xcc: {  	(tag) =	ssettag $0x2  }
0xcd: {  	s0 =	rddreg [dreg:$0x0];
	s2 =	stileid.u32  }
0xce: {  	s1 =	rddreg [dreg:$0x1];
	p0 =	sne.s32 s2, $0x0  }
0xcf: {  	s3 =	rddreg [dreg:$0x2];
	[bflag:$0x3] =	sbarrier.arrive $0xFFFF;
	s2 =	simm.s32 @!p0 $0x1C05  }
0xd0: {  	[timem:s3], [sflag:s2] =	dma.local @!p0 [hbm:s0], s1  }
0xd1: {  	s0 =	simm.s32 @!p0 $0x5  }
0xd2: {  	_ =	swait.ge @!p0 [sflag:s0], s1  }
0xd3: {  	s1 =	ssub.s32 @!p0 $0x0, s1;
	[sflag:s0] =	ssyncset.done @!p0 $0x0  }
0xd4: {  	[sflag:s0] =	ssyncadd.s32 @!p0 s1  }
0xd5: {  	[bflag:$0x3] =	sbarrier.arrive $0xFFFF  }
0xd6: {  	_ =	shalt  }

// kernel: at11_phase_d.3.cloned.1.call-start
scs
__scs_entry_jumppad:
0x0: {  	(pc) =	sbr.rel $0x88, $3  }
0x1: {  	(tag) =	ssettag $0x0;
	lr =	simm.s32 $0x1  }
0x2: {  	[smem:$0x3F96] =	sst lr;
	_ =	strace $0xD0000000  }
0x3: {  	_ = 	snop  }
0x4: {  	_ = 	snop  }
0x5: {  	_ = 	snop  }
0x6: {  	_ = 	snop  }
0x7: {  	_ = 	snop  }
__scs_overlays_trampoline_lowered:
0x8: {  	[smem:$0x3FA5] =	sst s0  }
0x9: {  	[smem:$0x3FA6] =	sst s1  }
0xa: {  	[smem:$0x3FA7] =	sst s2  }
0xb: {  	[smem:$0x3FA8] =	sst s3  }
0xc: {  	[smem:$0x3FA9] =	sst s4  }
0xd: {  	[smem:$0x3FAA] =	sst s5  }
0xe: {  	[smem:$0x3FAB] =	sst s6  }
0xf: {  	[smem:$0x3FAC] =	sst s7  }
0x10: {  	[smem:$0x3FAD] =	sst s8  }
0x11: {  	[smem:$0x3FAE] =	sst s9;
	s0 =	simm.s32 @!p0 $0x0  }
0x12: {  	s1 =	sld [smem:$0x3F94];
	s0 =	simm.s32 @p0 $0x1  }
0x13: {  	[smem:$0x3FAF] =	sst s0;
	s0 =	simm.s32 @!p1 $0x0  }
0x14: {  	s2 =	sld [smem:$0x3F93];
	s0 =	simm.s32 @p1 $0x1  }
0x15: {  	[smem:$0x3FB0] =	sst s0;
	s0 =	simm.s32 @!p2 $0x0  }
0x16: {  	s3 =	sld [smem:$0x3FDB];
	s0 =	simm.s32 @p2 $0x1  }
0x17: {  	s4 =	simm.s32 $0x1BF5;
	[smem:$0x3FB2] =	sst s0  }
0x18: {  	s0 =	sld [smem:$0x3F95];
	_ =	swait.ge [sflag:s4], $0x0  }
0x19: {  	s7 =	sld [smem:$0x3F96]  }
0x1a: {  	s8 =	sadd.s32 $0xFFFFE003, lr  }
0x1b: {  	s9 =	sadd.s32 $0xFFFFFEF7, lr;
	s5 =	simm.s32 $0xFFFFFFFF;
	p2 =	slt.u32 s8, $0xFFFFF086  }
0x1c: {  	p1 =	slt.u32 s9, $0xF7A;
	s5 =	simm.s32 @!p2 $0x0  }
0x1d: {  	s5 =	simm.s32 @p1 $0x1;
	p0 =	seq.s32 s7, s2  }
0x1e: {  	s7 =	smul.u32 @!p0 $0xF7A, s2;
	p2 =	seq.s32 @!p0 s5, $0x0  }
0x1f: {  	s9 =	smul.u32 $0xF7A, s1;
	s8 =	simm.s32 @!p0 $0x1BF5;
	p2 =	por !p2, p0  }
0x20: {  	[sflag:s8] =	ssyncset.s32 @!p0 $0xFFFFF086;
	s6 =	sadd.s32 @!p0 s3, s7;
	s7 =	simm.s32 @!p0 $0x108  }
0x21: {  	s3 =	sadd.s32 s3, s9;
	s6 =	sadd.s32 @!p0 $0x88, s6;
	s7 =	simm.s32 @p2 $0x1082  }
0x22: {  	[simem:s7], [sflag:s8] =	dma.local @!p0 [hbm:s6], $0xF7A  }
0x23: {  	s9 =	sor.u32 $0xD0000000, s2;
	s6 =	simm.s32 $0x108;
	_ =	swait.ge @!p0 [sflag:s8], $0x0  }
0x24: {  	s3 =	sadd.s32 $0x88, s3;
	s6 =	simm.s32 @!p1 $0x1082;
	[sflag:s4] =	ssyncset.s32 $0xFFFFF086  }
0x25: {  	[simem:s6], [sflag:s4] =	dma.local [hbm:s3], $0xF7A  }
0x26: {  	[smem:$0x3F96] =	sst s1;
	(tag) =	ssettag s2;
	_ =	strace s9  }
0x27: {  	s1 =	sld [smem:$0x3FA6]  }
0x28: {  	s2 =	sld [smem:$0x3FA7]  }
0x29: {  	s4 =	sld [smem:$0x3FA9]  }
0x2a: {  	p0 =	seq.s32 s5, $0x0;
	s5 =	sld [smem:$0x3FAA]  }
0x2b: {  	s6 =	sld [smem:$0x3FAB]  }
0x2c: {  	s7 =	sld [smem:$0x3FAC]  }
0x2d: {  	s3 =	simm.s32 $0x108;
	s8 =	sld [smem:$0x3FAD]  }
0x2e: {  	s3 =	simm.s32 @!p0 $0x1082;
	s9 =	sld [smem:$0x3FAE]  }
0x2f: {  	lr =	sadd.s32 s0, s3;
	s0 =	sld [smem:$0x3FA5]  }
0x30: {  	s3 =	sld [smem:$0x3FA8]  }
0x31: {  	[smem:$0x3FB1] =	sst s10  }
0x32: {  	s10 =	sld [smem:$0x3FAF];
	_ =	sdelay $0x3  }
0x33: {  	p0 =	seq.s32 s10, $0x1;
	s10 =	sld [smem:$0x3FB1];
	_ =	sdelay $0x3  }
0x34: {  	[smem:$0x3FB1] =	sst s10  }
0x35: {  	s10 =	sld [smem:$0x3FB0];
	_ =	sdelay $0x3  }
0x36: {  	p1 =	seq.s32 s10, $0x1;
	s10 =	sld [smem:$0x3FB1];
	_ =	sdelay $0x3  }
0x37: {  	[smem:$0x3FB1] =	sst s10  }
0x38: {  	s10 =	sld [smem:$0x3FB2]  }
0x39: {  	_ = 	snop;
	(pc) =	sbr.ind lr, $3  }
0x3a: {  	_ = 	snop  }
0x3b: {  	_ = 	snop  }
0x3c: {  	p2 =	seq.s32 s10, $0x1;
	s10 =	sld [smem:$0x3FB1]  }
0x3d: {  	_ =	shalt  }
0x3e: {  	_ =	shalt  }
0x3f: {  	_ =	shalt  }
0x40: {  	_ =	shalt  }
0x41: {  	_ =	shalt  }
0x42: {  	_ =	shalt  }
0x43: {  	_ =	shalt  }
0x44: {  	_ =	shalt  }
0x45: {  	_ =	shalt  }
0x46: {  	_ =	shalt  }
0x47: {  	_ =	shalt  }
0x48: {  	_ =	shalt  }
0x49: {  	_ =	shalt  }
0x4a: {  	_ =	shalt  }
0x4b: {  	_ =	shalt  }
0x4c: {  	_ =	shalt  }
0x4d: {  	_ =	shalt  }
0x4e: {  	_ =	shalt  }
0x4f: {  	_ =	shalt  }
0x50: {  	_ =	shalt  }
0x51: {  	_ =	shalt  }
0x52: {  	_ =	shalt  }
0x53: {  	_ =	shalt  }
0x54: {  	_ =	shalt  }
0x55: {  	_ =	shalt  }
0x56: {  	_ =	shalt  }
0x57: {  	_ =	shalt  }
0x58: {  	_ =	shalt  }
0x59: {  	_ =	shalt  }
0x5a: {  	_ =	shalt  }
0x5b: {  	_ =	shalt  }
0x5c: {  	_ =	shalt  }
0x5d: {  	_ =	shalt  }
0x5e: {  	_ =	shalt  }
0x5f: {  	_ =	shalt  }
0x60: {  	_ =	shalt  }
0x61: {  	_ =	shalt  }
0x62: {  	_ =	shalt  }
0x63: {  	_ =	shalt  }
0x64: {  	_ =	shalt  }
0x65: {  	_ =	shalt  }
0x66: {  	_ =	shalt  }
0x67: {  	_ =	shalt  }
0x68: {  	_ =	shalt  }
0x69: {  	_ =	shalt  }
0x6a: {  	_ =	shalt  }
0x6b: {  	_ =	shalt  }
0x6c: {  	_ =	shalt  }
0x6d: {  	_ =	shalt  }
0x6e: {  	_ =	shalt  }
0x6f: {  	_ =	shalt  }
0x70: {  	_ =	shalt  }
0x71: {  	_ =	shalt  }
0x72: {  	_ =	shalt  }
0x73: {  	_ =	shalt  }
0x74: {  	_ =	shalt  }
0x75: {  	_ =	shalt  }
0x76: {  	_ =	shalt  }
0x77: {  	_ =	shalt  }
0x78: {  	_ =	shalt  }
0x79: {  	_ =	shalt  }
0x7a: {  	_ =	shalt  }
0x7b: {  	_ =	shalt  }
0x7c: {  	_ =	shalt  }
0x7d: {  	_ =	shalt  }
0x7e: {  	_ =	shalt  }
0x7f: {  	_ =	shalt  }
0x80: {  	_ =	shalt  }
0x81: {  	_ =	shalt  }
0x82: {  	_ =	shalt  }
0x83: {  	_ =	shalt  }
0x84: {  	_ =	shalt  }
0x85: {  	_ =	shalt  }
0x86: {  	_ =	shalt  }
0x87: {  	_ =	shalt  }
.Lfunc_end0:
.L_simem_size_0:
called_computation.3_lowered:
.L_overlay_start_0:
0x88: {  	s2 =	sld [smem:$0x3FD9]  }
0x89: {  	s3 =	sld [smem:$0x3FFE];
	_ =	sdelay $0x1  }
0x8a: {  	s1 =	srdreg.scid  }
0x8b: {  	s0 =	sand.u32 $0x1, s1  }
0x8c: {  	s17 =	sshll.u32 s0, $0xA;
	s2 =	sadd.s32 s3, s2  }
0x8d: {  	s2 =	sadd.s32 s2, s17  }
0x8e: {  	[smem:$0x3FBD] =	sst s2  }
0x8f: {  	_ = 	snop  }
0x90: {  	s2 =	sld [smem:$0x3FC8]  }
0x91: {  	s18 =	sld [smem:$0x3FD0];
	(tm) =	ssettm $0x1  }
0x92: {  	s4 =	sld [smem:$0x3FFB];
	_ =	sdelay $0x3  }
0x93: {  	_ =	strace s4  }
0x94: {  	s4 =	sld [smem:$0x3FFC];
	_ =	sdelay $0x3  }
0x95: {  	_ =	strace s4  }
0x96: {  	s4 =	sld [smem:$0x3FFD];
	_ =	sdelay $0x3  }
0x97: {  	_ =	strace s4  }
0x98: {  	_ =	strace $0x8FFFFFFF  }
0x99: {  	s19 =	sld [smem:$0x3FDB];
	_ =	sdelay $0x1  }
0x9a: {  	s5 =	simm.s32 $_scs_section_size  }
0x9b: {  	s6 =	simm.s32 $_size__tile_overlayer_lowered;
	s7 =	simm.s32 $_tile_overlayer_lowered  }
0x9c: {  	s22 =	simm.s32 $0x1BFF;
	s21 =	sshll.u32 s7, $0x1;
	s4 =	sadd.s32 s5, s19  }
0x9d: {  	s8 =	simm.s32 $0x0;
	s20 =	sshll.u32 s6, $0x1;
	s6 =	sadd.s32 s21, s4  }
0x9e: {  	[timem:s8], [sflag:s22] =	dma.local [hbm:s6], s20  }
0x9f: {  	_ =	swait.ge [sflag:s22], s20  }
0xa0: {  	s5 =	ssub.s32 $0x0, s20;
	[sflag:s22] =	ssyncset.done $0x0  }
0xa1: {  	[sflag:s22] =	ssyncadd.s32 s5;
	_ =	sdelay $0x1  }
0xa2: {  	s23 =	simm.s32 $0x1B8B  }
0xa3: {  	_ =	swait.ge [sflag:s23], $0x1  }
0xa4: {  	[sflag:s23] =	ssyncset.done $0x0  }
0xa5: {  	s25 =	simm.s32 $0x1B8E;
	s24 =	sld [smem:$0x3FFE];
	[sflag:s23] =	ssyncadd.s32 $0xFFFFFFFF  }
0xa6: {  	s26 =	simm.s32 $execute0_lowered;
	[smem:$0x3FD2] =	sst s25  }
0xa7: {  	s6 =	sshll.u32 s26, $0x1;
	_ =	strace $0x8000004F;
	[dreg:$0x1] =	wrdreg $0xFFFFFFFF  }
0xa8: {  	s28 =	simm.s32 $_size_execute0_lowered;
	s4 =	sadd.s32 s4, s6;
	[dreg:$0x0] =	wrdreg $0x0  }
0xa9: {  	s6 =	sshll.u32 s28, $0x1;
	[dreg:$0x2] =	wrdreg s4  }
0xaa: {  	[dreg:$0x3] =	wrdreg s6  }
0xab: {  	[dreg:$0x4] =	wrdreg $0xC0  }
0xac: {  	_ =	task [dreg:s8], $0x5FFFF  }
0xad: {  	[dreg:$0x1] =	wrdreg $0xFFFFFFFF  }
0xae: {  	[dreg:$0x0] =	wrdreg $0x60  }
0xaf: {  	[dreg:$0x2] =	wrdreg s24  }
0xb0: {  	[dreg:$0x3] =	wrdreg s2  }
0xb1: {  	[dreg:$0x4] =	wrdreg s18  }
0xb2: {  	[dreg:$0x5] =	wrdreg $0x9  }
0xb3: {  	_ =	task.clear_ibuf [dreg:s8], $0x6FFFF;
	_ =	strace $0x9000004F  }
0xb4: {  	s29 =	simm.s32 $0x9;
	_ =	strace $0x80000051  }
0xb5: {  	_ =	swait.ge [sflag:s29], $0x1  }
0xb6: {  	[sflag:s29] =	ssyncadd.s32 $0xFFFFFFFF  }
0xb7: {  	_ =	strace $0x90000051  }
0xb8: {  	_ =	sfence  }
0xb9: {  	s30 =	sld [smem:$0x0];
	_ =	sdelay $0x2  }
0xba: {  	s31 =	sshll.u32 s1, $0xD;
	s1 =	sshrl.u32 s1, $0x2  }
0xbb: {  	s3 =	sand.u32 $0x4000, s31;
	s1 =	sadd.s32 s1, s30  }
0xbc: {  	s0 =	sor.u32 s3, s0;
	s1 =	sshll.u32 s1, $0x11  }
0xbd: {  	s0 =	sor.u32 s1, s0  }
0xbe: {  	s0 =	sadd.s32 $0x8F2B, s0  }
0xbf: {  	[sflag:s0] =	ssyncadd.remote.s32 $0x1  }
0xc0: {  	_ =	sfence.sel $0xFFFF  }
0xc1: {  	[dreg:$0x0] =	wrdreg $0xFFFFFFFF;
	(pc) =	sbr.abs _section_cstart, $3  }
0xc2: {  	[dreg:$0x1] =	wrdreg $0xFFFFFFFF  }
0xc3: {  	_ =	task.clear_ibuf [dreg:s8], $0x2FFFF;
	_ =	strace $0x9FFFFFFF  }
0xc4: {  	(tm) =	ssettm $0x7FFFFFFF  }
0xc5: {  	_ =	shalt  }
tec
execute0_lowered:
.L_overlay_start_1:
0x0: {  	(tag) =	ssettag $0x1  }
0x1: {  	s0 =	rddreg [dreg:$0x0]  }
0x2: {  	s1 =	rddreg [dreg:$0x1]  }
0x3: {  	s2 =	rddreg [dreg:$0x2];
	s3 =	simm.s32 $0x0;
	s6 =	srdreg.scid  }
0x4: {  	s8 =	stileid.u32;
	s13 =	simm.s32 $0x5;
	s14 =	simm.s32 $0x50  }
0x5: {  	s15 =	simm.s32 $0x80;
	s16 =	simm.s32 $0x2880;
	s17 =	simm.s32 $0x5080  }
0x6: {  	s18 =	simm.s32 $0x7880;
	s19 =	simm.s32 $0xA080;
	s20 =	simm.s32 $0xC880  }
0x7: {  	s21 =	simm.s32 $0x1;
	s22 =	simm.s32 $0x2;
	s23 =	simm.s32 $0x3  }
0x8: {  	s24 =	simm.s32 $0xF080;
	s25 =	simm.s32 $0x4;
	s26 =	simm.s32 $0x0  }
.Ltmp0:
0x9: {  	[smem:$0x7FF] =	sst s3;
	s11 =	sand.u32 $0x1, s6;
	(pc) =	sbr.rel .LBB2_1-.Ltmp0, $4  }
0xa: {  	s4 =	sadd.s32 $0x2D000, s0;
	s5 =	sadd.s32 $0xB2800, s0;
	s12 =	ssub.s32 $0x2, s11  }
0xb: {  	s6 =	sadd.s32 $0xDA000, s0;
	s7 =	sadd.s32 $0x14E00, s0;
	s31 =	sshrl.u32 s12, $0x1  }
0xc: {  	s9 =	sadd.s32 $0x1D400, s0;
	s10 =	sadd.s32 $0x25200, s0;
	s0 =	ssub.s32 s12, s31  }
0xd: {  	_ =	strace $0x80000050;
	s11 =	sshll.u32 s11, $0x4;
	s12 =	smax.u32 s0, $0x1  }
.LBB2_7:
0xe: {  	s26 =	sadd.s32 $0x1, s26  }
0xf: {  	p0 =	sne.s32 s26, s12  }
.Ltmp1:
0x10: {  	_ = 	snop;
	(pc) =	sbr.rel @!p0 .LBB2_8-.Ltmp1, $1  }
0x11: {  	_ =	sdelay $0x3  }
.LBB2_1:
.Ltmp2:
0x12: {  	(pc) =	sbr.rel .LBB2_2-.Ltmp2, $2  }
0x13: {  	_ =	sdelay $0x2  }
0x14: {  	s28 =	simm.s32 $0x0  }
.LBB2_6:
0x15: {  	s28 =	sadd.s32 $0x1, s28  }
0x16: {  	p0 =	sne.s32 s28, $0x4  }
.Ltmp3:
0x17: {  	_ = 	snop;
	(pc) =	sbr.rel @!p0 .LBB2_7-.Ltmp3, $1  }
0x18: {  	_ =	sdelay $0x3  }
.LBB2_2:
0x19: {  	s0 =	sshll.u32 s28, $0x5  }
0x1a: {  	s0 =	sor.u32 s0, s11  }
0x1b: {  	s0 =	sor.u32 s8, s0  }
0x1c: {  	p0 =	sgt.u32 s0, $0x7C  }
.Ltmp4:
0x1d: {  	_ = 	snop;
	(pc) =	sbr.rel @p0 .LBB2_6-.Ltmp4, $1  }
0x1e: {  	_ =	sdelay $0x3  }
0x1f: {  	s29 =	smul.u32 $0xA, s0;
	_ =	sdelay $0x1  }
0x20: {  	s30 =	simm.s32 $0x0;
	s29 =	sadd.s32 s1, s29  }
0x21: {  	[tilespmem:s30], [sflag:$0x5] =	stream.linear.gather [hbm4b:s29+s30], $0x50, $0x38;
	[tilespmem:$0x11880] =	vst v63  }
0x22: {  	_ =	swait.ge [sflag:s13], $0x50  }
0x23: {  	[sflag:s13] =	ssyncset.done $0x0  }
0x24: {  	[sflag:s13] =	ssyncadd.s32 $0xFFFFFFB0  }
0x25: {  	[tilespmem:s15], [sflag:$0x1] =	stream.indirect.gather [hbm4b:s7+s14], $0x80, s30, s14, $0xb8;
	[tilespmem:$0x11880] =	vst v63  }
0x26: {  	_ = 	snop  }
0x27: {  	[tilespmem:s16], [sflag:$0x2] =	stream.indirect.gather [hbm4b:s9+s14], $0x80, s30, s14, $0xb8;
	[tilespmem:$0x11880] =	vst v63  }
0x28: {  	s29 =	smul.u32 $0x500, s0  }
0x29: {  	[tilespmem:s17], [sflag:$0x3] =	stream.indirect.gather [hbm4b:s10+s14], $0x80, s30, s14, $0xb8;
	[tilespmem:$0x11880] =	vst v63  }
0x2a: {  	s0 =	sadd.s32 s4, s29  }
0x2b: {  	[tilespmem:s18], [sflag:$0x5] =	stream.linear.gather [hbm4b:s0+s30], $0x2800, $0x38;
	[tilespmem:$0x11880] =	vst v63  }
0x2c: {  	_ =	swait.ge [sflag:s13], $0x2800  }
0x2d: {  	[sflag:s13] =	ssyncset.done $0x0  }
0x2e: {  	s0 =	sadd.s32 s5, s29;
	[sflag:s13] =	ssyncadd.s32 $0xFFFFD800  }
0x2f: {  	[tilespmem:s19], [sflag:$0x5] =	stream.linear.gather [hbm4b:s0+s30], $0x2800, $0x38;
	[tilespmem:$0x11880] =	vst v63  }
0x30: {  	_ =	swait.ge [sflag:s13], $0x2800  }
0x31: {  	[sflag:s13] =	ssyncset.done $0x0  }
0x32: {  	s0 =	sadd.s32 s6, s29;
	[sflag:s13] =	ssyncadd.s32 $0xFFFFD800  }
0x33: {  	[tilespmem:s20], [sflag:$0x5] =	stream.linear.gather [hbm4b:s0+s30], $0x2800, $0x38;
	[tilespmem:$0x11880] =	vst v63  }
0x34: {  	_ =	swait.ge [sflag:s13], $0x2800  }
0x35: {  	[sflag:s13] =	ssyncset.done $0x0  }
0x36: {  	[sflag:s13] =	ssyncadd.s32 $0xFFFFD800  }
0x37: {  	_ =	swait.ge [sflag:s21], $0x2800  }
0x38: {  	[sflag:s21] =	ssyncset.done $0x0  }
0x39: {  	[sflag:s21] =	ssyncadd.s32 $0xFFFFD800  }
0x3a: {  	_ =	swait.ge [sflag:s22], $0x2800  }
0x3b: {  	[sflag:s22] =	ssyncset.done $0x0  }
0x3c: {  	[sflag:s22] =	ssyncadd.s32 $0xFFFFD800  }
0x3d: {  	_ =	swait.ge [sflag:s23], $0x2800  }
0x3e: {  	[sflag:s23] =	ssyncset.done $0x0  }
0x3f: {  	s30 =	simm.s32 $0x0;
	[sflag:s23] =	ssyncadd.s32 $0xFFFFD800  }
0x40: {  	v0 =	vld [tilespmem:s30+$0x78F0]  }
0x41: {  	v1 =	vld [tilespmem:s30+$0xA0F0]  }
0x42: {  	v2 =	vld [tilespmem:s30+$0xC8F0]  }
0x43: {  	v3 =	vld [tilespmem:s30+$0xF0]  }
0x44: {  	v4 =	vld [tilespmem:s30+$0x28F0]  }
0x45: {  	v5 =	vld [tilespmem:s30+$0x50F0]  }
0x46: {  	v6 =	vld [tilespmem:s30+$0x7880]  }
0x47: {  	v7 =	vld [tilespmem:s30+$0xA080]  }
0x48: {  	v8 =	vld [tilespmem:s30+$0xC880]  }
0x49: {  	v9 =	vld [tilespmem:s30+$0x78A0]  }
0x4a: {  	v10 =	vld [tilespmem:s30+$0xC8A0]  }
0x4b: {  	v11 =	vld [tilespmem:s30+$0xA0]  }
0x4c: {  	v12 =	vld [tilespmem:s30+$0x78B0]  }
0x4d: {  	v13 =	vld [tilespmem:s30+$0xA0B0]  }
0x4e: {  	v14 =	vld [tilespmem:s30+$0xC8B0]  }
0x4f: {  	v15 =	vld [tilespmem:s30+$0xB0]  }
0x50: {  	v16 =	vld [tilespmem:s30+$0x78C0]  }
0x51: {  	v17 =	vld [tilespmem:s30+$0xA0C0]  }
0x52: {  	v18 =	vld [tilespmem:s30+$0xC8C0]  }
0x53: {  	v19 =	vld [tilespmem:s30+$0xC0]  }
0x54: {  	v20 =	vld [tilespmem:s30+$0x78D0]  }
0x55: {  	v21 =	vld [tilespmem:s30+$0xA0D0]  }
0x56: {  	v22 =	vld [tilespmem:s30+$0xC8D0]  }
0x57: {  	v23 =	vld [tilespmem:s30+$0xD0]  }
0x58: {  	v26 =	vld [tilespmem:s30+$0xC8E0]  }
0x59: {  	v27 =	vld [tilespmem:s30+$0xE0]  }
0x5a: {  	v28 =	vld [tilespmem:s30+$0x2880]  }
0x5b: {  	v0 =	vadd.f32 v1, v0;
	v1 =	vadd.f32 v3, v2;
	v2 =	vld [tilespmem:s30+$0x80]  }
0x5c: {  	v3 =	vld [tilespmem:s30+$0x7890]  }
0x5d: {  	v0 =	vadd.f32 v1, v0;
	v1 =	vadd.f32 v5, v4;
	v4 =	vld [tilespmem:s30+$0xA090]  }
0x5e: {  	v5 =	vld [tilespmem:s30+$0xC890]  }
0x5f: {  	v0 =	vadd.f32 v1, v0;
	v1 =	vld [tilespmem:s30+$0x90]  }
0x60: {  	v29 =	vld [tilespmem:s30+$0x5080]  }
0x61: {  	v30 =	vld [tilespmem:s30+$0x2890]  }
0x62: {  	[tilespmem:s30+$0xF0F0] =	vst v0;
	v0 =	vld [tilespmem:s30+$0xA0A0]  }
0x63: {  	v6 =	vadd.f32 v7, v6;
	v7 =	vld [tilespmem:s30+$0x5090];
	v2 =	vadd.f32 v2, v8  }
0x64: {  	v24 =	vld [tilespmem:s30+$0x78E0];
	v3 =	vadd.f32 v4, v3;
	v1 =	vadd.f32 v1, v5  }
0x65: {  	v8 =	vld [tilespmem:s30+$0x28A0];
	v2 =	vadd.f32 v2, v6;
	v5 =	vadd.f32 v29, v28  }
0x66: {  	v62 =	vadd.f32 v27, v26;
	v4 =	vld [tilespmem:s30+$0x50A0];
	v1 =	vadd.f32 v1, v3  }
0x67: {  	v25 =	vld [tilespmem:s30+$0xA0E0];
	v2 =	vadd.f32 v5, v2;
	v0 =	vadd.f32 v0, v9  }
0x68: {  	v59 =	vld [tilespmem:s30+$0x50B0];
	v3 =	vadd.f32 v7, v30;
	v5 =	vadd.f32 v11, v10  }
0x69: {  	v6 =	vld [tilespmem:s30+$0x28B0];
	v9 =	vadd.f32 v13, v12;
	v11 =	vadd.f32 v19, v18  }
0x6a: {  	v60 =	vld [tilespmem:s30+$0x28C0];
	[tilespmem:s30+$0xF080] =	vst v2;
	v2 =	vadd.f32 v15, v14;
	v1 =	vadd.f32 v3, v1  }
0x6b: {  	v7 =	vld [tilespmem:s30+$0x50C0];
	v4 =	vadd.f32 v4, v8;
	v3 =	vadd.f32 v17, v16  }
0x6c: {  	v61 =	vld [tilespmem:s30+$0x50D0];
	v0 =	vadd.f32 v5, v0;
	[tilespmem:s30+$0xF090] =	vst v1;
	v1 =	vadd.f32 v2, v9  }
0x6d: {  	v10 =	vld [tilespmem:s30+$0x28D0];
	v8 =	vadd.f32 v11, v3;
	v9 =	vadd.f32 v21, v20  }
0x6e: {  	v5 =	vld [tilespmem:s30+$0x50E0];
	v0 =	vadd.f32 v4, v0;
	v4 =	vadd.f32 v59, v6  }
0x6f: {  	s31 =	simm.s32 $0x80;
	v3 =	vld [tilespmem:s30+$0x28E0];
	v11 =	vadd.f32 v23, v22;
	v6 =	vadd.f32 v25, v24  }
0x70: {  	v2 =	vld [tilespmem:s31+$0x78F0];
	v7 =	vadd.f32 v7, v60;
	[tilespmem:s30+$0xF0A0] =	vst v0;
	v63 =	vadd.f32 v4, v1  }
0x71: {  	v0 =	vadd.f32 v11, v9;
	v1 =	vadd.f32 v62, v6;
	v4 =	vld [tilespmem:s31+$0xA0F0]  }
0x72: {  	s0 =	simm.s32 $0x400;
	v6 =	vld [tilespmem:s31+$0xC8F0];
	v7 =	vadd.f32 v7, v8;
	v8 =	vadd.f32 v61, v10;
	[tilespmem:s30+$0xF0B0] =	vst v63  }
.LBB2_4:
0x73: {  	p0 =	sne.s32 s0, $0x9E00;
	v9 =	vld [tilespmem:s31+$0xF0]  }
0x74: {  	v10 =	vld [tilespmem:s31+$0x28F0];
	[tilespmem:s30+$0xF0C0] =	vst v7;
	v0 =	vadd.f32 v8, v0;
	v3 =	vadd.f32 v5, v3  }
0x75: {  	v5 =	vld [tilespmem:s31+$0x50F0]  }
0x76: {  	v7 =	vld [tilespmem:s31+$0x7880];
	[tilespmem:s30+$0xF0D0] =	vst v0;
	v0 =	vadd.f32 v3, v1  }
0x77: {  	v1 =	vld [tilespmem:s31+$0xA080]  }
0x78: {  	v2 =	vadd.f32 v4, v2;
	v3 =	vld [tilespmem:s31+$0xC880];
	v4 =	vadd.f32 v9, v6;
	[tilespmem:s30+$0xF0E0] =	vst v0;
	s30 =	smov.u32 s31  }
0x79: {  	v0 =	vld [tilespmem:s30+$0x80]  }
0x7a: {  	v6 =	vld [tilespmem:s30+$0x7890];
	v2 =	vadd.f32 v4, v2;
	v4 =	vadd.f32 v5, v10  }
0x7b: {  	v5 =	vld [tilespmem:s30+$0xA090]  }
0x7c: {  	v1 =	vadd.f32 v1, v7;
	v7 =	vld [tilespmem:s30+$0xC890];
	v2 =	vadd.f32 v4, v2  }
0x7d: {  	v4 =	vld [tilespmem:s30+$0x90]  }
0x7e: {  	v0 =	vadd.f32 v0, v3;
	v3 =	vld [tilespmem:s30+$0x78A0];
	[tilespmem:s30+$0xF0F0] =	vst v2  }
0x7f: {  	v2 =	vld [tilespmem:s30+$0xA0A0]  }
0x80: {  	v8 =	vadd.f32 v0, v1;
	v0 =	vadd.f32 v5, v6;
	v1 =	vld [tilespmem:s30+$0xC8A0]  }
0x81: {  	v5 =	vld [tilespmem:s30+$0xA0]  }
0x82: {  	v4 =	vadd.f32 v4, v7;
	v6 =	vld [tilespmem:s30+$0x78B0]  }
0x83: {  	v7 =	vld [tilespmem:s30+$0xA0B0]  }
0x84: {  	v4 =	vadd.f32 v4, v0;
	v0 =	vadd.f32 v2, v3;
	v2 =	vld [tilespmem:s30+$0xC8B0]  }
0x85: {  	v3 =	vld [tilespmem:s30+$0xB0]  }
0x86: {  	v1 =	vadd.f32 v5, v1;
	v5 =	vld [tilespmem:s30+$0x78C0]  }
0x87: {  	v9 =	vld [tilespmem:s30+$0xA0C0]  }
0x88: {  	v10 =	vadd.f32 v1, v0;
	v0 =	vadd.f32 v7, v6;
	v1 =	vld [tilespmem:s30+$0xC8C0]  }
0x89: {  	v6 =	vld [tilespmem:s30+$0xC0]  }
0x8a: {  	v2 =	vadd.f32 v3, v2;
	v3 =	vld [tilespmem:s30+$0x78D0]  }
0x8b: {  	v7 =	vld [tilespmem:s30+$0xA0D0]  }
0x8c: {  	v11 =	vadd.f32 v2, v0;
	v0 =	vadd.f32 v9, v5;
	v2 =	vld [tilespmem:s30+$0xC8D0]  }
0x8d: {  	v5 =	vld [tilespmem:s30+$0xD0]  }
0x8e: {  	v1 =	vadd.f32 v6, v1;
	v6 =	vld [tilespmem:s30+$0x78E0]  }
0x8f: {  	v9 =	vld [tilespmem:s30+$0xA0E0]  }
0x90: {  	v12 =	vadd.f32 v1, v0;
	v0 =	vadd.f32 v7, v3;
	v1 =	vld [tilespmem:s30+$0xC8E0]  }
0x91: {  	v3 =	vld [tilespmem:s30+$0xE0]  }
0x92: {  	v7 =	vld [tilespmem:s30+$0x2880];
	v2 =	vadd.f32 v5, v2  }
0x93: {  	v5 =	vld [tilespmem:s30+$0x5080]  }
0x94: {  	v13 =	vld [tilespmem:s30+$0x2890];
	v0 =	vadd.f32 v2, v0;
	v2 =	vadd.f32 v9, v6  }
0x95: {  	v6 =	vld [tilespmem:s30+$0x5090]  }
0x96: {  	v9 =	vld [tilespmem:s30+$0x28A0];
	v1 =	vadd.f32 v3, v1  }
0x97: {  	v3 =	vld [tilespmem:s30+$0x50A0]  }
0x98: {  	v5 =	vadd.f32 v5, v7;
	v7 =	vld [tilespmem:s30+$0x28B0];
	v1 =	vadd.f32 v1, v2  }
0x99: {  	v2 =	vld [tilespmem:s30+$0x50B0]  }
0x9a: {  	v5 =	vadd.f32 v5, v8;
	v6 =	vadd.f32 v6, v13;
	v8 =	vld [tilespmem:s30+$0x28C0]  }
0x9b: {  	v13 =	vld [tilespmem:s30+$0x50C0]  }
0x9c: {  	[tilespmem:s30+$0xF080] =	vst v5;
	v4 =	vadd.f32 v6, v4;
	v3 =	vadd.f32 v3, v9;
	v9 =	vld [tilespmem:s30+$0x28D0]  }
0x9d: {  	v14 =	vld [tilespmem:s30+$0x50D0]  }
.Ltmp5:
0x9e: {  	[tilespmem:s30+$0xF090] =	vst v4;
	v4 =	vadd.f32 v3, v10;
	v6 =	vadd.f32 v2, v7;
	v3 =	vld [tilespmem:s30+$0x28E0];
	(pc) =	sbr.rel @p0 .LBB2_4-.Ltmp5, $4  }
0x9f: {  	s31 =	sshra.s32 s0, $0x2;
	v5 =	vld [tilespmem:s30+$0x50E0]  }
0xa0: {  	v2 =	vld [tilespmem:s31+$0x78F0];
	[tilespmem:s30+$0xF0A0] =	vst v4;
	v7 =	vadd.f32 v6, v11;
	v8 =	vadd.f32 v13, v8  }
0xa1: {  	v4 =	vld [tilespmem:s31+$0xA0F0]  }
0xa2: {  	s0 =	sadd.s32 $0x200, s0;
	v6 =	vld [tilespmem:s31+$0xC8F0];
	[tilespmem:s30+$0xF0B0] =	vst v7;
	v7 =	vadd.f32 v8, v12;
	v8 =	vadd.f32 v14, v9  }
0xa3: {  	v9 =	vld [tilespmem:s31+$0xF0]  }
0xa4: {  	v10 =	vld [tilespmem:s31+$0x28F0];
	[tilespmem:s30+$0xF0C0] =	vst v7;
	v0 =	vadd.f32 v8, v0;
	v3 =	vadd.f32 v5, v3  }
0xa5: {  	v7 =	vld [tilespmem:s31+$0x50F0]  }
0xa6: {  	v52 =	vld [tilespmem:s31+$0x7880];
	[tilespmem:s30+$0xF0D0] =	vst v0;
	v53 =	vadd.f32 v3, v1  }
0xa7: {  	v54 =	vld [tilespmem:s31+$0xA080]  }
0xa8: {  	v55 =	vld [tilespmem:s31+$0xC880];
	[tilespmem:s30+$0xF0E0] =	vst v53  }
0xa9: {  	v58 =	vld [tilespmem:s31+$0x80]  }
0xaa: {  	v59 =	vld [tilespmem:s31+$0x7890]  }
0xab: {  	v61 =	vld [tilespmem:s31+$0xA090]  }
0xac: {  	v62 =	vld [tilespmem:s31+$0xC890]  }
0xad: {  	v63 =	vld [tilespmem:s31+$0x90]  }
0xae: {  	v33 =	vld [tilespmem:s31+$0x78A0]  }
0xaf: {  	v34 =	vld [tilespmem:s31+$0xA0A0]  }
0xb0: {  	v35 =	vld [tilespmem:s31+$0xC8A0]  }
0xb1: {  	v11 =	vld [tilespmem:s31+$0xA0]  }
0xb2: {  	v12 =	vld [tilespmem:s31+$0x78B0]  }
0xb3: {  	v13 =	vld [tilespmem:s31+$0xA0B0]  }
0xb4: {  	v14 =	vld [tilespmem:s31+$0xC8B0]  }
0xb5: {  	v15 =	vld [tilespmem:s31+$0xB0]  }
0xb6: {  	v16 =	vld [tilespmem:s31+$0x78C0]  }
0xb7: {  	v17 =	vld [tilespmem:s31+$0xA0C0]  }
0xb8: {  	v18 =	vld [tilespmem:s31+$0xC8C0]  }
0xb9: {  	v19 =	vld [tilespmem:s31+$0xC0]  }
0xba: {  	v20 =	vld [tilespmem:s31+$0x78D0]  }
0xbb: {  	v21 =	vld [tilespmem:s31+$0xA0D0]  }
0xbc: {  	v22 =	vld [tilespmem:s31+$0xC8D0]  }
0xbd: {  	v23 =	vld [tilespmem:s31+$0xD0]  }
0xbe: {  	v24 =	vld [tilespmem:s31+$0x78E0]  }
0xbf: {  	v25 =	vld [tilespmem:s31+$0xA0E0]  }
0xc0: {  	v26 =	vld [tilespmem:s31+$0xC8E0]  }
0xc1: {  	v27 =	vld [tilespmem:s31+$0xE0]  }
0xc2: {  	v28 =	vld [tilespmem:s31+$0x2880]  }
0xc3: {  	v56 =	vadd.f32 v4, v2;
	v57 =	vadd.f32 v9, v6;
	v29 =	vld [tilespmem:s31+$0x5080]  }
0xc4: {  	v30 =	vld [tilespmem:s31+$0x2890]  }
0xc5: {  	v31 =	vld [tilespmem:s31+$0x5090];
	v0 =	vadd.f32 v57, v56;
	v60 =	vadd.f32 v7, v10  }
0xc6: {  	v36 =	vld [tilespmem:s31+$0x28A0]  }
0xc7: {  	v38 =	vld [tilespmem:s31+$0x50A0];
	v0 =	vadd.f32 v60, v0;
	v1 =	vadd.f32 v54, v52  }
0xc8: {  	v40 =	vld [tilespmem:s31+$0x28B0];
	v3 =	vadd.f32 v58, v55;
	v37 =	vadd.f32 v61, v59  }
0xc9: {  	v41 =	vld [tilespmem:s31+$0x50B0];
	v2 =	vadd.f32 v63, v62;
	v39 =	vadd.f32 v29, v28  }
0xca: {  	v50 =	vld [tilespmem:s31+$0x28D0];
	[tilespmem:s31+$0xF0F0] =	vst v0;
	v0 =	vadd.f32 v34, v33;
	v42 =	vadd.f32 v11, v35  }
0xcb: {  	v51 =	vld [tilespmem:s31+$0x50D0];
	v44 =	vadd.f32 v13, v12;
	v45 =	vadd.f32 v31, v30  }
0xcc: {  	v47 =	vadd.f32 v15, v14;
	v48 =	vadd.f32 v17, v16  }
0xcd: {  	v43 =	vld [tilespmem:s31+$0x28C0];
	v49 =	vadd.f32 v19, v18;
	v52 =	vadd.f32 v21, v20  }
0xce: {  	v46 =	vld [tilespmem:s31+$0x50C0];
	v53 =	vadd.f32 v23, v22;
	v55 =	vadd.f32 v25, v24  }
0xcf: {  	v57 =	vld [tilespmem:s31+$0x50E0];
	v56 =	vadd.f32 v27, v26;
	v4 =	vadd.f32 v38, v36  }
0xd0: {  	v54 =	vld [tilespmem:s31+$0x28E0];
	v5 =	vadd.f32 v41, v40;
	v60 =	vadd.f32 v51, v50  }
0xd1: {  	v1 =	vadd.f32 v3, v1;
	v2 =	vadd.f32 v2, v37  }
0xd2: {  	v0 =	vadd.f32 v42, v0;
	v9 =	vadd.f32 v47, v44  }
0xd3: {  	v58 =	vadd.f32 v56, v55;
	v1 =	vadd.f32 v39, v1  }
0xd4: {  	v3 =	vadd.f32 v46, v43;
	v2 =	vadd.f32 v45, v2  }
0xd5: {  	v62 =	vadd.f32 v57, v54;
	v0 =	vadd.f32 v4, v0;
	[tilespmem:s31+$0xF080] =	vst v1  }
0xd6: {  	v59 =	vadd.f32 v5, v9;
	v1 =	vadd.f32 v49, v48;
	[tilespmem:s31+$0xF090] =	vst v2  }
0xd7: {  	v63 =	vadd.f32 v62, v58;
	v2 =	vadd.f32 v53, v52;
	[tilespmem:s31+$0xF0A0] =	vst v0  }
0xd8: {  	[tilespmem:s31+$0xF0B0] =	vst v59;
	v61 =	vadd.f32 v3, v1  }
0xd9: {  	[tilespmem:s31+$0xF0E0] =	vst v63;
	v2 =	vadd.f32 v60, v2  }
0xda: {  	[tilespmem:s31+$0xF0C0] =	vst v61  }
.Ltmp6:
0xdb: {  	s0 =	sadd.s32 s2, s29;
	[tilespmem:s31+$0xF0D0] =	vst v2;
	(pc) =	sbr.rel .LBB2_6-.Ltmp6, $4  }
0xdc: {  	[hbm4b:s0+s3] =	stream.linear.scatter [tilespmem:s24], [sflag:$0x4], $0x2800, $0x38;
	[tilespmem:$0x11880] =	vst v63  }
0xdd: {  	_ =	swait.ge [sflag:s25], $0x2800  }
0xde: {  	[sflag:s25] =	ssyncset.done $0x0  }
0xdf: {  	[sflag:s25] =	ssyncadd.s32 $0xFFFFD800  }
.LBB2_8:
0xe0: {  	_ =	sfence.sel $0x180000  }
0xe1: {  	[bflag:$0x0] =	sbarrier.arrive $0xFFFF  }
0xe2: {  	_ =	strace $0x90000050  }
0xe3: {  	[bflag:$0x2] =	sbarrier.arrive $0xFFFF  }
0xe4: {  	p0 =	sne.s32 s8, $0x0;
	s0 =	rddreg [dreg:$0x3]  }
0xe5: {  	s0 =	sadd.s32 @!p0 $0x100000, s0  }
0xe6: {  	[sflag:s0] =	ssyncadd.tile.s32 @!p0 $0x1;
	_ =	shalt  }
.Lfunc_end2:
_tile_overlayer_lowered:
.L_overlay_start_2:
0xe7: {  	(tag) =	ssettag $0x2  }
0xe8: {  	s0 =	rddreg [dreg:$0x0];
	s2 =	stileid.u32  }
0xe9: {  	s1 =	rddreg [dreg:$0x1];
	p0 =	sne.s32 s2, $0x0  }
0xea: {  	s3 =	rddreg [dreg:$0x2];
	[bflag:$0x3] =	sbarrier.arrive $0xFFFF;
	s2 =	simm.s32 @!p0 $0x1C04  }
0xeb: {  	[timem:s3], [sflag:s2] =	dma.local @!p0 [hbm:s0], s1  }
0xec: {  	s0 =	simm.s32 @!p0 $0x4  }
0xed: {  	_ =	swait.ge @!p0 [sflag:s0], s1  }
0xee: {  	s1 =	ssub.s32 @!p0 $0x0, s1;
	[sflag:s0] =	ssyncset.done @!p0 $0x0  }
0xef: {  	[sflag:s0] =	ssyncadd.s32 @!p0 s1  }
0xf0: {  	[bflag:$0x3] =	sbarrier.arrive $0xFFFF  }
0xf1: {  	_ =	shalt  }

</sc_bundles>
